<compile_context>
chip_gen: v7x
topology: tpu7x:2x2x1
jax: 0.10.2.dev20260603
libtpu: 0.0.44.dev20260713+nightly
codegen_flags: <defaults>
</compile_context>

<pallas_src>
import functools

import jax
import jax.numpy as jnp
from jax import lax
from jax.experimental import pallas as pl
from jax.experimental.pallas import tpu as pltpu
from jax.experimental.pallas import tpu_sc as plsc

_N = 50000
_E = 1600000
_C = 32
_NPAD = 50176
_E2 = 1605632
_ER = _E2 // 128
_NC = 2
_NS = 16
_NW = _NC * _NS
_EPT = _E2 // _NW
_CHUNK = 256
_NCHUNK = _EPT // _CHUNK
_SB = 128
_NB = _CHUNK // _SB
_ROWS_PT = _NPAD // _NS
_ZC = 224
_SZ = 448

_BN = 512
_MR = _ER // 8
_EROWS = _E // 128


def _mlp_body(attr_ref, p_ref, a_ref, b_ref):
    i = pl.program_id(0)

    def w(k):
        return p_ref[k : k + 1, 0:1]

    ak = [attr_ref[k] for k in range(4)]
    hs = []
    for j in range(10):
        s = ak[0] * w(j)
        for k in range(1, 4):
            s = s + ak[k] * w(k * 10 + j)
        hs.append(jnp.maximum(s + w(40 + j), 0.0))
    s0 = hs[0] * w(50)
    s1 = hs[0] * w(51)
    for j in range(1, 10):
        s0 = s0 + hs[j] * w(50 + 2 * j)
        s1 = s1 + hs[j] * w(51 + 2 * j)
    t0 = jnp.tanh(s0 + w(70))
    t1 = jnp.tanh(s1 + w(71))
    dd = w(72) * w(72)
    rows = jax.lax.broadcasted_iota(jnp.int32, (_MR, 128), 0) + i * _MR
    live = rows < _EROWS
    a_ref[...] = jnp.where(live, t0 + dd, 0.0)
    b_ref[...] = jnp.where(live, t1 - dd, 0.0)


@functools.cache
def _get_mlp_call():
  return pl.pallas_call(
    _mlp_body,
    grid=(_ER // _MR,),
    in_specs=[
        pl.BlockSpec((4, _MR, 128), lambda i: (0, i, 0)),
        pl.BlockSpec((73, 1), lambda i: (0, 0)),
    ],
    out_specs=[
        pl.BlockSpec((_MR, 128), lambda i: (i, 0)),
        pl.BlockSpec((_MR, 128), lambda i: (i, 0)),
    ],
    out_shape=[
        jax.ShapeDtypeStruct((_ER, 128), jnp.float32),
        jax.ShapeDtypeStruct((_ER, 128), jnp.float32),
    ],
  )


def _sc_body(xt_hbm, src_hbm, dst_hbm, a_hbm, b_hbm,
             acc_hbm, s_hbm,
             dstbuf, abuf, srcbuf, bbuf, rows, szbuf, acc_sp, s_sp,
             seml, semg, sems):
    cid = lax.axis_index("c")
    sid = lax.axis_index("s")
    wid = cid * _NS + sid
    ept_rows = _EPT // _SB

    zv = jnp.zeros((16,), jnp.float32)

    @plsc.parallel_loop(0, _CHUNK)
    def _(r):
        rows[0][r, 0:16] = zv
        rows[0][r, 16:32] = zv

    @plsc.parallel_loop(0, _SZ // 16)
    def _(r):
        szbuf[pl.ds(r * 16, 16)] = zv

    nbase = sid * _ROWS_PT
    for k in range(_ROWS_PT // _ZC):
        pltpu.sync_copy(rows[0].at[pl.ds(0, _ZC)],
                        acc_sp.at[pl.ds(nbase + k * _ZC, _ZC)])
    for k in range(_ROWS_PT // _SZ):
        pltpu.sync_copy(szbuf, s_sp.at[pl.ds(nbase + k * _SZ, _SZ)])
    plsc.subcore_barrier()

    def issue_loads(g, l):
        ebase = pl.multiple_of(wid * _EPT + g * _CHUNK, _CHUNK)
        rbase = pl.multiple_of(wid * ept_rows + g * _NB, _NB)
        pltpu.async_copy(dst_hbm.at[pl.ds(ebase, _CHUNK)], dstbuf[l], seml[l])
        pltpu.async_copy(a_hbm.at[pl.ds(rbase, _NB)], abuf[l], seml[l])
        pltpu.async_copy(src_hbm.at[pl.ds(rbase, _NB)], srcbuf[l], seml[l])
        pltpu.async_copy(b_hbm.at[pl.ds(rbase, _NB)], bbuf[l], seml[l])

    def wait_loads(l):
        pltpu.make_async_copy(dst_hbm.at[pl.ds(0, _CHUNK)], dstbuf[l], seml[l]).wait()
        pltpu.make_async_copy(a_hbm.at[pl.ds(0, _NB)], abuf[l], seml[l]).wait()
        pltpu.make_async_copy(src_hbm.at[pl.ds(0, _NB)], srcbuf[l], seml[l]).wait()
        pltpu.make_async_copy(b_hbm.at[pl.ds(0, _NB)], bbuf[l], seml[l]).wait()

    def issue_gather(t, l):
        pltpu.async_copy(xt_hbm.at[dstbuf[l]], rows[t], semg[t])

    def wait_gather(t, l):
        pltpu.make_async_copy(xt_hbm.at[dstbuf[l]], rows[t], semg[t]).wait()

    def compute(t, l):
        @plsc.parallel_loop(0, _CHUNK // 16, unroll=2)
        def _(u):
            av16 = abuf[l][u // 8, pl.ds((u % 8) * 16, 16)]
            for j in range(16):
                e = u * 16 + j
                av = jnp.full((16,), av16[j], jnp.float32)
                rows[t][e, 0:16] = rows[t][e, 0:16] * av
                rows[t][e, 16:32] = rows[t][e, 16:32] * av

    def issue_scatter(t, l):
        for j in range(_NB):
            pltpu.async_copy(rows[t].at[pl.ds(j * _SB, _SB)],
                             acc_sp.at[srcbuf[l].at[j]], sems[t], add=True)
            pltpu.async_copy(bbuf[l].at[j], s_sp.at[srcbuf[l].at[j]],
                             sems[t], add=True)

    def wait_scatter(t, l):
        for j in range(_NB):
            pltpu.make_async_copy(rows[t].at[pl.ds(j * _SB, _SB)],
                                  acc_sp.at[srcbuf[l].at[j]], sems[t]).wait()
            pltpu.make_async_copy(bbuf[l].at[j], s_sp.at[srcbuf[l].at[j]],
                                  sems[t]).wait()

    issue_loads(0, 0)
    wait_loads(0)
    issue_gather(0, 0)
    issue_loads(1, 1)

    def stage(g, cur, lg):
        oth = 1 - cur
        lprev = (lg - 1) % 4

        @pl.when(g >= 2)
        def _():
            wait_scatter(cur, (lg - 2) % 4)

        @pl.when(g < _NCHUNK)
        def _():
            wait_loads(lg)
            issue_gather(cur, lg)

        @pl.when(g + 1 < _NCHUNK)
        def _():
            issue_loads(g + 1, (lg + 1) % 4)
        wait_gather(oth, lprev)
        compute(oth, lprev)
        issue_scatter(oth, lprev)

    def quad(i, carry):
        g0 = 4 * i + 1
        stage(g0, 1, 1)
        stage(g0 + 1, 0, 2)
        stage(g0 + 2, 1, 3)
        stage(g0 + 3, 0, 0)
        return carry

    lax.fori_loop(0, _NCHUNK // 4, quad, 0)
    wait_scatter(1, (_NCHUNK - 1) % 4)

    plsc.subcore_barrier()
    pltpu.sync_copy(acc_sp.at[pl.ds(nbase, _ROWS_PT)],
                    acc_hbm.at[cid, pl.ds(nbase, _ROWS_PT)])
    sobase = pl.multiple_of(cid * _NPAD + nbase, 8)
    pltpu.sync_copy(s_sp.at[pl.ds(nbase, _ROWS_PT)],
                    s_hbm.at[pl.ds(sobase, _ROWS_PT)])


@functools.cache
def _get_sc_call():
  return pl.kernel(
    _sc_body,
    out_type=(
        jax.ShapeDtypeStruct((_NC, _NPAD, _C), jnp.float32),
        jax.ShapeDtypeStruct((_NC * _NPAD,), jnp.float32),
    ),
    mesh=plsc.VectorSubcoreMesh(
        core_axis_name="c", subcore_axis_name="s",
        num_cores=_NC, num_subcores=_NS),
    compiler_params=pltpu.CompilerParams(use_tc_tiling_on_sc=False),
    scratch_types=[
        [pltpu.VMEM((_CHUNK,), jnp.int32)] * 4,
        [pltpu.VMEM((_NB, _SB), jnp.float32)] * 4,
        [pltpu.VMEM((_NB, _SB), jnp.int32)] * 4,
        [pltpu.VMEM((_NB, _SB), jnp.float32)] * 4,
        [pltpu.VMEM((_CHUNK, _C), jnp.float32)] * 2,
        pltpu.VMEM((_SZ,), jnp.float32),
        pltpu.VMEM_SHARED((_NPAD, _C), jnp.float32),
        pltpu.VMEM_SHARED((_NPAD,), jnp.float32),
        [pltpu.SemaphoreType.DMA] * 4,
        [pltpu.SemaphoreType.DMA] * 2,
        [pltpu.SemaphoreType.DMA] * 2,
    ],
  )


def _xt_body(x_ref, o_ref):
    eye = (jax.lax.broadcasted_iota(jnp.int32, (_C, _C), 0)
           == jax.lax.broadcasted_iota(jnp.int32, (_C, _C), 1)).astype(jnp.float32)
    o_ref[...] = jax.lax.dot_general(x_ref[0], eye, (((0,), (0,)), ((), ())),
                                     preferred_element_type=jnp.float32)


@functools.cache
def _get_xt_call():
  return pl.pallas_call(
    _xt_body,
    grid=(_NPAD // _BN,),
    in_specs=[pl.BlockSpec((1, _C, _BN), lambda i: (0, 0, i))],
    out_specs=pl.BlockSpec((_BN, _C), lambda i: (i, 0)),
    out_shape=jax.ShapeDtypeStruct((_NPAD, _C), jnp.float32),
  )


def _comb_body(x_ref, acc_ref, s0_ref, s1_ref, o_ref):
    asum = acc_ref[0] + acc_ref[1]
    eye = (jax.lax.broadcasted_iota(jnp.int32, (_C, _C), 0)
           == jax.lax.broadcasted_iota(jnp.int32, (_C, _C), 1)).astype(jnp.float32)
    att = jax.lax.dot_general(eye, asum, (((1,), (1,)), ((), ())),
                              preferred_element_type=jnp.float32)
    scale = 1.0 + (s0_ref[...] + s1_ref[...]).reshape(1, _BN)
    o_ref[0] = x_ref[0] * scale + att


@functools.cache
def _get_comb_call():
  return pl.pallas_call(
    _comb_body,
    grid=(_NPAD // _BN,),
    in_specs=[
        pl.BlockSpec((1, _C, _BN), lambda i: (0, 0, i)),
        pl.BlockSpec((_NC, _BN, _C), lambda i: (0, i, 0)),
        pl.BlockSpec((_BN,), lambda i: (i,)),
        pl.BlockSpec((_BN,), lambda i: (_NPAD // _BN + i,)),
    ],
    out_specs=pl.BlockSpec((1, _C, _BN), lambda i: (0, 0, i)),
    out_shape=jax.ShapeDtypeStruct((1, _C, _N), jnp.float32),
  )


@jax.jit
def kernel(x, edge_index, edge_attr, W1, b1, W2, b2, diff_param):
    src = edge_index[0]
    dst = edge_index[1]
    p = jnp.concatenate(
        [W1.reshape(-1), b1, W2.reshape(-1), b2, diff_param]).reshape(73, 1)
    attr_t = jnp.pad(edge_attr, ((0, _E2 - _E), (0, 0))).T.reshape(4, _ER, 128)
    a2d, b2d = _get_mlp_call()(attr_t, p)
    src2 = jnp.pad(src, (0, _E2 - _E)).reshape(_ER, 128)
    dst1 = jnp.pad(dst, (0, _E2 - _E))
    xt = _get_xt_call()(x)
    acc, s = _get_sc_call()(xt, src2, dst1, a2d, b2d)
    return _get_comb_call()(x, acc, s, s)

# --- scband reference (transcript-rebuilt; emitter-appended) ---
"""Pipeline reference for scband-temporal-dgmrf-32624571580590 (READ-ONLY COPY).

The authoritative reference and input builder live on the scoring server;
editing this copy changes nothing except your own understanding.
"""

import jax, jax.numpy as jnp
import numpy as np

N = 50000
E = 1600000
C = 32
EDGE_DIM = 4
H = 10


def setup_inputs(seed: int = 0) -> dict:
    key = jax.random.key(seed)
    ks = jax.random.split(key, 8)
    x = jax.random.normal(ks[0], (1, C, N), dtype=jnp.float32)
    edge_index = jax.random.randint(ks[1], (2, E), 0, N, dtype=jnp.int32)
    edge_attr = jax.random.normal(ks[2], (E, EDGE_DIM), dtype=jnp.float32)
    # edge MLP params (Linear(EDGE_DIM,10) -> ReLU -> Linear(10,2) -> Tanh)
    W1 = jax.random.normal(ks[3], (EDGE_DIM, H), dtype=jnp.float32) * (1.0 / np.sqrt(EDGE_DIM))
    b1 = jnp.zeros((H,), dtype=jnp.float32)
    W2 = jax.random.normal(ks[4], (H, 2), dtype=jnp.float32) * (1.0 / np.sqrt(H))
    b2 = jnp.zeros((2,), dtype=jnp.float32)
    diff_param = 2.0 * jax.random.uniform(ks[5], (1,), dtype=jnp.float32) - 1.0
    return {"x": x, "edge_index": edge_index, "edge_attr": edge_attr,
            "W1": W1, "b1": b1, "W2": W2, "b2": b2, "diff_param": diff_param}


def reference(x, edge_index, edge_attr, W1, b1, W2, b2, diff_param):
    # GNNAdvection.forward (transpose=False):
    #   return x + propagate(edge_index, x=x, edge_attr=edge_attr)
    # message: coeffs = Tanh(MLP(edge_attr));
    #   msg = (coeffs[:,0] + diff_coeff) * x_j + (coeffs[:,1] - diff_coeff) * x_i
    # flow='target_to_source', node_dim=-1: x_i = x[..., src], x_j = x[..., dst],
    # aggregation (sum) at src nodes.
    h = jnp.maximum(edge_attr @ W1 + b1, 0.0)
    coeffs = jnp.tanh(h @ W2 + b2)  # [E, 2]
    diff_coeff = jnp.power(diff_param[0], 2)
    src = edge_index[0]
    dst = edge_index[1]
    x_i = x[..., src]  # [1, C, E]
    x_j = x[..., dst]  # [1, C, E]
    msg = (coeffs[:, 0] + diff_coeff) * x_j + (coeffs[:, 1] - diff_coeff) * x_i  # [1, C, E]
    msg_e_first = jnp.moveaxis(msg, -1, 0)  # [E, 1, C]
    agg = jax.ops.segment_sum(msg_e_first, src, num_segments=N)  # [N, 1, C]
    agg = jnp.moveaxis(agg, 0, -1)  # [1, C, N]
    return x + agg

if __name__ == "__main__":
    import jax
    _d = setup_inputs()
    print(jax.jit(kernel)(*tuple(_d.values())))

</pallas_src>

<mosaic_0001>
#map = affine_map<(d0, d1) -> (0, 0)>
#map1 = affine_map<(d0, d1) -> (0)>
#map2 = affine_map<(d0, d1) -> (0, 0, 0)>
module attributes {stable_mosaic.version = 14 : i64} {
  func.func @_sc_body(%arg0: i32, %arg1: i32, %arg2: memref<50176x32xf32, #tpu.memory_space<hbm>>, %arg3: memref<12544x128xi32, #tpu.memory_space<hbm>>, %arg4: memref<1605632xi32, #tpu.memory_space<hbm>>, %arg5: memref<12544x128xf32, #tpu.memory_space<hbm>>, %arg6: memref<12544x128xf32, #tpu.memory_space<hbm>>, %arg7: memref<2x50176x32xf32, #tpu.memory_space<hbm>>, %arg8: memref<100352xf32, #tpu.memory_space<hbm>>, %arg9: memref<256xi32, #tpu.memory_space<vmem>>, %arg10: memref<256xi32, #tpu.memory_space<vmem>>, %arg11: memref<256xi32, #tpu.memory_space<vmem>>, %arg12: memref<256xi32, #tpu.memory_space<vmem>>, %arg13: memref<2x128xf32, #tpu.memory_space<vmem>>, %arg14: memref<2x128xf32, #tpu.memory_space<vmem>>, %arg15: memref<2x128xf32, #tpu.memory_space<vmem>>, %arg16: memref<2x128xf32, #tpu.memory_space<vmem>>, %arg17: memref<2x128xi32, #tpu.memory_space<vmem>>, %arg18: memref<2x128xi32, #tpu.memory_space<vmem>>, %arg19: memref<2x128xi32, #tpu.memory_space<vmem>>, %arg20: memref<2x128xi32, #tpu.memory_space<vmem>>, %arg21: memref<2x128xf32, #tpu.memory_space<vmem>>, %arg22: memref<2x128xf32, #tpu.memory_space<vmem>>, %arg23: memref<2x128xf32, #tpu.memory_space<vmem>>, %arg24: memref<2x128xf32, #tpu.memory_space<vmem>>, %arg25: memref<256x32xf32, #tpu.memory_space<vmem>>, %arg26: memref<256x32xf32, #tpu.memory_space<vmem>>, %arg27: memref<448xf32, #tpu.memory_space<vmem>>, %arg28: memref<50176x32xf32, #tpu.memory_space<vmem_shared>>, %arg29: memref<50176xf32, #tpu.memory_space<vmem_shared>>, %arg30: memref<!tpu.dma_semaphore, #tpu.memory_space<semaphore_mem>>, %arg31: memref<!tpu.dma_semaphore, #tpu.memory_space<semaphore_mem>>, %arg32: memref<!tpu.dma_semaphore, #tpu.memory_space<semaphore_mem>>, %arg33: memref<!tpu.dma_semaphore, #tpu.memory_space<semaphore_mem>>, %arg34: memref<!tpu.dma_semaphore, #tpu.memory_space<semaphore_mem>>, %arg35: memref<!tpu.dma_semaphore, #tpu.memory_space<semaphore_mem>>, %arg36: memref<!tpu.dma_semaphore, #tpu.memory_space<semaphore_mem>>, %arg37: memref<!tpu.dma_semaphore, #tpu.memory_space<semaphore_mem>>) attributes {dimension_semantics = [#tpu.dimension_semantics<core_parallel>, #tpu.dimension_semantics<subcore_parallel>], iteration_bounds = array<i64: 2, 16>, scalar_prefetch = 0 : i64, scratch_operands = 29 : i64, tpu.core_type = #tpu.core_type<sc_vector_subcore>, window_params = [{transform_indices = #map}, {transform_indices = #map}, {transform_indices = #map1}, {transform_indices = #map}, {transform_indices = #map}, {transform_indices = #map2}, {transform_indices = #map1}]} {
    %mul3A = arith.constant 16 : i32
    %mul3A_0 = arith.muli %arg0, %mul3A : i32
    %add3A = arith.addi %mul3A_0, %arg1 : i32
    %broadcast_in_dim3A = arith.constant 0.000000e+00 : f32
    %broadcast_in_dim3A_1 = vector.broadcast %broadcast_in_dim3A : f32 to vector<16xf32>
    %parallel_loop3A = arith.constant 0 : i32
    %parallel_loop3A_2 = arith.constant 256 : i32
    %parallel_loop3A_3 = arith.constant 1 : i32
    scf.for %parallel_loop3A_171 = %parallel_loop3A to %parallel_loop3A_2 step %parallel_loop3A_3  : i32 {
      %parallel_loop3A_172 = arith.index_cast %parallel_loop3A_171 : i32 to index
      %parallel_loop3A_173 = arith.constant 0 : index
      %parallel_loop3A_174 = tpu.vector_load %arg25[%parallel_loop3A_172, %parallel_loop3A_173] {strides = array<i32>} : memref<256x32xf32, #tpu.memory_space<vmem>>, vector<1x16xf32>,
      %parallel_loop3A_175 = vector.shape_cast %parallel_loop3A_174 : vector<1x16xf32> to vector<16xf32>
      %parallel_loop3A_176 = vector.shape_cast %broadcast_in_dim3A_1 : vector<16xf32> to vector<1x16xf32>
      tpu.vector_store %arg25[%parallel_loop3A_172, %parallel_loop3A_173], %parallel_loop3A_176 {strides = array<i32>} : memref<256x32xf32, #tpu.memory_space<vmem>>, vector<1x16xf32>,
      %parallel_loop3A_177 = arith.index_cast %parallel_loop3A_171 : i32 to index
      %parallel_loop3A_178 = arith.constant 16 : index
      %parallel_loop3A_179 = tpu.vector_load %arg25[%parallel_loop3A_177, %parallel_loop3A_178] {strides = array<i32>} : memref<256x32xf32, #tpu.memory_space<vmem>>, vector<1x16xf32>,
      %parallel_loop3A_180 = vector.shape_cast %parallel_loop3A_179 : vector<1x16xf32> to vector<16xf32>
      %parallel_loop3A_181 = vector.shape_cast %broadcast_in_dim3A_1 : vector<16xf32> to vector<1x16xf32>
      tpu.vector_store %arg25[%parallel_loop3A_177, %parallel_loop3A_178], %parallel_loop3A_181 {strides = array<i32>} : memref<256x32xf32, #tpu.memory_space<vmem>>, vector<1x16xf32>,
    } {sc.loop_unroll_factor = 1 : i64, sc.parallel_access}
    %parallel_loop3A_4 = arith.constant 0 : i32
    %parallel_loop3A_5 = arith.constant 28 : i32
    %parallel_loop3A_6 = arith.constant 1 : i32
    scf.for %parallel_loop3A_171 = %parallel_loop3A_4 to %parallel_loop3A_5 step %parallel_loop3A_6  : i32 {
      %parallel_loop3A_172 = arith.constant 16 : i32
      %parallel_loop3A_173 = arith.muli %parallel_loop3A_171, %parallel_loop3A_172 : i32
      %parallel_loop3A_174 = arith.index_cast %parallel_loop3A_173 : i32 to index
      %parallel_loop3A_175 = tpu.vector_load %arg27[%parallel_loop3A_174] {strides = array<i32>} : memref<448xf32, #tpu.memory_space<vmem>>, vector<16xf32>,
      %parallel_loop3A_176 = vector.shape_cast %parallel_loop3A_175 : vector<16xf32> to vector<16xf32>
      %parallel_loop3A_177 = vector.shape_cast %broadcast_in_dim3A_1 : vector<16xf32> to vector<16xf32>
      tpu.vector_store %arg27[%parallel_loop3A_174], %parallel_loop3A_177 {strides = array<i32>} : memref<448xf32, #tpu.memory_space<vmem>>, vector<16xf32>,
    } {sc.loop_unroll_factor = 1 : i64, sc.parallel_access}
    %mul3A_7 = arith.constant 3136 : i32
    %mul3A_8 = arith.muli %arg1, %mul3A_7 : i32
    %add3A_9 = arith.constant 0 : i32
    %add3A_10 = arith.addi %mul3A_8, %add3A_9 : i32
    "tpu.region"() ({
      %run_scoped3A = tpu.sem_alloc : memref<!tpu.dma_semaphore, #tpu.memory_space<semaphore_mem>>
      %dma_start3A_171 = arith.constant 0 : i32
      %dma_start3A_172 = arith.constant 0 : i32
      %dma_start3A_173 = tpu.memref_slice %arg25[%dma_start3A_171, %dma_start3A_172] : memref<256x32xf32, #tpu.memory_space<vmem>> -> memref<224x32xf32, #tpu.memory_space<vmem>>
      %dma_start3A_174 = arith.constant 0 : i32
      %dma_start3A_175 = tpu.memref_slice %arg28[%add3A_10, %dma_start3A_174] : memref<50176x32xf32, #tpu.memory_space<vmem_shared>> -> memref<224x32xf32, #tpu.memory_space<vmem_shared>>
      %dma_start3A_176 = arith.constant 0 : i32
      %dma_start3A_177 = tpu.memref_slice %arg28[%add3A_10, %dma_start3A_176] : memref<50176x32xf32, #tpu.memory_space<vmem_shared>> -> memref<224x32xf32, #tpu.memory_space<vmem_shared>>
      %dma_start3A_178 = arith.constant 0 : i32
      %dma_start3A_179 = arith.constant 0 : i32
      %dma_start3A_180 = tpu.memref_slice %arg25[%dma_start3A_178, %dma_start3A_179] : memref<256x32xf32, #tpu.memory_space<vmem>> -> memref<224x32xf32, #tpu.memory_space<vmem>>
      tpu.enqueue_dma source(%dma_start3A_180 : memref<224x32xf32, #tpu.memory_space<vmem>>) target(%dma_start3A_177 : memref<224x32xf32, #tpu.memory_space<vmem_shared>>) target_semaphore(%run_scoped3A : memref<!tpu.dma_semaphore, #tpu.memory_space<semaphore_mem>>)
      %dma_wait3A_181 = arith.constant 0 : i32
      %dma_wait3A_182 = arith.constant 0 : i32
      %dma_wait3A_183 = tpu.memref_slice %arg25[%dma_wait3A_181, %dma_wait3A_182] : memref<256x32xf32, #tpu.memory_space<vmem>> -> memref<224x32xf32, #tpu.memory_space<vmem>>
      %dma_wait3A_184 = arith.constant 0 : i32
      %dma_wait3A_185 = tpu.memref_slice %arg28[%add3A_10, %dma_wait3A_184] : memref<50176x32xf32, #tpu.memory_space<vmem_shared>> -> memref<224x32xf32, #tpu.memory_space<vmem_shared>>
      %dma_wait3A_186 = arith.constant 0 : i32
      %dma_wait3A_187 = tpu.memref_slice %arg28[%add3A_10, %dma_wait3A_186] : memref<50176x32xf32, #tpu.memory_space<vmem_shared>> -> memref<224x32xf32, #tpu.memory_space<vmem_shared>>
      %dma_wait3A_188 = arith.constant 0 : i32
      %dma_wait3A_189 = arith.constant 0 : i32
      %dma_wait3A_190 = tpu.memref_slice %arg25[%dma_wait3A_188, %dma_wait3A_189] : memref<256x32xf32, #tpu.memory_space<vmem>> -> memref<224x32xf32, #tpu.memory_space<vmem>>
      tpu.wait_dma2 semaphore(%run_scoped3A : memref<!tpu.dma_semaphore, #tpu.memory_space<semaphore_mem>>) src(%dma_wait3A_190 : memref<224x32xf32, #tpu.memory_space<vmem>>) dst(%dma_wait3A_187 : memref<224x32xf32, #tpu.memory_space<vmem_shared>>)
      tpu.yield
    }) : () -> ()
    %add3A_11 = arith.constant 224 : i32
    %add3A_12 = arith.addi %mul3A_8, %add3A_11 : i32
    "tpu.region"() ({
      %run_scoped3A = tpu.sem_alloc : memref<!tpu.dma_semaphore, #tpu.memory_space<semaphore_mem>>
      %dma_start3A_171 = arith.constant 0 : i32
      %dma_start3A_172 = arith.constant 0 : i32
      %dma_start3A_173 = tpu.memref_slice %arg25[%dma_start3A_171, %dma_start3A_172] : memref<256x32xf32, #tpu.memory_space<vmem>> -> memref<224x32xf32, #tpu.memory_space<vmem>>
      %dma_start3A_174 = arith.constant 0 : i32
      %dma_start3A_175 = tpu.memref_slice %arg28[%add3A_12, %dma_start3A_174] : memref<50176x32xf32, #tpu.memory_space<vmem_shared>> -> memref<224x32xf32, #tpu.memory_space<vmem_shared>>
      %dma_start3A_176 = arith.constant 0 : i32
      %dma_start3A_177 = tpu.memref_slice %arg28[%add3A_12, %dma_start3A_176] : memref<50176x32xf32, #tpu.memory_space<vmem_shared>> -> memref<224x32xf32, #tpu.memory_space<vmem_shared>>
      %dma_start3A_178 = arith.constant 0 : i32
      %dma_start3A_179 = arith.constant 0 : i32
      %dma_start3A_180 = tpu.memref_slice %arg25[%dma_start3A_178, %dma_start3A_179] : memref<256x32xf32, #tpu.memory_space<vmem>> -> memref<224x32xf32, #tpu.memory_space<vmem>>
      tpu.enqueue_dma source(%dma_start3A_180 : memref<224x32xf32, #tpu.memory_space<vmem>>) target(%dma_start3A_177 : memref<224x32xf32, #tpu.memory_space<vmem_shared>>) target_semaphore(%run_scoped3A : memref<!tpu.dma_semaphore, #tpu.memory_space<semaphore_mem>>)
      %dma_wait3A_181 = arith.constant 0 : i32
      %dma_wait3A_182 = arith.constant 0 : i32
      %dma_wait3A_183 = tpu.memref_slice %arg25[%dma_wait3A_181, %dma_wait3A_182] : memref<256x32xf32, #tpu.memory_space<vmem>> -> memref<224x32xf32, #tpu.memory_space<vmem>>
      %dma_wait3A_184 = arith.constant 0 : i32
      %dma_wait3A_185 = tpu.memref_slice %arg28[%add3A_12, %dma_wait3A_184] : memref<50176x32xf32, #tpu.memory_space<vmem_shared>> -> memref<224x32xf32, #tpu.memory_space<vmem_shared>>
      %dma_wait3A_186 = arith.constant 0 : i32
      %dma_wait3A_187 = tpu.memref_slice %arg28[%add3A_12, %dma_wait3A_186] : memref<50176x32xf32, #tpu.memory_space<vmem_shared>> -> memref<224x32xf32, #tpu.memory_space<vmem_shared>>
      %dma_wait3A_188 = arith.constant 0 : i32
      %dma_wait3A_189 = arith.constant 0 : i32
      %dma_wait3A_190 = tpu.memref_slice %arg25[%dma_wait3A_188, %dma_wait3A_189] : memref<256x32xf32, #tpu.memory_space<vmem>> -> memref<224x32xf32, #tpu.memory_space<vmem>>
      tpu.wait_dma2 semaphore(%run_scoped3A : memref<!tpu.dma_semaphore, #tpu.memory_space<semaphore_mem>>) src(%dma_wait3A_190 : memref<224x32xf32, #tpu.memory_space<vmem>>) dst(%dma_wait3A_187 : memref<224x32xf32, #tpu.memory_space<vmem_shared>>)
      tpu.yield
    }) : () -> ()
    %add3A_13 = arith.constant 448 : i32
    %add3A_14 = arith.addi %mul3A_8, %add3A_13 : i32
    "tpu.region"() ({
      %run_scoped3A = tpu.sem_alloc : memref<!tpu.dma_semaphore, #tpu.memory_space<semaphore_mem>>
      %dma_start3A_171 = arith.constant 0 : i32
      %dma_start3A_172 = arith.constant 0 : i32
      %dma_start3A_173 = tpu.memref_slice %arg25[%dma_start3A_171, %dma_start3A_172] : memref<256x32xf32, #tpu.memory_space<vmem>> -> memref<224x32xf32, #tpu.memory_space<vmem>>
      %dma_start3A_174 = arith.constant 0 : i32
      %dma_start3A_175 = tpu.memref_slice %arg28[%add3A_14, %dma_start3A_174] : memref<50176x32xf32, #tpu.memory_space<vmem_shared>> -> memref<224x32xf32, #tpu.memory_space<vmem_shared>>
      %dma_start3A_176 = arith.constant 0 : i32
      %dma_start3A_177 = tpu.memref_slice %arg28[%add3A_14, %dma_start3A_176] : memref<50176x32xf32, #tpu.memory_space<vmem_shared>> -> memref<224x32xf32, #tpu.memory_space<vmem_shared>>
      %dma_start3A_178 = arith.constant 0 : i32
      %dma_start3A_179 = arith.constant 0 : i32
      %dma_start3A_180 = tpu.memref_slice %arg25[%dma_start3A_178, %dma_start3A_179] : memref<256x32xf32, #tpu.memory_space<vmem>> -> memref<224x32xf32, #tpu.memory_space<vmem>>
      tpu.enqueue_dma source(%dma_start3A_180 : memref<224x32xf32, #tpu.memory_space<vmem>>) target(%dma_start3A_177 : memref<224x32xf32, #tpu.memory_space<vmem_shared>>) target_semaphore(%run_scoped3A : memref<!tpu.dma_semaphore, #tpu.memory_space<semaphore_mem>>)
      %dma_wait3A_181 = arith.constant 0 : i32
      %dma_wait3A_182 = arith.constant 0 : i32
      %dma_wait3A_183 = tpu.memref_slice %arg25[%dma_wait3A_181, %dma_wait3A_182] : memref<256x32xf32, #tpu.memory_space<vmem>> -> memref<224x32xf32, #tpu.memory_space<vmem>>
      %dma_wait3A_184 = arith.constant 0 : i32
      %dma_wait3A_185 = tpu.memref_slice %arg28[%add3A_14, %dma_wait3A_184] : memref<50176x32xf32, #tpu.memory_space<vmem_shared>> -> memref<224x32xf32, #tpu.memory_space<vmem_shared>>
      %dma_wait3A_186 = arith.constant 0 : i32
      %dma_wait3A_187 = tpu.memref_slice %arg28[%add3A_14, %dma_wait3A_186] : memref<50176x32xf32, #tpu.memory_space<vmem_shared>> -> memref<224x32xf32, #tpu.memory_space<vmem_shared>>
      %dma_wait3A_188 = arith.constant 0 : i32
      %dma_wait3A_189 = arith.constant 0 : i32
      %dma_wait3A_190 = tpu.memref_slice %arg25[%dma_wait3A_188, %dma_wait3A_189] : memref<256x32xf32, #tpu.memory_space<vmem>> -> memref<224x32xf32, #tpu.memory_space<vmem>>
      tpu.wait_dma2 semaphore(%run_scoped3A : memref<!tpu.dma_semaphore, #tpu.memory_space<semaphore_mem>>) src(%dma_wait3A_190 : memref<224x32xf32, #tpu.memory_space<vmem>>) dst(%dma_wait3A_187 : memref<224x32xf32, #tpu.memory_space<vmem_shared>>)
      tpu.yield
    }) : () -> ()
    %add3A_15 = arith.constant 672 : i32
    %add3A_16 = arith.addi %mul3A_8, %add3A_15 : i32
    "tpu.region"() ({
      %run_scoped3A = tpu.sem_alloc : memref<!tpu.dma_semaphore, #tpu.memory_space<semaphore_mem>>
      %dma_start3A_171 = arith.constant 0 : i32
      %dma_start3A_172 = arith.constant 0 : i32
      %dma_start3A_173 = tpu.memref_slice %arg25[%dma_start3A_171, %dma_start3A_172] : memref<256x32xf32, #tpu.memory_space<vmem>> -> memref<224x32xf32, #tpu.memory_space<vmem>>
      %dma_start3A_174 = arith.constant 0 : i32
      %dma_start3A_175 = tpu.memref_slice %arg28[%add3A_16, %dma_start3A_174] : memref<50176x32xf32, #tpu.memory_space<vmem_shared>> -> memref<224x32xf32, #tpu.memory_space<vmem_shared>>
      %dma_start3A_176 = arith.constant 0 : i32
      %dma_start3A_177 = tpu.memref_slice %arg28[%add3A_16, %dma_start3A_176] : memref<50176x32xf32, #tpu.memory_space<vmem_shared>> -> memref<224x32xf32, #tpu.memory_space<vmem_shared>>
      %dma_start3A_178 = arith.constant 0 : i32
      %dma_start3A_179 = arith.constant 0 : i32
      %dma_start3A_180 = tpu.memref_slice %arg25[%dma_start3A_178, %dma_start3A_179] : memref<256x32xf32, #tpu.memory_space<vmem>> -> memref<224x32xf32, #tpu.memory_space<vmem>>
      tpu.enqueue_dma source(%dma_start3A_180 : memref<224x32xf32, #tpu.memory_space<vmem>>) target(%dma_start3A_177 : memref<224x32xf32, #tpu.memory_space<vmem_shared>>) target_semaphore(%run_scoped3A : memref<!tpu.dma_semaphore, #tpu.memory_space<semaphore_mem>>)
      %dma_wait3A_181 = arith.constant 0 : i32
      %dma_wait3A_182 = arith.constant 0 : i32
      %dma_wait3A_183 = tpu.memref_slice %arg25[%dma_wait3A_181, %dma_wait3A_182] : memref<256x32xf32, #tpu.memory_space<vmem>> -> memref<224x32xf32, #tpu.memory_space<vmem>>
      %dma_wait3A_184 = arith.constant 0 : i32
      %dma_wait3A_185 = tpu.memref_slice %arg28[%add3A_16, %dma_wait3A_184] : memref<50176x32xf32, #tpu.memory_space<vmem_shared>> -> memref<224x32xf32, #tpu.memory_space<vmem_shared>>
      %dma_wait3A_186 = arith.constant 0 : i32
      %dma_wait3A_187 = tpu.memref_slice %arg28[%add3A_16, %dma_wait3A_186] : memref<50176x32xf32, #tpu.memory_space<vmem_shared>> -> memref<224x32xf32, #tpu.memory_space<vmem_shared>>
      %dma_wait3A_188 = arith.constant 0 : i32
      %dma_wait3A_189 = arith.constant 0 : i32
      %dma_wait3A_190 = tpu.memref_slice %arg25[%dma_wait3A_188, %dma_wait3A_189] : memref<256x32xf32, #tpu.memory_space<vmem>> -> memref<224x32xf32, #tpu.memory_space<vmem>>
      tpu.wait_dma2 semaphore(%run_scoped3A : memref<!tpu.dma_semaphore, #tpu.memory_space<semaphore_mem>>) src(%dma_wait3A_190 : memref<224x32xf32, #tpu.memory_space<vmem>>) dst(%dma_wait3A_187 : memref<224x32xf32, #tpu.memory_space<vmem_shared>>)
      tpu.yield
    }) : () -> ()
    %add3A_17 = arith.constant 896 : i32
    %add3A_18 = arith.addi %mul3A_8, %add3A_17 : i32
    "tpu.region"() ({
      %run_scoped3A = tpu.sem_alloc : memref<!tpu.dma_semaphore, #tpu.memory_space<semaphore_mem>>
      %dma_start3A_171 = arith.constant 0 : i32
      %dma_start3A_172 = arith.constant 0 : i32
      %dma_start3A_173 = tpu.memref_slice %arg25[%dma_start3A_171, %dma_start3A_172] : memref<256x32xf32, #tpu.memory_space<vmem>> -> memref<224x32xf32, #tpu.memory_space<vmem>>
      %dma_start3A_174 = arith.constant 0 : i32
      %dma_start3A_175 = tpu.memref_slice %arg28[%add3A_18, %dma_start3A_174] : memref<50176x32xf32, #tpu.memory_space<vmem_shared>> -> memref<224x32xf32, #tpu.memory_space<vmem_shared>>
      %dma_start3A_176 = arith.constant 0 : i32
      %dma_start3A_177 = tpu.memref_slice %arg28[%add3A_18, %dma_start3A_176] : memref<50176x32xf32, #tpu.memory_space<vmem_shared>> -> memref<224x32xf32, #tpu.memory_space<vmem_shared>>
      %dma_start3A_178 = arith.constant 0 : i32
      %dma_start3A_179 = arith.constant 0 : i32
      %dma_start3A_180 = tpu.memref_slice %arg25[%dma_start3A_178, %dma_start3A_179] : memref<256x32xf32, #tpu.memory_space<vmem>> -> memref<224x32xf32, #tpu.memory_space<vmem>>
      tpu.enqueue_dma source(%dma_start3A_180 : memref<224x32xf32, #tpu.memory_space<vmem>>) target(%dma_start3A_177 : memref<224x32xf32, #tpu.memory_space<vmem_shared>>) target_semaphore(%run_scoped3A : memref<!tpu.dma_semaphore, #tpu.memory_space<semaphore_mem>>)
      %dma_wait3A_181 = arith.constant 0 : i32
      %dma_wait3A_182 = arith.constant 0 : i32
      %dma_wait3A_183 = tpu.memref_slice %arg25[%dma_wait3A_181, %dma_wait3A_182] : memref<256x32xf32, #tpu.memory_space<vmem>> -> memref<224x32xf32, #tpu.memory_space<vmem>>
      %dma_wait3A_184 = arith.constant 0 : i32
      %dma_wait3A_185 = tpu.memref_slice %arg28[%add3A_18, %dma_wait3A_184] : memref<50176x32xf32, #tpu.memory_space<vmem_shared>> -> memref<224x32xf32, #tpu.memory_space<vmem_shared>>
      %dma_wait3A_186 = arith.constant 0 : i32
      %dma_wait3A_187 = tpu.memref_slice %arg28[%add3A_18, %dma_wait3A_186] : memref<50176x32xf32, #tpu.memory_space<vmem_shared>> -> memref<224x32xf32, #tpu.memory_space<vmem_shared>>
      %dma_wait3A_188 = arith.constant 0 : i32
      %dma_wait3A_189 = arith.constant 0 : i32
      %dma_wait3A_190 = tpu.memref_slice %arg25[%dma_wait3A_188, %dma_wait3A_189] : memref<256x32xf32, #tpu.memory_space<vmem>> -> memref<224x32xf32, #tpu.memory_space<vmem>>
      tpu.wait_dma2 semaphore(%run_scoped3A : memref<!tpu.dma_semaphore, #tpu.memory_space<semaphore_mem>>) src(%dma_wait3A_190 : memref<224x32xf32, #tpu.memory_space<vmem>>) dst(%dma_wait3A_187 : memref<224x32xf32, #tpu.memory_space<vmem_shared>>)
      tpu.yield
    }) : () -> ()
    %add3A_19 = arith.constant 1120 : i32
    %add3A_20 = arith.addi %mul3A_8, %add3A_19 : i32
    "tpu.region"() ({
      %run_scoped3A = tpu.sem_alloc : memref<!tpu.dma_semaphore, #tpu.memory_space<semaphore_mem>>
      %dma_start3A_171 = arith.constant 0 : i32
      %dma_start3A_172 = arith.constant 0 : i32
      %dma_start3A_173 = tpu.memref_slice %arg25[%dma_start3A_171, %dma_start3A_172] : memref<256x32xf32, #tpu.memory_space<vmem>> -> memref<224x32xf32, #tpu.memory_space<vmem>>
      %dma_start3A_174 = arith.constant 0 : i32
      %dma_start3A_175 = tpu.memref_slice %arg28[%add3A_20, %dma_start3A_174] : memref<50176x32xf32, #tpu.memory_space<vmem_shared>> -> memref<224x32xf32, #tpu.memory_space<vmem_shared>>
      %dma_start3A_176 = arith.constant 0 : i32
      %dma_start3A_177 = tpu.memref_slice %arg28[%add3A_20, %dma_start3A_176] : memref<50176x32xf32, #tpu.memory_space<vmem_shared>> -> memref<224x32xf32, #tpu.memory_space<vmem_shared>>
      %dma_start3A_178 = arith.constant 0 : i32
      %dma_start3A_179 = arith.constant 0 : i32
      %dma_start3A_180 = tpu.memref_slice %arg25[%dma_start3A_178, %dma_start3A_179] : memref<256x32xf32, #tpu.memory_space<vmem>> -> memref<224x32xf32, #tpu.memory_space<vmem>>
      tpu.enqueue_dma source(%dma_start3A_180 : memref<224x32xf32, #tpu.memory_space<vmem>>) target(%dma_start3A_177 : memref<224x32xf32, #tpu.memory_space<vmem_shared>>) target_semaphore(%run_scoped3A : memref<!tpu.dma_semaphore, #tpu.memory_space<semaphore_mem>>)
      %dma_wait3A_181 = arith.constant 0 : i32
      %dma_wait3A_182 = arith.constant 0 : i32
      %dma_wait3A_183 = tpu.memref_slice %arg25[%dma_wait3A_181, %dma_wait3A_182] : memref<256x32xf32, #tpu.memory_space<vmem>> -> memref<224x32xf32, #tpu.memory_space<vmem>>
      %dma_wait3A_184 = arith.constant 0 : i32
      %dma_wait3A_185 = tpu.memref_slice %arg28[%add3A_20, %dma_wait3A_184] : memref<50176x32xf32, #tpu.memory_space<vmem_shared>> -> memref<224x32xf32, #tpu.memory_space<vmem_shared>>
      %dma_wait3A_186 = arith.constant 0 : i32
      %dma_wait3A_187 = tpu.memref_slice %arg28[%add3A_20, %dma_wait3A_186] : memref<50176x32xf32, #tpu.memory_space<vmem_shared>> -> memref<224x32xf32, #tpu.memory_space<vmem_shared>>
      %dma_wait3A_188 = arith.constant 0 : i32
      %dma_wait3A_189 = arith.constant 0 : i32
      %dma_wait3A_190 = tpu.memref_slice %arg25[%dma_wait3A_188, %dma_wait3A_189] : memref<256x32xf32, #tpu.memory_space<vmem>> -> memref<224x32xf32, #tpu.memory_space<vmem>>
      tpu.wait_dma2 semaphore(%run_scoped3A : memref<!tpu.dma_semaphore, #tpu.memory_space<semaphore_mem>>) src(%dma_wait3A_190 : memref<224x32xf32, #tpu.memory_space<vmem>>) dst(%dma_wait3A_187 : memref<224x32xf32, #tpu.memory_space<vmem_shared>>)
      tpu.yield
    }) : () -> ()
    %add3A_21 = arith.constant 1344 : i32
    %add3A_22 = arith.addi %mul3A_8, %add3A_21 : i32
    "tpu.region"() ({
      %run_scoped3A = tpu.sem_alloc : memref<!tpu.dma_semaphore, #tpu.memory_space<semaphore_mem>>
      %dma_start3A_171 = arith.constant 0 : i32
      %dma_start3A_172 = arith.constant 0 : i32
      %dma_start3A_173 = tpu.memref_slice %arg25[%dma_start3A_171, %dma_start3A_172] : memref<256x32xf32, #tpu.memory_space<vmem>> -> memref<224x32xf32, #tpu.memory_space<vmem>>
      %dma_start3A_174 = arith.constant 0 : i32
      %dma_start3A_175 = tpu.memref_slice %arg28[%add3A_22, %dma_start3A_174] : memref<50176x32xf32, #tpu.memory_space<vmem_shared>> -> memref<224x32xf32, #tpu.memory_space<vmem_shared>>
      %dma_start3A_176 = arith.constant 0 : i32
      %dma_start3A_177 = tpu.memref_slice %arg28[%add3A_22, %dma_start3A_176] : memref<50176x32xf32, #tpu.memory_space<vmem_shared>> -> memref<224x32xf32, #tpu.memory_space<vmem_shared>>
      %dma_start3A_178 = arith.constant 0 : i32
      %dma_start3A_179 = arith.constant 0 : i32
      %dma_start3A_180 = tpu.memref_slice %arg25[%dma_start3A_178, %dma_start3A_179] : memref<256x32xf32, #tpu.memory_space<vmem>> -> memref<224x32xf32, #tpu.memory_space<vmem>>
      tpu.enqueue_dma source(%dma_start3A_180 : memref<224x32xf32, #tpu.memory_space<vmem>>) target(%dma_start3A_177 : memref<224x32xf32, #tpu.memory_space<vmem_shared>>) target_semaphore(%run_scoped3A : memref<!tpu.dma_semaphore, #tpu.memory_space<semaphore_mem>>)
      %dma_wait3A_181 = arith.constant 0 : i32
      %dma_wait3A_182 = arith.constant 0 : i32
      %dma_wait3A_183 = tpu.memref_slice %arg25[%dma_wait3A_181, %dma_wait3A_182] : memref<256x32xf32, #tpu.memory_space<vmem>> -> memref<224x32xf32, #tpu.memory_space<vmem>>
      %dma_wait3A_184 = arith.constant 0 : i32
      %dma_wait3A_185 = tpu.memref_slice %arg28[%add3A_22, %dma_wait3A_184] : memref<50176x32xf32, #tpu.memory_space<vmem_shared>> -> memref<224x32xf32, #tpu.memory_space<vmem_shared>>
      %dma_wait3A_186 = arith.constant 0 : i32
      %dma_wait3A_187 = tpu.memref_slice %arg28[%add3A_22, %dma_wait3A_186] : memref<50176x32xf32, #tpu.memory_space<vmem_shared>> -> memref<224x32xf32, #tpu.memory_space<vmem_shared>>
      %dma_wait3A_188 = arith.constant 0 : i32
      %dma_wait3A_189 = arith.constant 0 : i32
      %dma_wait3A_190 = tpu.memref_slice %arg25[%dma_wait3A_188, %dma_wait3A_189] : memref<256x32xf32, #tpu.memory_space<vmem>> -> memref<224x32xf32, #tpu.memory_space<vmem>>
      tpu.wait_dma2 semaphore(%run_scoped3A : memref<!tpu.dma_semaphore, #tpu.memory_space<semaphore_mem>>) src(%dma_wait3A_190 : memref<224x32xf32, #tpu.memory_space<vmem>>) dst(%dma_wait3A_187 : memref<224x32xf32, #tpu.memory_space<vmem_shared>>)
      tpu.yield
    }) : () -> ()
    %add3A_23 = arith.constant 1568 : i32
    %add3A_24 = arith.addi %mul3A_8, %add3A_23 : i32
    "tpu.region"() ({
      %run_scoped3A = tpu.sem_alloc : memref<!tpu.dma_semaphore, #tpu.memory_space<semaphore_mem>>
      %dma_start3A_171 = arith.constant 0 : i32
      %dma_start3A_172 = arith.constant 0 : i32
      %dma_start3A_173 = tpu.memref_slice %arg25[%dma_start3A_171, %dma_start3A_172] : memref<256x32xf32, #tpu.memory_space<vmem>> -> memref<224x32xf32, #tpu.memory_space<vmem>>
      %dma_start3A_174 = arith.constant 0 : i32
      %dma_start3A_175 = tpu.memref_slice %arg28[%add3A_24, %dma_start3A_174] : memref<50176x32xf32, #tpu.memory_space<vmem_shared>> -> memref<224x32xf32, #tpu.memory_space<vmem_shared>>
      %dma_start3A_176 = arith.constant 0 : i32
      %dma_start3A_177 = tpu.memref_slice %arg28[%add3A_24, %dma_start3A_176] : memref<50176x32xf32, #tpu.memory_space<vmem_shared>> -> memref<224x32xf32, #tpu.memory_space<vmem_shared>>
      %dma_start3A_178 = arith.constant 0 : i32
      %dma_start3A_179 = arith.constant 0 : i32
      %dma_start3A_180 = tpu.memref_slice %arg25[%dma_start3A_178, %dma_start3A_179] : memref<256x32xf32, #tpu.memory_space<vmem>> -> memref<224x32xf32, #tpu.memory_space<vmem>>
      tpu.enqueue_dma source(%dma_start3A_180 : memref<224x32xf32, #tpu.memory_space<vmem>>) target(%dma_start3A_177 : memref<224x32xf32, #tpu.memory_space<vmem_shared>>) target_semaphore(%run_scoped3A : memref<!tpu.dma_semaphore, #tpu.memory_space<semaphore_mem>>)
      %dma_wait3A_181 = arith.constant 0 : i32
      %dma_wait3A_182 = arith.constant 0 : i32
      %dma_wait3A_183 = tpu.memref_slice %arg25[%dma_wait3A_181, %dma_wait3A_182] : memref<256x32xf32, #tpu.memory_space<vmem>> -> memref<224x32xf32, #tpu.memory_space<vmem>>
      %dma_wait3A_184 = arith.constant 0 : i32
      %dma_wait3A_185 = tpu.memref_slice %arg28[%add3A_24, %dma_wait3A_184] : memref<50176x32xf32, #tpu.memory_space<vmem_shared>> -> memref<224x32xf32, #tpu.memory_space<vmem_shared>>
      %dma_wait3A_186 = arith.constant 0 : i32
      %dma_wait3A_187 = tpu.memref_slice %arg28[%add3A_24, %dma_wait3A_186] : memref<50176x32xf32, #tpu.memory_space<vmem_shared>> -> memref<224x32xf32, #tpu.memory_space<vmem_shared>>
      %dma_wait3A_188 = arith.constant 0 : i32
      %dma_wait3A_189 = arith.constant 0 : i32
      %dma_wait3A_190 = tpu.memref_slice %arg25[%dma_wait3A_188, %dma_wait3A_189] : memref<256x32xf32, #tpu.memory_space<vmem>> -> memref<224x32xf32, #tpu.memory_space<vmem>>
      tpu.wait_dma2 semaphore(%run_scoped3A : memref<!tpu.dma_semaphore, #tpu.memory_space<semaphore_mem>>) src(%dma_wait3A_190 : memref<224x32xf32, #tpu.memory_space<vmem>>) dst(%dma_wait3A_187 : memref<224x32xf32, #tpu.memory_space<vmem_shared>>)
      tpu.yield
    }) : () -> ()
    %add3A_25 = arith.constant 1792 : i32
    %add3A_26 = arith.addi %mul3A_8, %add3A_25 : i32
    "tpu.region"() ({
      %run_scoped3A = tpu.sem_alloc : memref<!tpu.dma_semaphore, #tpu.memory_space<semaphore_mem>>
      %dma_start3A_171 = arith.constant 0 : i32
      %dma_start3A_172 = arith.constant 0 : i32
      %dma_start3A_173 = tpu.memref_slice %arg25[%dma_start3A_171, %dma_start3A_172] : memref<256x32xf32, #tpu.memory_space<vmem>> -> memref<224x32xf32, #tpu.memory_space<vmem>>
      %dma_start3A_174 = arith.constant 0 : i32
      %dma_start3A_175 = tpu.memref_slice %arg28[%add3A_26, %dma_start3A_174] : memref<50176x32xf32, #tpu.memory_space<vmem_shared>> -> memref<224x32xf32, #tpu.memory_space<vmem_shared>>
      %dma_start3A_176 = arith.constant 0 : i32
      %dma_start3A_177 = tpu.memref_slice %arg28[%add3A_26, %dma_start3A_176] : memref<50176x32xf32, #tpu.memory_space<vmem_shared>> -> memref<224x32xf32, #tpu.memory_space<vmem_shared>>
      %dma_start3A_178 = arith.constant 0 : i32
      %dma_start3A_179 = arith.constant 0 : i32
      %dma_start3A_180 = tpu.memref_slice %arg25[%dma_start3A_178, %dma_start3A_179] : memref<256x32xf32, #tpu.memory_space<vmem>> -> memref<224x32xf32, #tpu.memory_space<vmem>>
      tpu.enqueue_dma source(%dma_start3A_180 : memref<224x32xf32, #tpu.memory_space<vmem>>) target(%dma_start3A_177 : memref<224x32xf32, #tpu.memory_space<vmem_shared>>) target_semaphore(%run_scoped3A : memref<!tpu.dma_semaphore, #tpu.memory_space<semaphore_mem>>)
      %dma_wait3A_181 = arith.constant 0 : i32
      %dma_wait3A_182 = arith.constant 0 : i32
      %dma_wait3A_183 = tpu.memref_slice %arg25[%dma_wait3A_181, %dma_wait3A_182] : memref<256x32xf32, #tpu.memory_space<vmem>> -> memref<224x32xf32, #tpu.memory_space<vmem>>
      %dma_wait3A_184 = arith.constant 0 : i32
      %dma_wait3A_185 = tpu.memref_slice %arg28[%add3A_26, %dma_wait3A_184] : memref<50176x32xf32, #tpu.memory_space<vmem_shared>> -> memref<224x32xf32, #tpu.memory_space<vmem_shared>>
      %dma_wait3A_186 = arith.constant 0 : i32
      %dma_wait3A_187 = tpu.memref_slice %arg28[%add3A_26, %dma_wait3A_186] : memref<50176x32xf32, #tpu.memory_space<vmem_shared>> -> memref<224x32xf32, #tpu.memory_space<vmem_shared>>
      %dma_wait3A_188 = arith.constant 0 : i32
      %dma_wait3A_189 = arith.constant 0 : i32
      %dma_wait3A_190 = tpu.memref_slice %arg25[%dma_wait3A_188, %dma_wait3A_189] : memref<256x32xf32, #tpu.memory_space<vmem>> -> memref<224x32xf32, #tpu.memory_space<vmem>>
      tpu.wait_dma2 semaphore(%run_scoped3A : memref<!tpu.dma_semaphore, #tpu.memory_space<semaphore_mem>>) src(%dma_wait3A_190 : memref<224x32xf32, #tpu.memory_space<vmem>>) dst(%dma_wait3A_187 : memref<224x32xf32, #tpu.memory_space<vmem_shared>>)
      tpu.yield
    }) : () -> ()
    %add3A_27 = arith.constant 2016 : i32
    %add3A_28 = arith.addi %mul3A_8, %add3A_27 : i32
    "tpu.region"() ({
      %run_scoped3A = tpu.sem_alloc : memref<!tpu.dma_semaphore, #tpu.memory_space<semaphore_mem>>
      %dma_start3A_171 = arith.constant 0 : i32
      %dma_start3A_172 = arith.constant 0 : i32
      %dma_start3A_173 = tpu.memref_slice %arg25[%dma_start3A_171, %dma_start3A_172] : memref<256x32xf32, #tpu.memory_space<vmem>> -> memref<224x32xf32, #tpu.memory_space<vmem>>
      %dma_start3A_174 = arith.constant 0 : i32
      %dma_start3A_175 = tpu.memref_slice %arg28[%add3A_28, %dma_start3A_174] : memref<50176x32xf32, #tpu.memory_space<vmem_shared>> -> memref<224x32xf32, #tpu.memory_space<vmem_shared>>
      %dma_start3A_176 = arith.constant 0 : i32
      %dma_start3A_177 = tpu.memref_slice %arg28[%add3A_28, %dma_start3A_176] : memref<50176x32xf32, #tpu.memory_space<vmem_shared>> -> memref<224x32xf32, #tpu.memory_space<vmem_shared>>
      %dma_start3A_178 = arith.constant 0 : i32
      %dma_start3A_179 = arith.constant 0 : i32
      %dma_start3A_180 = tpu.memref_slice %arg25[%dma_start3A_178, %dma_start3A_179] : memref<256x32xf32, #tpu.memory_space<vmem>> -> memref<224x32xf32, #tpu.memory_space<vmem>>
      tpu.enqueue_dma source(%dma_start3A_180 : memref<224x32xf32, #tpu.memory_space<vmem>>) target(%dma_start3A_177 : memref<224x32xf32, #tpu.memory_space<vmem_shared>>) target_semaphore(%run_scoped3A : memref<!tpu.dma_semaphore, #tpu.memory_space<semaphore_mem>>)
      %dma_wait3A_181 = arith.constant 0 : i32
      %dma_wait3A_182 = arith.constant 0 : i32
      %dma_wait3A_183 = tpu.memref_slice %arg25[%dma_wait3A_181, %dma_wait3A_182] : memref<256x32xf32, #tpu.memory_space<vmem>> -> memref<224x32xf32, #tpu.memory_space<vmem>>
      %dma_wait3A_184 = arith.constant 0 : i32
      %dma_wait3A_185 = tpu.memref_slice %arg28[%add3A_28, %dma_wait3A_184] : memref<50176x32xf32, #tpu.memory_space<vmem_shared>> -> memref<224x32xf32, #tpu.memory_space<vmem_shared>>
      %dma_wait3A_186 = arith.constant 0 : i32
      %dma_wait3A_187 = tpu.memref_slice %arg28[%add3A_28, %dma_wait3A_186] : memref<50176x32xf32, #tpu.memory_space<vmem_shared>> -> memref<224x32xf32, #tpu.memory_space<vmem_shared>>
      %dma_wait3A_188 = arith.constant 0 : i32
      %dma_wait3A_189 = arith.constant 0 : i32
      %dma_wait3A_190 = tpu.memref_slice %arg25[%dma_wait3A_188, %dma_wait3A_189] : memref<256x32xf32, #tpu.memory_space<vmem>> -> memref<224x32xf32, #tpu.memory_space<vmem>>
      tpu.wait_dma2 semaphore(%run_scoped3A : memref<!tpu.dma_semaphore, #tpu.memory_space<semaphore_mem>>) src(%dma_wait3A_190 : memref<224x32xf32, #tpu.memory_space<vmem>>) dst(%dma_wait3A_187 : memref<224x32xf32, #tpu.memory_space<vmem_shared>>)
      tpu.yield
    }) : () -> ()
    %add3A_29 = arith.constant 2240 : i32
    %add3A_30 = arith.addi %mul3A_8, %add3A_29 : i32
    "tpu.region"() ({
      %run_scoped3A = tpu.sem_alloc : memref<!tpu.dma_semaphore, #tpu.memory_space<semaphore_mem>>
      %dma_start3A_171 = arith.constant 0 : i32
      %dma_start3A_172 = arith.constant 0 : i32
      %dma_start3A_173 = tpu.memref_slice %arg25[%dma_start3A_171, %dma_start3A_172] : memref<256x32xf32, #tpu.memory_space<vmem>> -> memref<224x32xf32, #tpu.memory_space<vmem>>
      %dma_start3A_174 = arith.constant 0 : i32
      %dma_start3A_175 = tpu.memref_slice %arg28[%add3A_30, %dma_start3A_174] : memref<50176x32xf32, #tpu.memory_space<vmem_shared>> -> memref<224x32xf32, #tpu.memory_space<vmem_shared>>
      %dma_start3A_176 = arith.constant 0 : i32
      %dma_start3A_177 = tpu.memref_slice %arg28[%add3A_30, %dma_start3A_176] : memref<50176x32xf32, #tpu.memory_space<vmem_shared>> -> memref<224x32xf32, #tpu.memory_space<vmem_shared>>
      %dma_start3A_178 = arith.constant 0 : i32
      %dma_start3A_179 = arith.constant 0 : i32
      %dma_start3A_180 = tpu.memref_slice %arg25[%dma_start3A_178, %dma_start3A_179] : memref<256x32xf32, #tpu.memory_space<vmem>> -> memref<224x32xf32, #tpu.memory_space<vmem>>
      tpu.enqueue_dma source(%dma_start3A_180 : memref<224x32xf32, #tpu.memory_space<vmem>>) target(%dma_start3A_177 : memref<224x32xf32, #tpu.memory_space<vmem_shared>>) target_semaphore(%run_scoped3A : memref<!tpu.dma_semaphore, #tpu.memory_space<semaphore_mem>>)
      %dma_wait3A_181 = arith.constant 0 : i32
      %dma_wait3A_182 = arith.constant 0 : i32
      %dma_wait3A_183 = tpu.memref_slice %arg25[%dma_wait3A_181, %dma_wait3A_182] : memref<256x32xf32, #tpu.memory_space<vmem>> -> memref<224x32xf32, #tpu.memory_space<vmem>>
      %dma_wait3A_184 = arith.constant 0 : i32
      %dma_wait3A_185 = tpu.memref_slice %arg28[%add3A_30, %dma_wait3A_184] : memref<50176x32xf32, #tpu.memory_space<vmem_shared>> -> memref<224x32xf32, #tpu.memory_space<vmem_shared>>
      %dma_wait3A_186 = arith.constant 0 : i32
      %dma_wait3A_187 = tpu.memref_slice %arg28[%add3A_30, %dma_wait3A_186] : memref<50176x32xf32, #tpu.memory_space<vmem_shared>> -> memref<224x32xf32, #tpu.memory_space<vmem_shared>>
      %dma_wait3A_188 = arith.constant 0 : i32
      %dma_wait3A_189 = arith.constant 0 : i32
      %dma_wait3A_190 = tpu.memref_slice %arg25[%dma_wait3A_188, %dma_wait3A_189] : memref<256x32xf32, #tpu.memory_space<vmem>> -> memref<224x32xf32, #tpu.memory_space<vmem>>
      tpu.wait_dma2 semaphore(%run_scoped3A : memref<!tpu.dma_semaphore, #tpu.memory_space<semaphore_mem>>) src(%dma_wait3A_190 : memref<224x32xf32, #tpu.memory_space<vmem>>) dst(%dma_wait3A_187 : memref<224x32xf32, #tpu.memory_space<vmem_shared>>)
      tpu.yield
    }) : () -> ()
    %add3A_31 = arith.constant 2464 : i32
    %add3A_32 = arith.addi %mul3A_8, %add3A_31 : i32
    "tpu.region"() ({
      %run_scoped3A = tpu.sem_alloc : memref<!tpu.dma_semaphore, #tpu.memory_space<semaphore_mem>>
      %dma_start3A_171 = arith.constant 0 : i32
      %dma_start3A_172 = arith.constant 0 : i32
      %dma_start3A_173 = tpu.memref_slice %arg25[%dma_start3A_171, %dma_start3A_172] : memref<256x32xf32, #tpu.memory_space<vmem>> -> memref<224x32xf32, #tpu.memory_space<vmem>>
      %dma_start3A_174 = arith.constant 0 : i32
      %dma_start3A_175 = tpu.memref_slice %arg28[%add3A_32, %dma_start3A_174] : memref<50176x32xf32, #tpu.memory_space<vmem_shared>> -> memref<224x32xf32, #tpu.memory_space<vmem_shared>>
      %dma_start3A_176 = arith.constant 0 : i32
      %dma_start3A_177 = tpu.memref_slice %arg28[%add3A_32, %dma_start3A_176] : memref<50176x32xf32, #tpu.memory_space<vmem_shared>> -> memref<224x32xf32, #tpu.memory_space<vmem_shared>>
      %dma_start3A_178 = arith.constant 0 : i32
      %dma_start3A_179 = arith.constant 0 : i32
      %dma_start3A_180 = tpu.memref_slice %arg25[%dma_start3A_178, %dma_start3A_179] : memref<256x32xf32, #tpu.memory_space<vmem>> -> memref<224x32xf32, #tpu.memory_space<vmem>>
      tpu.enqueue_dma source(%dma_start3A_180 : memref<224x32xf32, #tpu.memory_space<vmem>>) target(%dma_start3A_177 : memref<224x32xf32, #tpu.memory_space<vmem_shared>>) target_semaphore(%run_scoped3A : memref<!tpu.dma_semaphore, #tpu.memory_space<semaphore_mem>>)
      %dma_wait3A_181 = arith.constant 0 : i32
      %dma_wait3A_182 = arith.constant 0 : i32
      %dma_wait3A_183 = tpu.memref_slice %arg25[%dma_wait3A_181, %dma_wait3A_182] : memref<256x32xf32, #tpu.memory_space<vmem>> -> memref<224x32xf32, #tpu.memory_space<vmem>>
      %dma_wait3A_184 = arith.constant 0 : i32
      %dma_wait3A_185 = tpu.memref_slice %arg28[%add3A_32, %dma_wait3A_184] : memref<50176x32xf32, #tpu.memory_space<vmem_shared>> -> memref<224x32xf32, #tpu.memory_space<vmem_shared>>
      %dma_wait3A_186 = arith.constant 0 : i32
      %dma_wait3A_187 = tpu.memref_slice %arg28[%add3A_32, %dma_wait3A_186] : memref<50176x32xf32, #tpu.memory_space<vmem_shared>> -> memref<224x32xf32, #tpu.memory_space<vmem_shared>>
      %dma_wait3A_188 = arith.constant 0 : i32
      %dma_wait3A_189 = arith.constant 0 : i32
      %dma_wait3A_190 = tpu.memref_slice %arg25[%dma_wait3A_188, %dma_wait3A_189] : memref<256x32xf32, #tpu.memory_space<vmem>> -> memref<224x32xf32, #tpu.memory_space<vmem>>
      tpu.wait_dma2 semaphore(%run_scoped3A : memref<!tpu.dma_semaphore, #tpu.memory_space<semaphore_mem>>) src(%dma_wait3A_190 : memref<224x32xf32, #tpu.memory_space<vmem>>) dst(%dma_wait3A_187 : memref<224x32xf32, #tpu.memory_space<vmem_shared>>)
      tpu.yield
    }) : () -> ()
    %add3A_33 = arith.constant 2688 : i32
    %add3A_34 = arith.addi %mul3A_8, %add3A_33 : i32
    "tpu.region"() ({
      %run_scoped3A = tpu.sem_alloc : memref<!tpu.dma_semaphore, #tpu.memory_space<semaphore_mem>>
      %dma_start3A_171 = arith.constant 0 : i32
      %dma_start3A_172 = arith.constant 0 : i32
      %dma_start3A_173 = tpu.memref_slice %arg25[%dma_start3A_171, %dma_start3A_172] : memref<256x32xf32, #tpu.memory_space<vmem>> -> memref<224x32xf32, #tpu.memory_space<vmem>>
      %dma_start3A_174 = arith.constant 0 : i32
      %dma_start3A_175 = tpu.memref_slice %arg28[%add3A_34, %dma_start3A_174] : memref<50176x32xf32, #tpu.memory_space<vmem_shared>> -> memref<224x32xf32, #tpu.memory_space<vmem_shared>>
      %dma_start3A_176 = arith.constant 0 : i32
      %dma_start3A_177 = tpu.memref_slice %arg28[%add3A_34, %dma_start3A_176] : memref<50176x32xf32, #tpu.memory_space<vmem_shared>> -> memref<224x32xf32, #tpu.memory_space<vmem_shared>>
      %dma_start3A_178 = arith.constant 0 : i32
      %dma_start3A_179 = arith.constant 0 : i32
      %dma_start3A_180 = tpu.memref_slice %arg25[%dma_start3A_178, %dma_start3A_179] : memref<256x32xf32, #tpu.memory_space<vmem>> -> memref<224x32xf32, #tpu.memory_space<vmem>>
      tpu.enqueue_dma source(%dma_start3A_180 : memref<224x32xf32, #tpu.memory_space<vmem>>) target(%dma_start3A_177 : memref<224x32xf32, #tpu.memory_space<vmem_shared>>) target_semaphore(%run_scoped3A : memref<!tpu.dma_semaphore, #tpu.memory_space<semaphore_mem>>)
      %dma_wait3A_181 = arith.constant 0 : i32
      %dma_wait3A_182 = arith.constant 0 : i32
      %dma_wait3A_183 = tpu.memref_slice %arg25[%dma_wait3A_181, %dma_wait3A_182] : memref<256x32xf32, #tpu.memory_space<vmem>> -> memref<224x32xf32, #tpu.memory_space<vmem>>
      %dma_wait3A_184 = arith.constant 0 : i32
      %dma_wait3A_185 = tpu.memref_slice %arg28[%add3A_34, %dma_wait3A_184] : memref<50176x32xf32, #tpu.memory_space<vmem_shared>> -> memref<224x32xf32, #tpu.memory_space<vmem_shared>>
      %dma_wait3A_186 = arith.constant 0 : i32
      %dma_wait3A_187 = tpu.memref_slice %arg28[%add3A_34, %dma_wait3A_186] : memref<50176x32xf32, #tpu.memory_space<vmem_shared>> -> memref<224x32xf32, #tpu.memory_space<vmem_shared>>
      %dma_wait3A_188 = arith.constant 0 : i32
      %dma_wait3A_189 = arith.constant 0 : i32
      %dma_wait3A_190 = tpu.memref_slice %arg25[%dma_wait3A_188, %dma_wait3A_189] : memref<256x32xf32, #tpu.memory_space<vmem>> -> memref<224x32xf32, #tpu.memory_space<vmem>>
      tpu.wait_dma2 semaphore(%run_scoped3A : memref<!tpu.dma_semaphore, #tpu.memory_space<semaphore_mem>>) src(%dma_wait3A_190 : memref<224x32xf32, #tpu.memory_space<vmem>>) dst(%dma_wait3A_187 : memref<224x32xf32, #tpu.memory_space<vmem_shared>>)
      tpu.yield
    }) : () -> ()
    %add3A_35 = arith.constant 2912 : i32
    %add3A_36 = arith.addi %mul3A_8, %add3A_35 : i32
    "tpu.region"() ({
      %run_scoped3A = tpu.sem_alloc : memref<!tpu.dma_semaphore, #tpu.memory_space<semaphore_mem>>
      %dma_start3A_171 = arith.constant 0 : i32
      %dma_start3A_172 = arith.constant 0 : i32
      %dma_start3A_173 = tpu.memref_slice %arg25[%dma_start3A_171, %dma_start3A_172] : memref<256x32xf32, #tpu.memory_space<vmem>> -> memref<224x32xf32, #tpu.memory_space<vmem>>
      %dma_start3A_174 = arith.constant 0 : i32
      %dma_start3A_175 = tpu.memref_slice %arg28[%add3A_36, %dma_start3A_174] : memref<50176x32xf32, #tpu.memory_space<vmem_shared>> -> memref<224x32xf32, #tpu.memory_space<vmem_shared>>
      %dma_start3A_176 = arith.constant 0 : i32
      %dma_start3A_177 = tpu.memref_slice %arg28[%add3A_36, %dma_start3A_176] : memref<50176x32xf32, #tpu.memory_space<vmem_shared>> -> memref<224x32xf32, #tpu.memory_space<vmem_shared>>
      %dma_start3A_178 = arith.constant 0 : i32
      %dma_start3A_179 = arith.constant 0 : i32
      %dma_start3A_180 = tpu.memref_slice %arg25[%dma_start3A_178, %dma_start3A_179] : memref<256x32xf32, #tpu.memory_space<vmem>> -> memref<224x32xf32, #tpu.memory_space<vmem>>
      tpu.enqueue_dma source(%dma_start3A_180 : memref<224x32xf32, #tpu.memory_space<vmem>>) target(%dma_start3A_177 : memref<224x32xf32, #tpu.memory_space<vmem_shared>>) target_semaphore(%run_scoped3A : memref<!tpu.dma_semaphore, #tpu.memory_space<semaphore_mem>>)
      %dma_wait3A_181 = arith.constant 0 : i32
      %dma_wait3A_182 = arith.constant 0 : i32
      %dma_wait3A_183 = tpu.memref_slice %arg25[%dma_wait3A_181, %dma_wait3A_182] : memref<256x32xf32, #tpu.memory_space<vmem>> -> memref<224x32xf32, #tpu.memory_space<vmem>>
      %dma_wait3A_184 = arith.constant 0 : i32
      %dma_wait3A_185 = tpu.memref_slice %arg28[%add3A_36, %dma_wait3A_184] : memref<50176x32xf32, #tpu.memory_space<vmem_shared>> -> memref<224x32xf32, #tpu.memory_space<vmem_shared>>
      %dma_wait3A_186 = arith.constant 0 : i32
      %dma_wait3A_187 = tpu.memref_slice %arg28[%add3A_36, %dma_wait3A_186] : memref<50176x32xf32, #tpu.memory_space<vmem_shared>> -> memref<224x32xf32, #tpu.memory_space<vmem_shared>>
      %dma_wait3A_188 = arith.constant 0 : i32
      %dma_wait3A_189 = arith.constant 0 : i32
      %dma_wait3A_190 = tpu.memref_slice %arg25[%dma_wait3A_188, %dma_wait3A_189] : memref<256x32xf32, #tpu.memory_space<vmem>> -> memref<224x32xf32, #tpu.memory_space<vmem>>
      tpu.wait_dma2 semaphore(%run_scoped3A : memref<!tpu.dma_semaphore, #tpu.memory_space<semaphore_mem>>) src(%dma_wait3A_190 : memref<224x32xf32, #tpu.memory_space<vmem>>) dst(%dma_wait3A_187 : memref<224x32xf32, #tpu.memory_space<vmem_shared>>)
      tpu.yield
    }) : () -> ()
    %add3A_37 = arith.constant 0 : i32
    %add3A_38 = arith.addi %mul3A_8, %add3A_37 : i32
    "tpu.region"() ({
      %run_scoped3A = tpu.sem_alloc : memref<!tpu.dma_semaphore, #tpu.memory_space<semaphore_mem>>
      %dma_start3A_171 = tpu.memref_slice %arg29[%add3A_38] : memref<50176xf32, #tpu.memory_space<vmem_shared>> -> memref<448xf32, #tpu.memory_space<vmem_shared>>
      %dma_start3A_172 = tpu.memref_slice %arg29[%add3A_38] : memref<50176xf32, #tpu.memory_space<vmem_shared>> -> memref<448xf32, #tpu.memory_space<vmem_shared>>
      tpu.enqueue_dma source(%arg27 : memref<448xf32, #tpu.memory_space<vmem>>) target(%dma_start3A_172 : memref<448xf32, #tpu.memory_space<vmem_shared>>) target_semaphore(%run_scoped3A : memref<!tpu.dma_semaphore, #tpu.memory_space<semaphore_mem>>)
      %dma_wait3A_173 = tpu.memref_slice %arg29[%add3A_38] : memref<50176xf32, #tpu.memory_space<vmem_shared>> -> memref<448xf32, #tpu.memory_space<vmem_shared>>
      %dma_wait3A_174 = tpu.memref_slice %arg29[%add3A_38] : memref<50176xf32, #tpu.memory_space<vmem_shared>> -> memref<448xf32, #tpu.memory_space<vmem_shared>>
      tpu.wait_dma2 semaphore(%run_scoped3A : memref<!tpu.dma_semaphore, #tpu.memory_space<semaphore_mem>>) src(%arg27 : memref<448xf32, #tpu.memory_space<vmem>>) dst(%dma_wait3A_174 : memref<448xf32, #tpu.memory_space<vmem_shared>>)
      tpu.yield
    }) : () -> ()
    %add3A_39 = arith.constant 448 : i32
    %add3A_40 = arith.addi %mul3A_8, %add3A_39 : i32
    "tpu.region"() ({
      %run_scoped3A = tpu.sem_alloc : memref<!tpu.dma_semaphore, #tpu.memory_space<semaphore_mem>>
      %dma_start3A_171 = tpu.memref_slice %arg29[%add3A_40] : memref<50176xf32, #tpu.memory_space<vmem_shared>> -> memref<448xf32, #tpu.memory_space<vmem_shared>>
      %dma_start3A_172 = tpu.memref_slice %arg29[%add3A_40] : memref<50176xf32, #tpu.memory_space<vmem_shared>> -> memref<448xf32, #tpu.memory_space<vmem_shared>>
      tpu.enqueue_dma source(%arg27 : memref<448xf32, #tpu.memory_space<vmem>>) target(%dma_start3A_172 : memref<448xf32, #tpu.memory_space<vmem_shared>>) target_semaphore(%run_scoped3A : memref<!tpu.dma_semaphore, #tpu.memory_space<semaphore_mem>>)
      %dma_wait3A_173 = tpu.memref_slice %arg29[%add3A_40] : memref<50176xf32, #tpu.memory_space<vmem_shared>> -> memref<448xf32, #tpu.memory_space<vmem_shared>>
      %dma_wait3A_174 = tpu.memref_slice %arg29[%add3A_40] : memref<50176xf32, #tpu.memory_space<vmem_shared>> -> memref<448xf32, #tpu.memory_space<vmem_shared>>
      tpu.wait_dma2 semaphore(%run_scoped3A : memref<!tpu.dma_semaphore, #tpu.memory_space<semaphore_mem>>) src(%arg27 : memref<448xf32, #tpu.memory_space<vmem>>) dst(%dma_wait3A_174 : memref<448xf32, #tpu.memory_space<vmem_shared>>)
      tpu.yield
    }) : () -> ()
    %add3A_41 = arith.constant 896 : i32
    %add3A_42 = arith.addi %mul3A_8, %add3A_41 : i32
    "tpu.region"() ({
      %run_scoped3A = tpu.sem_alloc : memref<!tpu.dma_semaphore, #tpu.memory_space<semaphore_mem>>
      %dma_start3A_171 = tpu.memref_slice %arg29[%add3A_42] : memref<50176xf32, #tpu.memory_space<vmem_shared>> -> memref<448xf32, #tpu.memory_space<vmem_shared>>
      %dma_start3A_172 = tpu.memref_slice %arg29[%add3A_42] : memref<50176xf32, #tpu.memory_space<vmem_shared>> -> memref<448xf32, #tpu.memory_space<vmem_shared>>
      tpu.enqueue_dma source(%arg27 : memref<448xf32, #tpu.memory_space<vmem>>) target(%dma_start3A_172 : memref<448xf32, #tpu.memory_space<vmem_shared>>) target_semaphore(%run_scoped3A : memref<!tpu.dma_semaphore, #tpu.memory_space<semaphore_mem>>)
      %dma_wait3A_173 = tpu.memref_slice %arg29[%add3A_42] : memref<50176xf32, #tpu.memory_space<vmem_shared>> -> memref<448xf32, #tpu.memory_space<vmem_shared>>
      %dma_wait3A_174 = tpu.memref_slice %arg29[%add3A_42] : memref<50176xf32, #tpu.memory_space<vmem_shared>> -> memref<448xf32, #tpu.memory_space<vmem_shared>>
      tpu.wait_dma2 semaphore(%run_scoped3A : memref<!tpu.dma_semaphore, #tpu.memory_space<semaphore_mem>>) src(%arg27 : memref<448xf32, #tpu.memory_space<vmem>>) dst(%dma_wait3A_174 : memref<448xf32, #tpu.memory_space<vmem_shared>>)
      tpu.yield
    }) : () -> ()
    %add3A_43 = arith.constant 1344 : i32
    %add3A_44 = arith.addi %mul3A_8, %add3A_43 : i32
    "tpu.region"() ({
      %run_scoped3A = tpu.sem_alloc : memref<!tpu.dma_semaphore, #tpu.memory_space<semaphore_mem>>
      %dma_start3A_171 = tpu.memref_slice %arg29[%add3A_44] : memref<50176xf32, #tpu.memory_space<vmem_shared>> -> memref<448xf32, #tpu.memory_space<vmem_shared>>
      %dma_start3A_172 = tpu.memref_slice %arg29[%add3A_44] : memref<50176xf32, #tpu.memory_space<vmem_shared>> -> memref<448xf32, #tpu.memory_space<vmem_shared>>
      tpu.enqueue_dma source(%arg27 : memref<448xf32, #tpu.memory_space<vmem>>) target(%dma_start3A_172 : memref<448xf32, #tpu.memory_space<vmem_shared>>) target_semaphore(%run_scoped3A : memref<!tpu.dma_semaphore, #tpu.memory_space<semaphore_mem>>)
      %dma_wait3A_173 = tpu.memref_slice %arg29[%add3A_44] : memref<50176xf32, #tpu.memory_space<vmem_shared>> -> memref<448xf32, #tpu.memory_space<vmem_shared>>
      %dma_wait3A_174 = tpu.memref_slice %arg29[%add3A_44] : memref<50176xf32, #tpu.memory_space<vmem_shared>> -> memref<448xf32, #tpu.memory_space<vmem_shared>>
      tpu.wait_dma2 semaphore(%run_scoped3A : memref<!tpu.dma_semaphore, #tpu.memory_space<semaphore_mem>>) src(%arg27 : memref<448xf32, #tpu.memory_space<vmem>>) dst(%dma_wait3A_174 : memref<448xf32, #tpu.memory_space<vmem_shared>>)
      tpu.yield
    }) : () -> ()
    %add3A_45 = arith.constant 1792 : i32
    %add3A_46 = arith.addi %mul3A_8, %add3A_45 : i32
    "tpu.region"() ({
      %run_scoped3A = tpu.sem_alloc : memref<!tpu.dma_semaphore, #tpu.memory_space<semaphore_mem>>
      %dma_start3A_171 = tpu.memref_slice %arg29[%add3A_46] : memref<50176xf32, #tpu.memory_space<vmem_shared>> -> memref<448xf32, #tpu.memory_space<vmem_shared>>
      %dma_start3A_172 = tpu.memref_slice %arg29[%add3A_46] : memref<50176xf32, #tpu.memory_space<vmem_shared>> -> memref<448xf32, #tpu.memory_space<vmem_shared>>
      tpu.enqueue_dma source(%arg27 : memref<448xf32, #tpu.memory_space<vmem>>) target(%dma_start3A_172 : memref<448xf32, #tpu.memory_space<vmem_shared>>) target_semaphore(%run_scoped3A : memref<!tpu.dma_semaphore, #tpu.memory_space<semaphore_mem>>)
      %dma_wait3A_173 = tpu.memref_slice %arg29[%add3A_46] : memref<50176xf32, #tpu.memory_space<vmem_shared>> -> memref<448xf32, #tpu.memory_space<vmem_shared>>
      %dma_wait3A_174 = tpu.memref_slice %arg29[%add3A_46] : memref<50176xf32, #tpu.memory_space<vmem_shared>> -> memref<448xf32, #tpu.memory_space<vmem_shared>>
      tpu.wait_dma2 semaphore(%run_scoped3A : memref<!tpu.dma_semaphore, #tpu.memory_space<semaphore_mem>>) src(%arg27 : memref<448xf32, #tpu.memory_space<vmem>>) dst(%dma_wait3A_174 : memref<448xf32, #tpu.memory_space<vmem_shared>>)
      tpu.yield
    }) : () -> ()
    %add3A_47 = arith.constant 2240 : i32
    %add3A_48 = arith.addi %mul3A_8, %add3A_47 : i32
    "tpu.region"() ({
      %run_scoped3A = tpu.sem_alloc : memref<!tpu.dma_semaphore, #tpu.memory_space<semaphore_mem>>
      %dma_start3A_171 = tpu.memref_slice %arg29[%add3A_48] : memref<50176xf32, #tpu.memory_space<vmem_shared>> -> memref<448xf32, #tpu.memory_space<vmem_shared>>
      %dma_start3A_172 = tpu.memref_slice %arg29[%add3A_48] : memref<50176xf32, #tpu.memory_space<vmem_shared>> -> memref<448xf32, #tpu.memory_space<vmem_shared>>
      tpu.enqueue_dma source(%arg27 : memref<448xf32, #tpu.memory_space<vmem>>) target(%dma_start3A_172 : memref<448xf32, #tpu.memory_space<vmem_shared>>) target_semaphore(%run_scoped3A : memref<!tpu.dma_semaphore, #tpu.memory_space<semaphore_mem>>)
      %dma_wait3A_173 = tpu.memref_slice %arg29[%add3A_48] : memref<50176xf32, #tpu.memory_space<vmem_shared>> -> memref<448xf32, #tpu.memory_space<vmem_shared>>
      %dma_wait3A_174 = tpu.memref_slice %arg29[%add3A_48] : memref<50176xf32, #tpu.memory_space<vmem_shared>> -> memref<448xf32, #tpu.memory_space<vmem_shared>>
      tpu.wait_dma2 semaphore(%run_scoped3A : memref<!tpu.dma_semaphore, #tpu.memory_space<semaphore_mem>>) src(%arg27 : memref<448xf32, #tpu.memory_space<vmem>>) dst(%dma_wait3A_174 : memref<448xf32, #tpu.memory_space<vmem_shared>>)
      tpu.yield
    }) : () -> ()
    %add3A_49 = arith.constant 2688 : i32
    %add3A_50 = arith.addi %mul3A_8, %add3A_49 : i32
    "tpu.region"() ({
      %run_scoped3A = tpu.sem_alloc : memref<!tpu.dma_semaphore, #tpu.memory_space<semaphore_mem>>
      %dma_start3A_171 = tpu.memref_slice %arg29[%add3A_50] : memref<50176xf32, #tpu.memory_space<vmem_shared>> -> memref<448xf32, #tpu.memory_space<vmem_shared>>
      %dma_start3A_172 = tpu.memref_slice %arg29[%add3A_50] : memref<50176xf32, #tpu.memory_space<vmem_shared>> -> memref<448xf32, #tpu.memory_space<vmem_shared>>
      tpu.enqueue_dma source(%arg27 : memref<448xf32, #tpu.memory_space<vmem>>) target(%dma_start3A_172 : memref<448xf32, #tpu.memory_space<vmem_shared>>) target_semaphore(%run_scoped3A : memref<!tpu.dma_semaphore, #tpu.memory_space<semaphore_mem>>)
      %dma_wait3A_173 = tpu.memref_slice %arg29[%add3A_50] : memref<50176xf32, #tpu.memory_space<vmem_shared>> -> memref<448xf32, #tpu.memory_space<vmem_shared>>
      %dma_wait3A_174 = tpu.memref_slice %arg29[%add3A_50] : memref<50176xf32, #tpu.memory_space<vmem_shared>> -> memref<448xf32, #tpu.memory_space<vmem_shared>>
      tpu.wait_dma2 semaphore(%run_scoped3A : memref<!tpu.dma_semaphore, #tpu.memory_space<semaphore_mem>>) src(%arg27 : memref<448xf32, #tpu.memory_space<vmem>>) dst(%dma_wait3A_174 : memref<448xf32, #tpu.memory_space<vmem_shared>>)
      tpu.yield
    }) : () -> ()
    %barrier3A = arith.constant 0 : index
    tpu.barrier barrier_id(%barrier3A)
    %mul3A_51 = arith.constant 50176 : i32
    %mul3A_52 = arith.muli %add3A, %mul3A_51 : i32
    %add3A_53 = arith.constant 0 : i32
    %add3A_54 = arith.addi %mul3A_52, %add3A_53 : i32
    %multiple_of3A = tpu.assume_multiple %add3A_54, 256 : i32
    %mul3A_55 = arith.constant 392 : i32
    %mul3A_56 = arith.muli %add3A, %mul3A_55 : i32
    %add3A_57 = arith.constant 0 : i32
    %add3A_58 = arith.addi %mul3A_56, %add3A_57 : i32
    %multiple_of3A_59 = tpu.assume_multiple %add3A_58, 2 : i32
    %dma_start3A = tpu.memref_slice %arg4[%multiple_of3A] : memref<1605632xi32, #tpu.memory_space<hbm>> -> memref<256xi32, #tpu.memory_space<hbm>>
    %dma_start3A_60 = tpu.memref_slice %arg4[%multiple_of3A] : memref<1605632xi32, #tpu.memory_space<hbm>> -> memref<256xi32, #tpu.memory_space<hbm>>
    tpu.enqueue_dma source(%dma_start3A_60 : memref<256xi32, #tpu.memory_space<hbm>>) target(%arg9 : memref<256xi32, #tpu.memory_space<vmem>>) target_semaphore(%arg30 : memref<!tpu.dma_semaphore, #tpu.memory_space<semaphore_mem>>)
    %dma_start3A_61 = arith.constant 0 : i32
    %dma_start3A_62 = tpu.memref_slice %arg5[%multiple_of3A_59, %dma_start3A_61] : memref<12544x128xf32, #tpu.memory_space<hbm>> -> memref<2x128xf32, #tpu.memory_space<hbm>>
    %dma_start3A_63 = arith.constant 0 : i32
    %dma_start3A_64 = tpu.memref_slice %arg5[%multiple_of3A_59, %dma_start3A_63] : memref<12544x128xf32, #tpu.memory_space<hbm>> -> memref<2x128xf32, #tpu.memory_space<hbm>>
    tpu.enqueue_dma source(%dma_start3A_64 : memref<2x128xf32, #tpu.memory_space<hbm>>) target(%arg13 : memref<2x128xf32, #tpu.memory_space<vmem>>) target_semaphore(%arg30 : memref<!tpu.dma_semaphore, #tpu.memory_space<semaphore_mem>>)
    %dma_start3A_65 = arith.constant 0 : i32
    %dma_start3A_66 = tpu.memref_slice %arg3[%multiple_of3A_59, %dma_start3A_65] : memref<12544x128xi32, #tpu.memory_space<hbm>> -> memref<2x128xi32, #tpu.memory_space<hbm>>
    %dma_start3A_67 = arith.constant 0 : i32
    %dma_start3A_68 = tpu.memref_slice %arg3[%multiple_of3A_59, %dma_start3A_67] : memref<12544x128xi32, #tpu.memory_space<hbm>> -> memref<2x128xi32, #tpu.memory_space<hbm>>
    tpu.enqueue_dma source(%dma_start3A_68 : memref<2x128xi32, #tpu.memory_space<hbm>>) target(%arg17 : memref<2x128xi32, #tpu.memory_space<vmem>>) target_semaphore(%arg30 : memref<!tpu.dma_semaphore, #tpu.memory_space<semaphore_mem>>)
    %dma_start3A_69 = arith.constant 0 : i32
    %dma_start3A_70 = tpu.memref_slice %arg6[%multiple_of3A_59, %dma_start3A_69] : memref<12544x128xf32, #tpu.memory_space<hbm>> -> memref<2x128xf32, #tpu.memory_space<hbm>>
    %dma_start3A_71 = arith.constant 0 : i32
    %dma_start3A_72 = tpu.memref_slice %arg6[%multiple_of3A_59, %dma_start3A_71] : memref<12544x128xf32, #tpu.memory_space<hbm>> -> memref<2x128xf32, #tpu.memory_space<hbm>>
    tpu.enqueue_dma source(%dma_start3A_72 : memref<2x128xf32, #tpu.memory_space<hbm>>) target(%arg21 : memref<2x128xf32, #tpu.memory_space<vmem>>) target_semaphore(%arg30 : memref<!tpu.dma_semaphore, #tpu.memory_space<semaphore_mem>>)
    %dma_wait3A = arith.constant 0 : i32
    %dma_wait3A_73 = tpu.memref_slice %arg4[%dma_wait3A] : memref<1605632xi32, #tpu.memory_space<hbm>> -> memref<256xi32, #tpu.memory_space<hbm>>
    %dma_wait3A_74 = arith.constant 0 : i32
    %dma_wait3A_75 = tpu.memref_slice %arg4[%dma_wait3A_74] : memref<1605632xi32, #tpu.memory_space<hbm>> -> memref<256xi32, #tpu.memory_space<hbm>>
    tpu.wait_dma2 semaphore(%arg30 : memref<!tpu.dma_semaphore, #tpu.memory_space<semaphore_mem>>) src(%dma_wait3A_75 : memref<256xi32, #tpu.memory_space<hbm>>) dst(%arg9 : memref<256xi32, #tpu.memory_space<vmem>>)
    %dma_wait3A_76 = arith.constant 0 : i32
    %dma_wait3A_77 = arith.constant 0 : i32
    %dma_wait3A_78 = tpu.memref_slice %arg5[%dma_wait3A_76, %dma_wait3A_77] : memref<12544x128xf32, #tpu.memory_space<hbm>> -> memref<2x128xf32, #tpu.memory_space<hbm>>
    %dma_wait3A_79 = arith.constant 0 : i32
    %dma_wait3A_80 = arith.constant 0 : i32
    %dma_wait3A_81 = tpu.memref_slice %arg5[%dma_wait3A_79, %dma_wait3A_80] : memref<12544x128xf32, #tpu.memory_space<hbm>> -> memref<2x128xf32, #tpu.memory_space<hbm>>
    tpu.wait_dma2 semaphore(%arg30 : memref<!tpu.dma_semaphore, #tpu.memory_space<semaphore_mem>>) src(%dma_wait3A_81 : memref<2x128xf32, #tpu.memory_space<hbm>>) dst(%arg13 : memref<2x128xf32, #tpu.memory_space<vmem>>)
    %dma_wait3A_82 = arith.constant 0 : i32
    %dma_wait3A_83 = arith.constant 0 : i32
    %dma_wait3A_84 = tpu.memref_slice %arg3[%dma_wait3A_82, %dma_wait3A_83] : memref<12544x128xi32, #tpu.memory_space<hbm>> -> memref<2x128xi32, #tpu.memory_space<hbm>>
    %dma_wait3A_85 = arith.constant 0 : i32
    %dma_wait3A_86 = arith.constant 0 : i32
    %dma_wait3A_87 = tpu.memref_slice %arg3[%dma_wait3A_85, %dma_wait3A_86] : memref<12544x128xi32, #tpu.memory_space<hbm>> -> memref<2x128xi32, #tpu.memory_space<hbm>>
    tpu.wait_dma2 semaphore(%arg30 : memref<!tpu.dma_semaphore, #tpu.memory_space<semaphore_mem>>) src(%dma_wait3A_87 : memref<2x128xi32, #tpu.memory_space<hbm>>) dst(%arg17 : memref<2x128xi32, #tpu.memory_space<vmem>>)
    %dma_wait3A_88 = arith.constant 0 : i32
    %dma_wait3A_89 = arith.constant 0 : i32
    %dma_wait3A_90 = tpu.memref_slice %arg6[%dma_wait3A_88, %dma_wait3A_89] : memref<12544x128xf32, #tpu.memory_space<hbm>> -> memref<2x128xf32, #tpu.memory_space<hbm>>
    %dma_wait3A_91 = arith.constant 0 : i32
    %dma_wait3A_92 = arith.constant 0 : i32
    %dma_wait3A_93 = tpu.memref_slice %arg6[%dma_wait3A_91, %dma_wait3A_92] : memref<12544x128xf32, #tpu.memory_space<hbm>> -> memref<2x128xf32, #tpu.memory_space<hbm>>
    tpu.wait_dma2 semaphore(%arg30 : memref<!tpu.dma_semaphore, #tpu.memory_space<semaphore_mem>>) src(%dma_wait3A_93 : memref<2x128xf32, #tpu.memory_space<hbm>>) dst(%arg21 : memref<2x128xf32, #tpu.memory_space<vmem>>)
    %dma_start3A_94 = arith.constant 0 : i32
    %dma_start3A_95 = arith.constant 0 : i32
    %dma_start3A_96 = tpu.memref_slice %arg2[%dma_start3A_94, %dma_start3A_95] : memref<50176x32xf32, #tpu.memory_space<hbm>> -> memref<50176x32xf32, #tpu.memory_space<hbm>>
    tpu.enqueue_indirect_dma source(%dma_start3A_96 : memref<50176x32xf32, #tpu.memory_space<hbm>>) target(%arg25 : memref<256x32xf32, #tpu.memory_space<vmem>>) offsets(%arg9 : memref<256xi32, #tpu.memory_space<vmem>>) semaphore(%arg34 : memref<!tpu.dma_semaphore, #tpu.memory_space<semaphore_mem>>)
    %mul3A_97 = arith.constant 50176 : i32
    %mul3A_98 = arith.muli %add3A, %mul3A_97 : i32
    %add3A_99 = arith.constant 256 : i32
    %add3A_100 = arith.addi %mul3A_98, %add3A_99 : i32
    %multiple_of3A_101 = tpu.assume_multiple %add3A_100, 256 : i32
    %mul3A_102 = arith.constant 392 : i32
    %mul3A_103 = arith.muli %add3A, %mul3A_102 : i32
    %add3A_104 = arith.constant 2 : i32
    %add3A_105 = arith.addi %mul3A_103, %add3A_104 : i32
    %multiple_of3A_106 = tpu.assume_multiple %add3A_105, 2 : i32
    %dma_start3A_107 = tpu.memref_slice %arg4[%multiple_of3A_101] : memref<1605632xi32, #tpu.memory_space<hbm>> -> memref<256xi32, #tpu.memory_space<hbm>>
    %dma_start3A_108 = tpu.memref_slice %arg4[%multiple_of3A_101] : memref<1605632xi32, #tpu.memory_space<hbm>> -> memref<256xi32, #tpu.memory_space<hbm>>
    tpu.enqueue_dma source(%dma_start3A_108 : memref<256xi32, #tpu.memory_space<hbm>>) target(%arg10 : memref<256xi32, #tpu.memory_space<vmem>>) target_semaphore(%arg31 : memref<!tpu.dma_semaphore, #tpu.memory_space<semaphore_mem>>)
    %dma_start3A_109 = arith.constant 0 : i32
    %dma_start3A_110 = tpu.memref_slice %arg5[%multiple_of3A_106, %dma_start3A_109] : memref<12544x128xf32, #tpu.memory_space<hbm>> -> memref<2x128xf32, #tpu.memory_space<hbm>>
    %dma_start3A_111 = arith.constant 0 : i32
    %dma_start3A_112 = tpu.memref_slice %arg5[%multiple_of3A_106, %dma_start3A_111] : memref<12544x128xf32, #tpu.memory_space<hbm>> -> memref<2x128xf32, #tpu.memory_space<hbm>>
    tpu.enqueue_dma source(%dma_start3A_112 : memref<2x128xf32, #tpu.memory_space<hbm>>) target(%arg14 : memref<2x128xf32, #tpu.memory_space<vmem>>) target_semaphore(%arg31 : memref<!tpu.dma_semaphore, #tpu.memory_space<semaphore_mem>>)
    %dma_start3A_113 = arith.constant 0 : i32
    %dma_start3A_114 = tpu.memref_slice %arg3[%multiple_of3A_106, %dma_start3A_113] : memref<12544x128xi32, #tpu.memory_space<hbm>> -> memref<2x128xi32, #tpu.memory_space<hbm>>
    %dma_start3A_115 = arith.constant 0 : i32
    %dma_start3A_116 = tpu.memref_slice %arg3[%multiple_of3A_106, %dma_start3A_115] : memref<12544x128xi32, #tpu.memory_space<hbm>> -> memref<2x128xi32, #tpu.memory_space<hbm>>
    tpu.enqueue_dma source(%dma_start3A_116 : memref<2x128xi32, #tpu.memory_space<hbm>>) target(%arg18 : memref<2x128xi32, #tpu.memory_space<vmem>>) target_semaphore(%arg31 : memref<!tpu.dma_semaphore, #tpu.memory_space<semaphore_mem>>)
    %dma_start3A_117 = arith.constant 0 : i32
    %dma_start3A_118 = tpu.memref_slice %arg6[%multiple_of3A_106, %dma_start3A_117] : memref<12544x128xf32, #tpu.memory_space<hbm>> -> memref<2x128xf32, #tpu.memory_space<hbm>>
    %dma_start3A_119 = arith.constant 0 : i32
    %dma_start3A_120 = tpu.memref_slice %arg6[%multiple_of3A_106, %dma_start3A_119] : memref<12544x128xf32, #tpu.memory_space<hbm>> -> memref<2x128xf32, #tpu.memory_space<hbm>>
    tpu.enqueue_dma source(%dma_start3A_120 : memref<2x128xf32, #tpu.memory_space<hbm>>) target(%arg22 : memref<2x128xf32, #tpu.memory_space<vmem>>) target_semaphore(%arg31 : memref<!tpu.dma_semaphore, #tpu.memory_space<semaphore_mem>>)
    %scan3A = arith.constant 0 : i32
    %scan3A_121 = arith.constant 0 : i32
    %scan3A_122 = arith.constant 49 : i32
    %scan3A_123 = arith.addi %scan3A_121, %scan3A_122 : i32
    %scan3A_124 = arith.constant 1 : i32
    scf.for %scan3A_171 = %scan3A_121 to %scan3A_123 step %scan3A_124  : i32 {
      %mul3A_172 = arith.constant 4 : i32
      %mul3A_173 = arith.muli %mul3A_172, %scan3A_171 : i32
      %add3A_174 = arith.constant 1 : i32
      %add3A_175 = arith.addi %mul3A_173, %add3A_174 : i32
      %ge3A = arith.constant 2 : i32
      %ge3A_176 = arith.cmpi sge, %add3A_175, %ge3A : i32
      %convert_element_type3A = arith.extui %ge3A_176 : i1 to i32
      %cond3A = arith.constant 0 : i32
      %cond3A_177 = arith.cmpi ne, %convert_element_type3A, %cond3A : i32
      scf.if %cond3A_177 {
        %dma_wait3A_430 = arith.constant 0 : i32
        %dma_wait3A_431 = arith.constant 0 : i32
        %dma_wait3A_432 = arith.constant 0 : i32
        %dma_wait3A_433 = tpu.memref_slice %arg26[%dma_wait3A_431, %dma_wait3A_432] : memref<256x32xf32, #tpu.memory_space<vmem>> -> memref<128x32xf32, #tpu.memory_space<vmem>>
        %dma_wait3A_434 = arith.constant 0 : i32
        %dma_wait3A_435 = tpu.memref_slice %arg20[%dma_wait3A_430, %dma_wait3A_434] : memref<2x128xi32, #tpu.memory_space<vmem>> -> memref<1x128xi32, #tpu.memory_space<vmem>>
        %dma_wait3A_436 = tpu.memref_squeeze %dma_wait3A_435 : memref<1x128xi32, #tpu.memory_space<vmem>> -> memref<128xi32, #tpu.memory_space<vmem>>
        %dma_wait3A_437 = arith.constant 0 : i32
        %dma_wait3A_438 = arith.constant 0 : i32
        %dma_wait3A_439 = tpu.memref_slice %arg28[%dma_wait3A_437, %dma_wait3A_438] : memref<50176x32xf32, #tpu.memory_space<vmem_shared>> -> memref<50176x32xf32, #tpu.memory_space<vmem_shared>>
        tpu.wait_indirect_dma semaphore(%arg37 : memref<!tpu.dma_semaphore, #tpu.memory_space<semaphore_mem>>) src(%dma_wait3A_433 : memref<128x32xf32, #tpu.memory_space<vmem>>) dst(%dma_wait3A_439 : memref<50176x32xf32, #tpu.memory_space<vmem_shared>>)
        %dma_wait3A_440 = arith.constant 0 : i32
        %dma_wait3A_441 = arith.constant 0 : i32
        %dma_wait3A_442 = arith.constant 0 : i32
        %dma_wait3A_443 = tpu.memref_slice %arg24[%dma_wait3A_440, %dma_wait3A_442] : memref<2x128xf32, #tpu.memory_space<vmem>> -> memref<1x128xf32, #tpu.memory_space<vmem>>
        %dma_wait3A_444 = tpu.memref_squeeze %dma_wait3A_443 : memref<1x128xf32, #tpu.memory_space<vmem>> -> memref<128xf32, #tpu.memory_space<vmem>>
        %dma_wait3A_445 = arith.constant 0 : i32
        %dma_wait3A_446 = tpu.memref_slice %arg20[%dma_wait3A_441, %dma_wait3A_445] : memref<2x128xi32, #tpu.memory_space<vmem>> -> memref<1x128xi32, #tpu.memory_space<vmem>>
        %dma_wait3A_447 = tpu.memref_squeeze %dma_wait3A_446 : memref<1x128xi32, #tpu.memory_space<vmem>> -> memref<128xi32, #tpu.memory_space<vmem>>
        %dma_wait3A_448 = arith.constant 0 : i32
        %dma_wait3A_449 = tpu.memref_slice %arg29[%dma_wait3A_448] : memref<50176xf32, #tpu.memory_space<vmem_shared>> -> memref<50176xf32, #tpu.memory_space<vmem_shared>>
        tpu.wait_indirect_dma semaphore(%arg37 : memref<!tpu.dma_semaphore, #tpu.memory_space<semaphore_mem>>) src(%dma_wait3A_444 : memref<128xf32, #tpu.memory_space<vmem>>) dst(%dma_wait3A_449 : memref<50176xf32, #tpu.memory_space<vmem_shared>>)
        %dma_wait3A_450 = arith.constant 1 : i32
        %dma_wait3A_451 = arith.constant 128 : i32
        %dma_wait3A_452 = arith.constant 0 : i32
        %dma_wait3A_453 = tpu.memref_slice %arg26[%dma_wait3A_451, %dma_wait3A_452] : memref<256x32xf32, #tpu.memory_space<vmem>> -> memref<128x32xf32, #tpu.memory_space<vmem>>
        %dma_wait3A_454 = arith.constant 0 : i32
        %dma_wait3A_455 = tpu.memref_slice %arg20[%dma_wait3A_450, %dma_wait3A_454] : memref<2x128xi32, #tpu.memory_space<vmem>> -> memref<1x128xi32, #tpu.memory_space<vmem>>
        %dma_wait3A_456 = tpu.memref_squeeze %dma_wait3A_455 : memref<1x128xi32, #tpu.memory_space<vmem>> -> memref<128xi32, #tpu.memory_space<vmem>>
        %dma_wait3A_457 = arith.constant 0 : i32
        %dma_wait3A_458 = arith.constant 0 : i32
        %dma_wait3A_459 = tpu.memref_slice %arg28[%dma_wait3A_457, %dma_wait3A_458] : memref<50176x32xf32, #tpu.memory_space<vmem_shared>> -> memref<50176x32xf32, #tpu.memory_space<vmem_shared>>
        tpu.wait_indirect_dma semaphore(%arg37 : memref<!tpu.dma_semaphore, #tpu.memory_space<semaphore_mem>>) src(%dma_wait3A_453 : memref<128x32xf32, #tpu.memory_space<vmem>>) dst(%dma_wait3A_459 : memref<50176x32xf32, #tpu.memory_space<vmem_shared>>)
        %dma_wait3A_460 = arith.constant 1 : i32
        %dma_wait3A_461 = arith.constant 1 : i32
        %dma_wait3A_462 = arith.constant 0 : i32
        %dma_wait3A_463 = tpu.memref_slice %arg24[%dma_wait3A_460, %dma_wait3A_462] : memref<2x128xf32, #tpu.memory_space<vmem>> -> memref<1x128xf32, #tpu.memory_space<vmem>>
        %dma_wait3A_464 = tpu.memref_squeeze %dma_wait3A_463 : memref<1x128xf32, #tpu.memory_space<vmem>> -> memref<128xf32, #tpu.memory_space<vmem>>
        %dma_wait3A_465 = arith.constant 0 : i32
        %dma_wait3A_466 = tpu.memref_slice %arg20[%dma_wait3A_461, %dma_wait3A_465] : memref<2x128xi32, #tpu.memory_space<vmem>> -> memref<1x128xi32, #tpu.memory_space<vmem>>
        %dma_wait3A_467 = tpu.memref_squeeze %dma_wait3A_466 : memref<1x128xi32, #tpu.memory_space<vmem>> -> memref<128xi32, #tpu.memory_space<vmem>>
        %dma_wait3A_468 = arith.constant 0 : i32
        %dma_wait3A_469 = tpu.memref_slice %arg29[%dma_wait3A_468] : memref<50176xf32, #tpu.memory_space<vmem_shared>> -> memref<50176xf32, #tpu.memory_space<vmem_shared>>
        tpu.wait_indirect_dma semaphore(%arg37 : memref<!tpu.dma_semaphore, #tpu.memory_space<semaphore_mem>>) src(%dma_wait3A_464 : memref<128xf32, #tpu.memory_space<vmem>>) dst(%dma_wait3A_469 : memref<50176xf32, #tpu.memory_space<vmem_shared>>)
      } else {
      }
      %lt3A = arith.constant 196 : i32
      %lt3A_178 = arith.cmpi slt, %add3A_175, %lt3A : i32
      %convert_element_type3A_179 = arith.extui %lt3A_178 : i1 to i32
      %cond3A_180 = arith.constant 0 : i32
      %cond3A_181 = arith.cmpi ne, %convert_element_type3A_179, %cond3A_180 : i32
      scf.if %cond3A_181 {
        %dma_wait3A_430 = arith.constant 0 : i32
        %dma_wait3A_431 = tpu.memref_slice %arg4[%dma_wait3A_430] : memref<1605632xi32, #tpu.memory_space<hbm>> -> memref<256xi32, #tpu.memory_space<hbm>>
        %dma_wait3A_432 = arith.constant 0 : i32
        %dma_wait3A_433 = tpu.memref_slice %arg4[%dma_wait3A_432] : memref<1605632xi32, #tpu.memory_space<hbm>> -> memref<256xi32, #tpu.memory_space<hbm>>
        tpu.wait_dma2 semaphore(%arg31 : memref<!tpu.dma_semaphore, #tpu.memory_space<semaphore_mem>>) src(%dma_wait3A_433 : memref<256xi32, #tpu.memory_space<hbm>>) dst(%arg10 : memref<256xi32, #tpu.memory_space<vmem>>)
        %dma_wait3A_434 = arith.constant 0 : i32
        %dma_wait3A_435 = arith.constant 0 : i32
        %dma_wait3A_436 = tpu.memref_slice %arg5[%dma_wait3A_434, %dma_wait3A_435] : memref<12544x128xf32, #tpu.memory_space<hbm>> -> memref<2x128xf32, #tpu.memory_space<hbm>>
        %dma_wait3A_437 = arith.constant 0 : i32
        %dma_wait3A_438 = arith.constant 0 : i32
        %dma_wait3A_439 = tpu.memref_slice %arg5[%dma_wait3A_437, %dma_wait3A_438] : memref<12544x128xf32, #tpu.memory_space<hbm>> -> memref<2x128xf32, #tpu.memory_space<hbm>>
        tpu.wait_dma2 semaphore(%arg31 : memref<!tpu.dma_semaphore, #tpu.memory_space<semaphore_mem>>) src(%dma_wait3A_439 : memref<2x128xf32, #tpu.memory_space<hbm>>) dst(%arg14 : memref<2x128xf32, #tpu.memory_space<vmem>>)
        %dma_wait3A_440 = arith.constant 0 : i32
        %dma_wait3A_441 = arith.constant 0 : i32
        %dma_wait3A_442 = tpu.memref_slice %arg3[%dma_wait3A_440, %dma_wait3A_441] : memref<12544x128xi32, #tpu.memory_space<hbm>> -> memref<2x128xi32, #tpu.memory_space<hbm>>
        %dma_wait3A_443 = arith.constant 0 : i32
        %dma_wait3A_444 = arith.constant 0 : i32
        %dma_wait3A_445 = tpu.memref_slice %arg3[%dma_wait3A_443, %dma_wait3A_444] : memref<12544x128xi32, #tpu.memory_space<hbm>> -> memref<2x128xi32, #tpu.memory_space<hbm>>
        tpu.wait_dma2 semaphore(%arg31 : memref<!tpu.dma_semaphore, #tpu.memory_space<semaphore_mem>>) src(%dma_wait3A_445 : memref<2x128xi32, #tpu.memory_space<hbm>>) dst(%arg18 : memref<2x128xi32, #tpu.memory_space<vmem>>)
        %dma_wait3A_446 = arith.constant 0 : i32
        %dma_wait3A_447 = arith.constant 0 : i32
        %dma_wait3A_448 = tpu.memref_slice %arg6[%dma_wait3A_446, %dma_wait3A_447] : memref<12544x128xf32, #tpu.memory_space<hbm>> -> memref<2x128xf32, #tpu.memory_space<hbm>>
        %dma_wait3A_449 = arith.constant 0 : i32
        %dma_wait3A_450 = arith.constant 0 : i32
        %dma_wait3A_451 = tpu.memref_slice %arg6[%dma_wait3A_449, %dma_wait3A_450] : memref<12544x128xf32, #tpu.memory_space<hbm>> -> memref<2x128xf32, #tpu.memory_space<hbm>>
        tpu.wait_dma2 semaphore(%arg31 : memref<!tpu.dma_semaphore, #tpu.memory_space<semaphore_mem>>) src(%dma_wait3A_451 : memref<2x128xf32, #tpu.memory_space<hbm>>) dst(%arg22 : memref<2x128xf32, #tpu.memory_space<vmem>>)
        %dma_start3A_452 = arith.constant 0 : i32
        %dma_start3A_453 = arith.constant 0 : i32
        %dma_start3A_454 = tpu.memref_slice %arg2[%dma_start3A_452, %dma_start3A_453] : memref<50176x32xf32, #tpu.memory_space<hbm>> -> memref<50176x32xf32, #tpu.memory_space<hbm>>
        tpu.enqueue_indirect_dma source(%dma_start3A_454 : memref<50176x32xf32, #tpu.memory_space<hbm>>) target(%arg26 : memref<256x32xf32, #tpu.memory_space<vmem>>) offsets(%arg10 : memref<256xi32, #tpu.memory_space<vmem>>) semaphore(%arg35 : memref<!tpu.dma_semaphore, #tpu.memory_space<semaphore_mem>>)
      } else {
      }
      %add3A_182 = arith.constant 1 : i32
      %add3A_183 = arith.addi %add3A_175, %add3A_182 : i32
      %lt3A_184 = arith.constant 196 : i32
      %lt3A_185 = arith.cmpi slt, %add3A_183, %lt3A_184 : i32
      %convert_element_type3A_186 = arith.extui %lt3A_185 : i1 to i32
      %cond3A_187 = arith.constant 0 : i32
      %cond3A_188 = arith.cmpi ne, %convert_element_type3A_186, %cond3A_187 : i32
      scf.if %cond3A_188 {
        %add3A_430 = arith.constant 1 : i32
        %add3A_431 = arith.addi %add3A_175, %add3A_430 : i32
        %mul3A_432 = arith.constant 50176 : i32
        %mul3A_433 = arith.muli %add3A, %mul3A_432 : i32
        %mul3A_434 = arith.constant 256 : i32
        %mul3A_435 = arith.muli %add3A_431, %mul3A_434 : i32
        %add3A_436 = arith.addi %mul3A_433, %mul3A_435 : i32
        %multiple_of3A_437 = tpu.assume_multiple %add3A_436, 256 : i32
        %mul3A_438 = arith.constant 392 : i32
        %mul3A_439 = arith.muli %add3A, %mul3A_438 : i32
        %mul3A_440 = arith.constant 2 : i32
        %mul3A_441 = arith.muli %add3A_431, %mul3A_440 : i32
        %add3A_442 = arith.addi %mul3A_439, %mul3A_441 : i32
        %multiple_of3A_443 = tpu.assume_multiple %add3A_442, 2 : i32
        %dma_start3A_444 = tpu.memref_slice %arg4[%multiple_of3A_437] : memref<1605632xi32, #tpu.memory_space<hbm>> -> memref<256xi32, #tpu.memory_space<hbm>>
        %dma_start3A_445 = tpu.memref_slice %arg4[%multiple_of3A_437] : memref<1605632xi32, #tpu.memory_space<hbm>> -> memref<256xi32, #tpu.memory_space<hbm>>
        tpu.enqueue_dma source(%dma_start3A_445 : memref<256xi32, #tpu.memory_space<hbm>>) target(%arg11 : memref<256xi32, #tpu.memory_space<vmem>>) target_semaphore(%arg32 : memref<!tpu.dma_semaphore, #tpu.memory_space<semaphore_mem>>)
        %dma_start3A_446 = arith.constant 0 : i32
        %dma_start3A_447 = tpu.memref_slice %arg5[%multiple_of3A_443, %dma_start3A_446] : memref<12544x128xf32, #tpu.memory_space<hbm>> -> memref<2x128xf32, #tpu.memory_space<hbm>>
        %dma_start3A_448 = arith.constant 0 : i32
        %dma_start3A_449 = tpu.memref_slice %arg5[%multiple_of3A_443, %dma_start3A_448] : memref<12544x128xf32, #tpu.memory_space<hbm>> -> memref<2x128xf32, #tpu.memory_space<hbm>>
        tpu.enqueue_dma source(%dma_start3A_449 : memref<2x128xf32, #tpu.memory_space<hbm>>) target(%arg15 : memref<2x128xf32, #tpu.memory_space<vmem>>) target_semaphore(%arg32 : memref<!tpu.dma_semaphore, #tpu.memory_space<semaphore_mem>>)
        %dma_start3A_450 = arith.constant 0 : i32
        %dma_start3A_451 = tpu.memref_slice %arg3[%multiple_of3A_443, %dma_start3A_450] : memref<12544x128xi32, #tpu.memory_space<hbm>> -> memref<2x128xi32, #tpu.memory_space<hbm>>
        %dma_start3A_452 = arith.constant 0 : i32
        %dma_start3A_453 = tpu.memref_slice %arg3[%multiple_of3A_443, %dma_start3A_452] : memref<12544x128xi32, #tpu.memory_space<hbm>> -> memref<2x128xi32, #tpu.memory_space<hbm>>
        tpu.enqueue_dma source(%dma_start3A_453 : memref<2x128xi32, #tpu.memory_space<hbm>>) target(%arg19 : memref<2x128xi32, #tpu.memory_space<vmem>>) target_semaphore(%arg32 : memref<!tpu.dma_semaphore, #tpu.memory_space<semaphore_mem>>)
        %dma_start3A_454 = arith.constant 0 : i32
        %dma_start3A_455 = tpu.memref_slice %arg6[%multiple_of3A_443, %dma_start3A_454] : memref<12544x128xf32, #tpu.memory_space<hbm>> -> memref<2x128xf32, #tpu.memory_space<hbm>>
        %dma_start3A_456 = arith.constant 0 : i32
        %dma_start3A_457 = tpu.memref_slice %arg6[%multiple_of3A_443, %dma_start3A_456] : memref<12544x128xf32, #tpu.memory_space<hbm>> -> memref<2x128xf32, #tpu.memory_space<hbm>>
        tpu.enqueue_dma source(%dma_start3A_457 : memref<2x128xf32, #tpu.memory_space<hbm>>) target(%arg23 : memref<2x128xf32, #tpu.memory_space<vmem>>) target_semaphore(%arg32 : memref<!tpu.dma_semaphore, #tpu.memory_space<semaphore_mem>>)
      } else {
      }
      %dma_wait3A_189 = arith.constant 0 : i32
      %dma_wait3A_190 = arith.constant 0 : i32
      %dma_wait3A_191 = tpu.memref_slice %arg2[%dma_wait3A_189, %dma_wait3A_190] : memref<50176x32xf32, #tpu.memory_space<hbm>> -> memref<50176x32xf32, #tpu.memory_space<hbm>>
      tpu.wait_indirect_dma semaphore(%arg34 : memref<!tpu.dma_semaphore, #tpu.memory_space<semaphore_mem>>) src(%dma_wait3A_191 : memref<50176x32xf32, #tpu.memory_space<hbm>>) dst(%arg25 : memref<256x32xf32, #tpu.memory_space<vmem>>)
      %parallel_loop3A_192 = arith.constant 0 : i32
      %parallel_loop3A_193 = arith.constant 16 : i32
      %parallel_loop3A_194 = arith.constant 1 : i32
      scf.for %parallel_loop3A_430 = %parallel_loop3A_192 to %parallel_loop3A_193 step %parallel_loop3A_194  : i32 {
        %parallel_loop3A_431 = arith.constant 8 : i32
        %parallel_loop3A_432 = arith.divsi %parallel_loop3A_430, %parallel_loop3A_431 : i32
        %parallel_loop3A_433 = arith.constant 0 : i32
        %parallel_loop3A_434 = arith.cmpi sgt, %parallel_loop3A_430, %parallel_loop3A_433 : i32
        %parallel_loop3A_435 = arith.extui %parallel_loop3A_434 : i1 to i32
        %parallel_loop3A_436 = arith.constant 0 : i32
        %parallel_loop3A_437 = arith.cmpi slt, %parallel_loop3A_430, %parallel_loop3A_436 : i32
        %parallel_loop3A_438 = arith.extui %parallel_loop3A_437 : i1 to i32
        %parallel_loop3A_439 = arith.subi %parallel_loop3A_435, %parallel_loop3A_438 : i32
        %parallel_loop3A_440 = arith.constant 0 : i32
        %parallel_loop3A_441 = arith.cmpi sgt, %parallel_loop3A_431, %parallel_loop3A_440 : i32
        %parallel_loop3A_442 = arith.extui %parallel_loop3A_441 : i1 to i32
        %parallel_loop3A_443 = arith.constant 0 : i32
        %parallel_loop3A_444 = arith.cmpi slt, %parallel_loop3A_431, %parallel_loop3A_443 : i32
        %parallel_loop3A_445 = arith.extui %parallel_loop3A_444 : i1 to i32
        %parallel_loop3A_446 = arith.subi %parallel_loop3A_442, %parallel_loop3A_445 : i32
        %parallel_loop3A_447 = arith.cmpi ne, %parallel_loop3A_439, %parallel_loop3A_446 : i32
        %parallel_loop3A_448 = arith.remsi %parallel_loop3A_430, %parallel_loop3A_431 : i32
        %parallel_loop3A_449 = arith.constant 0 : i32
        %parallel_loop3A_450 = arith.cmpi ne, %parallel_loop3A_448, %parallel_loop3A_449 : i32
        %parallel_loop3A_451 = arith.andi %parallel_loop3A_447, %parallel_loop3A_450 : i1
        %parallel_loop3A_452 = arith.constant 1 : i32
        %parallel_loop3A_453 = arith.subi %parallel_loop3A_432, %parallel_loop3A_452 : i32
        %parallel_loop3A_454 = arith.select %parallel_loop3A_451, %parallel_loop3A_453, %parallel_loop3A_432 : i32
        %parallel_loop3A_455 = arith.constant 8 : i32
        %parallel_loop3A_456 = arith.constant 0 : i32
        %parallel_loop3A_457 = arith.cmpi eq, %parallel_loop3A_455, %parallel_loop3A_456 : i32
        %parallel_loop3A_458 = arith.constant 1 : i32
        %parallel_loop3A_459 = arith.select %parallel_loop3A_457, %parallel_loop3A_458, %parallel_loop3A_455 : i32
        %parallel_loop3A_460 = arith.remsi %parallel_loop3A_430, %parallel_loop3A_459 : i32
        %parallel_loop3A_461 = arith.constant 0 : i32
        %parallel_loop3A_462 = arith.cmpi ne, %parallel_loop3A_460, %parallel_loop3A_461 : i32
        %parallel_loop3A_463 = arith.constant 0 : i32
        %parallel_loop3A_464 = arith.cmpi slt, %parallel_loop3A_460, %parallel_loop3A_463 : i32
        %parallel_loop3A_465 = arith.constant 0 : i32
        %parallel_loop3A_466 = arith.cmpi slt, %parallel_loop3A_459, %parallel_loop3A_465 : i32
        %parallel_loop3A_467 = arith.xori %parallel_loop3A_464, %parallel_loop3A_466 : i1
        %parallel_loop3A_468 = arith.andi %parallel_loop3A_467, %parallel_loop3A_462 : i1
        %parallel_loop3A_469 = arith.addi %parallel_loop3A_460, %parallel_loop3A_459 : i32
        %parallel_loop3A_470 = arith.select %parallel_loop3A_468, %parallel_loop3A_469, %parallel_loop3A_460 : i32
        %parallel_loop3A_471 = arith.constant 16 : i32
        %parallel_loop3A_472 = arith.muli %parallel_loop3A_470, %parallel_loop3A_471 : i32
        %parallel_loop3A_473 = arith.index_cast %parallel_loop3A_454 : i32 to index
        %parallel_loop3A_474 = arith.index_cast %parallel_loop3A_472 : i32 to index
        %parallel_loop3A_475 = tpu.vector_load %arg13[%parallel_loop3A_473, %parallel_loop3A_474] {strides = array<i32>} : memref<2x128xf32, #tpu.memory_space<vmem>>, vector<1x16xf32>,
        %parallel_loop3A_476 = vector.shape_cast %parallel_loop3A_475 : vector<1x16xf32> to vector<16xf32>
        %parallel_loop3A_477 = arith.constant 16 : i32
        %parallel_loop3A_478 = arith.muli %parallel_loop3A_430, %parallel_loop3A_477 : i32
        %parallel_loop3A_479 = arith.constant 0 : i32
        %parallel_loop3A_480 = arith.addi %parallel_loop3A_478, %parallel_loop3A_479 : i32
        %parallel_loop3A_481 = vector.extract_strided_slice %parallel_loop3A_476 {offsets = [0], sizes = [1], strides = [1]} : vector<16xf32> to vector<1xf32>
        %parallel_loop3A_482 = vector.extract %parallel_loop3A_481[0] : f32 from vector<1xf32>
        %parallel_loop3A_483 = vector.broadcast %parallel_loop3A_482 : f32 to vector<16xf32>
        %parallel_loop3A_484 = arith.index_cast %parallel_loop3A_480 : i32 to index
        %parallel_loop3A_485 = arith.constant 0 : index
        %parallel_loop3A_486 = tpu.vector_load %arg25[%parallel_loop3A_484, %parallel_loop3A_485] {strides = array<i32>} : memref<256x32xf32, #tpu.memory_space<vmem>>, vector<1x16xf32>,
        %parallel_loop3A_487 = vector.shape_cast %parallel_loop3A_486 : vector<1x16xf32> to vector<16xf32>
        %parallel_loop3A_488 = arith.mulf %parallel_loop3A_487, %parallel_loop3A_483 : vector<16xf32>
        %parallel_loop3A_489 = arith.index_cast %parallel_loop3A_480 : i32 to index
        %parallel_loop3A_490 = arith.constant 0 : index
        %parallel_loop3A_491 = tpu.vector_load %arg25[%parallel_loop3A_489, %parallel_loop3A_490] {strides = array<i32>} : memref<256x32xf32, #tpu.memory_space<vmem>>, vector<1x16xf32>,
        %parallel_loop3A_492 = vector.shape_cast %parallel_loop3A_491 : vector<1x16xf32> to vector<16xf32>
        %parallel_loop3A_493 = vector.shape_cast %parallel_loop3A_488 : vector<16xf32> to vector<1x16xf32>
        tpu.vector_store %arg25[%parallel_loop3A_489, %parallel_loop3A_490], %parallel_loop3A_493 {strides = array<i32>} : memref<256x32xf32, #tpu.memory_space<vmem>>, vector<1x16xf32>,
        %parallel_loop3A_494 = arith.index_cast %parallel_loop3A_480 : i32 to index
        %parallel_loop3A_495 = arith.constant 16 : index
        %parallel_loop3A_496 = tpu.vector_load %arg25[%parallel_loop3A_494, %parallel_loop3A_495] {strides = array<i32>} : memref<256x32xf32, #tpu.memory_space<vmem>>, vector<1x16xf32>,
        %parallel_loop3A_497 = vector.shape_cast %parallel_loop3A_496 : vector<1x16xf32> to vector<16xf32>
        %parallel_loop3A_498 = arith.mulf %parallel_loop3A_497, %parallel_loop3A_483 : vector<16xf32>
        %parallel_loop3A_499 = arith.index_cast %parallel_loop3A_480 : i32 to index
        %parallel_loop3A_500 = arith.constant 16 : index
        %parallel_loop3A_501 = tpu.vector_load %arg25[%parallel_loop3A_499, %parallel_loop3A_500] {strides = array<i32>} : memref<256x32xf32, #tpu.memory_space<vmem>>, vector<1x16xf32>,
        %parallel_loop3A_502 = vector.shape_cast %parallel_loop3A_501 : vector<1x16xf32> to vector<16xf32>
        %parallel_loop3A_503 = vector.shape_cast %parallel_loop3A_498 : vector<16xf32> to vector<1x16xf32>
        tpu.vector_store %arg25[%parallel_loop3A_499, %parallel_loop3A_500], %parallel_loop3A_503 {strides = array<i32>} : memref<256x32xf32, #tpu.memory_space<vmem>>, vector<1x16xf32>,
        %parallel_loop3A_504 = arith.constant 16 : i32
        %parallel_loop3A_505 = arith.muli %parallel_loop3A_430, %parallel_loop3A_504 : i32
        %parallel_loop3A_506 = arith.constant 1 : i32
        %parallel_loop3A_507 = arith.addi %parallel_loop3A_505, %parallel_loop3A_506 : i32
        %parallel_loop3A_508 = vector.extract_strided_slice %parallel_loop3A_476 {offsets = [1], sizes = [1], strides = [1]} : vector<16xf32> to vector<1xf32>
        %parallel_loop3A_509 = vector.extract %parallel_loop3A_508[0] : f32 from vector<1xf32>
        %parallel_loop3A_510 = vector.broadcast %parallel_loop3A_509 : f32 to vector<16xf32>
        %parallel_loop3A_511 = arith.index_cast %parallel_loop3A_507 : i32 to index
        %parallel_loop3A_512 = arith.constant 0 : index
        %parallel_loop3A_513 = tpu.vector_load %arg25[%parallel_loop3A_511, %parallel_loop3A_512] {strides = array<i32>} : memref<256x32xf32, #tpu.memory_space<vmem>>, vector<1x16xf32>,
        %parallel_loop3A_514 = vector.shape_cast %parallel_loop3A_513 : vector<1x16xf32> to vector<16xf32>
        %parallel_loop3A_515 = arith.mulf %parallel_loop3A_514, %parallel_loop3A_510 : vector<16xf32>
        %parallel_loop3A_516 = arith.index_cast %parallel_loop3A_507 : i32 to index
        %parallel_loop3A_517 = arith.constant 0 : index
        %parallel_loop3A_518 = tpu.vector_load %arg25[%parallel_loop3A_516, %parallel_loop3A_517] {strides = array<i32>} : memref<256x32xf32, #tpu.memory_space<vmem>>, vector<1x16xf32>,
        %parallel_loop3A_519 = vector.shape_cast %parallel_loop3A_518 : vector<1x16xf32> to vector<16xf32>
        %parallel_loop3A_520 = vector.shape_cast %parallel_loop3A_515 : vector<16xf32> to vector<1x16xf32>
        tpu.vector_store %arg25[%parallel_loop3A_516, %parallel_loop3A_517], %parallel_loop3A_520 {strides = array<i32>} : memref<256x32xf32, #tpu.memory_space<vmem>>, vector<1x16xf32>,
        %parallel_loop3A_521 = arith.index_cast %parallel_loop3A_507 : i32 to index
        %parallel_loop3A_522 = arith.constant 16 : index
        %parallel_loop3A_523 = tpu.vector_load %arg25[%parallel_loop3A_521, %parallel_loop3A_522] {strides = array<i32>} : memref<256x32xf32, #tpu.memory_space<vmem>>, vector<1x16xf32>,
        %parallel_loop3A_524 = vector.shape_cast %parallel_loop3A_523 : vector<1x16xf32> to vector<16xf32>
        %parallel_loop3A_525 = arith.mulf %parallel_loop3A_524, %parallel_loop3A_510 : vector<16xf32>
        %parallel_loop3A_526 = arith.index_cast %parallel_loop3A_507 : i32 to index
        %parallel_loop3A_527 = arith.constant 16 : index
        %parallel_loop3A_528 = tpu.vector_load %arg25[%parallel_loop3A_526, %parallel_loop3A_527] {strides = array<i32>} : memref<256x32xf32, #tpu.memory_space<vmem>>, vector<1x16xf32>,
        %parallel_loop3A_529 = vector.shape_cast %parallel_loop3A_528 : vector<1x16xf32> to vector<16xf32>
        %parallel_loop3A_530 = vector.shape_cast %parallel_loop3A_525 : vector<16xf32> to vector<1x16xf32>
        tpu.vector_store %arg25[%parallel_loop3A_526, %parallel_loop3A_527], %parallel_loop3A_530 {strides = array<i32>} : memref<256x32xf32, #tpu.memory_space<vmem>>, vector<1x16xf32>,
        %parallel_loop3A_531 = arith.constant 16 : i32
        %parallel_loop3A_532 = arith.muli %parallel_loop3A_430, %parallel_loop3A_531 : i32
        %parallel_loop3A_533 = arith.constant 2 : i32
        %parallel_loop3A_534 = arith.addi %parallel_loop3A_532, %parallel_loop3A_533 : i32
        %parallel_loop3A_535 = vector.extract_strided_slice %parallel_loop3A_476 {offsets = [2], sizes = [1], strides = [1]} : vector<16xf32> to vector<1xf32>
        %parallel_loop3A_536 = vector.extract %parallel_loop3A_535[0] : f32 from vector<1xf32>
        %parallel_loop3A_537 = vector.broadcast %parallel_loop3A_536 : f32 to vector<16xf32>
        %parallel_loop3A_538 = arith.index_cast %parallel_loop3A_534 : i32 to index
        %parallel_loop3A_539 = arith.constant 0 : index
        %parallel_loop3A_540 = tpu.vector_load %arg25[%parallel_loop3A_538, %parallel_loop3A_539] {strides = array<i32>} : memref<256x32xf32, #tpu.memory_space<vmem>>, vector<1x16xf32>,
        %parallel_loop3A_541 = vector.shape_cast %parallel_loop3A_540 : vector<1x16xf32> to vector<16xf32>
        %parallel_loop3A_542 = arith.mulf %parallel_loop3A_541, %parallel_loop3A_537 : vector<16xf32>
        %parallel_loop3A_543 = arith.index_cast %parallel_loop3A_534 : i32 to index
        %parallel_loop3A_544 = arith.constant 0 : index
        %parallel_loop3A_545 = tpu.vector_load %arg25[%parallel_loop3A_543, %parallel_loop3A_544] {strides = array<i32>} : memref<256x32xf32, #tpu.memory_space<vmem>>, vector<1x16xf32>,
        %parallel_loop3A_546 = vector.shape_cast %parallel_loop3A_545 : vector<1x16xf32> to vector<16xf32>
        %parallel_loop3A_547 = vector.shape_cast %parallel_loop3A_542 : vector<16xf32> to vector<1x16xf32>
        tpu.vector_store %arg25[%parallel_loop3A_543, %parallel_loop3A_544], %parallel_loop3A_547 {strides = array<i32>} : memref<256x32xf32, #tpu.memory_space<vmem>>, vector<1x16xf32>,
        %parallel_loop3A_548 = arith.index_cast %parallel_loop3A_534 : i32 to index
        %parallel_loop3A_549 = arith.constant 16 : index
        %parallel_loop3A_550 = tpu.vector_load %arg25[%parallel_loop3A_548, %parallel_loop3A_549] {strides = array<i32>} : memref<256x32xf32, #tpu.memory_space<vmem>>, vector<1x16xf32>,
        %parallel_loop3A_551 = vector.shape_cast %parallel_loop3A_550 : vector<1x16xf32> to vector<16xf32>
        %parallel_loop3A_552 = arith.mulf %parallel_loop3A_551, %parallel_loop3A_537 : vector<16xf32>
        %parallel_loop3A_553 = arith.index_cast %parallel_loop3A_534 : i32 to index
        %parallel_loop3A_554 = arith.constant 16 : index
        %parallel_loop3A_555 = tpu.vector_load %arg25[%parallel_loop3A_553, %parallel_loop3A_554] {strides = array<i32>} : memref<256x32xf32, #tpu.memory_space<vmem>>, vector<1x16xf32>,
        %parallel_loop3A_556 = vector.shape_cast %parallel_loop3A_555 : vector<1x16xf32> to vector<16xf32>
        %parallel_loop3A_557 = vector.shape_cast %parallel_loop3A_552 : vector<16xf32> to vector<1x16xf32>
        tpu.vector_store %arg25[%parallel_loop3A_553, %parallel_loop3A_554], %parallel_loop3A_557 {strides = array<i32>} : memref<256x32xf32, #tpu.memory_space<vmem>>, vector<1x16xf32>,
        %parallel_loop3A_558 = arith.constant 16 : i32
        %parallel_loop3A_559 = arith.muli %parallel_loop3A_430, %parallel_loop3A_558 : i32
        %parallel_loop3A_560 = arith.constant 3 : i32
        %parallel_loop3A_561 = arith.addi %parallel_loop3A_559, %parallel_loop3A_560 : i32
        %parallel_loop3A_562 = vector.extract_strided_slice %parallel_loop3A_476 {offsets = [3], sizes = [1], strides = [1]} : vector<16xf32> to vector<1xf32>
        %parallel_loop3A_563 = vector.extract %parallel_loop3A_562[0] : f32 from vector<1xf32>
        %parallel_loop3A_564 = vector.broadcast %parallel_loop3A_563 : f32 to vector<16xf32>
        %parallel_loop3A_565 = arith.index_cast %parallel_loop3A_561 : i32 to index
        %parallel_loop3A_566 = arith.constant 0 : index
        %parallel_loop3A_567 = tpu.vector_load %arg25[%parallel_loop3A_565, %parallel_loop3A_566] {strides = array<i32>} : memref<256x32xf32, #tpu.memory_space<vmem>>, vector<1x16xf32>,
        %parallel_loop3A_568 = vector.shape_cast %parallel_loop3A_567 : vector<1x16xf32> to vector<16xf32>
        %parallel_loop3A_569 = arith.mulf %parallel_loop3A_568, %parallel_loop3A_564 : vector<16xf32>
        %parallel_loop3A_570 = arith.index_cast %parallel_loop3A_561 : i32 to index
        %parallel_loop3A_571 = arith.constant 0 : index
        %parallel_loop3A_572 = tpu.vector_load %arg25[%parallel_loop3A_570, %parallel_loop3A_571] {strides = array<i32>} : memref<256x32xf32, #tpu.memory_space<vmem>>, vector<1x16xf32>,
        %parallel_loop3A_573 = vector.shape_cast %parallel_loop3A_572 : vector<1x16xf32> to vector<16xf32>
        %parallel_loop3A_574 = vector.shape_cast %parallel_loop3A_569 : vector<16xf32> to vector<1x16xf32>
        tpu.vector_store %arg25[%parallel_loop3A_570, %parallel_loop3A_571], %parallel_loop3A_574 {strides = array<i32>} : memref<256x32xf32, #tpu.memory_space<vmem>>, vector<1x16xf32>,
        %parallel_loop3A_575 = arith.index_cast %parallel_loop3A_561 : i32 to index
        %parallel_loop3A_576 = arith.constant 16 : index
        %parallel_loop3A_577 = tpu.vector_load %arg25[%parallel_loop3A_575, %parallel_loop3A_576] {strides = array<i32>} : memref<256x32xf32, #tpu.memory_space<vmem>>, vector<1x16xf32>,
        %parallel_loop3A_578 = vector.shape_cast %parallel_loop3A_577 : vector<1x16xf32> to vector<16xf32>
        %parallel_loop3A_579 = arith.mulf %parallel_loop3A_578, %parallel_loop3A_564 : vector<16xf32>
        %parallel_loop3A_580 = arith.index_cast %parallel_loop3A_561 : i32 to index
        %parallel_loop3A_581 = arith.constant 16 : index
        %parallel_loop3A_582 = tpu.vector_load %arg25[%parallel_loop3A_580, %parallel_loop3A_581] {strides = array<i32>} : memref<256x32xf32, #tpu.memory_space<vmem>>, vector<1x16xf32>,
        %parallel_loop3A_583 = vector.shape_cast %parallel_loop3A_582 : vector<1x16xf32> to vector<16xf32>
        %parallel_loop3A_584 = vector.shape_cast %parallel_loop3A_579 : vector<16xf32> to vector<1x16xf32>
        tpu.vector_store %arg25[%parallel_loop3A_580, %parallel_loop3A_581], %parallel_loop3A_584 {strides = array<i32>} : memref<256x32xf32, #tpu.memory_space<vmem>>, vector<1x16xf32>,
        %parallel_loop3A_585 = arith.constant 16 : i32
        %parallel_loop3A_586 = arith.muli %parallel_loop3A_430, %parallel_loop3A_585 : i32
        %parallel_loop3A_587 = arith.constant 4 : i32
        %parallel_loop3A_588 = arith.addi %parallel_loop3A_586, %parallel_loop3A_587 : i32
        %parallel_loop3A_589 = vector.extract_strided_slice %parallel_loop3A_476 {offsets = [4], sizes = [1], strides = [1]} : vector<16xf32> to vector<1xf32>
        %parallel_loop3A_590 = vector.extract %parallel_loop3A_589[0] : f32 from vector<1xf32>
        %parallel_loop3A_591 = vector.broadcast %parallel_loop3A_590 : f32 to vector<16xf32>
        %parallel_loop3A_592 = arith.index_cast %parallel_loop3A_588 : i32 to index
        %parallel_loop3A_593 = arith.constant 0 : index
        %parallel_loop3A_594 = tpu.vector_load %arg25[%parallel_loop3A_592, %parallel_loop3A_593] {strides = array<i32>} : memref<256x32xf32, #tpu.memory_space<vmem>>, vector<1x16xf32>,
        %parallel_loop3A_595 = vector.shape_cast %parallel_loop3A_594 : vector<1x16xf32> to vector<16xf32>
        %parallel_loop3A_596 = arith.mulf %parallel_loop3A_595, %parallel_loop3A_591 : vector<16xf32>
        %parallel_loop3A_597 = arith.index_cast %parallel_loop3A_588 : i32 to index
        %parallel_loop3A_598 = arith.constant 0 : index
        %parallel_loop3A_599 = tpu.vector_load %arg25[%parallel_loop3A_597, %parallel_loop3A_598] {strides = array<i32>} : memref<256x32xf32, #tpu.memory_space<vmem>>, vector<1x16xf32>,
        %parallel_loop3A_600 = vector.shape_cast %parallel_loop3A_599 : vector<1x16xf32> to vector<16xf32>
        %parallel_loop3A_601 = vector.shape_cast %parallel_loop3A_596 : vector<16xf32> to vector<1x16xf32>
        tpu.vector_store %arg25[%parallel_loop3A_597, %parallel_loop3A_598], %parallel_loop3A_601 {strides = array<i32>} : memref<256x32xf32, #tpu.memory_space<vmem>>, vector<1x16xf32>,
        %parallel_loop3A_602 = arith.index_cast %parallel_loop3A_588 : i32 to index
        %parallel_loop3A_603 = arith.constant 16 : index
        %parallel_loop3A_604 = tpu.vector_load %arg25[%parallel_loop3A_602, %parallel_loop3A_603] {strides = array<i32>} : memref<256x32xf32, #tpu.memory_space<vmem>>, vector<1x16xf32>,
        %parallel_loop3A_605 = vector.shape_cast %parallel_loop3A_604 : vector<1x16xf32> to vector<16xf32>
        %parallel_loop3A_606 = arith.mulf %parallel_loop3A_605, %parallel_loop3A_591 : vector<16xf32>
        %parallel_loop3A_607 = arith.index_cast %parallel_loop3A_588 : i32 to index
        %parallel_loop3A_608 = arith.constant 16 : index
        %parallel_loop3A_609 = tpu.vector_load %arg25[%parallel_loop3A_607, %parallel_loop3A_608] {strides = array<i32>} : memref<256x32xf32, #tpu.memory_space<vmem>>, vector<1x16xf32>,
        %parallel_loop3A_610 = vector.shape_cast %parallel_loop3A_609 : vector<1x16xf32> to vector<16xf32>
        %parallel_loop3A_611 = vector.shape_cast %parallel_loop3A_606 : vector<16xf32> to vector<1x16xf32>
        tpu.vector_store %arg25[%parallel_loop3A_607, %parallel_loop3A_608], %parallel_loop3A_611 {strides = array<i32>} : memref<256x32xf32, #tpu.memory_space<vmem>>, vector<1x16xf32>,
        %parallel_loop3A_612 = arith.constant 16 : i32
        %parallel_loop3A_613 = arith.muli %parallel_loop3A_430, %parallel_loop3A_612 : i32
        %parallel_loop3A_614 = arith.constant 5 : i32
        %parallel_loop3A_615 = arith.addi %parallel_loop3A_613, %parallel_loop3A_614 : i32
        %parallel_loop3A_616 = vector.extract_strided_slice %parallel_loop3A_476 {offsets = [5], sizes = [1], strides = [1]} : vector<16xf32> to vector<1xf32>
        %parallel_loop3A_617 = vector.extract %parallel_loop3A_616[0] : f32 from vector<1xf32>
        %parallel_loop3A_618 = vector.broadcast %parallel_loop3A_617 : f32 to vector<16xf32>
        %parallel_loop3A_619 = arith.index_cast %parallel_loop3A_615 : i32 to index
        %parallel_loop3A_620 = arith.constant 0 : index
        %parallel_loop3A_621 = tpu.vector_load %arg25[%parallel_loop3A_619, %parallel_loop3A_620] {strides = array<i32>} : memref<256x32xf32, #tpu.memory_space<vmem>>, vector<1x16xf32>,
        %parallel_loop3A_622 = vector.shape_cast %parallel_loop3A_621 : vector<1x16xf32> to vector<16xf32>
        %parallel_loop3A_623 = arith.mulf %parallel_loop3A_622, %parallel_loop3A_618 : vector<16xf32>
        %parallel_loop3A_624 = arith.index_cast %parallel_loop3A_615 : i32 to index
        %parallel_loop3A_625 = arith.constant 0 : index
        %parallel_loop3A_626 = tpu.vector_load %arg25[%parallel_loop3A_624, %parallel_loop3A_625] {strides = array<i32>} : memref<256x32xf32, #tpu.memory_space<vmem>>, vector<1x16xf32>,
        %parallel_loop3A_627 = vector.shape_cast %parallel_loop3A_626 : vector<1x16xf32> to vector<16xf32>
        %parallel_loop3A_628 = vector.shape_cast %parallel_loop3A_623 : vector<16xf32> to vector<1x16xf32>
        tpu.vector_store %arg25[%parallel_loop3A_624, %parallel_loop3A_625], %parallel_loop3A_628 {strides = array<i32>} : memref<256x32xf32, #tpu.memory_space<vmem>>, vector<1x16xf32>,
        %parallel_loop3A_629 = arith.index_cast %parallel_loop3A_615 : i32 to index
        %parallel_loop3A_630 = arith.constant 16 : index
        %parallel_loop3A_631 = tpu.vector_load %arg25[%parallel_loop3A_629, %parallel_loop3A_630] {strides = array<i32>} : memref<256x32xf32, #tpu.memory_space<vmem>>, vector<1x16xf32>,
        %parallel_loop3A_632 = vector.shape_cast %parallel_loop3A_631 : vector<1x16xf32> to vector<16xf32>
        %parallel_loop3A_633 = arith.mulf %parallel_loop3A_632, %parallel_loop3A_618 : vector<16xf32>
        %parallel_loop3A_634 = arith.index_cast %parallel_loop3A_615 : i32 to index
        %parallel_loop3A_635 = arith.constant 16 : index
        %parallel_loop3A_636 = tpu.vector_load %arg25[%parallel_loop3A_634, %parallel_loop3A_635] {strides = array<i32>} : memref<256x32xf32, #tpu.memory_space<vmem>>, vector<1x16xf32>,
        %parallel_loop3A_637 = vector.shape_cast %parallel_loop3A_636 : vector<1x16xf32> to vector<16xf32>
        %parallel_loop3A_638 = vector.shape_cast %parallel_loop3A_633 : vector<16xf32> to vector<1x16xf32>
        tpu.vector_store %arg25[%parallel_loop3A_634, %parallel_loop3A_635], %parallel_loop3A_638 {strides = array<i32>} : memref<256x32xf32, #tpu.memory_space<vmem>>, vector<1x16xf32>,
        %parallel_loop3A_639 = arith.constant 16 : i32
        %parallel_loop3A_640 = arith.muli %parallel_loop3A_430, %parallel_loop3A_639 : i32
        %parallel_loop3A_641 = arith.constant 6 : i32
        %parallel_loop3A_642 = arith.addi %parallel_loop3A_640, %parallel_loop3A_641 : i32
        %parallel_loop3A_643 = vector.extract_strided_slice %parallel_loop3A_476 {offsets = [6], sizes = [1], strides = [1]} : vector<16xf32> to vector<1xf32>
        %parallel_loop3A_644 = vector.extract %parallel_loop3A_643[0] : f32 from vector<1xf32>
        %parallel_loop3A_645 = vector.broadcast %parallel_loop3A_644 : f32 to vector<16xf32>
        %parallel_loop3A_646 = arith.index_cast %parallel_loop3A_642 : i32 to index
        %parallel_loop3A_647 = arith.constant 0 : index
        %parallel_loop3A_648 = tpu.vector_load %arg25[%parallel_loop3A_646, %parallel_loop3A_647] {strides = array<i32>} : memref<256x32xf32, #tpu.memory_space<vmem>>, vector<1x16xf32>,
        %parallel_loop3A_649 = vector.shape_cast %parallel_loop3A_648 : vector<1x16xf32> to vector<16xf32>
        %parallel_loop3A_650 = arith.mulf %parallel_loop3A_649, %parallel_loop3A_645 : vector<16xf32>
        %parallel_loop3A_651 = arith.index_cast %parallel_loop3A_642 : i32 to index
        %parallel_loop3A_652 = arith.constant 0 : index
        %parallel_loop3A_653 = tpu.vector_load %arg25[%parallel_loop3A_651, %parallel_loop3A_652] {strides = array<i32>} : memref<256x32xf32, #tpu.memory_space<vmem>>, vector<1x16xf32>,
        %parallel_loop3A_654 = vector.shape_cast %parallel_loop3A_653 : vector<1x16xf32> to vector<16xf32>
        %parallel_loop3A_655 = vector.shape_cast %parallel_loop3A_650 : vector<16xf32> to vector<1x16xf32>
        tpu.vector_store %arg25[%parallel_loop3A_651, %parallel_loop3A_652], %parallel_loop3A_655 {strides = array<i32>} : memref<256x32xf32, #tpu.memory_space<vmem>>, vector<1x16xf32>,
        %parallel_loop3A_656 = arith.index_cast %parallel_loop3A_642 : i32 to index
        %parallel_loop3A_657 = arith.constant 16 : index
        %parallel_loop3A_658 = tpu.vector_load %arg25[%parallel_loop3A_656, %parallel_loop3A_657] {strides = array<i32>} : memref<256x32xf32, #tpu.memory_space<vmem>>, vector<1x16xf32>,
        %parallel_loop3A_659 = vector.shape_cast %parallel_loop3A_658 : vector<1x16xf32> to vector<16xf32>
        %parallel_loop3A_660 = arith.mulf %parallel_loop3A_659, %parallel_loop3A_645 : vector<16xf32>
        %parallel_loop3A_661 = arith.index_cast %parallel_loop3A_642 : i32 to index
        %parallel_loop3A_662 = arith.constant 16 : index
        %parallel_loop3A_663 = tpu.vector_load %arg25[%parallel_loop3A_661, %parallel_loop3A_662] {strides = array<i32>} : memref<256x32xf32, #tpu.memory_space<vmem>>, vector<1x16xf32>,
        %parallel_loop3A_664 = vector.shape_cast %parallel_loop3A_663 : vector<1x16xf32> to vector<16xf32>
        %parallel_loop3A_665 = vector.shape_cast %parallel_loop3A_660 : vector<16xf32> to vector<1x16xf32>
        tpu.vector_store %arg25[%parallel_loop3A_661, %parallel_loop3A_662], %parallel_loop3A_665 {strides = array<i32>} : memref<256x32xf32, #tpu.memory_space<vmem>>, vector<1x16xf32>,
        %parallel_loop3A_666 = arith.constant 16 : i32
        %parallel_loop3A_667 = arith.muli %parallel_loop3A_430, %parallel_loop3A_666 : i32
        %parallel_loop3A_668 = arith.constant 7 : i32
        %parallel_loop3A_669 = arith.addi %parallel_loop3A_667, %parallel_loop3A_668 : i32
        %parallel_loop3A_670 = vector.extract_strided_slice %parallel_loop3A_476 {offsets = [7], sizes = [1], strides = [1]} : vector<16xf32> to vector<1xf32>
        %parallel_loop3A_671 = vector.extract %parallel_loop3A_670[0] : f32 from vector<1xf32>
        %parallel_loop3A_672 = vector.broadcast %parallel_loop3A_671 : f32 to vector<16xf32>
        %parallel_loop3A_673 = arith.index_cast %parallel_loop3A_669 : i32 to index
        %parallel_loop3A_674 = arith.constant 0 : index
        %parallel_loop3A_675 = tpu.vector_load %arg25[%parallel_loop3A_673, %parallel_loop3A_674] {strides = array<i32>} : memref<256x32xf32, #tpu.memory_space<vmem>>, vector<1x16xf32>,
        %parallel_loop3A_676 = vector.shape_cast %parallel_loop3A_675 : vector<1x16xf32> to vector<16xf32>
        %parallel_loop3A_677 = arith.mulf %parallel_loop3A_676, %parallel_loop3A_672 : vector<16xf32>
        %parallel_loop3A_678 = arith.index_cast %parallel_loop3A_669 : i32 to index
        %parallel_loop3A_679 = arith.constant 0 : index
        %parallel_loop3A_680 = tpu.vector_load %arg25[%parallel_loop3A_678, %parallel_loop3A_679] {strides = array<i32>} : memref<256x32xf32, #tpu.memory_space<vmem>>, vector<1x16xf32>,
        %parallel_loop3A_681 = vector.shape_cast %parallel_loop3A_680 : vector<1x16xf32> to vector<16xf32>
        %parallel_loop3A_682 = vector.shape_cast %parallel_loop3A_677 : vector<16xf32> to vector<1x16xf32>
        tpu.vector_store %arg25[%parallel_loop3A_678, %parallel_loop3A_679], %parallel_loop3A_682 {strides = array<i32>} : memref<256x32xf32, #tpu.memory_space<vmem>>, vector<1x16xf32>,
        %parallel_loop3A_683 = arith.index_cast %parallel_loop3A_669 : i32 to index
        %parallel_loop3A_684 = arith.constant 16 : index
        %parallel_loop3A_685 = tpu.vector_load %arg25[%parallel_loop3A_683, %parallel_loop3A_684] {strides = array<i32>} : memref<256x32xf32, #tpu.memory_space<vmem>>, vector<1x16xf32>,
        %parallel_loop3A_686 = vector.shape_cast %parallel_loop3A_685 : vector<1x16xf32> to vector<16xf32>
        %parallel_loop3A_687 = arith.mulf %parallel_loop3A_686, %parallel_loop3A_672 : vector<16xf32>
        %parallel_loop3A_688 = arith.index_cast %parallel_loop3A_669 : i32 to index
        %parallel_loop3A_689 = arith.constant 16 : index
        %parallel_loop3A_690 = tpu.vector_load %arg25[%parallel_loop3A_688, %parallel_loop3A_689] {strides = array<i32>} : memref<256x32xf32, #tpu.memory_space<vmem>>, vector<1x16xf32>,
        %parallel_loop3A_691 = vector.shape_cast %parallel_loop3A_690 : vector<1x16xf32> to vector<16xf32>
        %parallel_loop3A_692 = vector.shape_cast %parallel_loop3A_687 : vector<16xf32> to vector<1x16xf32>
        tpu.vector_store %arg25[%parallel_loop3A_688, %parallel_loop3A_689], %parallel_loop3A_692 {strides = array<i32>} : memref<256x32xf32, #tpu.memory_space<vmem>>, vector<1x16xf32>,
        %parallel_loop3A_693 = arith.constant 16 : i32
        %parallel_loop3A_694 = arith.muli %parallel_loop3A_430, %parallel_loop3A_693 : i32
        %parallel_loop3A_695 = arith.constant 8 : i32
        %parallel_loop3A_696 = arith.addi %parallel_loop3A_694, %parallel_loop3A_695 : i32
        %parallel_loop3A_697 = vector.extract_strided_slice %parallel_loop3A_476 {offsets = [8], sizes = [1], strides = [1]} : vector<16xf32> to vector<1xf32>
        %parallel_loop3A_698 = vector.extract %parallel_loop3A_697[0] : f32 from vector<1xf32>
        %parallel_loop3A_699 = vector.broadcast %parallel_loop3A_698 : f32 to vector<16xf32>
        %parallel_loop3A_700 = arith.index_cast %parallel_loop3A_696 : i32 to index
        %parallel_loop3A_701 = arith.constant 0 : index
        %parallel_loop3A_702 = tpu.vector_load %arg25[%parallel_loop3A_700, %parallel_loop3A_701] {strides = array<i32>} : memref<256x32xf32, #tpu.memory_space<vmem>>, vector<1x16xf32>,
        %parallel_loop3A_703 = vector.shape_cast %parallel_loop3A_702 : vector<1x16xf32> to vector<16xf32>
        %parallel_loop3A_704 = arith.mulf %parallel_loop3A_703, %parallel_loop3A_699 : vector<16xf32>
        %parallel_loop3A_705 = arith.index_cast %parallel_loop3A_696 : i32 to index
        %parallel_loop3A_706 = arith.constant 0 : index
        %parallel_loop3A_707 = tpu.vector_load %arg25[%parallel_loop3A_705, %parallel_loop3A_706] {strides = array<i32>} : memref<256x32xf32, #tpu.memory_space<vmem>>, vector<1x16xf32>,
        %parallel_loop3A_708 = vector.shape_cast %parallel_loop3A_707 : vector<1x16xf32> to vector<16xf32>
        %parallel_loop3A_709 = vector.shape_cast %parallel_loop3A_704 : vector<16xf32> to vector<1x16xf32>
        tpu.vector_store %arg25[%parallel_loop3A_705, %parallel_loop3A_706], %parallel_loop3A_709 {strides = array<i32>} : memref<256x32xf32, #tpu.memory_space<vmem>>, vector<1x16xf32>,
        %parallel_loop3A_710 = arith.index_cast %parallel_loop3A_696 : i32 to index
        %parallel_loop3A_711 = arith.constant 16 : index
        %parallel_loop3A_712 = tpu.vector_load %arg25[%parallel_loop3A_710, %parallel_loop3A_711] {strides = array<i32>} : memref<256x32xf32, #tpu.memory_space<vmem>>, vector<1x16xf32>,
        %parallel_loop3A_713 = vector.shape_cast %parallel_loop3A_712 : vector<1x16xf32> to vector<16xf32>
        %parallel_loop3A_714 = arith.mulf %parallel_loop3A_713, %parallel_loop3A_699 : vector<16xf32>
        %parallel_loop3A_715 = arith.index_cast %parallel_loop3A_696 : i32 to index
        %parallel_loop3A_716 = arith.constant 16 : index
        %parallel_loop3A_717 = tpu.vector_load %arg25[%parallel_loop3A_715, %parallel_loop3A_716] {strides = array<i32>} : memref<256x32xf32, #tpu.memory_space<vmem>>, vector<1x16xf32>,
        %parallel_loop3A_718 = vector.shape_cast %parallel_loop3A_717 : vector<1x16xf32> to vector<16xf32>
        %parallel_loop3A_719 = vector.shape_cast %parallel_loop3A_714 : vector<16xf32> to vector<1x16xf32>
        tpu.vector_store %arg25[%parallel_loop3A_715, %parallel_loop3A_716], %parallel_loop3A_719 {strides = array<i32>} : memref<256x32xf32, #tpu.memory_space<vmem>>, vector<1x16xf32>,
        %parallel_loop3A_720 = arith.constant 16 : i32
        %parallel_loop3A_721 = arith.muli %parallel_loop3A_430, %parallel_loop3A_720 : i32
        %parallel_loop3A_722 = arith.constant 9 : i32
        %parallel_loop3A_723 = arith.addi %parallel_loop3A_721, %parallel_loop3A_722 : i32
        %parallel_loop3A_724 = vector.extract_strided_slice %parallel_loop3A_476 {offsets = [9], sizes = [1], strides = [1]} : vector<16xf32> to vector<1xf32>
        %parallel_loop3A_725 = vector.extract %parallel_loop3A_724[0] : f32 from vector<1xf32>
        %parallel_loop3A_726 = vector.broadcast %parallel_loop3A_725 : f32 to vector<16xf32>
        %parallel_loop3A_727 = arith.index_cast %parallel_loop3A_723 : i32 to index
        %parallel_loop3A_728 = arith.constant 0 : index
        %parallel_loop3A_729 = tpu.vector_load %arg25[%parallel_loop3A_727, %parallel_loop3A_728] {strides = array<i32>} : memref<256x32xf32, #tpu.memory_space<vmem>>, vector<1x16xf32>,
        %parallel_loop3A_730 = vector.shape_cast %parallel_loop3A_729 : vector<1x16xf32> to vector<16xf32>
        %parallel_loop3A_731 = arith.mulf %parallel_loop3A_730, %parallel_loop3A_726 : vector<16xf32>
        %parallel_loop3A_732 = arith.index_cast %parallel_loop3A_723 : i32 to index
        %parallel_loop3A_733 = arith.constant 0 : index
        %parallel_loop3A_734 = tpu.vector_load %arg25[%parallel_loop3A_732, %parallel_loop3A_733] {strides = array<i32>} : memref<256x32xf32, #tpu.memory_space<vmem>>, vector<1x16xf32>,
        %parallel_loop3A_735 = vector.shape_cast %parallel_loop3A_734 : vector<1x16xf32> to vector<16xf32>
        %parallel_loop3A_736 = vector.shape_cast %parallel_loop3A_731 : vector<16xf32> to vector<1x16xf32>
        tpu.vector_store %arg25[%parallel_loop3A_732, %parallel_loop3A_733], %parallel_loop3A_736 {strides = array<i32>} : memref<256x32xf32, #tpu.memory_space<vmem>>, vector<1x16xf32>,
        %parallel_loop3A_737 = arith.index_cast %parallel_loop3A_723 : i32 to index
        %parallel_loop3A_738 = arith.constant 16 : index
        %parallel_loop3A_739 = tpu.vector_load %arg25[%parallel_loop3A_737, %parallel_loop3A_738] {strides = array<i32>} : memref<256x32xf32, #tpu.memory_space<vmem>>, vector<1x16xf32>,
        %parallel_loop3A_740 = vector.shape_cast %parallel_loop3A_739 : vector<1x16xf32> to vector<16xf32>
        %parallel_loop3A_741 = arith.mulf %parallel_loop3A_740, %parallel_loop3A_726 : vector<16xf32>
        %parallel_loop3A_742 = arith.index_cast %parallel_loop3A_723 : i32 to index
        %parallel_loop3A_743 = arith.constant 16 : index
        %parallel_loop3A_744 = tpu.vector_load %arg25[%parallel_loop3A_742, %parallel_loop3A_743] {strides = array<i32>} : memref<256x32xf32, #tpu.memory_space<vmem>>, vector<1x16xf32>,
        %parallel_loop3A_745 = vector.shape_cast %parallel_loop3A_744 : vector<1x16xf32> to vector<16xf32>
        %parallel_loop3A_746 = vector.shape_cast %parallel_loop3A_741 : vector<16xf32> to vector<1x16xf32>
        tpu.vector_store %arg25[%parallel_loop3A_742, %parallel_loop3A_743], %parallel_loop3A_746 {strides = array<i32>} : memref<256x32xf32, #tpu.memory_space<vmem>>, vector<1x16xf32>,
        %parallel_loop3A_747 = arith.constant 16 : i32
        %parallel_loop3A_748 = arith.muli %parallel_loop3A_430, %parallel_loop3A_747 : i32
        %parallel_loop3A_749 = arith.constant 10 : i32
        %parallel_loop3A_750 = arith.addi %parallel_loop3A_748, %parallel_loop3A_749 : i32
        %parallel_loop3A_751 = vector.extract_strided_slice %parallel_loop3A_476 {offsets = [10], sizes = [1], strides = [1]} : vector<16xf32> to vector<1xf32>
        %parallel_loop3A_752 = vector.extract %parallel_loop3A_751[0] : f32 from vector<1xf32>
        %parallel_loop3A_753 = vector.broadcast %parallel_loop3A_752 : f32 to vector<16xf32>
        %parallel_loop3A_754 = arith.index_cast %parallel_loop3A_750 : i32 to index
        %parallel_loop3A_755 = arith.constant 0 : index
        %parallel_loop3A_756 = tpu.vector_load %arg25[%parallel_loop3A_754, %parallel_loop3A_755] {strides = array<i32>} : memref<256x32xf32, #tpu.memory_space<vmem>>, vector<1x16xf32>,
        %parallel_loop3A_757 = vector.shape_cast %parallel_loop3A_756 : vector<1x16xf32> to vector<16xf32>
        %parallel_loop3A_758 = arith.mulf %parallel_loop3A_757, %parallel_loop3A_753 : vector<16xf32>
        %parallel_loop3A_759 = arith.index_cast %parallel_loop3A_750 : i32 to index
        %parallel_loop3A_760 = arith.constant 0 : index
        %parallel_loop3A_761 = tpu.vector_load %arg25[%parallel_loop3A_759, %parallel_loop3A_760] {strides = array<i32>} : memref<256x32xf32, #tpu.memory_space<vmem>>, vector<1x16xf32>,
        %parallel_loop3A_762 = vector.shape_cast %parallel_loop3A_761 : vector<1x16xf32> to vector<16xf32>
        %parallel_loop3A_763 = vector.shape_cast %parallel_loop3A_758 : vector<16xf32> to vector<1x16xf32>
        tpu.vector_store %arg25[%parallel_loop3A_759, %parallel_loop3A_760], %parallel_loop3A_763 {strides = array<i32>} : memref<256x32xf32, #tpu.memory_space<vmem>>, vector<1x16xf32>,
        %parallel_loop3A_764 = arith.index_cast %parallel_loop3A_750 : i32 to index
        %parallel_loop3A_765 = arith.constant 16 : index
        %parallel_loop3A_766 = tpu.vector_load %arg25[%parallel_loop3A_764, %parallel_loop3A_765] {strides = array<i32>} : memref<256x32xf32, #tpu.memory_space<vmem>>, vector<1x16xf32>,
        %parallel_loop3A_767 = vector.shape_cast %parallel_loop3A_766 : vector<1x16xf32> to vector<16xf32>
        %parallel_loop3A_768 = arith.mulf %parallel_loop3A_767, %parallel_loop3A_753 : vector<16xf32>
        %parallel_loop3A_769 = arith.index_cast %parallel_loop3A_750 : i32 to index
        %parallel_loop3A_770 = arith.constant 16 : index
        %parallel_loop3A_771 = tpu.vector_load %arg25[%parallel_loop3A_769, %parallel_loop3A_770] {strides = array<i32>} : memref<256x32xf32, #tpu.memory_space<vmem>>, vector<1x16xf32>,
        %parallel_loop3A_772 = vector.shape_cast %parallel_loop3A_771 : vector<1x16xf32> to vector<16xf32>
        %parallel_loop3A_773 = vector.shape_cast %parallel_loop3A_768 : vector<16xf32> to vector<1x16xf32>
        tpu.vector_store %arg25[%parallel_loop3A_769, %parallel_loop3A_770], %parallel_loop3A_773 {strides = array<i32>} : memref<256x32xf32, #tpu.memory_space<vmem>>, vector<1x16xf32>,
        %parallel_loop3A_774 = arith.constant 16 : i32
        %parallel_loop3A_775 = arith.muli %parallel_loop3A_430, %parallel_loop3A_774 : i32
        %parallel_loop3A_776 = arith.constant 11 : i32
        %parallel_loop3A_777 = arith.addi %parallel_loop3A_775, %parallel_loop3A_776 : i32
        %parallel_loop3A_778 = vector.extract_strided_slice %parallel_loop3A_476 {offsets = [11], sizes = [1], strides = [1]} : vector<16xf32> to vector<1xf32>
        %parallel_loop3A_779 = vector.extract %parallel_loop3A_778[0] : f32 from vector<1xf32>
        %parallel_loop3A_780 = vector.broadcast %parallel_loop3A_779 : f32 to vector<16xf32>
        %parallel_loop3A_781 = arith.index_cast %parallel_loop3A_777 : i32 to index
        %parallel_loop3A_782 = arith.constant 0 : index
        %parallel_loop3A_783 = tpu.vector_load %arg25[%parallel_loop3A_781, %parallel_loop3A_782] {strides = array<i32>} : memref<256x32xf32, #tpu.memory_space<vmem>>, vector<1x16xf32>,
        %parallel_loop3A_784 = vector.shape_cast %parallel_loop3A_783 : vector<1x16xf32> to vector<16xf32>
        %parallel_loop3A_785 = arith.mulf %parallel_loop3A_784, %parallel_loop3A_780 : vector<16xf32>
        %parallel_loop3A_786 = arith.index_cast %parallel_loop3A_777 : i32 to index
        %parallel_loop3A_787 = arith.constant 0 : index
        %parallel_loop3A_788 = tpu.vector_load %arg25[%parallel_loop3A_786, %parallel_loop3A_787] {strides = array<i32>} : memref<256x32xf32, #tpu.memory_space<vmem>>, vector<1x16xf32>,
        %parallel_loop3A_789 = vector.shape_cast %parallel_loop3A_788 : vector<1x16xf32> to vector<16xf32>
        %parallel_loop3A_790 = vector.shape_cast %parallel_loop3A_785 : vector<16xf32> to vector<1x16xf32>
        tpu.vector_store %arg25[%parallel_loop3A_786, %parallel_loop3A_787], %parallel_loop3A_790 {strides = array<i32>} : memref<256x32xf32, #tpu.memory_space<vmem>>, vector<1x16xf32>,
        %parallel_loop3A_791 = arith.index_cast %parallel_loop3A_777 : i32 to index
        %parallel_loop3A_792 = arith.constant 16 : index
        %parallel_loop3A_793 = tpu.vector_load %arg25[%parallel_loop3A_791, %parallel_loop3A_792] {strides = array<i32>} : memref<256x32xf32, #tpu.memory_space<vmem>>, vector<1x16xf32>,
        %parallel_loop3A_794 = vector.shape_cast %parallel_loop3A_793 : vector<1x16xf32> to vector<16xf32>
        %parallel_loop3A_795 = arith.mulf %parallel_loop3A_794, %parallel_loop3A_780 : vector<16xf32>
        %parallel_loop3A_796 = arith.index_cast %parallel_loop3A_777 : i32 to index
        %parallel_loop3A_797 = arith.constant 16 : index
        %parallel_loop3A_798 = tpu.vector_load %arg25[%parallel_loop3A_796, %parallel_loop3A_797] {strides = array<i32>} : memref<256x32xf32, #tpu.memory_space<vmem>>, vector<1x16xf32>,
        %parallel_loop3A_799 = vector.shape_cast %parallel_loop3A_798 : vector<1x16xf32> to vector<16xf32>
        %parallel_loop3A_800 = vector.shape_cast %parallel_loop3A_795 : vector<16xf32> to vector<1x16xf32>
        tpu.vector_store %arg25[%parallel_loop3A_796, %parallel_loop3A_797], %parallel_loop3A_800 {strides = array<i32>} : memref<256x32xf32, #tpu.memory_space<vmem>>, vector<1x16xf32>,
        %parallel_loop3A_801 = arith.constant 16 : i32
        %parallel_loop3A_802 = arith.muli %parallel_loop3A_430, %parallel_loop3A_801 : i32
        %parallel_loop3A_803 = arith.constant 12 : i32
        %parallel_loop3A_804 = arith.addi %parallel_loop3A_802, %parallel_loop3A_803 : i32
        %parallel_loop3A_805 = vector.extract_strided_slice %parallel_loop3A_476 {offsets = [12], sizes = [1], strides = [1]} : vector<16xf32> to vector<1xf32>
        %parallel_loop3A_806 = vector.extract %parallel_loop3A_805[0] : f32 from vector<1xf32>
        %parallel_loop3A_807 = vector.broadcast %parallel_loop3A_806 : f32 to vector<16xf32>
        %parallel_loop3A_808 = arith.index_cast %parallel_loop3A_804 : i32 to index
        %parallel_loop3A_809 = arith.constant 0 : index
        %parallel_loop3A_810 = tpu.vector_load %arg25[%parallel_loop3A_808, %parallel_loop3A_809] {strides = array<i32>} : memref<256x32xf32, #tpu.memory_space<vmem>>, vector<1x16xf32>,
        %parallel_loop3A_811 = vector.shape_cast %parallel_loop3A_810 : vector<1x16xf32> to vector<16xf32>
        %parallel_loop3A_812 = arith.mulf %parallel_loop3A_811, %parallel_loop3A_807 : vector<16xf32>
        %parallel_loop3A_813 = arith.index_cast %parallel_loop3A_804 : i32 to index
        %parallel_loop3A_814 = arith.constant 0 : index
        %parallel_loop3A_815 = tpu.vector_load %arg25[%parallel_loop3A_813, %parallel_loop3A_814] {strides = array<i32>} : memref<256x32xf32, #tpu.memory_space<vmem>>, vector<1x16xf32>,
        %parallel_loop3A_816 = vector.shape_cast %parallel_loop3A_815 : vector<1x16xf32> to vector<16xf32>
        %parallel_loop3A_817 = vector.shape_cast %parallel_loop3A_812 : vector<16xf32> to vector<1x16xf32>
        tpu.vector_store %arg25[%parallel_loop3A_813, %parallel_loop3A_814], %parallel_loop3A_817 {strides = array<i32>} : memref<256x32xf32, #tpu.memory_space<vmem>>, vector<1x16xf32>,
        %parallel_loop3A_818 = arith.index_cast %parallel_loop3A_804 : i32 to index
        %parallel_loop3A_819 = arith.constant 16 : index
        %parallel_loop3A_820 = tpu.vector_load %arg25[%parallel_loop3A_818, %parallel_loop3A_819] {strides = array<i32>} : memref<256x32xf32, #tpu.memory_space<vmem>>, vector<1x16xf32>,
        %parallel_loop3A_821 = vector.shape_cast %parallel_loop3A_820 : vector<1x16xf32> to vector<16xf32>
        %parallel_loop3A_822 = arith.mulf %parallel_loop3A_821, %parallel_loop3A_807 : vector<16xf32>
        %parallel_loop3A_823 = arith.index_cast %parallel_loop3A_804 : i32 to index
        %parallel_loop3A_824 = arith.constant 16 : index
        %parallel_loop3A_825 = tpu.vector_load %arg25[%parallel_loop3A_823, %parallel_loop3A_824] {strides = array<i32>} : memref<256x32xf32, #tpu.memory_space<vmem>>, vector<1x16xf32>,
        %parallel_loop3A_826 = vector.shape_cast %parallel_loop3A_825 : vector<1x16xf32> to vector<16xf32>
        %parallel_loop3A_827 = vector.shape_cast %parallel_loop3A_822 : vector<16xf32> to vector<1x16xf32>
        tpu.vector_store %arg25[%parallel_loop3A_823, %parallel_loop3A_824], %parallel_loop3A_827 {strides = array<i32>} : memref<256x32xf32, #tpu.memory_space<vmem>>, vector<1x16xf32>,
        %parallel_loop3A_828 = arith.constant 16 : i32
        %parallel_loop3A_829 = arith.muli %parallel_loop3A_430, %parallel_loop3A_828 : i32
        %parallel_loop3A_830 = arith.constant 13 : i32
        %parallel_loop3A_831 = arith.addi %parallel_loop3A_829, %parallel_loop3A_830 : i32
        %parallel_loop3A_832 = vector.extract_strided_slice %parallel_loop3A_476 {offsets = [13], sizes = [1], strides = [1]} : vector<16xf32> to vector<1xf32>
        %parallel_loop3A_833 = vector.extract %parallel_loop3A_832[0] : f32 from vector<1xf32>
        %parallel_loop3A_834 = vector.broadcast %parallel_loop3A_833 : f32 to vector<16xf32>
        %parallel_loop3A_835 = arith.index_cast %parallel_loop3A_831 : i32 to index
        %parallel_loop3A_836 = arith.constant 0 : index
        %parallel_loop3A_837 = tpu.vector_load %arg25[%parallel_loop3A_835, %parallel_loop3A_836] {strides = array<i32>} : memref<256x32xf32, #tpu.memory_space<vmem>>, vector<1x16xf32>,
        %parallel_loop3A_838 = vector.shape_cast %parallel_loop3A_837 : vector<1x16xf32> to vector<16xf32>
        %parallel_loop3A_839 = arith.mulf %parallel_loop3A_838, %parallel_loop3A_834 : vector<16xf32>
        %parallel_loop3A_840 = arith.index_cast %parallel_loop3A_831 : i32 to index
        %parallel_loop3A_841 = arith.constant 0 : index
        %parallel_loop3A_842 = tpu.vector_load %arg25[%parallel_loop3A_840, %parallel_loop3A_841] {strides = array<i32>} : memref<256x32xf32, #tpu.memory_space<vmem>>, vector<1x16xf32>,
        %parallel_loop3A_843 = vector.shape_cast %parallel_loop3A_842 : vector<1x16xf32> to vector<16xf32>
        %parallel_loop3A_844 = vector.shape_cast %parallel_loop3A_839 : vector<16xf32> to vector<1x16xf32>
        tpu.vector_store %arg25[%parallel_loop3A_840, %parallel_loop3A_841], %parallel_loop3A_844 {strides = array<i32>} : memref<256x32xf32, #tpu.memory_space<vmem>>, vector<1x16xf32>,
        %parallel_loop3A_845 = arith.index_cast %parallel_loop3A_831 : i32 to index
        %parallel_loop3A_846 = arith.constant 16 : index
        %parallel_loop3A_847 = tpu.vector_load %arg25[%parallel_loop3A_845, %parallel_loop3A_846] {strides = array<i32>} : memref<256x32xf32, #tpu.memory_space<vmem>>, vector<1x16xf32>,
        %parallel_loop3A_848 = vector.shape_cast %parallel_loop3A_847 : vector<1x16xf32> to vector<16xf32>
        %parallel_loop3A_849 = arith.mulf %parallel_loop3A_848, %parallel_loop3A_834 : vector<16xf32>
        %parallel_loop3A_850 = arith.index_cast %parallel_loop3A_831 : i32 to index
        %parallel_loop3A_851 = arith.constant 16 : index
        %parallel_loop3A_852 = tpu.vector_load %arg25[%parallel_loop3A_850, %parallel_loop3A_851] {strides = array<i32>} : memref<256x32xf32, #tpu.memory_space<vmem>>, vector<1x16xf32>,
        %parallel_loop3A_853 = vector.shape_cast %parallel_loop3A_852 : vector<1x16xf32> to vector<16xf32>
        %parallel_loop3A_854 = vector.shape_cast %parallel_loop3A_849 : vector<16xf32> to vector<1x16xf32>
        tpu.vector_store %arg25[%parallel_loop3A_850, %parallel_loop3A_851], %parallel_loop3A_854 {strides = array<i32>} : memref<256x32xf32, #tpu.memory_space<vmem>>, vector<1x16xf32>,
        %parallel_loop3A_855 = arith.constant 16 : i32
        %parallel_loop3A_856 = arith.muli %parallel_loop3A_430, %parallel_loop3A_855 : i32
        %parallel_loop3A_857 = arith.constant 14 : i32
        %parallel_loop3A_858 = arith.addi %parallel_loop3A_856, %parallel_loop3A_857 : i32
        %parallel_loop3A_859 = vector.extract_strided_slice %parallel_loop3A_476 {offsets = [14], sizes = [1], strides = [1]} : vector<16xf32> to vector<1xf32>
        %parallel_loop3A_860 = vector.extract %parallel_loop3A_859[0] : f32 from vector<1xf32>
        %parallel_loop3A_861 = vector.broadcast %parallel_loop3A_860 : f32 to vector<16xf32>
        %parallel_loop3A_862 = arith.index_cast %parallel_loop3A_858 : i32 to index
        %parallel_loop3A_863 = arith.constant 0 : index
        %parallel_loop3A_864 = tpu.vector_load %arg25[%parallel_loop3A_862, %parallel_loop3A_863] {strides = array<i32>} : memref<256x32xf32, #tpu.memory_space<vmem>>, vector<1x16xf32>,
        %parallel_loop3A_865 = vector.shape_cast %parallel_loop3A_864 : vector<1x16xf32> to vector<16xf32>
        %parallel_loop3A_866 = arith.mulf %parallel_loop3A_865, %parallel_loop3A_861 : vector<16xf32>
        %parallel_loop3A_867 = arith.index_cast %parallel_loop3A_858 : i32 to index
        %parallel_loop3A_868 = arith.constant 0 : index
        %parallel_loop3A_869 = tpu.vector_load %arg25[%parallel_loop3A_867, %parallel_loop3A_868] {strides = array<i32>} : memref<256x32xf32, #tpu.memory_space<vmem>>, vector<1x16xf32>,
        %parallel_loop3A_870 = vector.shape_cast %parallel_loop3A_869 : vector<1x16xf32> to vector<16xf32>
        %parallel_loop3A_871 = vector.shape_cast %parallel_loop3A_866 : vector<16xf32> to vector<1x16xf32>
        tpu.vector_store %arg25[%parallel_loop3A_867, %parallel_loop3A_868], %parallel_loop3A_871 {strides = array<i32>} : memref<256x32xf32, #tpu.memory_space<vmem>>, vector<1x16xf32>,
        %parallel_loop3A_872 = arith.index_cast %parallel_loop3A_858 : i32 to index
        %parallel_loop3A_873 = arith.constant 16 : index
        %parallel_loop3A_874 = tpu.vector_load %arg25[%parallel_loop3A_872, %parallel_loop3A_873] {strides = array<i32>} : memref<256x32xf32, #tpu.memory_space<vmem>>, vector<1x16xf32>,
        %parallel_loop3A_875 = vector.shape_cast %parallel_loop3A_874 : vector<1x16xf32> to vector<16xf32>
        %parallel_loop3A_876 = arith.mulf %parallel_loop3A_875, %parallel_loop3A_861 : vector<16xf32>
        %parallel_loop3A_877 = arith.index_cast %parallel_loop3A_858 : i32 to index
        %parallel_loop3A_878 = arith.constant 16 : index
        %parallel_loop3A_879 = tpu.vector_load %arg25[%parallel_loop3A_877, %parallel_loop3A_878] {strides = array<i32>} : memref<256x32xf32, #tpu.memory_space<vmem>>, vector<1x16xf32>,
        %parallel_loop3A_880 = vector.shape_cast %parallel_loop3A_879 : vector<1x16xf32> to vector<16xf32>
        %parallel_loop3A_881 = vector.shape_cast %parallel_loop3A_876 : vector<16xf32> to vector<1x16xf32>
        tpu.vector_store %arg25[%parallel_loop3A_877, %parallel_loop3A_878], %parallel_loop3A_881 {strides = array<i32>} : memref<256x32xf32, #tpu.memory_space<vmem>>, vector<1x16xf32>,
        %parallel_loop3A_882 = arith.constant 16 : i32
        %parallel_loop3A_883 = arith.muli %parallel_loop3A_430, %parallel_loop3A_882 : i32
        %parallel_loop3A_884 = arith.constant 15 : i32
        %parallel_loop3A_885 = arith.addi %parallel_loop3A_883, %parallel_loop3A_884 : i32
        %parallel_loop3A_886 = vector.extract_strided_slice %parallel_loop3A_476 {offsets = [15], sizes = [1], strides = [1]} : vector<16xf32> to vector<1xf32>
        %parallel_loop3A_887 = vector.extract %parallel_loop3A_886[0] : f32 from vector<1xf32>
        %parallel_loop3A_888 = vector.broadcast %parallel_loop3A_887 : f32 to vector<16xf32>
        %parallel_loop3A_889 = arith.index_cast %parallel_loop3A_885 : i32 to index
        %parallel_loop3A_890 = arith.constant 0 : index
        %parallel_loop3A_891 = tpu.vector_load %arg25[%parallel_loop3A_889, %parallel_loop3A_890] {strides = array<i32>} : memref<256x32xf32, #tpu.memory_space<vmem>>, vector<1x16xf32>,
        %parallel_loop3A_892 = vector.shape_cast %parallel_loop3A_891 : vector<1x16xf32> to vector<16xf32>
        %parallel_loop3A_893 = arith.mulf %parallel_loop3A_892, %parallel_loop3A_888 : vector<16xf32>
        %parallel_loop3A_894 = arith.index_cast %parallel_loop3A_885 : i32 to index
        %parallel_loop3A_895 = arith.constant 0 : index
        %parallel_loop3A_896 = tpu.vector_load %arg25[%parallel_loop3A_894, %parallel_loop3A_895] {strides = array<i32>} : memref<256x32xf32, #tpu.memory_space<vmem>>, vector<1x16xf32>,
        %parallel_loop3A_897 = vector.shape_cast %parallel_loop3A_896 : vector<1x16xf32> to vector<16xf32>
        %parallel_loop3A_898 = vector.shape_cast %parallel_loop3A_893 : vector<16xf32> to vector<1x16xf32>
        tpu.vector_store %arg25[%parallel_loop3A_894, %parallel_loop3A_895], %parallel_loop3A_898 {strides = array<i32>} : memref<256x32xf32, #tpu.memory_space<vmem>>, vector<1x16xf32>,
        %parallel_loop3A_899 = arith.index_cast %parallel_loop3A_885 : i32 to index
        %parallel_loop3A_900 = arith.constant 16 : index
        %parallel_loop3A_901 = tpu.vector_load %arg25[%parallel_loop3A_899, %parallel_loop3A_900] {strides = array<i32>} : memref<256x32xf32, #tpu.memory_space<vmem>>, vector<1x16xf32>,
        %parallel_loop3A_902 = vector.shape_cast %parallel_loop3A_901 : vector<1x16xf32> to vector<16xf32>
        %parallel_loop3A_903 = arith.mulf %parallel_loop3A_902, %parallel_loop3A_888 : vector<16xf32>
        %parallel_loop3A_904 = arith.index_cast %parallel_loop3A_885 : i32 to index
        %parallel_loop3A_905 = arith.constant 16 : index
        %parallel_loop3A_906 = tpu.vector_load %arg25[%parallel_loop3A_904, %parallel_loop3A_905] {strides = array<i32>} : memref<256x32xf32, #tpu.memory_space<vmem>>, vector<1x16xf32>,
        %parallel_loop3A_907 = vector.shape_cast %parallel_loop3A_906 : vector<1x16xf32> to vector<16xf32>
        %parallel_loop3A_908 = vector.shape_cast %parallel_loop3A_903 : vector<16xf32> to vector<1x16xf32>
        tpu.vector_store %arg25[%parallel_loop3A_904, %parallel_loop3A_905], %parallel_loop3A_908 {strides = array<i32>} : memref<256x32xf32, #tpu.memory_space<vmem>>, vector<1x16xf32>,
      } {sc.loop_unroll_factor = 2 : i64, sc.parallel_access}
      %dma_start3A_195 = arith.constant 0 : i32
      %dma_start3A_196 = arith.constant 0 : i32
      %dma_start3A_197 = arith.constant 0 : i32
      %dma_start3A_198 = tpu.memref_slice %arg25[%dma_start3A_196, %dma_start3A_197] : memref<256x32xf32, #tpu.memory_space<vmem>> -> memref<128x32xf32, #tpu.memory_space<vmem>>
      %dma_start3A_199 = arith.constant 0 : i32
      %dma_start3A_200 = tpu.memref_slice %arg17[%dma_start3A_195, %dma_start3A_199] : memref<2x128xi32, #tpu.memory_space<vmem>> -> memref<1x128xi32, #tpu.memory_space<vmem>>
      %dma_start3A_201 = tpu.memref_squeeze %dma_start3A_200 : memref<1x128xi32, #tpu.memory_space<vmem>> -> memref<128xi32, #tpu.memory_space<vmem>>
      %dma_start3A_202 = arith.constant 0 : i32
      %dma_start3A_203 = arith.constant 0 : i32
      %dma_start3A_204 = tpu.memref_slice %arg28[%dma_start3A_202, %dma_start3A_203] : memref<50176x32xf32, #tpu.memory_space<vmem_shared>> -> memref<50176x32xf32, #tpu.memory_space<vmem_shared>>
      tpu.enqueue_indirect_dma source(%dma_start3A_198 : memref<128x32xf32, #tpu.memory_space<vmem>>) target(%dma_start3A_204 : memref<50176x32xf32, #tpu.memory_space<vmem_shared>>) offsets(%dma_start3A_201 : memref<128xi32, #tpu.memory_space<vmem>>) semaphore(%arg36 : memref<!tpu.dma_semaphore, #tpu.memory_space<semaphore_mem>>) {add = true}
      %dma_start3A_205 = arith.constant 0 : i32
      %dma_start3A_206 = arith.constant 0 : i32
      %dma_start3A_207 = arith.constant 0 : i32
      %dma_start3A_208 = tpu.memref_slice %arg21[%dma_start3A_205, %dma_start3A_207] : memref<2x128xf32, #tpu.memory_space<vmem>> -> memref<1x128xf32, #tpu.memory_space<vmem>>
      %dma_start3A_209 = tpu.memref_squeeze %dma_start3A_208 : memref<1x128xf32, #tpu.memory_space<vmem>> -> memref<128xf32, #tpu.memory_space<vmem>>
      %dma_start3A_210 = arith.constant 0 : i32
      %dma_start3A_211 = tpu.memref_slice %arg17[%dma_start3A_206, %dma_start3A_210] : memref<2x128xi32, #tpu.memory_space<vmem>> -> memref<1x128xi32, #tpu.memory_space<vmem>>
      %dma_start3A_212 = tpu.memref_squeeze %dma_start3A_211 : memref<1x128xi32, #tpu.memory_space<vmem>> -> memref<128xi32, #tpu.memory_space<vmem>>
      %dma_start3A_213 = arith.constant 0 : i32
      %dma_start3A_214 = tpu.memref_slice %arg29[%dma_start3A_213] : memref<50176xf32, #tpu.memory_space<vmem_shared>> -> memref<50176xf32, #tpu.memory_space<vmem_shared>>
      tpu.enqueue_indirect_dma source(%dma_start3A_209 : memref<128xf32, #tpu.memory_space<vmem>>) target(%dma_start3A_214 : memref<50176xf32, #tpu.memory_space<vmem_shared>>) offsets(%dma_start3A_212 : memref<128xi32, #tpu.memory_space<vmem>>) semaphore(%arg36 : memref<!tpu.dma_semaphore, #tpu.memory_space<semaphore_mem>>) {add = true}
      %dma_start3A_215 = arith.constant 1 : i32
      %dma_start3A_216 = arith.constant 128 : i32
      %dma_start3A_217 = arith.constant 0 : i32
      %dma_start3A_218 = tpu.memref_slice %arg25[%dma_start3A_216, %dma_start3A_217] : memref<256x32xf32, #tpu.memory_space<vmem>> -> memref<128x32xf32, #tpu.memory_space<vmem>>
      %dma_start3A_219 = arith.constant 0 : i32
      %dma_start3A_220 = tpu.memref_slice %arg17[%dma_start3A_215, %dma_start3A_219] : memref<2x128xi32, #tpu.memory_space<vmem>> -> memref<1x128xi32, #tpu.memory_space<vmem>>
      %dma_start3A_221 = tpu.memref_squeeze %dma_start3A_220 : memref<1x128xi32, #tpu.memory_space<vmem>> -> memref<128xi32, #tpu.memory_space<vmem>>
      %dma_start3A_222 = arith.constant 0 : i32
      %dma_start3A_223 = arith.constant 0 : i32
      %dma_start3A_224 = tpu.memref_slice %arg28[%dma_start3A_222, %dma_start3A_223] : memref<50176x32xf32, #tpu.memory_space<vmem_shared>> -> memref<50176x32xf32, #tpu.memory_space<vmem_shared>>
      tpu.enqueue_indirect_dma source(%dma_start3A_218 : memref<128x32xf32, #tpu.memory_space<vmem>>) target(%dma_start3A_224 : memref<50176x32xf32, #tpu.memory_space<vmem_shared>>) offsets(%dma_start3A_221 : memref<128xi32, #tpu.memory_space<vmem>>) semaphore(%arg36 : memref<!tpu.dma_semaphore, #tpu.memory_space<semaphore_mem>>) {add = true}
      %dma_start3A_225 = arith.constant 1 : i32
      %dma_start3A_226 = arith.constant 1 : i32
      %dma_start3A_227 = arith.constant 0 : i32
      %dma_start3A_228 = tpu.memref_slice %arg21[%dma_start3A_225, %dma_start3A_227] : memref<2x128xf32, #tpu.memory_space<vmem>> -> memref<1x128xf32, #tpu.memory_space<vmem>>
      %dma_start3A_229 = tpu.memref_squeeze %dma_start3A_228 : memref<1x128xf32, #tpu.memory_space<vmem>> -> memref<128xf32, #tpu.memory_space<vmem>>
      %dma_start3A_230 = arith.constant 0 : i32
      %dma_start3A_231 = tpu.memref_slice %arg17[%dma_start3A_226, %dma_start3A_230] : memref<2x128xi32, #tpu.memory_space<vmem>> -> memref<1x128xi32, #tpu.memory_space<vmem>>
      %dma_start3A_232 = tpu.memref_squeeze %dma_start3A_231 : memref<1x128xi32, #tpu.memory_space<vmem>> -> memref<128xi32, #tpu.memory_space<vmem>>
      %dma_start3A_233 = arith.constant 0 : i32
      %dma_start3A_234 = tpu.memref_slice %arg29[%dma_start3A_233] : memref<50176xf32, #tpu.memory_space<vmem_shared>> -> memref<50176xf32, #tpu.memory_space<vmem_shared>>
      tpu.enqueue_indirect_dma source(%dma_start3A_229 : memref<128xf32, #tpu.memory_space<vmem>>) target(%dma_start3A_234 : memref<50176xf32, #tpu.memory_space<vmem_shared>>) offsets(%dma_start3A_232 : memref<128xi32, #tpu.memory_space<vmem>>) semaphore(%arg36 : memref<!tpu.dma_semaphore, #tpu.memory_space<semaphore_mem>>) {add = true}
      %add3A_235 = arith.constant 1 : i32
      %add3A_236 = arith.addi %add3A_175, %add3A_235 : i32
      %ge3A_237 = arith.constant 2 : i32
      %ge3A_238 = arith.cmpi sge, %add3A_236, %ge3A_237 : i32
      %convert_element_type3A_239 = arith.extui %ge3A_238 : i1 to i32
      %cond3A_240 = arith.constant 0 : i32
      %cond3A_241 = arith.cmpi ne, %convert_element_type3A_239, %cond3A_240 : i32
      scf.if %cond3A_241 {
        %dma_wait3A_430 = arith.constant 0 : i32
        %dma_wait3A_431 = arith.constant 0 : i32
        %dma_wait3A_432 = arith.constant 0 : i32
        %dma_wait3A_433 = tpu.memref_slice %arg25[%dma_wait3A_431, %dma_wait3A_432] : memref<256x32xf32, #tpu.memory_space<vmem>> -> memref<128x32xf32, #tpu.memory_space<vmem>>
        %dma_wait3A_434 = arith.constant 0 : i32
        %dma_wait3A_435 = tpu.memref_slice %arg17[%dma_wait3A_430, %dma_wait3A_434] : memref<2x128xi32, #tpu.memory_space<vmem>> -> memref<1x128xi32, #tpu.memory_space<vmem>>
        %dma_wait3A_436 = tpu.memref_squeeze %dma_wait3A_435 : memref<1x128xi32, #tpu.memory_space<vmem>> -> memref<128xi32, #tpu.memory_space<vmem>>
        %dma_wait3A_437 = arith.constant 0 : i32
        %dma_wait3A_438 = arith.constant 0 : i32
        %dma_wait3A_439 = tpu.memref_slice %arg28[%dma_wait3A_437, %dma_wait3A_438] : memref<50176x32xf32, #tpu.memory_space<vmem_shared>> -> memref<50176x32xf32, #tpu.memory_space<vmem_shared>>
        tpu.wait_indirect_dma semaphore(%arg36 : memref<!tpu.dma_semaphore, #tpu.memory_space<semaphore_mem>>) src(%dma_wait3A_433 : memref<128x32xf32, #tpu.memory_space<vmem>>) dst(%dma_wait3A_439 : memref<50176x32xf32, #tpu.memory_space<vmem_shared>>)
        %dma_wait3A_440 = arith.constant 0 : i32
        %dma_wait3A_441 = arith.constant 0 : i32
        %dma_wait3A_442 = arith.constant 0 : i32
        %dma_wait3A_443 = tpu.memref_slice %arg21[%dma_wait3A_440, %dma_wait3A_442] : memref<2x128xf32, #tpu.memory_space<vmem>> -> memref<1x128xf32, #tpu.memory_space<vmem>>
        %dma_wait3A_444 = tpu.memref_squeeze %dma_wait3A_443 : memref<1x128xf32, #tpu.memory_space<vmem>> -> memref<128xf32, #tpu.memory_space<vmem>>
        %dma_wait3A_445 = arith.constant 0 : i32
        %dma_wait3A_446 = tpu.memref_slice %arg17[%dma_wait3A_441, %dma_wait3A_445] : memref<2x128xi32, #tpu.memory_space<vmem>> -> memref<1x128xi32, #tpu.memory_space<vmem>>
        %dma_wait3A_447 = tpu.memref_squeeze %dma_wait3A_446 : memref<1x128xi32, #tpu.memory_space<vmem>> -> memref<128xi32, #tpu.memory_space<vmem>>
        %dma_wait3A_448 = arith.constant 0 : i32
        %dma_wait3A_449 = tpu.memref_slice %arg29[%dma_wait3A_448] : memref<50176xf32, #tpu.memory_space<vmem_shared>> -> memref<50176xf32, #tpu.memory_space<vmem_shared>>
        tpu.wait_indirect_dma semaphore(%arg36 : memref<!tpu.dma_semaphore, #tpu.memory_space<semaphore_mem>>) src(%dma_wait3A_444 : memref<128xf32, #tpu.memory_space<vmem>>) dst(%dma_wait3A_449 : memref<50176xf32, #tpu.memory_space<vmem_shared>>)
        %dma_wait3A_450 = arith.constant 1 : i32
        %dma_wait3A_451 = arith.constant 128 : i32
        %dma_wait3A_452 = arith.constant 0 : i32
        %dma_wait3A_453 = tpu.memref_slice %arg25[%dma_wait3A_451, %dma_wait3A_452] : memref<256x32xf32, #tpu.memory_space<vmem>> -> memref<128x32xf32, #tpu.memory_space<vmem>>
        %dma_wait3A_454 = arith.constant 0 : i32
        %dma_wait3A_455 = tpu.memref_slice %arg17[%dma_wait3A_450, %dma_wait3A_454] : memref<2x128xi32, #tpu.memory_space<vmem>> -> memref<1x128xi32, #tpu.memory_space<vmem>>
        %dma_wait3A_456 = tpu.memref_squeeze %dma_wait3A_455 : memref<1x128xi32, #tpu.memory_space<vmem>> -> memref<128xi32, #tpu.memory_space<vmem>>
        %dma_wait3A_457 = arith.constant 0 : i32
        %dma_wait3A_458 = arith.constant 0 : i32
        %dma_wait3A_459 = tpu.memref_slice %arg28[%dma_wait3A_457, %dma_wait3A_458] : memref<50176x32xf32, #tpu.memory_space<vmem_shared>> -> memref<50176x32xf32, #tpu.memory_space<vmem_shared>>
        tpu.wait_indirect_dma semaphore(%arg36 : memref<!tpu.dma_semaphore, #tpu.memory_space<semaphore_mem>>) src(%dma_wait3A_453 : memref<128x32xf32, #tpu.memory_space<vmem>>) dst(%dma_wait3A_459 : memref<50176x32xf32, #tpu.memory_space<vmem_shared>>)
        %dma_wait3A_460 = arith.constant 1 : i32
        %dma_wait3A_461 = arith.constant 1 : i32
        %dma_wait3A_462 = arith.constant 0 : i32
        %dma_wait3A_463 = tpu.memref_slice %arg21[%dma_wait3A_460, %dma_wait3A_462] : memref<2x128xf32, #tpu.memory_space<vmem>> -> memref<1x128xf32, #tpu.memory_space<vmem>>
        %dma_wait3A_464 = tpu.memref_squeeze %dma_wait3A_463 : memref<1x128xf32, #tpu.memory_space<vmem>> -> memref<128xf32, #tpu.memory_space<vmem>>
        %dma_wait3A_465 = arith.constant 0 : i32
        %dma_wait3A_466 = tpu.memref_slice %arg17[%dma_wait3A_461, %dma_wait3A_465] : memref<2x128xi32, #tpu.memory_space<vmem>> -> memref<1x128xi32, #tpu.memory_space<vmem>>
        %dma_wait3A_467 = tpu.memref_squeeze %dma_wait3A_466 : memref<1x128xi32, #tpu.memory_space<vmem>> -> memref<128xi32, #tpu.memory_space<vmem>>
        %dma_wait3A_468 = arith.constant 0 : i32
        %dma_wait3A_469 = tpu.memref_slice %arg29[%dma_wait3A_468] : memref<50176xf32, #tpu.memory_space<vmem_shared>> -> memref<50176xf32, #tpu.memory_space<vmem_shared>>
        tpu.wait_indirect_dma semaphore(%arg36 : memref<!tpu.dma_semaphore, #tpu.memory_space<semaphore_mem>>) src(%dma_wait3A_464 : memref<128xf32, #tpu.memory_space<vmem>>) dst(%dma_wait3A_469 : memref<50176xf32, #tpu.memory_space<vmem_shared>>)
      } else {
      }
      %lt3A_242 = arith.constant 196 : i32
      %lt3A_243 = arith.cmpi slt, %add3A_236, %lt3A_242 : i32
      %convert_element_type3A_244 = arith.extui %lt3A_243 : i1 to i32
      %cond3A_245 = arith.constant 0 : i32
      %cond3A_246 = arith.cmpi ne, %convert_element_type3A_244, %cond3A_245 : i32
      scf.if %cond3A_246 {
        %dma_wait3A_430 = arith.constant 0 : i32
        %dma_wait3A_431 = tpu.memref_slice %arg4[%dma_wait3A_430] : memref<1605632xi32, #tpu.memory_space<hbm>> -> memref<256xi32, #tpu.memory_space<hbm>>
        %dma_wait3A_432 = arith.constant 0 : i32
        %dma_wait3A_433 = tpu.memref_slice %arg4[%dma_wait3A_432] : memref<1605632xi32, #tpu.memory_space<hbm>> -> memref<256xi32, #tpu.memory_space<hbm>>
        tpu.wait_dma2 semaphore(%arg32 : memref<!tpu.dma_semaphore, #tpu.memory_space<semaphore_mem>>) src(%dma_wait3A_433 : memref<256xi32, #tpu.memory_space<hbm>>) dst(%arg11 : memref<256xi32, #tpu.memory_space<vmem>>)
        %dma_wait3A_434 = arith.constant 0 : i32
        %dma_wait3A_435 = arith.constant 0 : i32
        %dma_wait3A_436 = tpu.memref_slice %arg5[%dma_wait3A_434, %dma_wait3A_435] : memref<12544x128xf32, #tpu.memory_space<hbm>> -> memref<2x128xf32, #tpu.memory_space<hbm>>
        %dma_wait3A_437 = arith.constant 0 : i32
        %dma_wait3A_438 = arith.constant 0 : i32
        %dma_wait3A_439 = tpu.memref_slice %arg5[%dma_wait3A_437, %dma_wait3A_438] : memref<12544x128xf32, #tpu.memory_space<hbm>> -> memref<2x128xf32, #tpu.memory_space<hbm>>
        tpu.wait_dma2 semaphore(%arg32 : memref<!tpu.dma_semaphore, #tpu.memory_space<semaphore_mem>>) src(%dma_wait3A_439 : memref<2x128xf32, #tpu.memory_space<hbm>>) dst(%arg15 : memref<2x128xf32, #tpu.memory_space<vmem>>)
        %dma_wait3A_440 = arith.constant 0 : i32
        %dma_wait3A_441 = arith.constant 0 : i32
        %dma_wait3A_442 = tpu.memref_slice %arg3[%dma_wait3A_440, %dma_wait3A_441] : memref<12544x128xi32, #tpu.memory_space<hbm>> -> memref<2x128xi32, #tpu.memory_space<hbm>>
        %dma_wait3A_443 = arith.constant 0 : i32
        %dma_wait3A_444 = arith.constant 0 : i32
        %dma_wait3A_445 = tpu.memref_slice %arg3[%dma_wait3A_443, %dma_wait3A_444] : memref<12544x128xi32, #tpu.memory_space<hbm>> -> memref<2x128xi32, #tpu.memory_space<hbm>>
        tpu.wait_dma2 semaphore(%arg32 : memref<!tpu.dma_semaphore, #tpu.memory_space<semaphore_mem>>) src(%dma_wait3A_445 : memref<2x128xi32, #tpu.memory_space<hbm>>) dst(%arg19 : memref<2x128xi32, #tpu.memory_space<vmem>>)
        %dma_wait3A_446 = arith.constant 0 : i32
        %dma_wait3A_447 = arith.constant 0 : i32
        %dma_wait3A_448 = tpu.memref_slice %arg6[%dma_wait3A_446, %dma_wait3A_447] : memref<12544x128xf32, #tpu.memory_space<hbm>> -> memref<2x128xf32, #tpu.memory_space<hbm>>
        %dma_wait3A_449 = arith.constant 0 : i32
        %dma_wait3A_450 = arith.constant 0 : i32
        %dma_wait3A_451 = tpu.memref_slice %arg6[%dma_wait3A_449, %dma_wait3A_450] : memref<12544x128xf32, #tpu.memory_space<hbm>> -> memref<2x128xf32, #tpu.memory_space<hbm>>
        tpu.wait_dma2 semaphore(%arg32 : memref<!tpu.dma_semaphore, #tpu.memory_space<semaphore_mem>>) src(%dma_wait3A_451 : memref<2x128xf32, #tpu.memory_space<hbm>>) dst(%arg23 : memref<2x128xf32, #tpu.memory_space<vmem>>)
        %dma_start3A_452 = arith.constant 0 : i32
        %dma_start3A_453 = arith.constant 0 : i32
        %dma_start3A_454 = tpu.memref_slice %arg2[%dma_start3A_452, %dma_start3A_453] : memref<50176x32xf32, #tpu.memory_space<hbm>> -> memref<50176x32xf32, #tpu.memory_space<hbm>>
        tpu.enqueue_indirect_dma source(%dma_start3A_454 : memref<50176x32xf32, #tpu.memory_space<hbm>>) target(%arg25 : memref<256x32xf32, #tpu.memory_space<vmem>>) offsets(%arg11 : memref<256xi32, #tpu.memory_space<vmem>>) semaphore(%arg34 : memref<!tpu.dma_semaphore, #tpu.memory_space<semaphore_mem>>)
      } else {
      }
      %add3A_247 = arith.constant 1 : i32
      %add3A_248 = arith.addi %add3A_236, %add3A_247 : i32
      %lt3A_249 = arith.constant 196 : i32
      %lt3A_250 = arith.cmpi slt, %add3A_248, %lt3A_249 : i32
      %convert_element_type3A_251 = arith.extui %lt3A_250 : i1 to i32
      %cond3A_252 = arith.constant 0 : i32
      %cond3A_253 = arith.cmpi ne, %convert_element_type3A_251, %cond3A_252 : i32
      scf.if %cond3A_253 {
        %add3A_430 = arith.constant 1 : i32
        %add3A_431 = arith.addi %add3A_236, %add3A_430 : i32
        %mul3A_432 = arith.constant 50176 : i32
        %mul3A_433 = arith.muli %add3A, %mul3A_432 : i32
        %mul3A_434 = arith.constant 256 : i32
        %mul3A_435 = arith.muli %add3A_431, %mul3A_434 : i32
        %add3A_436 = arith.addi %mul3A_433, %mul3A_435 : i32
        %multiple_of3A_437 = tpu.assume_multiple %add3A_436, 256 : i32
        %mul3A_438 = arith.constant 392 : i32
        %mul3A_439 = arith.muli %add3A, %mul3A_438 : i32
        %mul3A_440 = arith.constant 2 : i32
        %mul3A_441 = arith.muli %add3A_431, %mul3A_440 : i32
        %add3A_442 = arith.addi %mul3A_439, %mul3A_441 : i32
        %multiple_of3A_443 = tpu.assume_multiple %add3A_442, 2 : i32
        %dma_start3A_444 = tpu.memref_slice %arg4[%multiple_of3A_437] : memref<1605632xi32, #tpu.memory_space<hbm>> -> memref<256xi32, #tpu.memory_space<hbm>>
        %dma_start3A_445 = tpu.memref_slice %arg4[%multiple_of3A_437] : memref<1605632xi32, #tpu.memory_space<hbm>> -> memref<256xi32, #tpu.memory_space<hbm>>
        tpu.enqueue_dma source(%dma_start3A_445 : memref<256xi32, #tpu.memory_space<hbm>>) target(%arg12 : memref<256xi32, #tpu.memory_space<vmem>>) target_semaphore(%arg33 : memref<!tpu.dma_semaphore, #tpu.memory_space<semaphore_mem>>)
        %dma_start3A_446 = arith.constant 0 : i32
        %dma_start3A_447 = tpu.memref_slice %arg5[%multiple_of3A_443, %dma_start3A_446] : memref<12544x128xf32, #tpu.memory_space<hbm>> -> memref<2x128xf32, #tpu.memory_space<hbm>>
        %dma_start3A_448 = arith.constant 0 : i32
        %dma_start3A_449 = tpu.memref_slice %arg5[%multiple_of3A_443, %dma_start3A_448] : memref<12544x128xf32, #tpu.memory_space<hbm>> -> memref<2x128xf32, #tpu.memory_space<hbm>>
        tpu.enqueue_dma source(%dma_start3A_449 : memref<2x128xf32, #tpu.memory_space<hbm>>) target(%arg16 : memref<2x128xf32, #tpu.memory_space<vmem>>) target_semaphore(%arg33 : memref<!tpu.dma_semaphore, #tpu.memory_space<semaphore_mem>>)
        %dma_start3A_450 = arith.constant 0 : i32
        %dma_start3A_451 = tpu.memref_slice %arg3[%multiple_of3A_443, %dma_start3A_450] : memref<12544x128xi32, #tpu.memory_space<hbm>> -> memref<2x128xi32, #tpu.memory_space<hbm>>
        %dma_start3A_452 = arith.constant 0 : i32
        %dma_start3A_453 = tpu.memref_slice %arg3[%multiple_of3A_443, %dma_start3A_452] : memref<12544x128xi32, #tpu.memory_space<hbm>> -> memref<2x128xi32, #tpu.memory_space<hbm>>
        tpu.enqueue_dma source(%dma_start3A_453 : memref<2x128xi32, #tpu.memory_space<hbm>>) target(%arg20 : memref<2x128xi32, #tpu.memory_space<vmem>>) target_semaphore(%arg33 : memref<!tpu.dma_semaphore, #tpu.memory_space<semaphore_mem>>)
        %dma_start3A_454 = arith.constant 0 : i32
        %dma_start3A_455 = tpu.memref_slice %arg6[%multiple_of3A_443, %dma_start3A_454] : memref<12544x128xf32, #tpu.memory_space<hbm>> -> memref<2x128xf32, #tpu.memory_space<hbm>>
        %dma_start3A_456 = arith.constant 0 : i32
        %dma_start3A_457 = tpu.memref_slice %arg6[%multiple_of3A_443, %dma_start3A_456] : memref<12544x128xf32, #tpu.memory_space<hbm>> -> memref<2x128xf32, #tpu.memory_space<hbm>>
        tpu.enqueue_dma source(%dma_start3A_457 : memref<2x128xf32, #tpu.memory_space<hbm>>) target(%arg24 : memref<2x128xf32, #tpu.memory_space<vmem>>) target_semaphore(%arg33 : memref<!tpu.dma_semaphore, #tpu.memory_space<semaphore_mem>>)
      } else {
      }
      %dma_wait3A_254 = arith.constant 0 : i32
      %dma_wait3A_255 = arith.constant 0 : i32
      %dma_wait3A_256 = tpu.memref_slice %arg2[%dma_wait3A_254, %dma_wait3A_255] : memref<50176x32xf32, #tpu.memory_space<hbm>> -> memref<50176x32xf32, #tpu.memory_space<hbm>>
      tpu.wait_indirect_dma semaphore(%arg35 : memref<!tpu.dma_semaphore, #tpu.memory_space<semaphore_mem>>) src(%dma_wait3A_256 : memref<50176x32xf32, #tpu.memory_space<hbm>>) dst(%arg26 : memref<256x32xf32, #tpu.memory_space<vmem>>)
      %parallel_loop3A_257 = arith.constant 0 : i32
      %parallel_loop3A_258 = arith.constant 16 : i32
      %parallel_loop3A_259 = arith.constant 1 : i32
      scf.for %parallel_loop3A_430 = %parallel_loop3A_257 to %parallel_loop3A_258 step %parallel_loop3A_259  : i32 {
        %parallel_loop3A_431 = arith.constant 8 : i32
        %parallel_loop3A_432 = arith.divsi %parallel_loop3A_430, %parallel_loop3A_431 : i32
        %parallel_loop3A_433 = arith.constant 0 : i32
        %parallel_loop3A_434 = arith.cmpi sgt, %parallel_loop3A_430, %parallel_loop3A_433 : i32
        %parallel_loop3A_435 = arith.extui %parallel_loop3A_434 : i1 to i32
        %parallel_loop3A_436 = arith.constant 0 : i32
        %parallel_loop3A_437 = arith.cmpi slt, %parallel_loop3A_430, %parallel_loop3A_436 : i32
        %parallel_loop3A_438 = arith.extui %parallel_loop3A_437 : i1 to i32
        %parallel_loop3A_439 = arith.subi %parallel_loop3A_435, %parallel_loop3A_438 : i32
        %parallel_loop3A_440 = arith.constant 0 : i32
        %parallel_loop3A_441 = arith.cmpi sgt, %parallel_loop3A_431, %parallel_loop3A_440 : i32
        %parallel_loop3A_442 = arith.extui %parallel_loop3A_441 : i1 to i32
        %parallel_loop3A_443 = arith.constant 0 : i32
        %parallel_loop3A_444 = arith.cmpi slt, %parallel_loop3A_431, %parallel_loop3A_443 : i32
        %parallel_loop3A_445 = arith.extui %parallel_loop3A_444 : i1 to i32
        %parallel_loop3A_446 = arith.subi %parallel_loop3A_442, %parallel_loop3A_445 : i32
        %parallel_loop3A_447 = arith.cmpi ne, %parallel_loop3A_439, %parallel_loop3A_446 : i32
        %parallel_loop3A_448 = arith.remsi %parallel_loop3A_430, %parallel_loop3A_431 : i32
        %parallel_loop3A_449 = arith.constant 0 : i32
        %parallel_loop3A_450 = arith.cmpi ne, %parallel_loop3A_448, %parallel_loop3A_449 : i32
        %parallel_loop3A_451 = arith.andi %parallel_loop3A_447, %parallel_loop3A_450 : i1
        %parallel_loop3A_452 = arith.constant 1 : i32
        %parallel_loop3A_453 = arith.subi %parallel_loop3A_432, %parallel_loop3A_452 : i32
        %parallel_loop3A_454 = arith.select %parallel_loop3A_451, %parallel_loop3A_453, %parallel_loop3A_432 : i32
        %parallel_loop3A_455 = arith.constant 8 : i32
        %parallel_loop3A_456 = arith.constant 0 : i32
        %parallel_loop3A_457 = arith.cmpi eq, %parallel_loop3A_455, %parallel_loop3A_456 : i32
        %parallel_loop3A_458 = arith.constant 1 : i32
        %parallel_loop3A_459 = arith.select %parallel_loop3A_457, %parallel_loop3A_458, %parallel_loop3A_455 : i32
        %parallel_loop3A_460 = arith.remsi %parallel_loop3A_430, %parallel_loop3A_459 : i32
        %parallel_loop3A_461 = arith.constant 0 : i32
        %parallel_loop3A_462 = arith.cmpi ne, %parallel_loop3A_460, %parallel_loop3A_461 : i32
        %parallel_loop3A_463 = arith.constant 0 : i32
        %parallel_loop3A_464 = arith.cmpi slt, %parallel_loop3A_460, %parallel_loop3A_463 : i32
        %parallel_loop3A_465 = arith.constant 0 : i32
        %parallel_loop3A_466 = arith.cmpi slt, %parallel_loop3A_459, %parallel_loop3A_465 : i32
        %parallel_loop3A_467 = arith.xori %parallel_loop3A_464, %parallel_loop3A_466 : i1
        %parallel_loop3A_468 = arith.andi %parallel_loop3A_467, %parallel_loop3A_462 : i1
        %parallel_loop3A_469 = arith.addi %parallel_loop3A_460, %parallel_loop3A_459 : i32
        %parallel_loop3A_470 = arith.select %parallel_loop3A_468, %parallel_loop3A_469, %parallel_loop3A_460 : i32
        %parallel_loop3A_471 = arith.constant 16 : i32
        %parallel_loop3A_472 = arith.muli %parallel_loop3A_470, %parallel_loop3A_471 : i32
        %parallel_loop3A_473 = arith.index_cast %parallel_loop3A_454 : i32 to index
        %parallel_loop3A_474 = arith.index_cast %parallel_loop3A_472 : i32 to index
        %parallel_loop3A_475 = tpu.vector_load %arg14[%parallel_loop3A_473, %parallel_loop3A_474] {strides = array<i32>} : memref<2x128xf32, #tpu.memory_space<vmem>>, vector<1x16xf32>,
        %parallel_loop3A_476 = vector.shape_cast %parallel_loop3A_475 : vector<1x16xf32> to vector<16xf32>
        %parallel_loop3A_477 = arith.constant 16 : i32
        %parallel_loop3A_478 = arith.muli %parallel_loop3A_430, %parallel_loop3A_477 : i32
        %parallel_loop3A_479 = arith.constant 0 : i32
        %parallel_loop3A_480 = arith.addi %parallel_loop3A_478, %parallel_loop3A_479 : i32
        %parallel_loop3A_481 = vector.extract_strided_slice %parallel_loop3A_476 {offsets = [0], sizes = [1], strides = [1]} : vector<16xf32> to vector<1xf32>
        %parallel_loop3A_482 = vector.extract %parallel_loop3A_481[0] : f32 from vector<1xf32>
        %parallel_loop3A_483 = vector.broadcast %parallel_loop3A_482 : f32 to vector<16xf32>
        %parallel_loop3A_484 = arith.index_cast %parallel_loop3A_480 : i32 to index
        %parallel_loop3A_485 = arith.constant 0 : index
        %parallel_loop3A_486 = tpu.vector_load %arg26[%parallel_loop3A_484, %parallel_loop3A_485] {strides = array<i32>} : memref<256x32xf32, #tpu.memory_space<vmem>>, vector<1x16xf32>,
        %parallel_loop3A_487 = vector.shape_cast %parallel_loop3A_486 : vector<1x16xf32> to vector<16xf32>
        %parallel_loop3A_488 = arith.mulf %parallel_loop3A_487, %parallel_loop3A_483 : vector<16xf32>
        %parallel_loop3A_489 = arith.index_cast %parallel_loop3A_480 : i32 to index
        %parallel_loop3A_490 = arith.constant 0 : index
        %parallel_loop3A_491 = tpu.vector_load %arg26[%parallel_loop3A_489, %parallel_loop3A_490] {strides = array<i32>} : memref<256x32xf32, #tpu.memory_space<vmem>>, vector<1x16xf32>,
        %parallel_loop3A_492 = vector.shape_cast %parallel_loop3A_491 : vector<1x16xf32> to vector<16xf32>
        %parallel_loop3A_493 = vector.shape_cast %parallel_loop3A_488 : vector<16xf32> to vector<1x16xf32>
        tpu.vector_store %arg26[%parallel_loop3A_489, %parallel_loop3A_490], %parallel_loop3A_493 {strides = array<i32>} : memref<256x32xf32, #tpu.memory_space<vmem>>, vector<1x16xf32>,
        %parallel_loop3A_494 = arith.index_cast %parallel_loop3A_480 : i32 to index
        %parallel_loop3A_495 = arith.constant 16 : index
        %parallel_loop3A_496 = tpu.vector_load %arg26[%parallel_loop3A_494, %parallel_loop3A_495] {strides = array<i32>} : memref<256x32xf32, #tpu.memory_space<vmem>>, vector<1x16xf32>,
        %parallel_loop3A_497 = vector.shape_cast %parallel_loop3A_496 : vector<1x16xf32> to vector<16xf32>
        %parallel_loop3A_498 = arith.mulf %parallel_loop3A_497, %parallel_loop3A_483 : vector<16xf32>
        %parallel_loop3A_499 = arith.index_cast %parallel_loop3A_480 : i32 to index
        %parallel_loop3A_500 = arith.constant 16 : index
        %parallel_loop3A_501 = tpu.vector_load %arg26[%parallel_loop3A_499, %parallel_loop3A_500] {strides = array<i32>} : memref<256x32xf32, #tpu.memory_space<vmem>>, vector<1x16xf32>,
        %parallel_loop3A_502 = vector.shape_cast %parallel_loop3A_501 : vector<1x16xf32> to vector<16xf32>
        %parallel_loop3A_503 = vector.shape_cast %parallel_loop3A_498 : vector<16xf32> to vector<1x16xf32>
        tpu.vector_store %arg26[%parallel_loop3A_499, %parallel_loop3A_500], %parallel_loop3A_503 {strides = array<i32>} : memref<256x32xf32, #tpu.memory_space<vmem>>, vector<1x16xf32>,
        %parallel_loop3A_504 = arith.constant 16 : i32
        %parallel_loop3A_505 = arith.muli %parallel_loop3A_430, %parallel_loop3A_504 : i32
        %parallel_loop3A_506 = arith.constant 1 : i32
        %parallel_loop3A_507 = arith.addi %parallel_loop3A_505, %parallel_loop3A_506 : i32
        %parallel_loop3A_508 = vector.extract_strided_slice %parallel_loop3A_476 {offsets = [1], sizes = [1], strides = [1]} : vector<16xf32> to vector<1xf32>
        %parallel_loop3A_509 = vector.extract %parallel_loop3A_508[0] : f32 from vector<1xf32>
        %parallel_loop3A_510 = vector.broadcast %parallel_loop3A_509 : f32 to vector<16xf32>
        %parallel_loop3A_511 = arith.index_cast %parallel_loop3A_507 : i32 to index
        %parallel_loop3A_512 = arith.constant 0 : index
        %parallel_loop3A_513 = tpu.vector_load %arg26[%parallel_loop3A_511, %parallel_loop3A_512] {strides = array<i32>} : memref<256x32xf32, #tpu.memory_space<vmem>>, vector<1x16xf32>,
        %parallel_loop3A_514 = vector.shape_cast %parallel_loop3A_513 : vector<1x16xf32> to vector<16xf32>
        %parallel_loop3A_515 = arith.mulf %parallel_loop3A_514, %parallel_loop3A_510 : vector<16xf32>
        %parallel_loop3A_516 = arith.index_cast %parallel_loop3A_507 : i32 to index
        %parallel_loop3A_517 = arith.constant 0 : index
        %parallel_loop3A_518 = tpu.vector_load %arg26[%parallel_loop3A_516, %parallel_loop3A_517] {strides = array<i32>} : memref<256x32xf32, #tpu.memory_space<vmem>>, vector<1x16xf32>,
        %parallel_loop3A_519 = vector.shape_cast %parallel_loop3A_518 : vector<1x16xf32> to vector<16xf32>
        %parallel_loop3A_520 = vector.shape_cast %parallel_loop3A_515 : vector<16xf32> to vector<1x16xf32>
        tpu.vector_store %arg26[%parallel_loop3A_516, %parallel_loop3A_517], %parallel_loop3A_520 {strides = array<i32>} : memref<256x32xf32, #tpu.memory_space<vmem>>, vector<1x16xf32>,
        %parallel_loop3A_521 = arith.index_cast %parallel_loop3A_507 : i32 to index
        %parallel_loop3A_522 = arith.constant 16 : index
        %parallel_loop3A_523 = tpu.vector_load %arg26[%parallel_loop3A_521, %parallel_loop3A_522] {strides = array<i32>} : memref<256x32xf32, #tpu.memory_space<vmem>>, vector<1x16xf32>,
        %parallel_loop3A_524 = vector.shape_cast %parallel_loop3A_523 : vector<1x16xf32> to vector<16xf32>
        %parallel_loop3A_525 = arith.mulf %parallel_loop3A_524, %parallel_loop3A_510 : vector<16xf32>
        %parallel_loop3A_526 = arith.index_cast %parallel_loop3A_507 : i32 to index
        %parallel_loop3A_527 = arith.constant 16 : index
        %parallel_loop3A_528 = tpu.vector_load %arg26[%parallel_loop3A_526, %parallel_loop3A_527] {strides = array<i32>} : memref<256x32xf32, #tpu.memory_space<vmem>>, vector<1x16xf32>,
        %parallel_loop3A_529 = vector.shape_cast %parallel_loop3A_528 : vector<1x16xf32> to vector<16xf32>
        %parallel_loop3A_530 = vector.shape_cast %parallel_loop3A_525 : vector<16xf32> to vector<1x16xf32>
        tpu.vector_store %arg26[%parallel_loop3A_526, %parallel_loop3A_527], %parallel_loop3A_530 {strides = array<i32>} : memref<256x32xf32, #tpu.memory_space<vmem>>, vector<1x16xf32>,
        %parallel_loop3A_531 = arith.constant 16 : i32
        %parallel_loop3A_532 = arith.muli %parallel_loop3A_430, %parallel_loop3A_531 : i32
        %parallel_loop3A_533 = arith.constant 2 : i32
        %parallel_loop3A_534 = arith.addi %parallel_loop3A_532, %parallel_loop3A_533 : i32
        %parallel_loop3A_535 = vector.extract_strided_slice %parallel_loop3A_476 {offsets = [2], sizes = [1], strides = [1]} : vector<16xf32> to vector<1xf32>
        %parallel_loop3A_536 = vector.extract %parallel_loop3A_535[0] : f32 from vector<1xf32>
        %parallel_loop3A_537 = vector.broadcast %parallel_loop3A_536 : f32 to vector<16xf32>
        %parallel_loop3A_538 = arith.index_cast %parallel_loop3A_534 : i32 to index
        %parallel_loop3A_539 = arith.constant 0 : index
        %parallel_loop3A_540 = tpu.vector_load %arg26[%parallel_loop3A_538, %parallel_loop3A_539] {strides = array<i32>} : memref<256x32xf32, #tpu.memory_space<vmem>>, vector<1x16xf32>,
        %parallel_loop3A_541 = vector.shape_cast %parallel_loop3A_540 : vector<1x16xf32> to vector<16xf32>
        %parallel_loop3A_542 = arith.mulf %parallel_loop3A_541, %parallel_loop3A_537 : vector<16xf32>
        %parallel_loop3A_543 = arith.index_cast %parallel_loop3A_534 : i32 to index
        %parallel_loop3A_544 = arith.constant 0 : index
        %parallel_loop3A_545 = tpu.vector_load %arg26[%parallel_loop3A_543, %parallel_loop3A_544] {strides = array<i32>} : memref<256x32xf32, #tpu.memory_space<vmem>>, vector<1x16xf32>,
        %parallel_loop3A_546 = vector.shape_cast %parallel_loop3A_545 : vector<1x16xf32> to vector<16xf32>
        %parallel_loop3A_547 = vector.shape_cast %parallel_loop3A_542 : vector<16xf32> to vector<1x16xf32>
        tpu.vector_store %arg26[%parallel_loop3A_543, %parallel_loop3A_544], %parallel_loop3A_547 {strides = array<i32>} : memref<256x32xf32, #tpu.memory_space<vmem>>, vector<1x16xf32>,
        %parallel_loop3A_548 = arith.index_cast %parallel_loop3A_534 : i32 to index
        %parallel_loop3A_549 = arith.constant 16 : index
        %parallel_loop3A_550 = tpu.vector_load %arg26[%parallel_loop3A_548, %parallel_loop3A_549] {strides = array<i32>} : memref<256x32xf32, #tpu.memory_space<vmem>>, vector<1x16xf32>,
        %parallel_loop3A_551 = vector.shape_cast %parallel_loop3A_550 : vector<1x16xf32> to vector<16xf32>
        %parallel_loop3A_552 = arith.mulf %parallel_loop3A_551, %parallel_loop3A_537 : vector<16xf32>
        %parallel_loop3A_553 = arith.index_cast %parallel_loop3A_534 : i32 to index
        %parallel_loop3A_554 = arith.constant 16 : index
        %parallel_loop3A_555 = tpu.vector_load %arg26[%parallel_loop3A_553, %parallel_loop3A_554] {strides = array<i32>} : memref<256x32xf32, #tpu.memory_space<vmem>>, vector<1x16xf32>,
        %parallel_loop3A_556 = vector.shape_cast %parallel_loop3A_555 : vector<1x16xf32> to vector<16xf32>
        %parallel_loop3A_557 = vector.shape_cast %parallel_loop3A_552 : vector<16xf32> to vector<1x16xf32>
        tpu.vector_store %arg26[%parallel_loop3A_553, %parallel_loop3A_554], %parallel_loop3A_557 {strides = array<i32>} : memref<256x32xf32, #tpu.memory_space<vmem>>, vector<1x16xf32>,
        %parallel_loop3A_558 = arith.constant 16 : i32
        %parallel_loop3A_559 = arith.muli %parallel_loop3A_430, %parallel_loop3A_558 : i32
        %parallel_loop3A_560 = arith.constant 3 : i32
        %parallel_loop3A_561 = arith.addi %parallel_loop3A_559, %parallel_loop3A_560 : i32
        %parallel_loop3A_562 = vector.extract_strided_slice %parallel_loop3A_476 {offsets = [3], sizes = [1], strides = [1]} : vector<16xf32> to vector<1xf32>
        %parallel_loop3A_563 = vector.extract %parallel_loop3A_562[0] : f32 from vector<1xf32>
        %parallel_loop3A_564 = vector.broadcast %parallel_loop3A_563 : f32 to vector<16xf32>
        %parallel_loop3A_565 = arith.index_cast %parallel_loop3A_561 : i32 to index
        %parallel_loop3A_566 = arith.constant 0 : index
        %parallel_loop3A_567 = tpu.vector_load %arg26[%parallel_loop3A_565, %parallel_loop3A_566] {strides = array<i32>} : memref<256x32xf32, #tpu.memory_space<vmem>>, vector<1x16xf32>,
        %parallel_loop3A_568 = vector.shape_cast %parallel_loop3A_567 : vector<1x16xf32> to vector<16xf32>
        %parallel_loop3A_569 = arith.mulf %parallel_loop3A_568, %parallel_loop3A_564 : vector<16xf32>
        %parallel_loop3A_570 = arith.index_cast %parallel_loop3A_561 : i32 to index
        %parallel_loop3A_571 = arith.constant 0 : index
        %parallel_loop3A_572 = tpu.vector_load %arg26[%parallel_loop3A_570, %parallel_loop3A_571] {strides = array<i32>} : memref<256x32xf32, #tpu.memory_space<vmem>>, vector<1x16xf32>,
        %parallel_loop3A_573 = vector.shape_cast %parallel_loop3A_572 : vector<1x16xf32> to vector<16xf32>
        %parallel_loop3A_574 = vector.shape_cast %parallel_loop3A_569 : vector<16xf32> to vector<1x16xf32>
        tpu.vector_store %arg26[%parallel_loop3A_570, %parallel_loop3A_571], %parallel_loop3A_574 {strides = array<i32>} : memref<256x32xf32, #tpu.memory_space<vmem>>, vector<1x16xf32>,
        %parallel_loop3A_575 = arith.index_cast %parallel_loop3A_561 : i32 to index
        %parallel_loop3A_576 = arith.constant 16 : index
        %parallel_loop3A_577 = tpu.vector_load %arg26[%parallel_loop3A_575, %parallel_loop3A_576] {strides = array<i32>} : memref<256x32xf32, #tpu.memory_space<vmem>>, vector<1x16xf32>,
        %parallel_loop3A_578 = vector.shape_cast %parallel_loop3A_577 : vector<1x16xf32> to vector<16xf32>
        %parallel_loop3A_579 = arith.mulf %parallel_loop3A_578, %parallel_loop3A_564 : vector<16xf32>
        %parallel_loop3A_580 = arith.index_cast %parallel_loop3A_561 : i32 to index
        %parallel_loop3A_581 = arith.constant 16 : index
        %parallel_loop3A_582 = tpu.vector_load %arg26[%parallel_loop3A_580, %parallel_loop3A_581] {strides = array<i32>} : memref<256x32xf32, #tpu.memory_space<vmem>>, vector<1x16xf32>,
        %parallel_loop3A_583 = vector.shape_cast %parallel_loop3A_582 : vector<1x16xf32> to vector<16xf32>
        %parallel_loop3A_584 = vector.shape_cast %parallel_loop3A_579 : vector<16xf32> to vector<1x16xf32>
        tpu.vector_store %arg26[%parallel_loop3A_580, %parallel_loop3A_581], %parallel_loop3A_584 {strides = array<i32>} : memref<256x32xf32, #tpu.memory_space<vmem>>, vector<1x16xf32>,
        %parallel_loop3A_585 = arith.constant 16 : i32
        %parallel_loop3A_586 = arith.muli %parallel_loop3A_430, %parallel_loop3A_585 : i32
        %parallel_loop3A_587 = arith.constant 4 : i32
        %parallel_loop3A_588 = arith.addi %parallel_loop3A_586, %parallel_loop3A_587 : i32
        %parallel_loop3A_589 = vector.extract_strided_slice %parallel_loop3A_476 {offsets = [4], sizes = [1], strides = [1]} : vector<16xf32> to vector<1xf32>
        %parallel_loop3A_590 = vector.extract %parallel_loop3A_589[0] : f32 from vector<1xf32>
        %parallel_loop3A_591 = vector.broadcast %parallel_loop3A_590 : f32 to vector<16xf32>
        %parallel_loop3A_592 = arith.index_cast %parallel_loop3A_588 : i32 to index
        %parallel_loop3A_593 = arith.constant 0 : index
        %parallel_loop3A_594 = tpu.vector_load %arg26[%parallel_loop3A_592, %parallel_loop3A_593] {strides = array<i32>} : memref<256x32xf32, #tpu.memory_space<vmem>>, vector<1x16xf32>,
        %parallel_loop3A_595 = vector.shape_cast %parallel_loop3A_594 : vector<1x16xf32> to vector<16xf32>
        %parallel_loop3A_596 = arith.mulf %parallel_loop3A_595, %parallel_loop3A_591 : vector<16xf32>
        %parallel_loop3A_597 = arith.index_cast %parallel_loop3A_588 : i32 to index
        %parallel_loop3A_598 = arith.constant 0 : index
        %parallel_loop3A_599 = tpu.vector_load %arg26[%parallel_loop3A_597, %parallel_loop3A_598] {strides = array<i32>} : memref<256x32xf32, #tpu.memory_space<vmem>>, vector<1x16xf32>,
        %parallel_loop3A_600 = vector.shape_cast %parallel_loop3A_599 : vector<1x16xf32> to vector<16xf32>
        %parallel_loop3A_601 = vector.shape_cast %parallel_loop3A_596 : vector<16xf32> to vector<1x16xf32>
        tpu.vector_store %arg26[%parallel_loop3A_597, %parallel_loop3A_598], %parallel_loop3A_601 {strides = array<i32>} : memref<256x32xf32, #tpu.memory_space<vmem>>, vector<1x16xf32>,
        %parallel_loop3A_602 = arith.index_cast %parallel_loop3A_588 : i32 to index
        %parallel_loop3A_603 = arith.constant 16 : index
        %parallel_loop3A_604 = tpu.vector_load %arg26[%parallel_loop3A_602, %parallel_loop3A_603] {strides = array<i32>} : memref<256x32xf32, #tpu.memory_space<vmem>>, vector<1x16xf32>,
        %parallel_loop3A_605 = vector.shape_cast %parallel_loop3A_604 : vector<1x16xf32> to vector<16xf32>
        %parallel_loop3A_606 = arith.mulf %parallel_loop3A_605, %parallel_loop3A_591 : vector<16xf32>
        %parallel_loop3A_607 = arith.index_cast %parallel_loop3A_588 : i32 to index
        %parallel_loop3A_608 = arith.constant 16 : index
        %parallel_loop3A_609 = tpu.vector_load %arg26[%parallel_loop3A_607, %parallel_loop3A_608] {strides = array<i32>} : memref<256x32xf32, #tpu.memory_space<vmem>>, vector<1x16xf32>,
        %parallel_loop3A_610 = vector.shape_cast %parallel_loop3A_609 : vector<1x16xf32> to vector<16xf32>
        %parallel_loop3A_611 = vector.shape_cast %parallel_loop3A_606 : vector<16xf32> to vector<1x16xf32>
        tpu.vector_store %arg26[%parallel_loop3A_607, %parallel_loop3A_608], %parallel_loop3A_611 {strides = array<i32>} : memref<256x32xf32, #tpu.memory_space<vmem>>, vector<1x16xf32>,
        %parallel_loop3A_612 = arith.constant 16 : i32
        %parallel_loop3A_613 = arith.muli %parallel_loop3A_430, %parallel_loop3A_612 : i32
        %parallel_loop3A_614 = arith.constant 5 : i32
        %parallel_loop3A_615 = arith.addi %parallel_loop3A_613, %parallel_loop3A_614 : i32
        %parallel_loop3A_616 = vector.extract_strided_slice %parallel_loop3A_476 {offsets = [5], sizes = [1], strides = [1]} : vector<16xf32> to vector<1xf32>
        %parallel_loop3A_617 = vector.extract %parallel_loop3A_616[0] : f32 from vector<1xf32>
        %parallel_loop3A_618 = vector.broadcast %parallel_loop3A_617 : f32 to vector<16xf32>
        %parallel_loop3A_619 = arith.index_cast %parallel_loop3A_615 : i32 to index
        %parallel_loop3A_620 = arith.constant 0 : index
        %parallel_loop3A_621 = tpu.vector_load %arg26[%parallel_loop3A_619, %parallel_loop3A_620] {strides = array<i32>} : memref<256x32xf32, #tpu.memory_space<vmem>>, vector<1x16xf32>,
        %parallel_loop3A_622 = vector.shape_cast %parallel_loop3A_621 : vector<1x16xf32> to vector<16xf32>
        %parallel_loop3A_623 = arith.mulf %parallel_loop3A_622, %parallel_loop3A_618 : vector<16xf32>
        %parallel_loop3A_624 = arith.index_cast %parallel_loop3A_615 : i32 to index
        %parallel_loop3A_625 = arith.constant 0 : index
        %parallel_loop3A_626 = tpu.vector_load %arg26[%parallel_loop3A_624, %parallel_loop3A_625] {strides = array<i32>} : memref<256x32xf32, #tpu.memory_space<vmem>>, vector<1x16xf32>,
        %parallel_loop3A_627 = vector.shape_cast %parallel_loop3A_626 : vector<1x16xf32> to vector<16xf32>
        %parallel_loop3A_628 = vector.shape_cast %parallel_loop3A_623 : vector<16xf32> to vector<1x16xf32>
        tpu.vector_store %arg26[%parallel_loop3A_624, %parallel_loop3A_625], %parallel_loop3A_628 {strides = array<i32>} : memref<256x32xf32, #tpu.memory_space<vmem>>, vector<1x16xf32>,
        %parallel_loop3A_629 = arith.index_cast %parallel_loop3A_615 : i32 to index
        %parallel_loop3A_630 = arith.constant 16 : index
        %parallel_loop3A_631 = tpu.vector_load %arg26[%parallel_loop3A_629, %parallel_loop3A_630] {strides = array<i32>} : memref<256x32xf32, #tpu.memory_space<vmem>>, vector<1x16xf32>,
        %parallel_loop3A_632 = vector.shape_cast %parallel_loop3A_631 : vector<1x16xf32> to vector<16xf32>
        %parallel_loop3A_633 = arith.mulf %parallel_loop3A_632, %parallel_loop3A_618 : vector<16xf32>
        %parallel_loop3A_634 = arith.index_cast %parallel_loop3A_615 : i32 to index
        %parallel_loop3A_635 = arith.constant 16 : index
        %parallel_loop3A_636 = tpu.vector_load %arg26[%parallel_loop3A_634, %parallel_loop3A_635] {strides = array<i32>} : memref<256x32xf32, #tpu.memory_space<vmem>>, vector<1x16xf32>,
        %parallel_loop3A_637 = vector.shape_cast %parallel_loop3A_636 : vector<1x16xf32> to vector<16xf32>
        %parallel_loop3A_638 = vector.shape_cast %parallel_loop3A_633 : vector<16xf32> to vector<1x16xf32>
        tpu.vector_store %arg26[%parallel_loop3A_634, %parallel_loop3A_635], %parallel_loop3A_638 {strides = array<i32>} : memref<256x32xf32, #tpu.memory_space<vmem>>, vector<1x16xf32>,
        %parallel_loop3A_639 = arith.constant 16 : i32
        %parallel_loop3A_640 = arith.muli %parallel_loop3A_430, %parallel_loop3A_639 : i32
        %parallel_loop3A_641 = arith.constant 6 : i32
        %parallel_loop3A_642 = arith.addi %parallel_loop3A_640, %parallel_loop3A_641 : i32
        %parallel_loop3A_643 = vector.extract_strided_slice %parallel_loop3A_476 {offsets = [6], sizes = [1], strides = [1]} : vector<16xf32> to vector<1xf32>
        %parallel_loop3A_644 = vector.extract %parallel_loop3A_643[0] : f32 from vector<1xf32>
        %parallel_loop3A_645 = vector.broadcast %parallel_loop3A_644 : f32 to vector<16xf32>
        %parallel_loop3A_646 = arith.index_cast %parallel_loop3A_642 : i32 to index
        %parallel_loop3A_647 = arith.constant 0 : index
        %parallel_loop3A_648 = tpu.vector_load %arg26[%parallel_loop3A_646, %parallel_loop3A_647] {strides = array<i32>} : memref<256x32xf32, #tpu.memory_space<vmem>>, vector<1x16xf32>,
        %parallel_loop3A_649 = vector.shape_cast %parallel_loop3A_648 : vector<1x16xf32> to vector<16xf32>
        %parallel_loop3A_650 = arith.mulf %parallel_loop3A_649, %parallel_loop3A_645 : vector<16xf32>
        %parallel_loop3A_651 = arith.index_cast %parallel_loop3A_642 : i32 to index
        %parallel_loop3A_652 = arith.constant 0 : index
        %parallel_loop3A_653 = tpu.vector_load %arg26[%parallel_loop3A_651, %parallel_loop3A_652] {strides = array<i32>} : memref<256x32xf32, #tpu.memory_space<vmem>>, vector<1x16xf32>,
        %parallel_loop3A_654 = vector.shape_cast %parallel_loop3A_653 : vector<1x16xf32> to vector<16xf32>
        %parallel_loop3A_655 = vector.shape_cast %parallel_loop3A_650 : vector<16xf32> to vector<1x16xf32>
        tpu.vector_store %arg26[%parallel_loop3A_651, %parallel_loop3A_652], %parallel_loop3A_655 {strides = array<i32>} : memref<256x32xf32, #tpu.memory_space<vmem>>, vector<1x16xf32>,
        %parallel_loop3A_656 = arith.index_cast %parallel_loop3A_642 : i32 to index
        %parallel_loop3A_657 = arith.constant 16 : index
        %parallel_loop3A_658 = tpu.vector_load %arg26[%parallel_loop3A_656, %parallel_loop3A_657] {strides = array<i32>} : memref<256x32xf32, #tpu.memory_space<vmem>>, vector<1x16xf32>,
        %parallel_loop3A_659 = vector.shape_cast %parallel_loop3A_658 : vector<1x16xf32> to vector<16xf32>
        %parallel_loop3A_660 = arith.mulf %parallel_loop3A_659, %parallel_loop3A_645 : vector<16xf32>
        %parallel_loop3A_661 = arith.index_cast %parallel_loop3A_642 : i32 to index
        %parallel_loop3A_662 = arith.constant 16 : index
        %parallel_loop3A_663 = tpu.vector_load %arg26[%parallel_loop3A_661, %parallel_loop3A_662] {strides = array<i32>} : memref<256x32xf32, #tpu.memory_space<vmem>>, vector<1x16xf32>,
        %parallel_loop3A_664 = vector.shape_cast %parallel_loop3A_663 : vector<1x16xf32> to vector<16xf32>
        %parallel_loop3A_665 = vector.shape_cast %parallel_loop3A_660 : vector<16xf32> to vector<1x16xf32>
        tpu.vector_store %arg26[%parallel_loop3A_661, %parallel_loop3A_662], %parallel_loop3A_665 {strides = array<i32>} : memref<256x32xf32, #tpu.memory_space<vmem>>, vector<1x16xf32>,
        %parallel_loop3A_666 = arith.constant 16 : i32
        %parallel_loop3A_667 = arith.muli %parallel_loop3A_430, %parallel_loop3A_666 : i32
        %parallel_loop3A_668 = arith.constant 7 : i32
        %parallel_loop3A_669 = arith.addi %parallel_loop3A_667, %parallel_loop3A_668 : i32
        %parallel_loop3A_670 = vector.extract_strided_slice %parallel_loop3A_476 {offsets = [7], sizes = [1], strides = [1]} : vector<16xf32> to vector<1xf32>
        %parallel_loop3A_671 = vector.extract %parallel_loop3A_670[0] : f32 from vector<1xf32>
        %parallel_loop3A_672 = vector.broadcast %parallel_loop3A_671 : f32 to vector<16xf32>
        %parallel_loop3A_673 = arith.index_cast %parallel_loop3A_669 : i32 to index
        %parallel_loop3A_674 = arith.constant 0 : index
        %parallel_loop3A_675 = tpu.vector_load %arg26[%parallel_loop3A_673, %parallel_loop3A_674] {strides = array<i32>} : memref<256x32xf32, #tpu.memory_space<vmem>>, vector<1x16xf32>,
        %parallel_loop3A_676 = vector.shape_cast %parallel_loop3A_675 : vector<1x16xf32> to vector<16xf32>
        %parallel_loop3A_677 = arith.mulf %parallel_loop3A_676, %parallel_loop3A_672 : vector<16xf32>
        %parallel_loop3A_678 = arith.index_cast %parallel_loop3A_669 : i32 to index
        %parallel_loop3A_679 = arith.constant 0 : index
        %parallel_loop3A_680 = tpu.vector_load %arg26[%parallel_loop3A_678, %parallel_loop3A_679] {strides = array<i32>} : memref<256x32xf32, #tpu.memory_space<vmem>>, vector<1x16xf32>,
        %parallel_loop3A_681 = vector.shape_cast %parallel_loop3A_680 : vector<1x16xf32> to vector<16xf32>
        %parallel_loop3A_682 = vector.shape_cast %parallel_loop3A_677 : vector<16xf32> to vector<1x16xf32>
        tpu.vector_store %arg26[%parallel_loop3A_678, %parallel_loop3A_679], %parallel_loop3A_682 {strides = array<i32>} : memref<256x32xf32, #tpu.memory_space<vmem>>, vector<1x16xf32>,
        %parallel_loop3A_683 = arith.index_cast %parallel_loop3A_669 : i32 to index
        %parallel_loop3A_684 = arith.constant 16 : index
        %parallel_loop3A_685 = tpu.vector_load %arg26[%parallel_loop3A_683, %parallel_loop3A_684] {strides = array<i32>} : memref<256x32xf32, #tpu.memory_space<vmem>>, vector<1x16xf32>,
        %parallel_loop3A_686 = vector.shape_cast %parallel_loop3A_685 : vector<1x16xf32> to vector<16xf32>
        %parallel_loop3A_687 = arith.mulf %parallel_loop3A_686, %parallel_loop3A_672 : vector<16xf32>
        %parallel_loop3A_688 = arith.index_cast %parallel_loop3A_669 : i32 to index
        %parallel_loop3A_689 = arith.constant 16 : index
        %parallel_loop3A_690 = tpu.vector_load %arg26[%parallel_loop3A_688, %parallel_loop3A_689] {strides = array<i32>} : memref<256x32xf32, #tpu.memory_space<vmem>>, vector<1x16xf32>,
        %parallel_loop3A_691 = vector.shape_cast %parallel_loop3A_690 : vector<1x16xf32> to vector<16xf32>
        %parallel_loop3A_692 = vector.shape_cast %parallel_loop3A_687 : vector<16xf32> to vector<1x16xf32>
        tpu.vector_store %arg26[%parallel_loop3A_688, %parallel_loop3A_689], %parallel_loop3A_692 {strides = array<i32>} : memref<256x32xf32, #tpu.memory_space<vmem>>, vector<1x16xf32>,
        %parallel_loop3A_693 = arith.constant 16 : i32
        %parallel_loop3A_694 = arith.muli %parallel_loop3A_430, %parallel_loop3A_693 : i32
        %parallel_loop3A_695 = arith.constant 8 : i32
        %parallel_loop3A_696 = arith.addi %parallel_loop3A_694, %parallel_loop3A_695 : i32
        %parallel_loop3A_697 = vector.extract_strided_slice %parallel_loop3A_476 {offsets = [8], sizes = [1], strides = [1]} : vector<16xf32> to vector<1xf32>
        %parallel_loop3A_698 = vector.extract %parallel_loop3A_697[0] : f32 from vector<1xf32>
        %parallel_loop3A_699 = vector.broadcast %parallel_loop3A_698 : f32 to vector<16xf32>
        %parallel_loop3A_700 = arith.index_cast %parallel_loop3A_696 : i32 to index
        %parallel_loop3A_701 = arith.constant 0 : index
        %parallel_loop3A_702 = tpu.vector_load %arg26[%parallel_loop3A_700, %parallel_loop3A_701] {strides = array<i32>} : memref<256x32xf32, #tpu.memory_space<vmem>>, vector<1x16xf32>,
        %parallel_loop3A_703 = vector.shape_cast %parallel_loop3A_702 : vector<1x16xf32> to vector<16xf32>
        %parallel_loop3A_704 = arith.mulf %parallel_loop3A_703, %parallel_loop3A_699 : vector<16xf32>
        %parallel_loop3A_705 = arith.index_cast %parallel_loop3A_696 : i32 to index
        %parallel_loop3A_706 = arith.constant 0 : index
        %parallel_loop3A_707 = tpu.vector_load %arg26[%parallel_loop3A_705, %parallel_loop3A_706] {strides = array<i32>} : memref<256x32xf32, #tpu.memory_space<vmem>>, vector<1x16xf32>,
        %parallel_loop3A_708 = vector.shape_cast %parallel_loop3A_707 : vector<1x16xf32> to vector<16xf32>
        %parallel_loop3A_709 = vector.shape_cast %parallel_loop3A_704 : vector<16xf32> to vector<1x16xf32>
        tpu.vector_store %arg26[%parallel_loop3A_705, %parallel_loop3A_706], %parallel_loop3A_709 {strides = array<i32>} : memref<256x32xf32, #tpu.memory_space<vmem>>, vector<1x16xf32>,
        %parallel_loop3A_710 = arith.index_cast %parallel_loop3A_696 : i32 to index
        %parallel_loop3A_711 = arith.constant 16 : index
        %parallel_loop3A_712 = tpu.vector_load %arg26[%parallel_loop3A_710, %parallel_loop3A_711] {strides = array<i32>} : memref<256x32xf32, #tpu.memory_space<vmem>>, vector<1x16xf32>,
        %parallel_loop3A_713 = vector.shape_cast %parallel_loop3A_712 : vector<1x16xf32> to vector<16xf32>
        %parallel_loop3A_714 = arith.mulf %parallel_loop3A_713, %parallel_loop3A_699 : vector<16xf32>
        %parallel_loop3A_715 = arith.index_cast %parallel_loop3A_696 : i32 to index
        %parallel_loop3A_716 = arith.constant 16 : index
        %parallel_loop3A_717 = tpu.vector_load %arg26[%parallel_loop3A_715, %parallel_loop3A_716] {strides = array<i32>} : memref<256x32xf32, #tpu.memory_space<vmem>>, vector<1x16xf32>,
        %parallel_loop3A_718 = vector.shape_cast %parallel_loop3A_717 : vector<1x16xf32> to vector<16xf32>
        %parallel_loop3A_719 = vector.shape_cast %parallel_loop3A_714 : vector<16xf32> to vector<1x16xf32>
        tpu.vector_store %arg26[%parallel_loop3A_715, %parallel_loop3A_716], %parallel_loop3A_719 {strides = array<i32>} : memref<256x32xf32, #tpu.memory_space<vmem>>, vector<1x16xf32>,
        %parallel_loop3A_720 = arith.constant 16 : i32
        %parallel_loop3A_721 = arith.muli %parallel_loop3A_430, %parallel_loop3A_720 : i32
        %parallel_loop3A_722 = arith.constant 9 : i32
        %parallel_loop3A_723 = arith.addi %parallel_loop3A_721, %parallel_loop3A_722 : i32
        %parallel_loop3A_724 = vector.extract_strided_slice %parallel_loop3A_476 {offsets = [9], sizes = [1], strides = [1]} : vector<16xf32> to vector<1xf32>
        %parallel_loop3A_725 = vector.extract %parallel_loop3A_724[0] : f32 from vector<1xf32>
        %parallel_loop3A_726 = vector.broadcast %parallel_loop3A_725 : f32 to vector<16xf32>
        %parallel_loop3A_727 = arith.index_cast %parallel_loop3A_723 : i32 to index
        %parallel_loop3A_728 = arith.constant 0 : index
        %parallel_loop3A_729 = tpu.vector_load %arg26[%parallel_loop3A_727, %parallel_loop3A_728] {strides = array<i32>} : memref<256x32xf32, #tpu.memory_space<vmem>>, vector<1x16xf32>,
        %parallel_loop3A_730 = vector.shape_cast %parallel_loop3A_729 : vector<1x16xf32> to vector<16xf32>
        %parallel_loop3A_731 = arith.mulf %parallel_loop3A_730, %parallel_loop3A_726 : vector<16xf32>
        %parallel_loop3A_732 = arith.index_cast %parallel_loop3A_723 : i32 to index
        %parallel_loop3A_733 = arith.constant 0 : index
        %parallel_loop3A_734 = tpu.vector_load %arg26[%parallel_loop3A_732, %parallel_loop3A_733] {strides = array<i32>} : memref<256x32xf32, #tpu.memory_space<vmem>>, vector<1x16xf32>,
        %parallel_loop3A_735 = vector.shape_cast %parallel_loop3A_734 : vector<1x16xf32> to vector<16xf32>
        %parallel_loop3A_736 = vector.shape_cast %parallel_loop3A_731 : vector<16xf32> to vector<1x16xf32>
        tpu.vector_store %arg26[%parallel_loop3A_732, %parallel_loop3A_733], %parallel_loop3A_736 {strides = array<i32>} : memref<256x32xf32, #tpu.memory_space<vmem>>, vector<1x16xf32>,
        %parallel_loop3A_737 = arith.index_cast %parallel_loop3A_723 : i32 to index
        %parallel_loop3A_738 = arith.constant 16 : index
        %parallel_loop3A_739 = tpu.vector_load %arg26[%parallel_loop3A_737, %parallel_loop3A_738] {strides = array<i32>} : memref<256x32xf32, #tpu.memory_space<vmem>>, vector<1x16xf32>,
        %parallel_loop3A_740 = vector.shape_cast %parallel_loop3A_739 : vector<1x16xf32> to vector<16xf32>
        %parallel_loop3A_741 = arith.mulf %parallel_loop3A_740, %parallel_loop3A_726 : vector<16xf32>
        %parallel_loop3A_742 = arith.index_cast %parallel_loop3A_723 : i32 to index
        %parallel_loop3A_743 = arith.constant 16 : index
        %parallel_loop3A_744 = tpu.vector_load %arg26[%parallel_loop3A_742, %parallel_loop3A_743] {strides = array<i32>} : memref<256x32xf32, #tpu.memory_space<vmem>>, vector<1x16xf32>,
        %parallel_loop3A_745 = vector.shape_cast %parallel_loop3A_744 : vector<1x16xf32> to vector<16xf32>
        %parallel_loop3A_746 = vector.shape_cast %parallel_loop3A_741 : vector<16xf32> to vector<1x16xf32>
        tpu.vector_store %arg26[%parallel_loop3A_742, %parallel_loop3A_743], %parallel_loop3A_746 {strides = array<i32>} : memref<256x32xf32, #tpu.memory_space<vmem>>, vector<1x16xf32>,
        %parallel_loop3A_747 = arith.constant 16 : i32
        %parallel_loop3A_748 = arith.muli %parallel_loop3A_430, %parallel_loop3A_747 : i32
        %parallel_loop3A_749 = arith.constant 10 : i32
        %parallel_loop3A_750 = arith.addi %parallel_loop3A_748, %parallel_loop3A_749 : i32
        %parallel_loop3A_751 = vector.extract_strided_slice %parallel_loop3A_476 {offsets = [10], sizes = [1], strides = [1]} : vector<16xf32> to vector<1xf32>
        %parallel_loop3A_752 = vector.extract %parallel_loop3A_751[0] : f32 from vector<1xf32>
        %parallel_loop3A_753 = vector.broadcast %parallel_loop3A_752 : f32 to vector<16xf32>
        %parallel_loop3A_754 = arith.index_cast %parallel_loop3A_750 : i32 to index
        %parallel_loop3A_755 = arith.constant 0 : index
        %parallel_loop3A_756 = tpu.vector_load %arg26[%parallel_loop3A_754, %parallel_loop3A_755] {strides = array<i32>} : memref<256x32xf32, #tpu.memory_space<vmem>>, vector<1x16xf32>,
        %parallel_loop3A_757 = vector.shape_cast %parallel_loop3A_756 : vector<1x16xf32> to vector<16xf32>
        %parallel_loop3A_758 = arith.mulf %parallel_loop3A_757, %parallel_loop3A_753 : vector<16xf32>
        %parallel_loop3A_759 = arith.index_cast %parallel_loop3A_750 : i32 to index
        %parallel_loop3A_760 = arith.constant 0 : index
        %parallel_loop3A_761 = tpu.vector_load %arg26[%parallel_loop3A_759, %parallel_loop3A_760] {strides = array<i32>} : memref<256x32xf32, #tpu.memory_space<vmem>>, vector<1x16xf32>,
        %parallel_loop3A_762 = vector.shape_cast %parallel_loop3A_761 : vector<1x16xf32> to vector<16xf32>
        %parallel_loop3A_763 = vector.shape_cast %parallel_loop3A_758 : vector<16xf32> to vector<1x16xf32>
        tpu.vector_store %arg26[%parallel_loop3A_759, %parallel_loop3A_760], %parallel_loop3A_763 {strides = array<i32>} : memref<256x32xf32, #tpu.memory_space<vmem>>, vector<1x16xf32>,
        %parallel_loop3A_764 = arith.index_cast %parallel_loop3A_750 : i32 to index
        %parallel_loop3A_765 = arith.constant 16 : index
        %parallel_loop3A_766 = tpu.vector_load %arg26[%parallel_loop3A_764, %parallel_loop3A_765] {strides = array<i32>} : memref<256x32xf32, #tpu.memory_space<vmem>>, vector<1x16xf32>,
        %parallel_loop3A_767 = vector.shape_cast %parallel_loop3A_766 : vector<1x16xf32> to vector<16xf32>
        %parallel_loop3A_768 = arith.mulf %parallel_loop3A_767, %parallel_loop3A_753 : vector<16xf32>
        %parallel_loop3A_769 = arith.index_cast %parallel_loop3A_750 : i32 to index
        %parallel_loop3A_770 = arith.constant 16 : index
        %parallel_loop3A_771 = tpu.vector_load %arg26[%parallel_loop3A_769, %parallel_loop3A_770] {strides = array<i32>} : memref<256x32xf32, #tpu.memory_space<vmem>>, vector<1x16xf32>,
        %parallel_loop3A_772 = vector.shape_cast %parallel_loop3A_771 : vector<1x16xf32> to vector<16xf32>
        %parallel_loop3A_773 = vector.shape_cast %parallel_loop3A_768 : vector<16xf32> to vector<1x16xf32>
        tpu.vector_store %arg26[%parallel_loop3A_769, %parallel_loop3A_770], %parallel_loop3A_773 {strides = array<i32>} : memref<256x32xf32, #tpu.memory_space<vmem>>, vector<1x16xf32>,
        %parallel_loop3A_774 = arith.constant 16 : i32
        %parallel_loop3A_775 = arith.muli %parallel_loop3A_430, %parallel_loop3A_774 : i32
        %parallel_loop3A_776 = arith.constant 11 : i32
        %parallel_loop3A_777 = arith.addi %parallel_loop3A_775, %parallel_loop3A_776 : i32
        %parallel_loop3A_778 = vector.extract_strided_slice %parallel_loop3A_476 {offsets = [11], sizes = [1], strides = [1]} : vector<16xf32> to vector<1xf32>
        %parallel_loop3A_779 = vector.extract %parallel_loop3A_778[0] : f32 from vector<1xf32>
        %parallel_loop3A_780 = vector.broadcast %parallel_loop3A_779 : f32 to vector<16xf32>
        %parallel_loop3A_781 = arith.index_cast %parallel_loop3A_777 : i32 to index
        %parallel_loop3A_782 = arith.constant 0 : index
        %parallel_loop3A_783 = tpu.vector_load %arg26[%parallel_loop3A_781, %parallel_loop3A_782] {strides = array<i32>} : memref<256x32xf32, #tpu.memory_space<vmem>>, vector<1x16xf32>,
        %parallel_loop3A_784 = vector.shape_cast %parallel_loop3A_783 : vector<1x16xf32> to vector<16xf32>
        %parallel_loop3A_785 = arith.mulf %parallel_loop3A_784, %parallel_loop3A_780 : vector<16xf32>
        %parallel_loop3A_786 = arith.index_cast %parallel_loop3A_777 : i32 to index
        %parallel_loop3A_787 = arith.constant 0 : index
        %parallel_loop3A_788 = tpu.vector_load %arg26[%parallel_loop3A_786, %parallel_loop3A_787] {strides = array<i32>} : memref<256x32xf32, #tpu.memory_space<vmem>>, vector<1x16xf32>,
        %parallel_loop3A_789 = vector.shape_cast %parallel_loop3A_788 : vector<1x16xf32> to vector<16xf32>
        %parallel_loop3A_790 = vector.shape_cast %parallel_loop3A_785 : vector<16xf32> to vector<1x16xf32>
        tpu.vector_store %arg26[%parallel_loop3A_786, %parallel_loop3A_787], %parallel_loop3A_790 {strides = array<i32>} : memref<256x32xf32, #tpu.memory_space<vmem>>, vector<1x16xf32>,
        %parallel_loop3A_791 = arith.index_cast %parallel_loop3A_777 : i32 to index
        %parallel_loop3A_792 = arith.constant 16 : index
        %parallel_loop3A_793 = tpu.vector_load %arg26[%parallel_loop3A_791, %parallel_loop3A_792] {strides = array<i32>} : memref<256x32xf32, #tpu.memory_space<vmem>>, vector<1x16xf32>,
        %parallel_loop3A_794 = vector.shape_cast %parallel_loop3A_793 : vector<1x16xf32> to vector<16xf32>
        %parallel_loop3A_795 = arith.mulf %parallel_loop3A_794, %parallel_loop3A_780 : vector<16xf32>
        %parallel_loop3A_796 = arith.index_cast %parallel_loop3A_777 : i32 to index
        %parallel_loop3A_797 = arith.constant 16 : index
        %parallel_loop3A_798 = tpu.vector_load %arg26[%parallel_loop3A_796, %parallel_loop3A_797] {strides = array<i32>} : memref<256x32xf32, #tpu.memory_space<vmem>>, vector<1x16xf32>,
        %parallel_loop3A_799 = vector.shape_cast %parallel_loop3A_798 : vector<1x16xf32> to vector<16xf32>
        %parallel_loop3A_800 = vector.shape_cast %parallel_loop3A_795 : vector<16xf32> to vector<1x16xf32>
        tpu.vector_store %arg26[%parallel_loop3A_796, %parallel_loop3A_797], %parallel_loop3A_800 {strides = array<i32>} : memref<256x32xf32, #tpu.memory_space<vmem>>, vector<1x16xf32>,
        %parallel_loop3A_801 = arith.constant 16 : i32
        %parallel_loop3A_802 = arith.muli %parallel_loop3A_430, %parallel_loop3A_801 : i32
        %parallel_loop3A_803 = arith.constant 12 : i32
        %parallel_loop3A_804 = arith.addi %parallel_loop3A_802, %parallel_loop3A_803 : i32
        %parallel_loop3A_805 = vector.extract_strided_slice %parallel_loop3A_476 {offsets = [12], sizes = [1], strides = [1]} : vector<16xf32> to vector<1xf32>
        %parallel_loop3A_806 = vector.extract %parallel_loop3A_805[0] : f32 from vector<1xf32>
        %parallel_loop3A_807 = vector.broadcast %parallel_loop3A_806 : f32 to vector<16xf32>
        %parallel_loop3A_808 = arith.index_cast %parallel_loop3A_804 : i32 to index
        %parallel_loop3A_809 = arith.constant 0 : index
        %parallel_loop3A_810 = tpu.vector_load %arg26[%parallel_loop3A_808, %parallel_loop3A_809] {strides = array<i32>} : memref<256x32xf32, #tpu.memory_space<vmem>>, vector<1x16xf32>,
        %parallel_loop3A_811 = vector.shape_cast %parallel_loop3A_810 : vector<1x16xf32> to vector<16xf32>
        %parallel_loop3A_812 = arith.mulf %parallel_loop3A_811, %parallel_loop3A_807 : vector<16xf32>
        %parallel_loop3A_813 = arith.index_cast %parallel_loop3A_804 : i32 to index
        %parallel_loop3A_814 = arith.constant 0 : index
        %parallel_loop3A_815 = tpu.vector_load %arg26[%parallel_loop3A_813, %parallel_loop3A_814] {strides = array<i32>} : memref<256x32xf32, #tpu.memory_space<vmem>>, vector<1x16xf32>,
        %parallel_loop3A_816 = vector.shape_cast %parallel_loop3A_815 : vector<1x16xf32> to vector<16xf32>
        %parallel_loop3A_817 = vector.shape_cast %parallel_loop3A_812 : vector<16xf32> to vector<1x16xf32>
        tpu.vector_store %arg26[%parallel_loop3A_813, %parallel_loop3A_814], %parallel_loop3A_817 {strides = array<i32>} : memref<256x32xf32, #tpu.memory_space<vmem>>, vector<1x16xf32>,
        %parallel_loop3A_818 = arith.index_cast %parallel_loop3A_804 : i32 to index
        %parallel_loop3A_819 = arith.constant 16 : index
        %parallel_loop3A_820 = tpu.vector_load %arg26[%parallel_loop3A_818, %parallel_loop3A_819] {strides = array<i32>} : memref<256x32xf32, #tpu.memory_space<vmem>>, vector<1x16xf32>,
        %parallel_loop3A_821 = vector.shape_cast %parallel_loop3A_820 : vector<1x16xf32> to vector<16xf32>
        %parallel_loop3A_822 = arith.mulf %parallel_loop3A_821, %parallel_loop3A_807 : vector<16xf32>
        %parallel_loop3A_823 = arith.index_cast %parallel_loop3A_804 : i32 to index
        %parallel_loop3A_824 = arith.constant 16 : index
        %parallel_loop3A_825 = tpu.vector_load %arg26[%parallel_loop3A_823, %parallel_loop3A_824] {strides = array<i32>} : memref<256x32xf32, #tpu.memory_space<vmem>>, vector<1x16xf32>,
        %parallel_loop3A_826 = vector.shape_cast %parallel_loop3A_825 : vector<1x16xf32> to vector<16xf32>
        %parallel_loop3A_827 = vector.shape_cast %parallel_loop3A_822 : vector<16xf32> to vector<1x16xf32>
        tpu.vector_store %arg26[%parallel_loop3A_823, %parallel_loop3A_824], %parallel_loop3A_827 {strides = array<i32>} : memref<256x32xf32, #tpu.memory_space<vmem>>, vector<1x16xf32>,
        %parallel_loop3A_828 = arith.constant 16 : i32
        %parallel_loop3A_829 = arith.muli %parallel_loop3A_430, %parallel_loop3A_828 : i32
        %parallel_loop3A_830 = arith.constant 13 : i32
        %parallel_loop3A_831 = arith.addi %parallel_loop3A_829, %parallel_loop3A_830 : i32
        %parallel_loop3A_832 = vector.extract_strided_slice %parallel_loop3A_476 {offsets = [13], sizes = [1], strides = [1]} : vector<16xf32> to vector<1xf32>
        %parallel_loop3A_833 = vector.extract %parallel_loop3A_832[0] : f32 from vector<1xf32>
        %parallel_loop3A_834 = vector.broadcast %parallel_loop3A_833 : f32 to vector<16xf32>
        %parallel_loop3A_835 = arith.index_cast %parallel_loop3A_831 : i32 to index
        %parallel_loop3A_836 = arith.constant 0 : index
        %parallel_loop3A_837 = tpu.vector_load %arg26[%parallel_loop3A_835, %parallel_loop3A_836] {strides = array<i32>} : memref<256x32xf32, #tpu.memory_space<vmem>>, vector<1x16xf32>,
        %parallel_loop3A_838 = vector.shape_cast %parallel_loop3A_837 : vector<1x16xf32> to vector<16xf32>
        %parallel_loop3A_839 = arith.mulf %parallel_loop3A_838, %parallel_loop3A_834 : vector<16xf32>
        %parallel_loop3A_840 = arith.index_cast %parallel_loop3A_831 : i32 to index
        %parallel_loop3A_841 = arith.constant 0 : index
        %parallel_loop3A_842 = tpu.vector_load %arg26[%parallel_loop3A_840, %parallel_loop3A_841] {strides = array<i32>} : memref<256x32xf32, #tpu.memory_space<vmem>>, vector<1x16xf32>,
        %parallel_loop3A_843 = vector.shape_cast %parallel_loop3A_842 : vector<1x16xf32> to vector<16xf32>
        %parallel_loop3A_844 = vector.shape_cast %parallel_loop3A_839 : vector<16xf32> to vector<1x16xf32>
        tpu.vector_store %arg26[%parallel_loop3A_840, %parallel_loop3A_841], %parallel_loop3A_844 {strides = array<i32>} : memref<256x32xf32, #tpu.memory_space<vmem>>, vector<1x16xf32>,
        %parallel_loop3A_845 = arith.index_cast %parallel_loop3A_831 : i32 to index
        %parallel_loop3A_846 = arith.constant 16 : index
        %parallel_loop3A_847 = tpu.vector_load %arg26[%parallel_loop3A_845, %parallel_loop3A_846] {strides = array<i32>} : memref<256x32xf32, #tpu.memory_space<vmem>>, vector<1x16xf32>,
        %parallel_loop3A_848 = vector.shape_cast %parallel_loop3A_847 : vector<1x16xf32> to vector<16xf32>
        %parallel_loop3A_849 = arith.mulf %parallel_loop3A_848, %parallel_loop3A_834 : vector<16xf32>
        %parallel_loop3A_850 = arith.index_cast %parallel_loop3A_831 : i32 to index
        %parallel_loop3A_851 = arith.constant 16 : index
        %parallel_loop3A_852 = tpu.vector_load %arg26[%parallel_loop3A_850, %parallel_loop3A_851] {strides = array<i32>} : memref<256x32xf32, #tpu.memory_space<vmem>>, vector<1x16xf32>,
        %parallel_loop3A_853 = vector.shape_cast %parallel_loop3A_852 : vector<1x16xf32> to vector<16xf32>
        %parallel_loop3A_854 = vector.shape_cast %parallel_loop3A_849 : vector<16xf32> to vector<1x16xf32>
        tpu.vector_store %arg26[%parallel_loop3A_850, %parallel_loop3A_851], %parallel_loop3A_854 {strides = array<i32>} : memref<256x32xf32, #tpu.memory_space<vmem>>, vector<1x16xf32>,
        %parallel_loop3A_855 = arith.constant 16 : i32
        %parallel_loop3A_856 = arith.muli %parallel_loop3A_430, %parallel_loop3A_855 : i32
        %parallel_loop3A_857 = arith.constant 14 : i32
        %parallel_loop3A_858 = arith.addi %parallel_loop3A_856, %parallel_loop3A_857 : i32
        %parallel_loop3A_859 = vector.extract_strided_slice %parallel_loop3A_476 {offsets = [14], sizes = [1], strides = [1]} : vector<16xf32> to vector<1xf32>
        %parallel_loop3A_860 = vector.extract %parallel_loop3A_859[0] : f32 from vector<1xf32>
        %parallel_loop3A_861 = vector.broadcast %parallel_loop3A_860 : f32 to vector<16xf32>
        %parallel_loop3A_862 = arith.index_cast %parallel_loop3A_858 : i32 to index
        %parallel_loop3A_863 = arith.constant 0 : index
        %parallel_loop3A_864 = tpu.vector_load %arg26[%parallel_loop3A_862, %parallel_loop3A_863] {strides = array<i32>} : memref<256x32xf32, #tpu.memory_space<vmem>>, vector<1x16xf32>,
        %parallel_loop3A_865 = vector.shape_cast %parallel_loop3A_864 : vector<1x16xf32> to vector<16xf32>
        %parallel_loop3A_866 = arith.mulf %parallel_loop3A_865, %parallel_loop3A_861 : vector<16xf32>
        %parallel_loop3A_867 = arith.index_cast %parallel_loop3A_858 : i32 to index
        %parallel_loop3A_868 = arith.constant 0 : index
        %parallel_loop3A_869 = tpu.vector_load %arg26[%parallel_loop3A_867, %parallel_loop3A_868] {strides = array<i32>} : memref<256x32xf32, #tpu.memory_space<vmem>>, vector<1x16xf32>,
        %parallel_loop3A_870 = vector.shape_cast %parallel_loop3A_869 : vector<1x16xf32> to vector<16xf32>
        %parallel_loop3A_871 = vector.shape_cast %parallel_loop3A_866 : vector<16xf32> to vector<1x16xf32>
        tpu.vector_store %arg26[%parallel_loop3A_867, %parallel_loop3A_868], %parallel_loop3A_871 {strides = array<i32>} : memref<256x32xf32, #tpu.memory_space<vmem>>, vector<1x16xf32>,
        %parallel_loop3A_872 = arith.index_cast %parallel_loop3A_858 : i32 to index
        %parallel_loop3A_873 = arith.constant 16 : index
        %parallel_loop3A_874 = tpu.vector_load %arg26[%parallel_loop3A_872, %parallel_loop3A_873] {strides = array<i32>} : memref<256x32xf32, #tpu.memory_space<vmem>>, vector<1x16xf32>,
        %parallel_loop3A_875 = vector.shape_cast %parallel_loop3A_874 : vector<1x16xf32> to vector<16xf32>
        %parallel_loop3A_876 = arith.mulf %parallel_loop3A_875, %parallel_loop3A_861 : vector<16xf32>
        %parallel_loop3A_877 = arith.index_cast %parallel_loop3A_858 : i32 to index
        %parallel_loop3A_878 = arith.constant 16 : index
        %parallel_loop3A_879 = tpu.vector_load %arg26[%parallel_loop3A_877, %parallel_loop3A_878] {strides = array<i32>} : memref<256x32xf32, #tpu.memory_space<vmem>>, vector<1x16xf32>,
        %parallel_loop3A_880 = vector.shape_cast %parallel_loop3A_879 : vector<1x16xf32> to vector<16xf32>
        %parallel_loop3A_881 = vector.shape_cast %parallel_loop3A_876 : vector<16xf32> to vector<1x16xf32>
        tpu.vector_store %arg26[%parallel_loop3A_877, %parallel_loop3A_878], %parallel_loop3A_881 {strides = array<i32>} : memref<256x32xf32, #tpu.memory_space<vmem>>, vector<1x16xf32>,
        %parallel_loop3A_882 = arith.constant 16 : i32
        %parallel_loop3A_883 = arith.muli %parallel_loop3A_430, %parallel_loop3A_882 : i32
        %parallel_loop3A_884 = arith.constant 15 : i32
        %parallel_loop3A_885 = arith.addi %parallel_loop3A_883, %parallel_loop3A_884 : i32
        %parallel_loop3A_886 = vector.extract_strided_slice %parallel_loop3A_476 {offsets = [15], sizes = [1], strides = [1]} : vector<16xf32> to vector<1xf32>
        %parallel_loop3A_887 = vector.extract %parallel_loop3A_886[0] : f32 from vector<1xf32>
        %parallel_loop3A_888 = vector.broadcast %parallel_loop3A_887 : f32 to vector<16xf32>
        %parallel_loop3A_889 = arith.index_cast %parallel_loop3A_885 : i32 to index
        %parallel_loop3A_890 = arith.constant 0 : index
        %parallel_loop3A_891 = tpu.vector_load %arg26[%parallel_loop3A_889, %parallel_loop3A_890] {strides = array<i32>} : memref<256x32xf32, #tpu.memory_space<vmem>>, vector<1x16xf32>,
        %parallel_loop3A_892 = vector.shape_cast %parallel_loop3A_891 : vector<1x16xf32> to vector<16xf32>
        %parallel_loop3A_893 = arith.mulf %parallel_loop3A_892, %parallel_loop3A_888 : vector<16xf32>
        %parallel_loop3A_894 = arith.index_cast %parallel_loop3A_885 : i32 to index
        %parallel_loop3A_895 = arith.constant 0 : index
        %parallel_loop3A_896 = tpu.vector_load %arg26[%parallel_loop3A_894, %parallel_loop3A_895] {strides = array<i32>} : memref<256x32xf32, #tpu.memory_space<vmem>>, vector<1x16xf32>,
        %parallel_loop3A_897 = vector.shape_cast %parallel_loop3A_896 : vector<1x16xf32> to vector<16xf32>
        %parallel_loop3A_898 = vector.shape_cast %parallel_loop3A_893 : vector<16xf32> to vector<1x16xf32>
        tpu.vector_store %arg26[%parallel_loop3A_894, %parallel_loop3A_895], %parallel_loop3A_898 {strides = array<i32>} : memref<256x32xf32, #tpu.memory_space<vmem>>, vector<1x16xf32>,
        %parallel_loop3A_899 = arith.index_cast %parallel_loop3A_885 : i32 to index
        %parallel_loop3A_900 = arith.constant 16 : index
        %parallel_loop3A_901 = tpu.vector_load %arg26[%parallel_loop3A_899, %parallel_loop3A_900] {strides = array<i32>} : memref<256x32xf32, #tpu.memory_space<vmem>>, vector<1x16xf32>,
        %parallel_loop3A_902 = vector.shape_cast %parallel_loop3A_901 : vector<1x16xf32> to vector<16xf32>
        %parallel_loop3A_903 = arith.mulf %parallel_loop3A_902, %parallel_loop3A_888 : vector<16xf32>
        %parallel_loop3A_904 = arith.index_cast %parallel_loop3A_885 : i32 to index
        %parallel_loop3A_905 = arith.constant 16 : index
        %parallel_loop3A_906 = tpu.vector_load %arg26[%parallel_loop3A_904, %parallel_loop3A_905] {strides = array<i32>} : memref<256x32xf32, #tpu.memory_space<vmem>>, vector<1x16xf32>,
        %parallel_loop3A_907 = vector.shape_cast %parallel_loop3A_906 : vector<1x16xf32> to vector<16xf32>
        %parallel_loop3A_908 = vector.shape_cast %parallel_loop3A_903 : vector<16xf32> to vector<1x16xf32>
        tpu.vector_store %arg26[%parallel_loop3A_904, %parallel_loop3A_905], %parallel_loop3A_908 {strides = array<i32>} : memref<256x32xf32, #tpu.memory_space<vmem>>, vector<1x16xf32>,
      } {sc.loop_unroll_factor = 2 : i64, sc.parallel_access}
      %dma_start3A_260 = arith.constant 0 : i32
      %dma_start3A_261 = arith.constant 0 : i32
      %dma_start3A_262 = arith.constant 0 : i32
      %dma_start3A_263 = tpu.memref_slice %arg26[%dma_start3A_261, %dma_start3A_262] : memref<256x32xf32, #tpu.memory_space<vmem>> -> memref<128x32xf32, #tpu.memory_space<vmem>>
      %dma_start3A_264 = arith.constant 0 : i32
      %dma_start3A_265 = tpu.memref_slice %arg18[%dma_start3A_260, %dma_start3A_264] : memref<2x128xi32, #tpu.memory_space<vmem>> -> memref<1x128xi32, #tpu.memory_space<vmem>>
      %dma_start3A_266 = tpu.memref_squeeze %dma_start3A_265 : memref<1x128xi32, #tpu.memory_space<vmem>> -> memref<128xi32, #tpu.memory_space<vmem>>
      %dma_start3A_267 = arith.constant 0 : i32
      %dma_start3A_268 = arith.constant 0 : i32
      %dma_start3A_269 = tpu.memref_slice %arg28[%dma_start3A_267, %dma_start3A_268] : memref<50176x32xf32, #tpu.memory_space<vmem_shared>> -> memref<50176x32xf32, #tpu.memory_space<vmem_shared>>
      tpu.enqueue_indirect_dma source(%dma_start3A_263 : memref<128x32xf32, #tpu.memory_space<vmem>>) target(%dma_start3A_269 : memref<50176x32xf32, #tpu.memory_space<vmem_shared>>) offsets(%dma_start3A_266 : memref<128xi32, #tpu.memory_space<vmem>>) semaphore(%arg37 : memref<!tpu.dma_semaphore, #tpu.memory_space<semaphore_mem>>) {add = true}
      %dma_start3A_270 = arith.constant 0 : i32
      %dma_start3A_271 = arith.constant 0 : i32
      %dma_start3A_272 = arith.constant 0 : i32
      %dma_start3A_273 = tpu.memref_slice %arg22[%dma_start3A_270, %dma_start3A_272] : memref<2x128xf32, #tpu.memory_space<vmem>> -> memref<1x128xf32, #tpu.memory_space<vmem>>
      %dma_start3A_274 = tpu.memref_squeeze %dma_start3A_273 : memref<1x128xf32, #tpu.memory_space<vmem>> -> memref<128xf32, #tpu.memory_space<vmem>>
      %dma_start3A_275 = arith.constant 0 : i32
      %dma_start3A_276 = tpu.memref_slice %arg18[%dma_start3A_271, %dma_start3A_275] : memref<2x128xi32, #tpu.memory_space<vmem>> -> memref<1x128xi32, #tpu.memory_space<vmem>>
      %dma_start3A_277 = tpu.memref_squeeze %dma_start3A_276 : memref<1x128xi32, #tpu.memory_space<vmem>> -> memref<128xi32, #tpu.memory_space<vmem>>
      %dma_start3A_278 = arith.constant 0 : i32
      %dma_start3A_279 = tpu.memref_slice %arg29[%dma_start3A_278] : memref<50176xf32, #tpu.memory_space<vmem_shared>> -> memref<50176xf32, #tpu.memory_space<vmem_shared>>
      tpu.enqueue_indirect_dma source(%dma_start3A_274 : memref<128xf32, #tpu.memory_space<vmem>>) target(%dma_start3A_279 : memref<50176xf32, #tpu.memory_space<vmem_shared>>) offsets(%dma_start3A_277 : memref<128xi32, #tpu.memory_space<vmem>>) semaphore(%arg37 : memref<!tpu.dma_semaphore, #tpu.memory_space<semaphore_mem>>) {add = true}
      %dma_start3A_280 = arith.constant 1 : i32
      %dma_start3A_281 = arith.constant 128 : i32
      %dma_start3A_282 = arith.constant 0 : i32
      %dma_start3A_283 = tpu.memref_slice %arg26[%dma_start3A_281, %dma_start3A_282] : memref<256x32xf32, #tpu.memory_space<vmem>> -> memref<128x32xf32, #tpu.memory_space<vmem>>
      %dma_start3A_284 = arith.constant 0 : i32
      %dma_start3A_285 = tpu.memref_slice %arg18[%dma_start3A_280, %dma_start3A_284] : memref<2x128xi32, #tpu.memory_space<vmem>> -> memref<1x128xi32, #tpu.memory_space<vmem>>
      %dma_start3A_286 = tpu.memref_squeeze %dma_start3A_285 : memref<1x128xi32, #tpu.memory_space<vmem>> -> memref<128xi32, #tpu.memory_space<vmem>>
      %dma_start3A_287 = arith.constant 0 : i32
      %dma_start3A_288 = arith.constant 0 : i32
      %dma_start3A_289 = tpu.memref_slice %arg28[%dma_start3A_287, %dma_start3A_288] : memref<50176x32xf32, #tpu.memory_space<vmem_shared>> -> memref<50176x32xf32, #tpu.memory_space<vmem_shared>>
      tpu.enqueue_indirect_dma source(%dma_start3A_283 : memref<128x32xf32, #tpu.memory_space<vmem>>) target(%dma_start3A_289 : memref<50176x32xf32, #tpu.memory_space<vmem_shared>>) offsets(%dma_start3A_286 : memref<128xi32, #tpu.memory_space<vmem>>) semaphore(%arg37 : memref<!tpu.dma_semaphore, #tpu.memory_space<semaphore_mem>>) {add = true}
      %dma_start3A_290 = arith.constant 1 : i32
      %dma_start3A_291 = arith.constant 1 : i32
      %dma_start3A_292 = arith.constant 0 : i32
      %dma_start3A_293 = tpu.memref_slice %arg22[%dma_start3A_290, %dma_start3A_292] : memref<2x128xf32, #tpu.memory_space<vmem>> -> memref<1x128xf32, #tpu.memory_space<vmem>>
      %dma_start3A_294 = tpu.memref_squeeze %dma_start3A_293 : memref<1x128xf32, #tpu.memory_space<vmem>> -> memref<128xf32, #tpu.memory_space<vmem>>
      %dma_start3A_295 = arith.constant 0 : i32
      %dma_start3A_296 = tpu.memref_slice %arg18[%dma_start3A_291, %dma_start3A_295] : memref<2x128xi32, #tpu.memory_space<vmem>> -> memref<1x128xi32, #tpu.memory_space<vmem>>
      %dma_start3A_297 = tpu.memref_squeeze %dma_start3A_296 : memref<1x128xi32, #tpu.memory_space<vmem>> -> memref<128xi32, #tpu.memory_space<vmem>>
      %dma_start3A_298 = arith.constant 0 : i32
      %dma_start3A_299 = tpu.memref_slice %arg29[%dma_start3A_298] : memref<50176xf32, #tpu.memory_space<vmem_shared>> -> memref<50176xf32, #tpu.memory_space<vmem_shared>>
      tpu.enqueue_indirect_dma source(%dma_start3A_294 : memref<128xf32, #tpu.memory_space<vmem>>) target(%dma_start3A_299 : memref<50176xf32, #tpu.memory_space<vmem_shared>>) offsets(%dma_start3A_297 : memref<128xi32, #tpu.memory_space<vmem>>) semaphore(%arg37 : memref<!tpu.dma_semaphore, #tpu.memory_space<semaphore_mem>>) {add = true}
      %add3A_300 = arith.constant 2 : i32
      %add3A_301 = arith.addi %add3A_175, %add3A_300 : i32
      %ge3A_302 = arith.constant 2 : i32
      %ge3A_303 = arith.cmpi sge, %add3A_301, %ge3A_302 : i32
      %convert_element_type3A_304 = arith.extui %ge3A_303 : i1 to i32
      %cond3A_305 = arith.constant 0 : i32
      %cond3A_306 = arith.cmpi ne, %convert_element_type3A_304, %cond3A_305 : i32
      scf.if %cond3A_306 {
        %dma_wait3A_430 = arith.constant 0 : i32
        %dma_wait3A_431 = arith.constant 0 : i32
        %dma_wait3A_432 = arith.constant 0 : i32
        %dma_wait3A_433 = tpu.memref_slice %arg26[%dma_wait3A_431, %dma_wait3A_432] : memref<256x32xf32, #tpu.memory_space<vmem>> -> memref<128x32xf32, #tpu.memory_space<vmem>>
        %dma_wait3A_434 = arith.constant 0 : i32
        %dma_wait3A_435 = tpu.memref_slice %arg18[%dma_wait3A_430, %dma_wait3A_434] : memref<2x128xi32, #tpu.memory_space<vmem>> -> memref<1x128xi32, #tpu.memory_space<vmem>>
        %dma_wait3A_436 = tpu.memref_squeeze %dma_wait3A_435 : memref<1x128xi32, #tpu.memory_space<vmem>> -> memref<128xi32, #tpu.memory_space<vmem>>
        %dma_wait3A_437 = arith.constant 0 : i32
        %dma_wait3A_438 = arith.constant 0 : i32
        %dma_wait3A_439 = tpu.memref_slice %arg28[%dma_wait3A_437, %dma_wait3A_438] : memref<50176x32xf32, #tpu.memory_space<vmem_shared>> -> memref<50176x32xf32, #tpu.memory_space<vmem_shared>>
        tpu.wait_indirect_dma semaphore(%arg37 : memref<!tpu.dma_semaphore, #tpu.memory_space<semaphore_mem>>) src(%dma_wait3A_433 : memref<128x32xf32, #tpu.memory_space<vmem>>) dst(%dma_wait3A_439 : memref<50176x32xf32, #tpu.memory_space<vmem_shared>>)
        %dma_wait3A_440 = arith.constant 0 : i32
        %dma_wait3A_441 = arith.constant 0 : i32
        %dma_wait3A_442 = arith.constant 0 : i32
        %dma_wait3A_443 = tpu.memref_slice %arg22[%dma_wait3A_440, %dma_wait3A_442] : memref<2x128xf32, #tpu.memory_space<vmem>> -> memref<1x128xf32, #tpu.memory_space<vmem>>
        %dma_wait3A_444 = tpu.memref_squeeze %dma_wait3A_443 : memref<1x128xf32, #tpu.memory_space<vmem>> -> memref<128xf32, #tpu.memory_space<vmem>>
        %dma_wait3A_445 = arith.constant 0 : i32
        %dma_wait3A_446 = tpu.memref_slice %arg18[%dma_wait3A_441, %dma_wait3A_445] : memref<2x128xi32, #tpu.memory_space<vmem>> -> memref<1x128xi32, #tpu.memory_space<vmem>>
        %dma_wait3A_447 = tpu.memref_squeeze %dma_wait3A_446 : memref<1x128xi32, #tpu.memory_space<vmem>> -> memref<128xi32, #tpu.memory_space<vmem>>
        %dma_wait3A_448 = arith.constant 0 : i32
        %dma_wait3A_449 = tpu.memref_slice %arg29[%dma_wait3A_448] : memref<50176xf32, #tpu.memory_space<vmem_shared>> -> memref<50176xf32, #tpu.memory_space<vmem_shared>>
        tpu.wait_indirect_dma semaphore(%arg37 : memref<!tpu.dma_semaphore, #tpu.memory_space<semaphore_mem>>) src(%dma_wait3A_444 : memref<128xf32, #tpu.memory_space<vmem>>) dst(%dma_wait3A_449 : memref<50176xf32, #tpu.memory_space<vmem_shared>>)
        %dma_wait3A_450 = arith.constant 1 : i32
        %dma_wait3A_451 = arith.constant 128 : i32
        %dma_wait3A_452 = arith.constant 0 : i32
        %dma_wait3A_453 = tpu.memref_slice %arg26[%dma_wait3A_451, %dma_wait3A_452] : memref<256x32xf32, #tpu.memory_space<vmem>> -> memref<128x32xf32, #tpu.memory_space<vmem>>
        %dma_wait3A_454 = arith.constant 0 : i32
        %dma_wait3A_455 = tpu.memref_slice %arg18[%dma_wait3A_450, %dma_wait3A_454] : memref<2x128xi32, #tpu.memory_space<vmem>> -> memref<1x128xi32, #tpu.memory_space<vmem>>
        %dma_wait3A_456 = tpu.memref_squeeze %dma_wait3A_455 : memref<1x128xi32, #tpu.memory_space<vmem>> -> memref<128xi32, #tpu.memory_space<vmem>>
        %dma_wait3A_457 = arith.constant 0 : i32
        %dma_wait3A_458 = arith.constant 0 : i32
        %dma_wait3A_459 = tpu.memref_slice %arg28[%dma_wait3A_457, %dma_wait3A_458] : memref<50176x32xf32, #tpu.memory_space<vmem_shared>> -> memref<50176x32xf32, #tpu.memory_space<vmem_shared>>
        tpu.wait_indirect_dma semaphore(%arg37 : memref<!tpu.dma_semaphore, #tpu.memory_space<semaphore_mem>>) src(%dma_wait3A_453 : memref<128x32xf32, #tpu.memory_space<vmem>>) dst(%dma_wait3A_459 : memref<50176x32xf32, #tpu.memory_space<vmem_shared>>)
        %dma_wait3A_460 = arith.constant 1 : i32
        %dma_wait3A_461 = arith.constant 1 : i32
        %dma_wait3A_462 = arith.constant 0 : i32
        %dma_wait3A_463 = tpu.memref_slice %arg22[%dma_wait3A_460, %dma_wait3A_462] : memref<2x128xf32, #tpu.memory_space<vmem>> -> memref<1x128xf32, #tpu.memory_space<vmem>>
        %dma_wait3A_464 = tpu.memref_squeeze %dma_wait3A_463 : memref<1x128xf32, #tpu.memory_space<vmem>> -> memref<128xf32, #tpu.memory_space<vmem>>
        %dma_wait3A_465 = arith.constant 0 : i32
        %dma_wait3A_466 = tpu.memref_slice %arg18[%dma_wait3A_461, %dma_wait3A_465] : memref<2x128xi32, #tpu.memory_space<vmem>> -> memref<1x128xi32, #tpu.memory_space<vmem>>
        %dma_wait3A_467 = tpu.memref_squeeze %dma_wait3A_466 : memref<1x128xi32, #tpu.memory_space<vmem>> -> memref<128xi32, #tpu.memory_space<vmem>>
        %dma_wait3A_468 = arith.constant 0 : i32
        %dma_wait3A_469 = tpu.memref_slice %arg29[%dma_wait3A_468] : memref<50176xf32, #tpu.memory_space<vmem_shared>> -> memref<50176xf32, #tpu.memory_space<vmem_shared>>
        tpu.wait_indirect_dma semaphore(%arg37 : memref<!tpu.dma_semaphore, #tpu.memory_space<semaphore_mem>>) src(%dma_wait3A_464 : memref<128xf32, #tpu.memory_space<vmem>>) dst(%dma_wait3A_469 : memref<50176xf32, #tpu.memory_space<vmem_shared>>)
      } else {
      }
      %lt3A_307 = arith.constant 196 : i32
      %lt3A_308 = arith.cmpi slt, %add3A_301, %lt3A_307 : i32
      %convert_element_type3A_309 = arith.extui %lt3A_308 : i1 to i32
      %cond3A_310 = arith.constant 0 : i32
      %cond3A_311 = arith.cmpi ne, %convert_element_type3A_309, %cond3A_310 : i32
      scf.if %cond3A_311 {
        %dma_wait3A_430 = arith.constant 0 : i32
        %dma_wait3A_431 = tpu.memref_slice %arg4[%dma_wait3A_430] : memref<1605632xi32, #tpu.memory_space<hbm>> -> memref<256xi32, #tpu.memory_space<hbm>>
        %dma_wait3A_432 = arith.constant 0 : i32
        %dma_wait3A_433 = tpu.memref_slice %arg4[%dma_wait3A_432] : memref<1605632xi32, #tpu.memory_space<hbm>> -> memref<256xi32, #tpu.memory_space<hbm>>
        tpu.wait_dma2 semaphore(%arg33 : memref<!tpu.dma_semaphore, #tpu.memory_space<semaphore_mem>>) src(%dma_wait3A_433 : memref<256xi32, #tpu.memory_space<hbm>>) dst(%arg12 : memref<256xi32, #tpu.memory_space<vmem>>)
        %dma_wait3A_434 = arith.constant 0 : i32
        %dma_wait3A_435 = arith.constant 0 : i32
        %dma_wait3A_436 = tpu.memref_slice %arg5[%dma_wait3A_434, %dma_wait3A_435] : memref<12544x128xf32, #tpu.memory_space<hbm>> -> memref<2x128xf32, #tpu.memory_space<hbm>>
        %dma_wait3A_437 = arith.constant 0 : i32
        %dma_wait3A_438 = arith.constant 0 : i32
        %dma_wait3A_439 = tpu.memref_slice %arg5[%dma_wait3A_437, %dma_wait3A_438] : memref<12544x128xf32, #tpu.memory_space<hbm>> -> memref<2x128xf32, #tpu.memory_space<hbm>>
        tpu.wait_dma2 semaphore(%arg33 : memref<!tpu.dma_semaphore, #tpu.memory_space<semaphore_mem>>) src(%dma_wait3A_439 : memref<2x128xf32, #tpu.memory_space<hbm>>) dst(%arg16 : memref<2x128xf32, #tpu.memory_space<vmem>>)
        %dma_wait3A_440 = arith.constant 0 : i32
        %dma_wait3A_441 = arith.constant 0 : i32
        %dma_wait3A_442 = tpu.memref_slice %arg3[%dma_wait3A_440, %dma_wait3A_441] : memref<12544x128xi32, #tpu.memory_space<hbm>> -> memref<2x128xi32, #tpu.memory_space<hbm>>
        %dma_wait3A_443 = arith.constant 0 : i32
        %dma_wait3A_444 = arith.constant 0 : i32
        %dma_wait3A_445 = tpu.memref_slice %arg3[%dma_wait3A_443, %dma_wait3A_444] : memref<12544x128xi32, #tpu.memory_space<hbm>> -> memref<2x128xi32, #tpu.memory_space<hbm>>
        tpu.wait_dma2 semaphore(%arg33 : memref<!tpu.dma_semaphore, #tpu.memory_space<semaphore_mem>>) src(%dma_wait3A_445 : memref<2x128xi32, #tpu.memory_space<hbm>>) dst(%arg20 : memref<2x128xi32, #tpu.memory_space<vmem>>)
        %dma_wait3A_446 = arith.constant 0 : i32
        %dma_wait3A_447 = arith.constant 0 : i32
        %dma_wait3A_448 = tpu.memref_slice %arg6[%dma_wait3A_446, %dma_wait3A_447] : memref<12544x128xf32, #tpu.memory_space<hbm>> -> memref<2x128xf32, #tpu.memory_space<hbm>>
        %dma_wait3A_449 = arith.constant 0 : i32
        %dma_wait3A_450 = arith.constant 0 : i32
        %dma_wait3A_451 = tpu.memref_slice %arg6[%dma_wait3A_449, %dma_wait3A_450] : memref<12544x128xf32, #tpu.memory_space<hbm>> -> memref<2x128xf32, #tpu.memory_space<hbm>>
        tpu.wait_dma2 semaphore(%arg33 : memref<!tpu.dma_semaphore, #tpu.memory_space<semaphore_mem>>) src(%dma_wait3A_451 : memref<2x128xf32, #tpu.memory_space<hbm>>) dst(%arg24 : memref<2x128xf32, #tpu.memory_space<vmem>>)
        %dma_start3A_452 = arith.constant 0 : i32
        %dma_start3A_453 = arith.constant 0 : i32
        %dma_start3A_454 = tpu.memref_slice %arg2[%dma_start3A_452, %dma_start3A_453] : memref<50176x32xf32, #tpu.memory_space<hbm>> -> memref<50176x32xf32, #tpu.memory_space<hbm>>
        tpu.enqueue_indirect_dma source(%dma_start3A_454 : memref<50176x32xf32, #tpu.memory_space<hbm>>) target(%arg26 : memref<256x32xf32, #tpu.memory_space<vmem>>) offsets(%arg12 : memref<256xi32, #tpu.memory_space<vmem>>) semaphore(%arg35 : memref<!tpu.dma_semaphore, #tpu.memory_space<semaphore_mem>>)
      } else {
      }
      %add3A_312 = arith.constant 1 : i32
      %add3A_313 = arith.addi %add3A_301, %add3A_312 : i32
      %lt3A_314 = arith.constant 196 : i32
      %lt3A_315 = arith.cmpi slt, %add3A_313, %lt3A_314 : i32
      %convert_element_type3A_316 = arith.extui %lt3A_315 : i1 to i32
      %cond3A_317 = arith.constant 0 : i32
      %cond3A_318 = arith.cmpi ne, %convert_element_type3A_316, %cond3A_317 : i32
      scf.if %cond3A_318 {
        %add3A_430 = arith.constant 1 : i32
        %add3A_431 = arith.addi %add3A_301, %add3A_430 : i32
        %mul3A_432 = arith.constant 50176 : i32
        %mul3A_433 = arith.muli %add3A, %mul3A_432 : i32
        %mul3A_434 = arith.constant 256 : i32
        %mul3A_435 = arith.muli %add3A_431, %mul3A_434 : i32
        %add3A_436 = arith.addi %mul3A_433, %mul3A_435 : i32
        %multiple_of3A_437 = tpu.assume_multiple %add3A_436, 256 : i32
        %mul3A_438 = arith.constant 392 : i32
        %mul3A_439 = arith.muli %add3A, %mul3A_438 : i32
        %mul3A_440 = arith.constant 2 : i32
        %mul3A_441 = arith.muli %add3A_431, %mul3A_440 : i32
        %add3A_442 = arith.addi %mul3A_439, %mul3A_441 : i32
        %multiple_of3A_443 = tpu.assume_multiple %add3A_442, 2 : i32
        %dma_start3A_444 = tpu.memref_slice %arg4[%multiple_of3A_437] : memref<1605632xi32, #tpu.memory_space<hbm>> -> memref<256xi32, #tpu.memory_space<hbm>>
        %dma_start3A_445 = tpu.memref_slice %arg4[%multiple_of3A_437] : memref<1605632xi32, #tpu.memory_space<hbm>> -> memref<256xi32, #tpu.memory_space<hbm>>
        tpu.enqueue_dma source(%dma_start3A_445 : memref<256xi32, #tpu.memory_space<hbm>>) target(%arg9 : memref<256xi32, #tpu.memory_space<vmem>>) target_semaphore(%arg30 : memref<!tpu.dma_semaphore, #tpu.memory_space<semaphore_mem>>)
        %dma_start3A_446 = arith.constant 0 : i32
        %dma_start3A_447 = tpu.memref_slice %arg5[%multiple_of3A_443, %dma_start3A_446] : memref<12544x128xf32, #tpu.memory_space<hbm>> -> memref<2x128xf32, #tpu.memory_space<hbm>>
        %dma_start3A_448 = arith.constant 0 : i32
        %dma_start3A_449 = tpu.memref_slice %arg5[%multiple_of3A_443, %dma_start3A_448] : memref<12544x128xf32, #tpu.memory_space<hbm>> -> memref<2x128xf32, #tpu.memory_space<hbm>>
        tpu.enqueue_dma source(%dma_start3A_449 : memref<2x128xf32, #tpu.memory_space<hbm>>) target(%arg13 : memref<2x128xf32, #tpu.memory_space<vmem>>) target_semaphore(%arg30 : memref<!tpu.dma_semaphore, #tpu.memory_space<semaphore_mem>>)
        %dma_start3A_450 = arith.constant 0 : i32
        %dma_start3A_451 = tpu.memref_slice %arg3[%multiple_of3A_443, %dma_start3A_450] : memref<12544x128xi32, #tpu.memory_space<hbm>> -> memref<2x128xi32, #tpu.memory_space<hbm>>
        %dma_start3A_452 = arith.constant 0 : i32
        %dma_start3A_453 = tpu.memref_slice %arg3[%multiple_of3A_443, %dma_start3A_452] : memref<12544x128xi32, #tpu.memory_space<hbm>> -> memref<2x128xi32, #tpu.memory_space<hbm>>
        tpu.enqueue_dma source(%dma_start3A_453 : memref<2x128xi32, #tpu.memory_space<hbm>>) target(%arg17 : memref<2x128xi32, #tpu.memory_space<vmem>>) target_semaphore(%arg30 : memref<!tpu.dma_semaphore, #tpu.memory_space<semaphore_mem>>)
        %dma_start3A_454 = arith.constant 0 : i32
        %dma_start3A_455 = tpu.memref_slice %arg6[%multiple_of3A_443, %dma_start3A_454] : memref<12544x128xf32, #tpu.memory_space<hbm>> -> memref<2x128xf32, #tpu.memory_space<hbm>>
        %dma_start3A_456 = arith.constant 0 : i32
        %dma_start3A_457 = tpu.memref_slice %arg6[%multiple_of3A_443, %dma_start3A_456] : memref<12544x128xf32, #tpu.memory_space<hbm>> -> memref<2x128xf32, #tpu.memory_space<hbm>>
        tpu.enqueue_dma source(%dma_start3A_457 : memref<2x128xf32, #tpu.memory_space<hbm>>) target(%arg21 : memref<2x128xf32, #tpu.memory_space<vmem>>) target_semaphore(%arg30 : memref<!tpu.dma_semaphore, #tpu.memory_space<semaphore_mem>>)
      } else {
      }
      %dma_wait3A_319 = arith.constant 0 : i32
      %dma_wait3A_320 = arith.constant 0 : i32
      %dma_wait3A_321 = tpu.memref_slice %arg2[%dma_wait3A_319, %dma_wait3A_320] : memref<50176x32xf32, #tpu.memory_space<hbm>> -> memref<50176x32xf32, #tpu.memory_space<hbm>>
      tpu.wait_indirect_dma semaphore(%arg34 : memref<!tpu.dma_semaphore, #tpu.memory_space<semaphore_mem>>) src(%dma_wait3A_321 : memref<50176x32xf32, #tpu.memory_space<hbm>>) dst(%arg25 : memref<256x32xf32, #tpu.memory_space<vmem>>)
      %parallel_loop3A_322 = arith.constant 0 : i32
      %parallel_loop3A_323 = arith.constant 16 : i32
      %parallel_loop3A_324 = arith.constant 1 : i32
      scf.for %parallel_loop3A_430 = %parallel_loop3A_322 to %parallel_loop3A_323 step %parallel_loop3A_324  : i32 {
        %parallel_loop3A_431 = arith.constant 8 : i32
        %parallel_loop3A_432 = arith.divsi %parallel_loop3A_430, %parallel_loop3A_431 : i32
        %parallel_loop3A_433 = arith.constant 0 : i32
        %parallel_loop3A_434 = arith.cmpi sgt, %parallel_loop3A_430, %parallel_loop3A_433 : i32
        %parallel_loop3A_435 = arith.extui %parallel_loop3A_434 : i1 to i32
        %parallel_loop3A_436 = arith.constant 0 : i32
        %parallel_loop3A_437 = arith.cmpi slt, %parallel_loop3A_430, %parallel_loop3A_436 : i32
        %parallel_loop3A_438 = arith.extui %parallel_loop3A_437 : i1 to i32
        %parallel_loop3A_439 = arith.subi %parallel_loop3A_435, %parallel_loop3A_438 : i32
        %parallel_loop3A_440 = arith.constant 0 : i32
        %parallel_loop3A_441 = arith.cmpi sgt, %parallel_loop3A_431, %parallel_loop3A_440 : i32
        %parallel_loop3A_442 = arith.extui %parallel_loop3A_441 : i1 to i32
        %parallel_loop3A_443 = arith.constant 0 : i32
        %parallel_loop3A_444 = arith.cmpi slt, %parallel_loop3A_431, %parallel_loop3A_443 : i32
        %parallel_loop3A_445 = arith.extui %parallel_loop3A_444 : i1 to i32
        %parallel_loop3A_446 = arith.subi %parallel_loop3A_442, %parallel_loop3A_445 : i32
        %parallel_loop3A_447 = arith.cmpi ne, %parallel_loop3A_439, %parallel_loop3A_446 : i32
        %parallel_loop3A_448 = arith.remsi %parallel_loop3A_430, %parallel_loop3A_431 : i32
        %parallel_loop3A_449 = arith.constant 0 : i32
        %parallel_loop3A_450 = arith.cmpi ne, %parallel_loop3A_448, %parallel_loop3A_449 : i32
        %parallel_loop3A_451 = arith.andi %parallel_loop3A_447, %parallel_loop3A_450 : i1
        %parallel_loop3A_452 = arith.constant 1 : i32
        %parallel_loop3A_453 = arith.subi %parallel_loop3A_432, %parallel_loop3A_452 : i32
        %parallel_loop3A_454 = arith.select %parallel_loop3A_451, %parallel_loop3A_453, %parallel_loop3A_432 : i32
        %parallel_loop3A_455 = arith.constant 8 : i32
        %parallel_loop3A_456 = arith.constant 0 : i32
        %parallel_loop3A_457 = arith.cmpi eq, %parallel_loop3A_455, %parallel_loop3A_456 : i32
        %parallel_loop3A_458 = arith.constant 1 : i32
        %parallel_loop3A_459 = arith.select %parallel_loop3A_457, %parallel_loop3A_458, %parallel_loop3A_455 : i32
        %parallel_loop3A_460 = arith.remsi %parallel_loop3A_430, %parallel_loop3A_459 : i32
        %parallel_loop3A_461 = arith.constant 0 : i32
        %parallel_loop3A_462 = arith.cmpi ne, %parallel_loop3A_460, %parallel_loop3A_461 : i32
        %parallel_loop3A_463 = arith.constant 0 : i32
        %parallel_loop3A_464 = arith.cmpi slt, %parallel_loop3A_460, %parallel_loop3A_463 : i32
        %parallel_loop3A_465 = arith.constant 0 : i32
        %parallel_loop3A_466 = arith.cmpi slt, %parallel_loop3A_459, %parallel_loop3A_465 : i32
        %parallel_loop3A_467 = arith.xori %parallel_loop3A_464, %parallel_loop3A_466 : i1
        %parallel_loop3A_468 = arith.andi %parallel_loop3A_467, %parallel_loop3A_462 : i1
        %parallel_loop3A_469 = arith.addi %parallel_loop3A_460, %parallel_loop3A_459 : i32
        %parallel_loop3A_470 = arith.select %parallel_loop3A_468, %parallel_loop3A_469, %parallel_loop3A_460 : i32
        %parallel_loop3A_471 = arith.constant 16 : i32
        %parallel_loop3A_472 = arith.muli %parallel_loop3A_470, %parallel_loop3A_471 : i32
        %parallel_loop3A_473 = arith.index_cast %parallel_loop3A_454 : i32 to index
        %parallel_loop3A_474 = arith.index_cast %parallel_loop3A_472 : i32 to index
        %parallel_loop3A_475 = tpu.vector_load %arg15[%parallel_loop3A_473, %parallel_loop3A_474] {strides = array<i32>} : memref<2x128xf32, #tpu.memory_space<vmem>>, vector<1x16xf32>,
        %parallel_loop3A_476 = vector.shape_cast %parallel_loop3A_475 : vector<1x16xf32> to vector<16xf32>
        %parallel_loop3A_477 = arith.constant 16 : i32
        %parallel_loop3A_478 = arith.muli %parallel_loop3A_430, %parallel_loop3A_477 : i32
        %parallel_loop3A_479 = arith.constant 0 : i32
        %parallel_loop3A_480 = arith.addi %parallel_loop3A_478, %parallel_loop3A_479 : i32
        %parallel_loop3A_481 = vector.extract_strided_slice %parallel_loop3A_476 {offsets = [0], sizes = [1], strides = [1]} : vector<16xf32> to vector<1xf32>
        %parallel_loop3A_482 = vector.extract %parallel_loop3A_481[0] : f32 from vector<1xf32>
        %parallel_loop3A_483 = vector.broadcast %parallel_loop3A_482 : f32 to vector<16xf32>
        %parallel_loop3A_484 = arith.index_cast %parallel_loop3A_480 : i32 to index
        %parallel_loop3A_485 = arith.constant 0 : index
        %parallel_loop3A_486 = tpu.vector_load %arg25[%parallel_loop3A_484, %parallel_loop3A_485] {strides = array<i32>} : memref<256x32xf32, #tpu.memory_space<vmem>>, vector<1x16xf32>,
        %parallel_loop3A_487 = vector.shape_cast %parallel_loop3A_486 : vector<1x16xf32> to vector<16xf32>
        %parallel_loop3A_488 = arith.mulf %parallel_loop3A_487, %parallel_loop3A_483 : vector<16xf32>
        %parallel_loop3A_489 = arith.index_cast %parallel_loop3A_480 : i32 to index
        %parallel_loop3A_490 = arith.constant 0 : index
        %parallel_loop3A_491 = tpu.vector_load %arg25[%parallel_loop3A_489, %parallel_loop3A_490] {strides = array<i32>} : memref<256x32xf32, #tpu.memory_space<vmem>>, vector<1x16xf32>,
        %parallel_loop3A_492 = vector.shape_cast %parallel_loop3A_491 : vector<1x16xf32> to vector<16xf32>
        %parallel_loop3A_493 = vector.shape_cast %parallel_loop3A_488 : vector<16xf32> to vector<1x16xf32>
        tpu.vector_store %arg25[%parallel_loop3A_489, %parallel_loop3A_490], %parallel_loop3A_493 {strides = array<i32>} : memref<256x32xf32, #tpu.memory_space<vmem>>, vector<1x16xf32>,
        %parallel_loop3A_494 = arith.index_cast %parallel_loop3A_480 : i32 to index
        %parallel_loop3A_495 = arith.constant 16 : index
        %parallel_loop3A_496 = tpu.vector_load %arg25[%parallel_loop3A_494, %parallel_loop3A_495] {strides = array<i32>} : memref<256x32xf32, #tpu.memory_space<vmem>>, vector<1x16xf32>,
        %parallel_loop3A_497 = vector.shape_cast %parallel_loop3A_496 : vector<1x16xf32> to vector<16xf32>
        %parallel_loop3A_498 = arith.mulf %parallel_loop3A_497, %parallel_loop3A_483 : vector<16xf32>
        %parallel_loop3A_499 = arith.index_cast %parallel_loop3A_480 : i32 to index
        %parallel_loop3A_500 = arith.constant 16 : index
        %parallel_loop3A_501 = tpu.vector_load %arg25[%parallel_loop3A_499, %parallel_loop3A_500] {strides = array<i32>} : memref<256x32xf32, #tpu.memory_space<vmem>>, vector<1x16xf32>,
        %parallel_loop3A_502 = vector.shape_cast %parallel_loop3A_501 : vector<1x16xf32> to vector<16xf32>
        %parallel_loop3A_503 = vector.shape_cast %parallel_loop3A_498 : vector<16xf32> to vector<1x16xf32>
        tpu.vector_store %arg25[%parallel_loop3A_499, %parallel_loop3A_500], %parallel_loop3A_503 {strides = array<i32>} : memref<256x32xf32, #tpu.memory_space<vmem>>, vector<1x16xf32>,
        %parallel_loop3A_504 = arith.constant 16 : i32
        %parallel_loop3A_505 = arith.muli %parallel_loop3A_430, %parallel_loop3A_504 : i32
        %parallel_loop3A_506 = arith.constant 1 : i32
        %parallel_loop3A_507 = arith.addi %parallel_loop3A_505, %parallel_loop3A_506 : i32
        %parallel_loop3A_508 = vector.extract_strided_slice %parallel_loop3A_476 {offsets = [1], sizes = [1], strides = [1]} : vector<16xf32> to vector<1xf32>
        %parallel_loop3A_509 = vector.extract %parallel_loop3A_508[0] : f32 from vector<1xf32>
        %parallel_loop3A_510 = vector.broadcast %parallel_loop3A_509 : f32 to vector<16xf32>
        %parallel_loop3A_511 = arith.index_cast %parallel_loop3A_507 : i32 to index
        %parallel_loop3A_512 = arith.constant 0 : index
        %parallel_loop3A_513 = tpu.vector_load %arg25[%parallel_loop3A_511, %parallel_loop3A_512] {strides = array<i32>} : memref<256x32xf32, #tpu.memory_space<vmem>>, vector<1x16xf32>,
        %parallel_loop3A_514 = vector.shape_cast %parallel_loop3A_513 : vector<1x16xf32> to vector<16xf32>
        %parallel_loop3A_515 = arith.mulf %parallel_loop3A_514, %parallel_loop3A_510 : vector<16xf32>
        %parallel_loop3A_516 = arith.index_cast %parallel_loop3A_507 : i32 to index
        %parallel_loop3A_517 = arith.constant 0 : index
        %parallel_loop3A_518 = tpu.vector_load %arg25[%parallel_loop3A_516, %parallel_loop3A_517] {strides = array<i32>} : memref<256x32xf32, #tpu.memory_space<vmem>>, vector<1x16xf32>,
        %parallel_loop3A_519 = vector.shape_cast %parallel_loop3A_518 : vector<1x16xf32> to vector<16xf32>
        %parallel_loop3A_520 = vector.shape_cast %parallel_loop3A_515 : vector<16xf32> to vector<1x16xf32>
        tpu.vector_store %arg25[%parallel_loop3A_516, %parallel_loop3A_517], %parallel_loop3A_520 {strides = array<i32>} : memref<256x32xf32, #tpu.memory_space<vmem>>, vector<1x16xf32>,
        %parallel_loop3A_521 = arith.index_cast %parallel_loop3A_507 : i32 to index
        %parallel_loop3A_522 = arith.constant 16 : index
        %parallel_loop3A_523 = tpu.vector_load %arg25[%parallel_loop3A_521, %parallel_loop3A_522] {strides = array<i32>} : memref<256x32xf32, #tpu.memory_space<vmem>>, vector<1x16xf32>,
        %parallel_loop3A_524 = vector.shape_cast %parallel_loop3A_523 : vector<1x16xf32> to vector<16xf32>
        %parallel_loop3A_525 = arith.mulf %parallel_loop3A_524, %parallel_loop3A_510 : vector<16xf32>
        %parallel_loop3A_526 = arith.index_cast %parallel_loop3A_507 : i32 to index
        %parallel_loop3A_527 = arith.constant 16 : index
        %parallel_loop3A_528 = tpu.vector_load %arg25[%parallel_loop3A_526, %parallel_loop3A_527] {strides = array<i32>} : memref<256x32xf32, #tpu.memory_space<vmem>>, vector<1x16xf32>,
        %parallel_loop3A_529 = vector.shape_cast %parallel_loop3A_528 : vector<1x16xf32> to vector<16xf32>
        %parallel_loop3A_530 = vector.shape_cast %parallel_loop3A_525 : vector<16xf32> to vector<1x16xf32>
        tpu.vector_store %arg25[%parallel_loop3A_526, %parallel_loop3A_527], %parallel_loop3A_530 {strides = array<i32>} : memref<256x32xf32, #tpu.memory_space<vmem>>, vector<1x16xf32>,
        %parallel_loop3A_531 = arith.constant 16 : i32
        %parallel_loop3A_532 = arith.muli %parallel_loop3A_430, %parallel_loop3A_531 : i32
        %parallel_loop3A_533 = arith.constant 2 : i32
        %parallel_loop3A_534 = arith.addi %parallel_loop3A_532, %parallel_loop3A_533 : i32
        %parallel_loop3A_535 = vector.extract_strided_slice %parallel_loop3A_476 {offsets = [2], sizes = [1], strides = [1]} : vector<16xf32> to vector<1xf32>
        %parallel_loop3A_536 = vector.extract %parallel_loop3A_535[0] : f32 from vector<1xf32>
        %parallel_loop3A_537 = vector.broadcast %parallel_loop3A_536 : f32 to vector<16xf32>
        %parallel_loop3A_538 = arith.index_cast %parallel_loop3A_534 : i32 to index
        %parallel_loop3A_539 = arith.constant 0 : index
        %parallel_loop3A_540 = tpu.vector_load %arg25[%parallel_loop3A_538, %parallel_loop3A_539] {strides = array<i32>} : memref<256x32xf32, #tpu.memory_space<vmem>>, vector<1x16xf32>,
        %parallel_loop3A_541 = vector.shape_cast %parallel_loop3A_540 : vector<1x16xf32> to vector<16xf32>
        %parallel_loop3A_542 = arith.mulf %parallel_loop3A_541, %parallel_loop3A_537 : vector<16xf32>
        %parallel_loop3A_543 = arith.index_cast %parallel_loop3A_534 : i32 to index
        %parallel_loop3A_544 = arith.constant 0 : index
        %parallel_loop3A_545 = tpu.vector_load %arg25[%parallel_loop3A_543, %parallel_loop3A_544] {strides = array<i32>} : memref<256x32xf32, #tpu.memory_space<vmem>>, vector<1x16xf32>,
        %parallel_loop3A_546 = vector.shape_cast %parallel_loop3A_545 : vector<1x16xf32> to vector<16xf32>
        %parallel_loop3A_547 = vector.shape_cast %parallel_loop3A_542 : vector<16xf32> to vector<1x16xf32>
        tpu.vector_store %arg25[%parallel_loop3A_543, %parallel_loop3A_544], %parallel_loop3A_547 {strides = array<i32>} : memref<256x32xf32, #tpu.memory_space<vmem>>, vector<1x16xf32>,
        %parallel_loop3A_548 = arith.index_cast %parallel_loop3A_534 : i32 to index
        %parallel_loop3A_549 = arith.constant 16 : index
        %parallel_loop3A_550 = tpu.vector_load %arg25[%parallel_loop3A_548, %parallel_loop3A_549] {strides = array<i32>} : memref<256x32xf32, #tpu.memory_space<vmem>>, vector<1x16xf32>,
        %parallel_loop3A_551 = vector.shape_cast %parallel_loop3A_550 : vector<1x16xf32> to vector<16xf32>
        %parallel_loop3A_552 = arith.mulf %parallel_loop3A_551, %parallel_loop3A_537 : vector<16xf32>
        %parallel_loop3A_553 = arith.index_cast %parallel_loop3A_534 : i32 to index
        %parallel_loop3A_554 = arith.constant 16 : index
        %parallel_loop3A_555 = tpu.vector_load %arg25[%parallel_loop3A_553, %parallel_loop3A_554] {strides = array<i32>} : memref<256x32xf32, #tpu.memory_space<vmem>>, vector<1x16xf32>,
        %parallel_loop3A_556 = vector.shape_cast %parallel_loop3A_555 : vector<1x16xf32> to vector<16xf32>
        %parallel_loop3A_557 = vector.shape_cast %parallel_loop3A_552 : vector<16xf32> to vector<1x16xf32>
        tpu.vector_store %arg25[%parallel_loop3A_553, %parallel_loop3A_554], %parallel_loop3A_557 {strides = array<i32>} : memref<256x32xf32, #tpu.memory_space<vmem>>, vector<1x16xf32>,
        %parallel_loop3A_558 = arith.constant 16 : i32
        %parallel_loop3A_559 = arith.muli %parallel_loop3A_430, %parallel_loop3A_558 : i32
        %parallel_loop3A_560 = arith.constant 3 : i32
        %parallel_loop3A_561 = arith.addi %parallel_loop3A_559, %parallel_loop3A_560 : i32
        %parallel_loop3A_562 = vector.extract_strided_slice %parallel_loop3A_476 {offsets = [3], sizes = [1], strides = [1]} : vector<16xf32> to vector<1xf32>
        %parallel_loop3A_563 = vector.extract %parallel_loop3A_562[0] : f32 from vector<1xf32>
        %parallel_loop3A_564 = vector.broadcast %parallel_loop3A_563 : f32 to vector<16xf32>
        %parallel_loop3A_565 = arith.index_cast %parallel_loop3A_561 : i32 to index
        %parallel_loop3A_566 = arith.constant 0 : index
        %parallel_loop3A_567 = tpu.vector_load %arg25[%parallel_loop3A_565, %parallel_loop3A_566] {strides = array<i32>} : memref<256x32xf32, #tpu.memory_space<vmem>>, vector<1x16xf32>,
        %parallel_loop3A_568 = vector.shape_cast %parallel_loop3A_567 : vector<1x16xf32> to vector<16xf32>
        %parallel_loop3A_569 = arith.mulf %parallel_loop3A_568, %parallel_loop3A_564 : vector<16xf32>
        %parallel_loop3A_570 = arith.index_cast %parallel_loop3A_561 : i32 to index
        %parallel_loop3A_571 = arith.constant 0 : index
        %parallel_loop3A_572 = tpu.vector_load %arg25[%parallel_loop3A_570, %parallel_loop3A_571] {strides = array<i32>} : memref<256x32xf32, #tpu.memory_space<vmem>>, vector<1x16xf32>,
        %parallel_loop3A_573 = vector.shape_cast %parallel_loop3A_572 : vector<1x16xf32> to vector<16xf32>
        %parallel_loop3A_574 = vector.shape_cast %parallel_loop3A_569 : vector<16xf32> to vector<1x16xf32>
        tpu.vector_store %arg25[%parallel_loop3A_570, %parallel_loop3A_571], %parallel_loop3A_574 {strides = array<i32>} : memref<256x32xf32, #tpu.memory_space<vmem>>, vector<1x16xf32>,
        %parallel_loop3A_575 = arith.index_cast %parallel_loop3A_561 : i32 to index
        %parallel_loop3A_576 = arith.constant 16 : index
        %parallel_loop3A_577 = tpu.vector_load %arg25[%parallel_loop3A_575, %parallel_loop3A_576] {strides = array<i32>} : memref<256x32xf32, #tpu.memory_space<vmem>>, vector<1x16xf32>,
        %parallel_loop3A_578 = vector.shape_cast %parallel_loop3A_577 : vector<1x16xf32> to vector<16xf32>
        %parallel_loop3A_579 = arith.mulf %parallel_loop3A_578, %parallel_loop3A_564 : vector<16xf32>
        %parallel_loop3A_580 = arith.index_cast %parallel_loop3A_561 : i32 to index
        %parallel_loop3A_581 = arith.constant 16 : index
        %parallel_loop3A_582 = tpu.vector_load %arg25[%parallel_loop3A_580, %parallel_loop3A_581] {strides = array<i32>} : memref<256x32xf32, #tpu.memory_space<vmem>>, vector<1x16xf32>,
        %parallel_loop3A_583 = vector.shape_cast %parallel_loop3A_582 : vector<1x16xf32> to vector<16xf32>
        %parallel_loop3A_584 = vector.shape_cast %parallel_loop3A_579 : vector<16xf32> to vector<1x16xf32>
        tpu.vector_store %arg25[%parallel_loop3A_580, %parallel_loop3A_581], %parallel_loop3A_584 {strides = array<i32>} : memref<256x32xf32, #tpu.memory_space<vmem>>, vector<1x16xf32>,
        %parallel_loop3A_585 = arith.constant 16 : i32
        %parallel_loop3A_586 = arith.muli %parallel_loop3A_430, %parallel_loop3A_585 : i32
        %parallel_loop3A_587 = arith.constant 4 : i32
        %parallel_loop3A_588 = arith.addi %parallel_loop3A_586, %parallel_loop3A_587 : i32
        %parallel_loop3A_589 = vector.extract_strided_slice %parallel_loop3A_476 {offsets = [4], sizes = [1], strides = [1]} : vector<16xf32> to vector<1xf32>
        %parallel_loop3A_590 = vector.extract %parallel_loop3A_589[0] : f32 from vector<1xf32>
        %parallel_loop3A_591 = vector.broadcast %parallel_loop3A_590 : f32 to vector<16xf32>
        %parallel_loop3A_592 = arith.index_cast %parallel_loop3A_588 : i32 to index
        %parallel_loop3A_593 = arith.constant 0 : index
        %parallel_loop3A_594 = tpu.vector_load %arg25[%parallel_loop3A_592, %parallel_loop3A_593] {strides = array<i32>} : memref<256x32xf32, #tpu.memory_space<vmem>>, vector<1x16xf32>,
        %parallel_loop3A_595 = vector.shape_cast %parallel_loop3A_594 : vector<1x16xf32> to vector<16xf32>
        %parallel_loop3A_596 = arith.mulf %parallel_loop3A_595, %parallel_loop3A_591 : vector<16xf32>
        %parallel_loop3A_597 = arith.index_cast %parallel_loop3A_588 : i32 to index
        %parallel_loop3A_598 = arith.constant 0 : index
        %parallel_loop3A_599 = tpu.vector_load %arg25[%parallel_loop3A_597, %parallel_loop3A_598] {strides = array<i32>} : memref<256x32xf32, #tpu.memory_space<vmem>>, vector<1x16xf32>,
        %parallel_loop3A_600 = vector.shape_cast %parallel_loop3A_599 : vector<1x16xf32> to vector<16xf32>
        %parallel_loop3A_601 = vector.shape_cast %parallel_loop3A_596 : vector<16xf32> to vector<1x16xf32>
        tpu.vector_store %arg25[%parallel_loop3A_597, %parallel_loop3A_598], %parallel_loop3A_601 {strides = array<i32>} : memref<256x32xf32, #tpu.memory_space<vmem>>, vector<1x16xf32>,
        %parallel_loop3A_602 = arith.index_cast %parallel_loop3A_588 : i32 to index
        %parallel_loop3A_603 = arith.constant 16 : index
        %parallel_loop3A_604 = tpu.vector_load %arg25[%parallel_loop3A_602, %parallel_loop3A_603] {strides = array<i32>} : memref<256x32xf32, #tpu.memory_space<vmem>>, vector<1x16xf32>,
        %parallel_loop3A_605 = vector.shape_cast %parallel_loop3A_604 : vector<1x16xf32> to vector<16xf32>
        %parallel_loop3A_606 = arith.mulf %parallel_loop3A_605, %parallel_loop3A_591 : vector<16xf32>
        %parallel_loop3A_607 = arith.index_cast %parallel_loop3A_588 : i32 to index
        %parallel_loop3A_608 = arith.constant 16 : index
        %parallel_loop3A_609 = tpu.vector_load %arg25[%parallel_loop3A_607, %parallel_loop3A_608] {strides = array<i32>} : memref<256x32xf32, #tpu.memory_space<vmem>>, vector<1x16xf32>,
        %parallel_loop3A_610 = vector.shape_cast %parallel_loop3A_609 : vector<1x16xf32> to vector<16xf32>
        %parallel_loop3A_611 = vector.shape_cast %parallel_loop3A_606 : vector<16xf32> to vector<1x16xf32>
        tpu.vector_store %arg25[%parallel_loop3A_607, %parallel_loop3A_608], %parallel_loop3A_611 {strides = array<i32>} : memref<256x32xf32, #tpu.memory_space<vmem>>, vector<1x16xf32>,
        %parallel_loop3A_612 = arith.constant 16 : i32
        %parallel_loop3A_613 = arith.muli %parallel_loop3A_430, %parallel_loop3A_612 : i32
        %parallel_loop3A_614 = arith.constant 5 : i32
        %parallel_loop3A_615 = arith.addi %parallel_loop3A_613, %parallel_loop3A_614 : i32
        %parallel_loop3A_616 = vector.extract_strided_slice %parallel_loop3A_476 {offsets = [5], sizes = [1], strides = [1]} : vector<16xf32> to vector<1xf32>
        %parallel_loop3A_617 = vector.extract %parallel_loop3A_616[0] : f32 from vector<1xf32>
        %parallel_loop3A_618 = vector.broadcast %parallel_loop3A_617 : f32 to vector<16xf32>
        %parallel_loop3A_619 = arith.index_cast %parallel_loop3A_615 : i32 to index
        %parallel_loop3A_620 = arith.constant 0 : index
        %parallel_loop3A_621 = tpu.vector_load %arg25[%parallel_loop3A_619, %parallel_loop3A_620] {strides = array<i32>} : memref<256x32xf32, #tpu.memory_space<vmem>>, vector<1x16xf32>,
        %parallel_loop3A_622 = vector.shape_cast %parallel_loop3A_621 : vector<1x16xf32> to vector<16xf32>
        %parallel_loop3A_623 = arith.mulf %parallel_loop3A_622, %parallel_loop3A_618 : vector<16xf32>
        %parallel_loop3A_624 = arith.index_cast %parallel_loop3A_615 : i32 to index
        %parallel_loop3A_625 = arith.constant 0 : index
        %parallel_loop3A_626 = tpu.vector_load %arg25[%parallel_loop3A_624, %parallel_loop3A_625] {strides = array<i32>} : memref<256x32xf32, #tpu.memory_space<vmem>>, vector<1x16xf32>,
        %parallel_loop3A_627 = vector.shape_cast %parallel_loop3A_626 : vector<1x16xf32> to vector<16xf32>
        %parallel_loop3A_628 = vector.shape_cast %parallel_loop3A_623 : vector<16xf32> to vector<1x16xf32>
        tpu.vector_store %arg25[%parallel_loop3A_624, %parallel_loop3A_625], %parallel_loop3A_628 {strides = array<i32>} : memref<256x32xf32, #tpu.memory_space<vmem>>, vector<1x16xf32>,
        %parallel_loop3A_629 = arith.index_cast %parallel_loop3A_615 : i32 to index
        %parallel_loop3A_630 = arith.constant 16 : index
        %parallel_loop3A_631 = tpu.vector_load %arg25[%parallel_loop3A_629, %parallel_loop3A_630] {strides = array<i32>} : memref<256x32xf32, #tpu.memory_space<vmem>>, vector<1x16xf32>,
        %parallel_loop3A_632 = vector.shape_cast %parallel_loop3A_631 : vector<1x16xf32> to vector<16xf32>
        %parallel_loop3A_633 = arith.mulf %parallel_loop3A_632, %parallel_loop3A_618 : vector<16xf32>
        %parallel_loop3A_634 = arith.index_cast %parallel_loop3A_615 : i32 to index
        %parallel_loop3A_635 = arith.constant 16 : index
        %parallel_loop3A_636 = tpu.vector_load %arg25[%parallel_loop3A_634, %parallel_loop3A_635] {strides = array<i32>} : memref<256x32xf32, #tpu.memory_space<vmem>>, vector<1x16xf32>,
        %parallel_loop3A_637 = vector.shape_cast %parallel_loop3A_636 : vector<1x16xf32> to vector<16xf32>
        %parallel_loop3A_638 = vector.shape_cast %parallel_loop3A_633 : vector<16xf32> to vector<1x16xf32>
        tpu.vector_store %arg25[%parallel_loop3A_634, %parallel_loop3A_635], %parallel_loop3A_638 {strides = array<i32>} : memref<256x32xf32, #tpu.memory_space<vmem>>, vector<1x16xf32>,
        %parallel_loop3A_639 = arith.constant 16 : i32
        %parallel_loop3A_640 = arith.muli %parallel_loop3A_430, %parallel_loop3A_639 : i32
        %parallel_loop3A_641 = arith.constant 6 : i32
        %parallel_loop3A_642 = arith.addi %parallel_loop3A_640, %parallel_loop3A_641 : i32
        %parallel_loop3A_643 = vector.extract_strided_slice %parallel_loop3A_476 {offsets = [6], sizes = [1], strides = [1]} : vector<16xf32> to vector<1xf32>
        %parallel_loop3A_644 = vector.extract %parallel_loop3A_643[0] : f32 from vector<1xf32>
        %parallel_loop3A_645 = vector.broadcast %parallel_loop3A_644 : f32 to vector<16xf32>
        %parallel_loop3A_646 = arith.index_cast %parallel_loop3A_642 : i32 to index
        %parallel_loop3A_647 = arith.constant 0 : index
        %parallel_loop3A_648 = tpu.vector_load %arg25[%parallel_loop3A_646, %parallel_loop3A_647] {strides = array<i32>} : memref<256x32xf32, #tpu.memory_space<vmem>>, vector<1x16xf32>,
        %parallel_loop3A_649 = vector.shape_cast %parallel_loop3A_648 : vector<1x16xf32> to vector<16xf32>
        %parallel_loop3A_650 = arith.mulf %parallel_loop3A_649, %parallel_loop3A_645 : vector<16xf32>
        %parallel_loop3A_651 = arith.index_cast %parallel_loop3A_642 : i32 to index
        %parallel_loop3A_652 = arith.constant 0 : index
        %parallel_loop3A_653 = tpu.vector_load %arg25[%parallel_loop3A_651, %parallel_loop3A_652] {strides = array<i32>} : memref<256x32xf32, #tpu.memory_space<vmem>>, vector<1x16xf32>,
        %parallel_loop3A_654 = vector.shape_cast %parallel_loop3A_653 : vector<1x16xf32> to vector<16xf32>
        %parallel_loop3A_655 = vector.shape_cast %parallel_loop3A_650 : vector<16xf32> to vector<1x16xf32>
        tpu.vector_store %arg25[%parallel_loop3A_651, %parallel_loop3A_652], %parallel_loop3A_655 {strides = array<i32>} : memref<256x32xf32, #tpu.memory_space<vmem>>, vector<1x16xf32>,
        %parallel_loop3A_656 = arith.index_cast %parallel_loop3A_642 : i32 to index
        %parallel_loop3A_657 = arith.constant 16 : index
        %parallel_loop3A_658 = tpu.vector_load %arg25[%parallel_loop3A_656, %parallel_loop3A_657] {strides = array<i32>} : memref<256x32xf32, #tpu.memory_space<vmem>>, vector<1x16xf32>,
        %parallel_loop3A_659 = vector.shape_cast %parallel_loop3A_658 : vector<1x16xf32> to vector<16xf32>
        %parallel_loop3A_660 = arith.mulf %parallel_loop3A_659, %parallel_loop3A_645 : vector<16xf32>
        %parallel_loop3A_661 = arith.index_cast %parallel_loop3A_642 : i32 to index
        %parallel_loop3A_662 = arith.constant 16 : index
        %parallel_loop3A_663 = tpu.vector_load %arg25[%parallel_loop3A_661, %parallel_loop3A_662] {strides = array<i32>} : memref<256x32xf32, #tpu.memory_space<vmem>>, vector<1x16xf32>,
        %parallel_loop3A_664 = vector.shape_cast %parallel_loop3A_663 : vector<1x16xf32> to vector<16xf32>
        %parallel_loop3A_665 = vector.shape_cast %parallel_loop3A_660 : vector<16xf32> to vector<1x16xf32>
        tpu.vector_store %arg25[%parallel_loop3A_661, %parallel_loop3A_662], %parallel_loop3A_665 {strides = array<i32>} : memref<256x32xf32, #tpu.memory_space<vmem>>, vector<1x16xf32>,
        %parallel_loop3A_666 = arith.constant 16 : i32
        %parallel_loop3A_667 = arith.muli %parallel_loop3A_430, %parallel_loop3A_666 : i32
        %parallel_loop3A_668 = arith.constant 7 : i32
        %parallel_loop3A_669 = arith.addi %parallel_loop3A_667, %parallel_loop3A_668 : i32
        %parallel_loop3A_670 = vector.extract_strided_slice %parallel_loop3A_476 {offsets = [7], sizes = [1], strides = [1]} : vector<16xf32> to vector<1xf32>
        %parallel_loop3A_671 = vector.extract %parallel_loop3A_670[0] : f32 from vector<1xf32>
        %parallel_loop3A_672 = vector.broadcast %parallel_loop3A_671 : f32 to vector<16xf32>
        %parallel_loop3A_673 = arith.index_cast %parallel_loop3A_669 : i32 to index
        %parallel_loop3A_674 = arith.constant 0 : index
        %parallel_loop3A_675 = tpu.vector_load %arg25[%parallel_loop3A_673, %parallel_loop3A_674] {strides = array<i32>} : memref<256x32xf32, #tpu.memory_space<vmem>>, vector<1x16xf32>,
        %parallel_loop3A_676 = vector.shape_cast %parallel_loop3A_675 : vector<1x16xf32> to vector<16xf32>
        %parallel_loop3A_677 = arith.mulf %parallel_loop3A_676, %parallel_loop3A_672 : vector<16xf32>
        %parallel_loop3A_678 = arith.index_cast %parallel_loop3A_669 : i32 to index
        %parallel_loop3A_679 = arith.constant 0 : index
        %parallel_loop3A_680 = tpu.vector_load %arg25[%parallel_loop3A_678, %parallel_loop3A_679] {strides = array<i32>} : memref<256x32xf32, #tpu.memory_space<vmem>>, vector<1x16xf32>,
        %parallel_loop3A_681 = vector.shape_cast %parallel_loop3A_680 : vector<1x16xf32> to vector<16xf32>
        %parallel_loop3A_682 = vector.shape_cast %parallel_loop3A_677 : vector<16xf32> to vector<1x16xf32>
        tpu.vector_store %arg25[%parallel_loop3A_678, %parallel_loop3A_679], %parallel_loop3A_682 {strides = array<i32>} : memref<256x32xf32, #tpu.memory_space<vmem>>, vector<1x16xf32>,
        %parallel_loop3A_683 = arith.index_cast %parallel_loop3A_669 : i32 to index
        %parallel_loop3A_684 = arith.constant 16 : index
        %parallel_loop3A_685 = tpu.vector_load %arg25[%parallel_loop3A_683, %parallel_loop3A_684] {strides = array<i32>} : memref<256x32xf32, #tpu.memory_space<vmem>>, vector<1x16xf32>,
        %parallel_loop3A_686 = vector.shape_cast %parallel_loop3A_685 : vector<1x16xf32> to vector<16xf32>
        %parallel_loop3A_687 = arith.mulf %parallel_loop3A_686, %parallel_loop3A_672 : vector<16xf32>
        %parallel_loop3A_688 = arith.index_cast %parallel_loop3A_669 : i32 to index
        %parallel_loop3A_689 = arith.constant 16 : index
        %parallel_loop3A_690 = tpu.vector_load %arg25[%parallel_loop3A_688, %parallel_loop3A_689] {strides = array<i32>} : memref<256x32xf32, #tpu.memory_space<vmem>>, vector<1x16xf32>,
        %parallel_loop3A_691 = vector.shape_cast %parallel_loop3A_690 : vector<1x16xf32> to vector<16xf32>
        %parallel_loop3A_692 = vector.shape_cast %parallel_loop3A_687 : vector<16xf32> to vector<1x16xf32>
        tpu.vector_store %arg25[%parallel_loop3A_688, %parallel_loop3A_689], %parallel_loop3A_692 {strides = array<i32>} : memref<256x32xf32, #tpu.memory_space<vmem>>, vector<1x16xf32>,
        %parallel_loop3A_693 = arith.constant 16 : i32
        %parallel_loop3A_694 = arith.muli %parallel_loop3A_430, %parallel_loop3A_693 : i32
        %parallel_loop3A_695 = arith.constant 8 : i32
        %parallel_loop3A_696 = arith.addi %parallel_loop3A_694, %parallel_loop3A_695 : i32
        %parallel_loop3A_697 = vector.extract_strided_slice %parallel_loop3A_476 {offsets = [8], sizes = [1], strides = [1]} : vector<16xf32> to vector<1xf32>
        %parallel_loop3A_698 = vector.extract %parallel_loop3A_697[0] : f32 from vector<1xf32>
        %parallel_loop3A_699 = vector.broadcast %parallel_loop3A_698 : f32 to vector<16xf32>
        %parallel_loop3A_700 = arith.index_cast %parallel_loop3A_696 : i32 to index
        %parallel_loop3A_701 = arith.constant 0 : index
        %parallel_loop3A_702 = tpu.vector_load %arg25[%parallel_loop3A_700, %parallel_loop3A_701] {strides = array<i32>} : memref<256x32xf32, #tpu.memory_space<vmem>>, vector<1x16xf32>,
        %parallel_loop3A_703 = vector.shape_cast %parallel_loop3A_702 : vector<1x16xf32> to vector<16xf32>
        %parallel_loop3A_704 = arith.mulf %parallel_loop3A_703, %parallel_loop3A_699 : vector<16xf32>
        %parallel_loop3A_705 = arith.index_cast %parallel_loop3A_696 : i32 to index
        %parallel_loop3A_706 = arith.constant 0 : index
        %parallel_loop3A_707 = tpu.vector_load %arg25[%parallel_loop3A_705, %parallel_loop3A_706] {strides = array<i32>} : memref<256x32xf32, #tpu.memory_space<vmem>>, vector<1x16xf32>,
        %parallel_loop3A_708 = vector.shape_cast %parallel_loop3A_707 : vector<1x16xf32> to vector<16xf32>
        %parallel_loop3A_709 = vector.shape_cast %parallel_loop3A_704 : vector<16xf32> to vector<1x16xf32>
        tpu.vector_store %arg25[%parallel_loop3A_705, %parallel_loop3A_706], %parallel_loop3A_709 {strides = array<i32>} : memref<256x32xf32, #tpu.memory_space<vmem>>, vector<1x16xf32>,
        %parallel_loop3A_710 = arith.index_cast %parallel_loop3A_696 : i32 to index
        %parallel_loop3A_711 = arith.constant 16 : index
        %parallel_loop3A_712 = tpu.vector_load %arg25[%parallel_loop3A_710, %parallel_loop3A_711] {strides = array<i32>} : memref<256x32xf32, #tpu.memory_space<vmem>>, vector<1x16xf32>,
        %parallel_loop3A_713 = vector.shape_cast %parallel_loop3A_712 : vector<1x16xf32> to vector<16xf32>
        %parallel_loop3A_714 = arith.mulf %parallel_loop3A_713, %parallel_loop3A_699 : vector<16xf32>
        %parallel_loop3A_715 = arith.index_cast %parallel_loop3A_696 : i32 to index
        %parallel_loop3A_716 = arith.constant 16 : index
        %parallel_loop3A_717 = tpu.vector_load %arg25[%parallel_loop3A_715, %parallel_loop3A_716] {strides = array<i32>} : memref<256x32xf32, #tpu.memory_space<vmem>>, vector<1x16xf32>,
        %parallel_loop3A_718 = vector.shape_cast %parallel_loop3A_717 : vector<1x16xf32> to vector<16xf32>
        %parallel_loop3A_719 = vector.shape_cast %parallel_loop3A_714 : vector<16xf32> to vector<1x16xf32>
        tpu.vector_store %arg25[%parallel_loop3A_715, %parallel_loop3A_716], %parallel_loop3A_719 {strides = array<i32>} : memref<256x32xf32, #tpu.memory_space<vmem>>, vector<1x16xf32>,
        %parallel_loop3A_720 = arith.constant 16 : i32
        %parallel_loop3A_721 = arith.muli %parallel_loop3A_430, %parallel_loop3A_720 : i32
        %parallel_loop3A_722 = arith.constant 9 : i32
        %parallel_loop3A_723 = arith.addi %parallel_loop3A_721, %parallel_loop3A_722 : i32
        %parallel_loop3A_724 = vector.extract_strided_slice %parallel_loop3A_476 {offsets = [9], sizes = [1], strides = [1]} : vector<16xf32> to vector<1xf32>
        %parallel_loop3A_725 = vector.extract %parallel_loop3A_724[0] : f32 from vector<1xf32>
        %parallel_loop3A_726 = vector.broadcast %parallel_loop3A_725 : f32 to vector<16xf32>
        %parallel_loop3A_727 = arith.index_cast %parallel_loop3A_723 : i32 to index
        %parallel_loop3A_728 = arith.constant 0 : index
        %parallel_loop3A_729 = tpu.vector_load %arg25[%parallel_loop3A_727, %parallel_loop3A_728] {strides = array<i32>} : memref<256x32xf32, #tpu.memory_space<vmem>>, vector<1x16xf32>,
        %parallel_loop3A_730 = vector.shape_cast %parallel_loop3A_729 : vector<1x16xf32> to vector<16xf32>
        %parallel_loop3A_731 = arith.mulf %parallel_loop3A_730, %parallel_loop3A_726 : vector<16xf32>
        %parallel_loop3A_732 = arith.index_cast %parallel_loop3A_723 : i32 to index
        %parallel_loop3A_733 = arith.constant 0 : index
        %parallel_loop3A_734 = tpu.vector_load %arg25[%parallel_loop3A_732, %parallel_loop3A_733] {strides = array<i32>} : memref<256x32xf32, #tpu.memory_space<vmem>>, vector<1x16xf32>,
        %parallel_loop3A_735 = vector.shape_cast %parallel_loop3A_734 : vector<1x16xf32> to vector<16xf32>
        %parallel_loop3A_736 = vector.shape_cast %parallel_loop3A_731 : vector<16xf32> to vector<1x16xf32>
        tpu.vector_store %arg25[%parallel_loop3A_732, %parallel_loop3A_733], %parallel_loop3A_736 {strides = array<i32>} : memref<256x32xf32, #tpu.memory_space<vmem>>, vector<1x16xf32>,
        %parallel_loop3A_737 = arith.index_cast %parallel_loop3A_723 : i32 to index
        %parallel_loop3A_738 = arith.constant 16 : index
        %parallel_loop3A_739 = tpu.vector_load %arg25[%parallel_loop3A_737, %parallel_loop3A_738] {strides = array<i32>} : memref<256x32xf32, #tpu.memory_space<vmem>>, vector<1x16xf32>,
        %parallel_loop3A_740 = vector.shape_cast %parallel_loop3A_739 : vector<1x16xf32> to vector<16xf32>
        %parallel_loop3A_741 = arith.mulf %parallel_loop3A_740, %parallel_loop3A_726 : vector<16xf32>
        %parallel_loop3A_742 = arith.index_cast %parallel_loop3A_723 : i32 to index
        %parallel_loop3A_743 = arith.constant 16 : index
        %parallel_loop3A_744 = tpu.vector_load %arg25[%parallel_loop3A_742, %parallel_loop3A_743] {strides = array<i32>} : memref<256x32xf32, #tpu.memory_space<vmem>>, vector<1x16xf32>,
        %parallel_loop3A_745 = vector.shape_cast %parallel_loop3A_744 : vector<1x16xf32> to vector<16xf32>
        %parallel_loop3A_746 = vector.shape_cast %parallel_loop3A_741 : vector<16xf32> to vector<1x16xf32>
        tpu.vector_store %arg25[%parallel_loop3A_742, %parallel_loop3A_743], %parallel_loop3A_746 {strides = array<i32>} : memref<256x32xf32, #tpu.memory_space<vmem>>, vector<1x16xf32>,
        %parallel_loop3A_747 = arith.constant 16 : i32
        %parallel_loop3A_748 = arith.muli %parallel_loop3A_430, %parallel_loop3A_747 : i32
        %parallel_loop3A_749 = arith.constant 10 : i32
        %parallel_loop3A_750 = arith.addi %parallel_loop3A_748, %parallel_loop3A_749 : i32
        %parallel_loop3A_751 = vector.extract_strided_slice %parallel_loop3A_476 {offsets = [10], sizes = [1], strides = [1]} : vector<16xf32> to vector<1xf32>
        %parallel_loop3A_752 = vector.extract %parallel_loop3A_751[0] : f32 from vector<1xf32>
        %parallel_loop3A_753 = vector.broadcast %parallel_loop3A_752 : f32 to vector<16xf32>
        %parallel_loop3A_754 = arith.index_cast %parallel_loop3A_750 : i32 to index
        %parallel_loop3A_755 = arith.constant 0 : index
        %parallel_loop3A_756 = tpu.vector_load %arg25[%parallel_loop3A_754, %parallel_loop3A_755] {strides = array<i32>} : memref<256x32xf32, #tpu.memory_space<vmem>>, vector<1x16xf32>,
        %parallel_loop3A_757 = vector.shape_cast %parallel_loop3A_756 : vector<1x16xf32> to vector<16xf32>
        %parallel_loop3A_758 = arith.mulf %parallel_loop3A_757, %parallel_loop3A_753 : vector<16xf32>
        %parallel_loop3A_759 = arith.index_cast %parallel_loop3A_750 : i32 to index
        %parallel_loop3A_760 = arith.constant 0 : index
        %parallel_loop3A_761 = tpu.vector_load %arg25[%parallel_loop3A_759, %parallel_loop3A_760] {strides = array<i32>} : memref<256x32xf32, #tpu.memory_space<vmem>>, vector<1x16xf32>,
        %parallel_loop3A_762 = vector.shape_cast %parallel_loop3A_761 : vector<1x16xf32> to vector<16xf32>
        %parallel_loop3A_763 = vector.shape_cast %parallel_loop3A_758 : vector<16xf32> to vector<1x16xf32>
        tpu.vector_store %arg25[%parallel_loop3A_759, %parallel_loop3A_760], %parallel_loop3A_763 {strides = array<i32>} : memref<256x32xf32, #tpu.memory_space<vmem>>, vector<1x16xf32>,
        %parallel_loop3A_764 = arith.index_cast %parallel_loop3A_750 : i32 to index
        %parallel_loop3A_765 = arith.constant 16 : index
        %parallel_loop3A_766 = tpu.vector_load %arg25[%parallel_loop3A_764, %parallel_loop3A_765] {strides = array<i32>} : memref<256x32xf32, #tpu.memory_space<vmem>>, vector<1x16xf32>,
        %parallel_loop3A_767 = vector.shape_cast %parallel_loop3A_766 : vector<1x16xf32> to vector<16xf32>
        %parallel_loop3A_768 = arith.mulf %parallel_loop3A_767, %parallel_loop3A_753 : vector<16xf32>
        %parallel_loop3A_769 = arith.index_cast %parallel_loop3A_750 : i32 to index
        %parallel_loop3A_770 = arith.constant 16 : index
        %parallel_loop3A_771 = tpu.vector_load %arg25[%parallel_loop3A_769, %parallel_loop3A_770] {strides = array<i32>} : memref<256x32xf32, #tpu.memory_space<vmem>>, vector<1x16xf32>,
        %parallel_loop3A_772 = vector.shape_cast %parallel_loop3A_771 : vector<1x16xf32> to vector<16xf32>
        %parallel_loop3A_773 = vector.shape_cast %parallel_loop3A_768 : vector<16xf32> to vector<1x16xf32>
        tpu.vector_store %arg25[%parallel_loop3A_769, %parallel_loop3A_770], %parallel_loop3A_773 {strides = array<i32>} : memref<256x32xf32, #tpu.memory_space<vmem>>, vector<1x16xf32>,
        %parallel_loop3A_774 = arith.constant 16 : i32
        %parallel_loop3A_775 = arith.muli %parallel_loop3A_430, %parallel_loop3A_774 : i32
        %parallel_loop3A_776 = arith.constant 11 : i32
        %parallel_loop3A_777 = arith.addi %parallel_loop3A_775, %parallel_loop3A_776 : i32
        %parallel_loop3A_778 = vector.extract_strided_slice %parallel_loop3A_476 {offsets = [11], sizes = [1], strides = [1]} : vector<16xf32> to vector<1xf32>
        %parallel_loop3A_779 = vector.extract %parallel_loop3A_778[0] : f32 from vector<1xf32>
        %parallel_loop3A_780 = vector.broadcast %parallel_loop3A_779 : f32 to vector<16xf32>
        %parallel_loop3A_781 = arith.index_cast %parallel_loop3A_777 : i32 to index
        %parallel_loop3A_782 = arith.constant 0 : index
        %parallel_loop3A_783 = tpu.vector_load %arg25[%parallel_loop3A_781, %parallel_loop3A_782] {strides = array<i32>} : memref<256x32xf32, #tpu.memory_space<vmem>>, vector<1x16xf32>,
        %parallel_loop3A_784 = vector.shape_cast %parallel_loop3A_783 : vector<1x16xf32> to vector<16xf32>
        %parallel_loop3A_785 = arith.mulf %parallel_loop3A_784, %parallel_loop3A_780 : vector<16xf32>
        %parallel_loop3A_786 = arith.index_cast %parallel_loop3A_777 : i32 to index
        %parallel_loop3A_787 = arith.constant 0 : index
        %parallel_loop3A_788 = tpu.vector_load %arg25[%parallel_loop3A_786, %parallel_loop3A_787] {strides = array<i32>} : memref<256x32xf32, #tpu.memory_space<vmem>>, vector<1x16xf32>,
        %parallel_loop3A_789 = vector.shape_cast %parallel_loop3A_788 : vector<1x16xf32> to vector<16xf32>
        %parallel_loop3A_790 = vector.shape_cast %parallel_loop3A_785 : vector<16xf32> to vector<1x16xf32>
        tpu.vector_store %arg25[%parallel_loop3A_786, %parallel_loop3A_787], %parallel_loop3A_790 {strides = array<i32>} : memref<256x32xf32, #tpu.memory_space<vmem>>, vector<1x16xf32>,
        %parallel_loop3A_791 = arith.index_cast %parallel_loop3A_777 : i32 to index
        %parallel_loop3A_792 = arith.constant 16 : index
        %parallel_loop3A_793 = tpu.vector_load %arg25[%parallel_loop3A_791, %parallel_loop3A_792] {strides = array<i32>} : memref<256x32xf32, #tpu.memory_space<vmem>>, vector<1x16xf32>,
        %parallel_loop3A_794 = vector.shape_cast %parallel_loop3A_793 : vector<1x16xf32> to vector<16xf32>
        %parallel_loop3A_795 = arith.mulf %parallel_loop3A_794, %parallel_loop3A_780 : vector<16xf32>
        %parallel_loop3A_796 = arith.index_cast %parallel_loop3A_777 : i32 to index
        %parallel_loop3A_797 = arith.constant 16 : index
        %parallel_loop3A_798 = tpu.vector_load %arg25[%parallel_loop3A_796, %parallel_loop3A_797] {strides = array<i32>} : memref<256x32xf32, #tpu.memory_space<vmem>>, vector<1x16xf32>,
        %parallel_loop3A_799 = vector.shape_cast %parallel_loop3A_798 : vector<1x16xf32> to vector<16xf32>
        %parallel_loop3A_800 = vector.shape_cast %parallel_loop3A_795 : vector<16xf32> to vector<1x16xf32>
        tpu.vector_store %arg25[%parallel_loop3A_796, %parallel_loop3A_797], %parallel_loop3A_800 {strides = array<i32>} : memref<256x32xf32, #tpu.memory_space<vmem>>, vector<1x16xf32>,
        %parallel_loop3A_801 = arith.constant 16 : i32
        %parallel_loop3A_802 = arith.muli %parallel_loop3A_430, %parallel_loop3A_801 : i32
        %parallel_loop3A_803 = arith.constant 12 : i32
        %parallel_loop3A_804 = arith.addi %parallel_loop3A_802, %parallel_loop3A_803 : i32
        %parallel_loop3A_805 = vector.extract_strided_slice %parallel_loop3A_476 {offsets = [12], sizes = [1], strides = [1]} : vector<16xf32> to vector<1xf32>
        %parallel_loop3A_806 = vector.extract %parallel_loop3A_805[0] : f32 from vector<1xf32>
        %parallel_loop3A_807 = vector.broadcast %parallel_loop3A_806 : f32 to vector<16xf32>
        %parallel_loop3A_808 = arith.index_cast %parallel_loop3A_804 : i32 to index
        %parallel_loop3A_809 = arith.constant 0 : index
        %parallel_loop3A_810 = tpu.vector_load %arg25[%parallel_loop3A_808, %parallel_loop3A_809] {strides = array<i32>} : memref<256x32xf32, #tpu.memory_space<vmem>>, vector<1x16xf32>,
        %parallel_loop3A_811 = vector.shape_cast %parallel_loop3A_810 : vector<1x16xf32> to vector<16xf32>
        %parallel_loop3A_812 = arith.mulf %parallel_loop3A_811, %parallel_loop3A_807 : vector<16xf32>
        %parallel_loop3A_813 = arith.index_cast %parallel_loop3A_804 : i32 to index
        %parallel_loop3A_814 = arith.constant 0 : index
        %parallel_loop3A_815 = tpu.vector_load %arg25[%parallel_loop3A_813, %parallel_loop3A_814] {strides = array<i32>} : memref<256x32xf32, #tpu.memory_space<vmem>>, vector<1x16xf32>,
        %parallel_loop3A_816 = vector.shape_cast %parallel_loop3A_815 : vector<1x16xf32> to vector<16xf32>
        %parallel_loop3A_817 = vector.shape_cast %parallel_loop3A_812 : vector<16xf32> to vector<1x16xf32>
        tpu.vector_store %arg25[%parallel_loop3A_813, %parallel_loop3A_814], %parallel_loop3A_817 {strides = array<i32>} : memref<256x32xf32, #tpu.memory_space<vmem>>, vector<1x16xf32>,
        %parallel_loop3A_818 = arith.index_cast %parallel_loop3A_804 : i32 to index
        %parallel_loop3A_819 = arith.constant 16 : index
        %parallel_loop3A_820 = tpu.vector_load %arg25[%parallel_loop3A_818, %parallel_loop3A_819] {strides = array<i32>} : memref<256x32xf32, #tpu.memory_space<vmem>>, vector<1x16xf32>,
        %parallel_loop3A_821 = vector.shape_cast %parallel_loop3A_820 : vector<1x16xf32> to vector<16xf32>
        %parallel_loop3A_822 = arith.mulf %parallel_loop3A_821, %parallel_loop3A_807 : vector<16xf32>
        %parallel_loop3A_823 = arith.index_cast %parallel_loop3A_804 : i32 to index
        %parallel_loop3A_824 = arith.constant 16 : index
        %parallel_loop3A_825 = tpu.vector_load %arg25[%parallel_loop3A_823, %parallel_loop3A_824] {strides = array<i32>} : memref<256x32xf32, #tpu.memory_space<vmem>>, vector<1x16xf32>,
        %parallel_loop3A_826 = vector.shape_cast %parallel_loop3A_825 : vector<1x16xf32> to vector<16xf32>
        %parallel_loop3A_827 = vector.shape_cast %parallel_loop3A_822 : vector<16xf32> to vector<1x16xf32>
        tpu.vector_store %arg25[%parallel_loop3A_823, %parallel_loop3A_824], %parallel_loop3A_827 {strides = array<i32>} : memref<256x32xf32, #tpu.memory_space<vmem>>, vector<1x16xf32>,
        %parallel_loop3A_828 = arith.constant 16 : i32
        %parallel_loop3A_829 = arith.muli %parallel_loop3A_430, %parallel_loop3A_828 : i32
        %parallel_loop3A_830 = arith.constant 13 : i32
        %parallel_loop3A_831 = arith.addi %parallel_loop3A_829, %parallel_loop3A_830 : i32
        %parallel_loop3A_832 = vector.extract_strided_slice %parallel_loop3A_476 {offsets = [13], sizes = [1], strides = [1]} : vector<16xf32> to vector<1xf32>
        %parallel_loop3A_833 = vector.extract %parallel_loop3A_832[0] : f32 from vector<1xf32>
        %parallel_loop3A_834 = vector.broadcast %parallel_loop3A_833 : f32 to vector<16xf32>
        %parallel_loop3A_835 = arith.index_cast %parallel_loop3A_831 : i32 to index
        %parallel_loop3A_836 = arith.constant 0 : index
        %parallel_loop3A_837 = tpu.vector_load %arg25[%parallel_loop3A_835, %parallel_loop3A_836] {strides = array<i32>} : memref<256x32xf32, #tpu.memory_space<vmem>>, vector<1x16xf32>,
        %parallel_loop3A_838 = vector.shape_cast %parallel_loop3A_837 : vector<1x16xf32> to vector<16xf32>
        %parallel_loop3A_839 = arith.mulf %parallel_loop3A_838, %parallel_loop3A_834 : vector<16xf32>
        %parallel_loop3A_840 = arith.index_cast %parallel_loop3A_831 : i32 to index
        %parallel_loop3A_841 = arith.constant 0 : index
        %parallel_loop3A_842 = tpu.vector_load %arg25[%parallel_loop3A_840, %parallel_loop3A_841] {strides = array<i32>} : memref<256x32xf32, #tpu.memory_space<vmem>>, vector<1x16xf32>,
        %parallel_loop3A_843 = vector.shape_cast %parallel_loop3A_842 : vector<1x16xf32> to vector<16xf32>
        %parallel_loop3A_844 = vector.shape_cast %parallel_loop3A_839 : vector<16xf32> to vector<1x16xf32>
        tpu.vector_store %arg25[%parallel_loop3A_840, %parallel_loop3A_841], %parallel_loop3A_844 {strides = array<i32>} : memref<256x32xf32, #tpu.memory_space<vmem>>, vector<1x16xf32>,
        %parallel_loop3A_845 = arith.index_cast %parallel_loop3A_831 : i32 to index
        %parallel_loop3A_846 = arith.constant 16 : index
        %parallel_loop3A_847 = tpu.vector_load %arg25[%parallel_loop3A_845, %parallel_loop3A_846] {strides = array<i32>} : memref<256x32xf32, #tpu.memory_space<vmem>>, vector<1x16xf32>,
        %parallel_loop3A_848 = vector.shape_cast %parallel_loop3A_847 : vector<1x16xf32> to vector<16xf32>
        %parallel_loop3A_849 = arith.mulf %parallel_loop3A_848, %parallel_loop3A_834 : vector<16xf32>
        %parallel_loop3A_850 = arith.index_cast %parallel_loop3A_831 : i32 to index
        %parallel_loop3A_851 = arith.constant 16 : index
        %parallel_loop3A_852 = tpu.vector_load %arg25[%parallel_loop3A_850, %parallel_loop3A_851] {strides = array<i32>} : memref<256x32xf32, #tpu.memory_space<vmem>>, vector<1x16xf32>,
        %parallel_loop3A_853 = vector.shape_cast %parallel_loop3A_852 : vector<1x16xf32> to vector<16xf32>
        %parallel_loop3A_854 = vector.shape_cast %parallel_loop3A_849 : vector<16xf32> to vector<1x16xf32>
        tpu.vector_store %arg25[%parallel_loop3A_850, %parallel_loop3A_851], %parallel_loop3A_854 {strides = array<i32>} : memref<256x32xf32, #tpu.memory_space<vmem>>, vector<1x16xf32>,
        %parallel_loop3A_855 = arith.constant 16 : i32
        %parallel_loop3A_856 = arith.muli %parallel_loop3A_430, %parallel_loop3A_855 : i32
        %parallel_loop3A_857 = arith.constant 14 : i32
        %parallel_loop3A_858 = arith.addi %parallel_loop3A_856, %parallel_loop3A_857 : i32
        %parallel_loop3A_859 = vector.extract_strided_slice %parallel_loop3A_476 {offsets = [14], sizes = [1], strides = [1]} : vector<16xf32> to vector<1xf32>
        %parallel_loop3A_860 = vector.extract %parallel_loop3A_859[0] : f32 from vector<1xf32>
        %parallel_loop3A_861 = vector.broadcast %parallel_loop3A_860 : f32 to vector<16xf32>
        %parallel_loop3A_862 = arith.index_cast %parallel_loop3A_858 : i32 to index
        %parallel_loop3A_863 = arith.constant 0 : index
        %parallel_loop3A_864 = tpu.vector_load %arg25[%parallel_loop3A_862, %parallel_loop3A_863] {strides = array<i32>} : memref<256x32xf32, #tpu.memory_space<vmem>>, vector<1x16xf32>,
        %parallel_loop3A_865 = vector.shape_cast %parallel_loop3A_864 : vector<1x16xf32> to vector<16xf32>
        %parallel_loop3A_866 = arith.mulf %parallel_loop3A_865, %parallel_loop3A_861 : vector<16xf32>
        %parallel_loop3A_867 = arith.index_cast %parallel_loop3A_858 : i32 to index
        %parallel_loop3A_868 = arith.constant 0 : index
        %parallel_loop3A_869 = tpu.vector_load %arg25[%parallel_loop3A_867, %parallel_loop3A_868] {strides = array<i32>} : memref<256x32xf32, #tpu.memory_space<vmem>>, vector<1x16xf32>,
        %parallel_loop3A_870 = vector.shape_cast %parallel_loop3A_869 : vector<1x16xf32> to vector<16xf32>
        %parallel_loop3A_871 = vector.shape_cast %parallel_loop3A_866 : vector<16xf32> to vector<1x16xf32>
        tpu.vector_store %arg25[%parallel_loop3A_867, %parallel_loop3A_868], %parallel_loop3A_871 {strides = array<i32>} : memref<256x32xf32, #tpu.memory_space<vmem>>, vector<1x16xf32>,
        %parallel_loop3A_872 = arith.index_cast %parallel_loop3A_858 : i32 to index
        %parallel_loop3A_873 = arith.constant 16 : index
        %parallel_loop3A_874 = tpu.vector_load %arg25[%parallel_loop3A_872, %parallel_loop3A_873] {strides = array<i32>} : memref<256x32xf32, #tpu.memory_space<vmem>>, vector<1x16xf32>,
        %parallel_loop3A_875 = vector.shape_cast %parallel_loop3A_874 : vector<1x16xf32> to vector<16xf32>
        %parallel_loop3A_876 = arith.mulf %parallel_loop3A_875, %parallel_loop3A_861 : vector<16xf32>
        %parallel_loop3A_877 = arith.index_cast %parallel_loop3A_858 : i32 to index
        %parallel_loop3A_878 = arith.constant 16 : index
        %parallel_loop3A_879 = tpu.vector_load %arg25[%parallel_loop3A_877, %parallel_loop3A_878] {strides = array<i32>} : memref<256x32xf32, #tpu.memory_space<vmem>>, vector<1x16xf32>,
        %parallel_loop3A_880 = vector.shape_cast %parallel_loop3A_879 : vector<1x16xf32> to vector<16xf32>
        %parallel_loop3A_881 = vector.shape_cast %parallel_loop3A_876 : vector<16xf32> to vector<1x16xf32>
        tpu.vector_store %arg25[%parallel_loop3A_877, %parallel_loop3A_878], %parallel_loop3A_881 {strides = array<i32>} : memref<256x32xf32, #tpu.memory_space<vmem>>, vector<1x16xf32>,
        %parallel_loop3A_882 = arith.constant 16 : i32
        %parallel_loop3A_883 = arith.muli %parallel_loop3A_430, %parallel_loop3A_882 : i32
        %parallel_loop3A_884 = arith.constant 15 : i32
        %parallel_loop3A_885 = arith.addi %parallel_loop3A_883, %parallel_loop3A_884 : i32
        %parallel_loop3A_886 = vector.extract_strided_slice %parallel_loop3A_476 {offsets = [15], sizes = [1], strides = [1]} : vector<16xf32> to vector<1xf32>
        %parallel_loop3A_887 = vector.extract %parallel_loop3A_886[0] : f32 from vector<1xf32>
        %parallel_loop3A_888 = vector.broadcast %parallel_loop3A_887 : f32 to vector<16xf32>
        %parallel_loop3A_889 = arith.index_cast %parallel_loop3A_885 : i32 to index
        %parallel_loop3A_890 = arith.constant 0 : index
        %parallel_loop3A_891 = tpu.vector_load %arg25[%parallel_loop3A_889, %parallel_loop3A_890] {strides = array<i32>} : memref<256x32xf32, #tpu.memory_space<vmem>>, vector<1x16xf32>,
        %parallel_loop3A_892 = vector.shape_cast %parallel_loop3A_891 : vector<1x16xf32> to vector<16xf32>
        %parallel_loop3A_893 = arith.mulf %parallel_loop3A_892, %parallel_loop3A_888 : vector<16xf32>
        %parallel_loop3A_894 = arith.index_cast %parallel_loop3A_885 : i32 to index
        %parallel_loop3A_895 = arith.constant 0 : index
        %parallel_loop3A_896 = tpu.vector_load %arg25[%parallel_loop3A_894, %parallel_loop3A_895] {strides = array<i32>} : memref<256x32xf32, #tpu.memory_space<vmem>>, vector<1x16xf32>,
        %parallel_loop3A_897 = vector.shape_cast %parallel_loop3A_896 : vector<1x16xf32> to vector<16xf32>
        %parallel_loop3A_898 = vector.shape_cast %parallel_loop3A_893 : vector<16xf32> to vector<1x16xf32>
        tpu.vector_store %arg25[%parallel_loop3A_894, %parallel_loop3A_895], %parallel_loop3A_898 {strides = array<i32>} : memref<256x32xf32, #tpu.memory_space<vmem>>, vector<1x16xf32>,
        %parallel_loop3A_899 = arith.index_cast %parallel_loop3A_885 : i32 to index
        %parallel_loop3A_900 = arith.constant 16 : index
        %parallel_loop3A_901 = tpu.vector_load %arg25[%parallel_loop3A_899, %parallel_loop3A_900] {strides = array<i32>} : memref<256x32xf32, #tpu.memory_space<vmem>>, vector<1x16xf32>,
        %parallel_loop3A_902 = vector.shape_cast %parallel_loop3A_901 : vector<1x16xf32> to vector<16xf32>
        %parallel_loop3A_903 = arith.mulf %parallel_loop3A_902, %parallel_loop3A_888 : vector<16xf32>
        %parallel_loop3A_904 = arith.index_cast %parallel_loop3A_885 : i32 to index
        %parallel_loop3A_905 = arith.constant 16 : index
        %parallel_loop3A_906 = tpu.vector_load %arg25[%parallel_loop3A_904, %parallel_loop3A_905] {strides = array<i32>} : memref<256x32xf32, #tpu.memory_space<vmem>>, vector<1x16xf32>,
        %parallel_loop3A_907 = vector.shape_cast %parallel_loop3A_906 : vector<1x16xf32> to vector<16xf32>
        %parallel_loop3A_908 = vector.shape_cast %parallel_loop3A_903 : vector<16xf32> to vector<1x16xf32>
        tpu.vector_store %arg25[%parallel_loop3A_904, %parallel_loop3A_905], %parallel_loop3A_908 {strides = array<i32>} : memref<256x32xf32, #tpu.memory_space<vmem>>, vector<1x16xf32>,
      } {sc.loop_unroll_factor = 2 : i64, sc.parallel_access}
      %dma_start3A_325 = arith.constant 0 : i32
      %dma_start3A_326 = arith.constant 0 : i32
      %dma_start3A_327 = arith.constant 0 : i32
      %dma_start3A_328 = tpu.memref_slice %arg25[%dma_start3A_326, %dma_start3A_327] : memref<256x32xf32, #tpu.memory_space<vmem>> -> memref<128x32xf32, #tpu.memory_space<vmem>>
      %dma_start3A_329 = arith.constant 0 : i32
      %dma_start3A_330 = tpu.memref_slice %arg19[%dma_start3A_325, %dma_start3A_329] : memref<2x128xi32, #tpu.memory_space<vmem>> -> memref<1x128xi32, #tpu.memory_space<vmem>>
      %dma_start3A_331 = tpu.memref_squeeze %dma_start3A_330 : memref<1x128xi32, #tpu.memory_space<vmem>> -> memref<128xi32, #tpu.memory_space<vmem>>
      %dma_start3A_332 = arith.constant 0 : i32
      %dma_start3A_333 = arith.constant 0 : i32
      %dma_start3A_334 = tpu.memref_slice %arg28[%dma_start3A_332, %dma_start3A_333] : memref<50176x32xf32, #tpu.memory_space<vmem_shared>> -> memref<50176x32xf32, #tpu.memory_space<vmem_shared>>
      tpu.enqueue_indirect_dma source(%dma_start3A_328 : memref<128x32xf32, #tpu.memory_space<vmem>>) target(%dma_start3A_334 : memref<50176x32xf32, #tpu.memory_space<vmem_shared>>) offsets(%dma_start3A_331 : memref<128xi32, #tpu.memory_space<vmem>>) semaphore(%arg36 : memref<!tpu.dma_semaphore, #tpu.memory_space<semaphore_mem>>) {add = true}
      %dma_start3A_335 = arith.constant 0 : i32
      %dma_start3A_336 = arith.constant 0 : i32
      %dma_start3A_337 = arith.constant 0 : i32
      %dma_start3A_338 = tpu.memref_slice %arg23[%dma_start3A_335, %dma_start3A_337] : memref<2x128xf32, #tpu.memory_space<vmem>> -> memref<1x128xf32, #tpu.memory_space<vmem>>
      %dma_start3A_339 = tpu.memref_squeeze %dma_start3A_338 : memref<1x128xf32, #tpu.memory_space<vmem>> -> memref<128xf32, #tpu.memory_space<vmem>>
      %dma_start3A_340 = arith.constant 0 : i32
      %dma_start3A_341 = tpu.memref_slice %arg19[%dma_start3A_336, %dma_start3A_340] : memref<2x128xi32, #tpu.memory_space<vmem>> -> memref<1x128xi32, #tpu.memory_space<vmem>>
      %dma_start3A_342 = tpu.memref_squeeze %dma_start3A_341 : memref<1x128xi32, #tpu.memory_space<vmem>> -> memref<128xi32, #tpu.memory_space<vmem>>
      %dma_start3A_343 = arith.constant 0 : i32
      %dma_start3A_344 = tpu.memref_slice %arg29[%dma_start3A_343] : memref<50176xf32, #tpu.memory_space<vmem_shared>> -> memref<50176xf32, #tpu.memory_space<vmem_shared>>
      tpu.enqueue_indirect_dma source(%dma_start3A_339 : memref<128xf32, #tpu.memory_space<vmem>>) target(%dma_start3A_344 : memref<50176xf32, #tpu.memory_space<vmem_shared>>) offsets(%dma_start3A_342 : memref<128xi32, #tpu.memory_space<vmem>>) semaphore(%arg36 : memref<!tpu.dma_semaphore, #tpu.memory_space<semaphore_mem>>) {add = true}
      %dma_start3A_345 = arith.constant 1 : i32
      %dma_start3A_346 = arith.constant 128 : i32
      %dma_start3A_347 = arith.constant 0 : i32
      %dma_start3A_348 = tpu.memref_slice %arg25[%dma_start3A_346, %dma_start3A_347] : memref<256x32xf32, #tpu.memory_space<vmem>> -> memref<128x32xf32, #tpu.memory_space<vmem>>
      %dma_start3A_349 = arith.constant 0 : i32
      %dma_start3A_350 = tpu.memref_slice %arg19[%dma_start3A_345, %dma_start3A_349] : memref<2x128xi32, #tpu.memory_space<vmem>> -> memref<1x128xi32, #tpu.memory_space<vmem>>
      %dma_start3A_351 = tpu.memref_squeeze %dma_start3A_350 : memref<1x128xi32, #tpu.memory_space<vmem>> -> memref<128xi32, #tpu.memory_space<vmem>>
      %dma_start3A_352 = arith.constant 0 : i32
      %dma_start3A_353 = arith.constant 0 : i32
      %dma_start3A_354 = tpu.memref_slice %arg28[%dma_start3A_352, %dma_start3A_353] : memref<50176x32xf32, #tpu.memory_space<vmem_shared>> -> memref<50176x32xf32, #tpu.memory_space<vmem_shared>>
      tpu.enqueue_indirect_dma source(%dma_start3A_348 : memref<128x32xf32, #tpu.memory_space<vmem>>) target(%dma_start3A_354 : memref<50176x32xf32, #tpu.memory_space<vmem_shared>>) offsets(%dma_start3A_351 : memref<128xi32, #tpu.memory_space<vmem>>) semaphore(%arg36 : memref<!tpu.dma_semaphore, #tpu.memory_space<semaphore_mem>>) {add = true}
      %dma_start3A_355 = arith.constant 1 : i32
      %dma_start3A_356 = arith.constant 1 : i32
      %dma_start3A_357 = arith.constant 0 : i32
      %dma_start3A_358 = tpu.memref_slice %arg23[%dma_start3A_355, %dma_start3A_357] : memref<2x128xf32, #tpu.memory_space<vmem>> -> memref<1x128xf32, #tpu.memory_space<vmem>>
      %dma_start3A_359 = tpu.memref_squeeze %dma_start3A_358 : memref<1x128xf32, #tpu.memory_space<vmem>> -> memref<128xf32, #tpu.memory_space<vmem>>
      %dma_start3A_360 = arith.constant 0 : i32
      %dma_start3A_361 = tpu.memref_slice %arg19[%dma_start3A_356, %dma_start3A_360] : memref<2x128xi32, #tpu.memory_space<vmem>> -> memref<1x128xi32, #tpu.memory_space<vmem>>
      %dma_start3A_362 = tpu.memref_squeeze %dma_start3A_361 : memref<1x128xi32, #tpu.memory_space<vmem>> -> memref<128xi32, #tpu.memory_space<vmem>>
      %dma_start3A_363 = arith.constant 0 : i32
      %dma_start3A_364 = tpu.memref_slice %arg29[%dma_start3A_363] : memref<50176xf32, #tpu.memory_space<vmem_shared>> -> memref<50176xf32, #tpu.memory_space<vmem_shared>>
      tpu.enqueue_indirect_dma source(%dma_start3A_359 : memref<128xf32, #tpu.memory_space<vmem>>) target(%dma_start3A_364 : memref<50176xf32, #tpu.memory_space<vmem_shared>>) offsets(%dma_start3A_362 : memref<128xi32, #tpu.memory_space<vmem>>) semaphore(%arg36 : memref<!tpu.dma_semaphore, #tpu.memory_space<semaphore_mem>>) {add = true}
      %add3A_365 = arith.constant 3 : i32
      %add3A_366 = arith.addi %add3A_175, %add3A_365 : i32
      %ge3A_367 = arith.constant 2 : i32
      %ge3A_368 = arith.cmpi sge, %add3A_366, %ge3A_367 : i32
      %convert_element_type3A_369 = arith.extui %ge3A_368 : i1 to i32
      %cond3A_370 = arith.constant 0 : i32
      %cond3A_371 = arith.cmpi ne, %convert_element_type3A_369, %cond3A_370 : i32
      scf.if %cond3A_371 {
        %dma_wait3A_430 = arith.constant 0 : i32
        %dma_wait3A_431 = arith.constant 0 : i32
        %dma_wait3A_432 = arith.constant 0 : i32
        %dma_wait3A_433 = tpu.memref_slice %arg25[%dma_wait3A_431, %dma_wait3A_432] : memref<256x32xf32, #tpu.memory_space<vmem>> -> memref<128x32xf32, #tpu.memory_space<vmem>>
        %dma_wait3A_434 = arith.constant 0 : i32
        %dma_wait3A_435 = tpu.memref_slice %arg19[%dma_wait3A_430, %dma_wait3A_434] : memref<2x128xi32, #tpu.memory_space<vmem>> -> memref<1x128xi32, #tpu.memory_space<vmem>>
        %dma_wait3A_436 = tpu.memref_squeeze %dma_wait3A_435 : memref<1x128xi32, #tpu.memory_space<vmem>> -> memref<128xi32, #tpu.memory_space<vmem>>
        %dma_wait3A_437 = arith.constant 0 : i32
        %dma_wait3A_438 = arith.constant 0 : i32
        %dma_wait3A_439 = tpu.memref_slice %arg28[%dma_wait3A_437, %dma_wait3A_438] : memref<50176x32xf32, #tpu.memory_space<vmem_shared>> -> memref<50176x32xf32, #tpu.memory_space<vmem_shared>>
        tpu.wait_indirect_dma semaphore(%arg36 : memref<!tpu.dma_semaphore, #tpu.memory_space<semaphore_mem>>) src(%dma_wait3A_433 : memref<128x32xf32, #tpu.memory_space<vmem>>) dst(%dma_wait3A_439 : memref<50176x32xf32, #tpu.memory_space<vmem_shared>>)
        %dma_wait3A_440 = arith.constant 0 : i32
        %dma_wait3A_441 = arith.constant 0 : i32
        %dma_wait3A_442 = arith.constant 0 : i32
        %dma_wait3A_443 = tpu.memref_slice %arg23[%dma_wait3A_440, %dma_wait3A_442] : memref<2x128xf32, #tpu.memory_space<vmem>> -> memref<1x128xf32, #tpu.memory_space<vmem>>
        %dma_wait3A_444 = tpu.memref_squeeze %dma_wait3A_443 : memref<1x128xf32, #tpu.memory_space<vmem>> -> memref<128xf32, #tpu.memory_space<vmem>>
        %dma_wait3A_445 = arith.constant 0 : i32
        %dma_wait3A_446 = tpu.memref_slice %arg19[%dma_wait3A_441, %dma_wait3A_445] : memref<2x128xi32, #tpu.memory_space<vmem>> -> memref<1x128xi32, #tpu.memory_space<vmem>>
        %dma_wait3A_447 = tpu.memref_squeeze %dma_wait3A_446 : memref<1x128xi32, #tpu.memory_space<vmem>> -> memref<128xi32, #tpu.memory_space<vmem>>
        %dma_wait3A_448 = arith.constant 0 : i32
        %dma_wait3A_449 = tpu.memref_slice %arg29[%dma_wait3A_448] : memref<50176xf32, #tpu.memory_space<vmem_shared>> -> memref<50176xf32, #tpu.memory_space<vmem_shared>>
        tpu.wait_indirect_dma semaphore(%arg36 : memref<!tpu.dma_semaphore, #tpu.memory_space<semaphore_mem>>) src(%dma_wait3A_444 : memref<128xf32, #tpu.memory_space<vmem>>) dst(%dma_wait3A_449 : memref<50176xf32, #tpu.memory_space<vmem_shared>>)
        %dma_wait3A_450 = arith.constant 1 : i32
        %dma_wait3A_451 = arith.constant 128 : i32
        %dma_wait3A_452 = arith.constant 0 : i32
        %dma_wait3A_453 = tpu.memref_slice %arg25[%dma_wait3A_451, %dma_wait3A_452] : memref<256x32xf32, #tpu.memory_space<vmem>> -> memref<128x32xf32, #tpu.memory_space<vmem>>
        %dma_wait3A_454 = arith.constant 0 : i32
        %dma_wait3A_455 = tpu.memref_slice %arg19[%dma_wait3A_450, %dma_wait3A_454] : memref<2x128xi32, #tpu.memory_space<vmem>> -> memref<1x128xi32, #tpu.memory_space<vmem>>
        %dma_wait3A_456 = tpu.memref_squeeze %dma_wait3A_455 : memref<1x128xi32, #tpu.memory_space<vmem>> -> memref<128xi32, #tpu.memory_space<vmem>>
        %dma_wait3A_457 = arith.constant 0 : i32
        %dma_wait3A_458 = arith.constant 0 : i32
        %dma_wait3A_459 = tpu.memref_slice %arg28[%dma_wait3A_457, %dma_wait3A_458] : memref<50176x32xf32, #tpu.memory_space<vmem_shared>> -> memref<50176x32xf32, #tpu.memory_space<vmem_shared>>
        tpu.wait_indirect_dma semaphore(%arg36 : memref<!tpu.dma_semaphore, #tpu.memory_space<semaphore_mem>>) src(%dma_wait3A_453 : memref<128x32xf32, #tpu.memory_space<vmem>>) dst(%dma_wait3A_459 : memref<50176x32xf32, #tpu.memory_space<vmem_shared>>)
        %dma_wait3A_460 = arith.constant 1 : i32
        %dma_wait3A_461 = arith.constant 1 : i32
        %dma_wait3A_462 = arith.constant 0 : i32
        %dma_wait3A_463 = tpu.memref_slice %arg23[%dma_wait3A_460, %dma_wait3A_462] : memref<2x128xf32, #tpu.memory_space<vmem>> -> memref<1x128xf32, #tpu.memory_space<vmem>>
        %dma_wait3A_464 = tpu.memref_squeeze %dma_wait3A_463 : memref<1x128xf32, #tpu.memory_space<vmem>> -> memref<128xf32, #tpu.memory_space<vmem>>
        %dma_wait3A_465 = arith.constant 0 : i32
        %dma_wait3A_466 = tpu.memref_slice %arg19[%dma_wait3A_461, %dma_wait3A_465] : memref<2x128xi32, #tpu.memory_space<vmem>> -> memref<1x128xi32, #tpu.memory_space<vmem>>
        %dma_wait3A_467 = tpu.memref_squeeze %dma_wait3A_466 : memref<1x128xi32, #tpu.memory_space<vmem>> -> memref<128xi32, #tpu.memory_space<vmem>>
        %dma_wait3A_468 = arith.constant 0 : i32
        %dma_wait3A_469 = tpu.memref_slice %arg29[%dma_wait3A_468] : memref<50176xf32, #tpu.memory_space<vmem_shared>> -> memref<50176xf32, #tpu.memory_space<vmem_shared>>
        tpu.wait_indirect_dma semaphore(%arg36 : memref<!tpu.dma_semaphore, #tpu.memory_space<semaphore_mem>>) src(%dma_wait3A_464 : memref<128xf32, #tpu.memory_space<vmem>>) dst(%dma_wait3A_469 : memref<50176xf32, #tpu.memory_space<vmem_shared>>)
      } else {
      }
      %lt3A_372 = arith.constant 196 : i32
      %lt3A_373 = arith.cmpi slt, %add3A_366, %lt3A_372 : i32
      %convert_element_type3A_374 = arith.extui %lt3A_373 : i1 to i32
      %cond3A_375 = arith.constant 0 : i32
      %cond3A_376 = arith.cmpi ne, %convert_element_type3A_374, %cond3A_375 : i32
      scf.if %cond3A_376 {
        %dma_wait3A_430 = arith.constant 0 : i32
        %dma_wait3A_431 = tpu.memref_slice %arg4[%dma_wait3A_430] : memref<1605632xi32, #tpu.memory_space<hbm>> -> memref<256xi32, #tpu.memory_space<hbm>>
        %dma_wait3A_432 = arith.constant 0 : i32
        %dma_wait3A_433 = tpu.memref_slice %arg4[%dma_wait3A_432] : memref<1605632xi32, #tpu.memory_space<hbm>> -> memref<256xi32, #tpu.memory_space<hbm>>
        tpu.wait_dma2 semaphore(%arg30 : memref<!tpu.dma_semaphore, #tpu.memory_space<semaphore_mem>>) src(%dma_wait3A_433 : memref<256xi32, #tpu.memory_space<hbm>>) dst(%arg9 : memref<256xi32, #tpu.memory_space<vmem>>)
        %dma_wait3A_434 = arith.constant 0 : i32
        %dma_wait3A_435 = arith.constant 0 : i32
        %dma_wait3A_436 = tpu.memref_slice %arg5[%dma_wait3A_434, %dma_wait3A_435] : memref<12544x128xf32, #tpu.memory_space<hbm>> -> memref<2x128xf32, #tpu.memory_space<hbm>>
        %dma_wait3A_437 = arith.constant 0 : i32
        %dma_wait3A_438 = arith.constant 0 : i32
        %dma_wait3A_439 = tpu.memref_slice %arg5[%dma_wait3A_437, %dma_wait3A_438] : memref<12544x128xf32, #tpu.memory_space<hbm>> -> memref<2x128xf32, #tpu.memory_space<hbm>>
        tpu.wait_dma2 semaphore(%arg30 : memref<!tpu.dma_semaphore, #tpu.memory_space<semaphore_mem>>) src(%dma_wait3A_439 : memref<2x128xf32, #tpu.memory_space<hbm>>) dst(%arg13 : memref<2x128xf32, #tpu.memory_space<vmem>>)
        %dma_wait3A_440 = arith.constant 0 : i32
        %dma_wait3A_441 = arith.constant 0 : i32
        %dma_wait3A_442 = tpu.memref_slice %arg3[%dma_wait3A_440, %dma_wait3A_441] : memref<12544x128xi32, #tpu.memory_space<hbm>> -> memref<2x128xi32, #tpu.memory_space<hbm>>
        %dma_wait3A_443 = arith.constant 0 : i32
        %dma_wait3A_444 = arith.constant 0 : i32
        %dma_wait3A_445 = tpu.memref_slice %arg3[%dma_wait3A_443, %dma_wait3A_444] : memref<12544x128xi32, #tpu.memory_space<hbm>> -> memref<2x128xi32, #tpu.memory_space<hbm>>
        tpu.wait_dma2 semaphore(%arg30 : memref<!tpu.dma_semaphore, #tpu.memory_space<semaphore_mem>>) src(%dma_wait3A_445 : memref<2x128xi32, #tpu.memory_space<hbm>>) dst(%arg17 : memref<2x128xi32, #tpu.memory_space<vmem>>)
        %dma_wait3A_446 = arith.constant 0 : i32
        %dma_wait3A_447 = arith.constant 0 : i32
        %dma_wait3A_448 = tpu.memref_slice %arg6[%dma_wait3A_446, %dma_wait3A_447] : memref<12544x128xf32, #tpu.memory_space<hbm>> -> memref<2x128xf32, #tpu.memory_space<hbm>>
        %dma_wait3A_449 = arith.constant 0 : i32
        %dma_wait3A_450 = arith.constant 0 : i32
        %dma_wait3A_451 = tpu.memref_slice %arg6[%dma_wait3A_449, %dma_wait3A_450] : memref<12544x128xf32, #tpu.memory_space<hbm>> -> memref<2x128xf32, #tpu.memory_space<hbm>>
        tpu.wait_dma2 semaphore(%arg30 : memref<!tpu.dma_semaphore, #tpu.memory_space<semaphore_mem>>) src(%dma_wait3A_451 : memref<2x128xf32, #tpu.memory_space<hbm>>) dst(%arg21 : memref<2x128xf32, #tpu.memory_space<vmem>>)
        %dma_start3A_452 = arith.constant 0 : i32
        %dma_start3A_453 = arith.constant 0 : i32
        %dma_start3A_454 = tpu.memref_slice %arg2[%dma_start3A_452, %dma_start3A_453] : memref<50176x32xf32, #tpu.memory_space<hbm>> -> memref<50176x32xf32, #tpu.memory_space<hbm>>
        tpu.enqueue_indirect_dma source(%dma_start3A_454 : memref<50176x32xf32, #tpu.memory_space<hbm>>) target(%arg25 : memref<256x32xf32, #tpu.memory_space<vmem>>) offsets(%arg9 : memref<256xi32, #tpu.memory_space<vmem>>) semaphore(%arg34 : memref<!tpu.dma_semaphore, #tpu.memory_space<semaphore_mem>>)
      } else {
      }
      %add3A_377 = arith.constant 1 : i32
      %add3A_378 = arith.addi %add3A_366, %add3A_377 : i32
      %lt3A_379 = arith.constant 196 : i32
      %lt3A_380 = arith.cmpi slt, %add3A_378, %lt3A_379 : i32
      %convert_element_type3A_381 = arith.extui %lt3A_380 : i1 to i32
      %cond3A_382 = arith.constant 0 : i32
      %cond3A_383 = arith.cmpi ne, %convert_element_type3A_381, %cond3A_382 : i32
      scf.if %cond3A_383 {
        %add3A_430 = arith.constant 1 : i32
        %add3A_431 = arith.addi %add3A_366, %add3A_430 : i32
        %mul3A_432 = arith.constant 50176 : i32
        %mul3A_433 = arith.muli %add3A, %mul3A_432 : i32
        %mul3A_434 = arith.constant 256 : i32
        %mul3A_435 = arith.muli %add3A_431, %mul3A_434 : i32
        %add3A_436 = arith.addi %mul3A_433, %mul3A_435 : i32
        %multiple_of3A_437 = tpu.assume_multiple %add3A_436, 256 : i32
        %mul3A_438 = arith.constant 392 : i32
        %mul3A_439 = arith.muli %add3A, %mul3A_438 : i32
        %mul3A_440 = arith.constant 2 : i32
        %mul3A_441 = arith.muli %add3A_431, %mul3A_440 : i32
        %add3A_442 = arith.addi %mul3A_439, %mul3A_441 : i32
        %multiple_of3A_443 = tpu.assume_multiple %add3A_442, 2 : i32
        %dma_start3A_444 = tpu.memref_slice %arg4[%multiple_of3A_437] : memref<1605632xi32, #tpu.memory_space<hbm>> -> memref<256xi32, #tpu.memory_space<hbm>>
        %dma_start3A_445 = tpu.memref_slice %arg4[%multiple_of3A_437] : memref<1605632xi32, #tpu.memory_space<hbm>> -> memref<256xi32, #tpu.memory_space<hbm>>
        tpu.enqueue_dma source(%dma_start3A_445 : memref<256xi32, #tpu.memory_space<hbm>>) target(%arg10 : memref<256xi32, #tpu.memory_space<vmem>>) target_semaphore(%arg31 : memref<!tpu.dma_semaphore, #tpu.memory_space<semaphore_mem>>)
        %dma_start3A_446 = arith.constant 0 : i32
        %dma_start3A_447 = tpu.memref_slice %arg5[%multiple_of3A_443, %dma_start3A_446] : memref<12544x128xf32, #tpu.memory_space<hbm>> -> memref<2x128xf32, #tpu.memory_space<hbm>>
        %dma_start3A_448 = arith.constant 0 : i32
        %dma_start3A_449 = tpu.memref_slice %arg5[%multiple_of3A_443, %dma_start3A_448] : memref<12544x128xf32, #tpu.memory_space<hbm>> -> memref<2x128xf32, #tpu.memory_space<hbm>>
        tpu.enqueue_dma source(%dma_start3A_449 : memref<2x128xf32, #tpu.memory_space<hbm>>) target(%arg14 : memref<2x128xf32, #tpu.memory_space<vmem>>) target_semaphore(%arg31 : memref<!tpu.dma_semaphore, #tpu.memory_space<semaphore_mem>>)
        %dma_start3A_450 = arith.constant 0 : i32
        %dma_start3A_451 = tpu.memref_slice %arg3[%multiple_of3A_443, %dma_start3A_450] : memref<12544x128xi32, #tpu.memory_space<hbm>> -> memref<2x128xi32, #tpu.memory_space<hbm>>
        %dma_start3A_452 = arith.constant 0 : i32
        %dma_start3A_453 = tpu.memref_slice %arg3[%multiple_of3A_443, %dma_start3A_452] : memref<12544x128xi32, #tpu.memory_space<hbm>> -> memref<2x128xi32, #tpu.memory_space<hbm>>
        tpu.enqueue_dma source(%dma_start3A_453 : memref<2x128xi32, #tpu.memory_space<hbm>>) target(%arg18 : memref<2x128xi32, #tpu.memory_space<vmem>>) target_semaphore(%arg31 : memref<!tpu.dma_semaphore, #tpu.memory_space<semaphore_mem>>)
        %dma_start3A_454 = arith.constant 0 : i32
        %dma_start3A_455 = tpu.memref_slice %arg6[%multiple_of3A_443, %dma_start3A_454] : memref<12544x128xf32, #tpu.memory_space<hbm>> -> memref<2x128xf32, #tpu.memory_space<hbm>>
        %dma_start3A_456 = arith.constant 0 : i32
        %dma_start3A_457 = tpu.memref_slice %arg6[%multiple_of3A_443, %dma_start3A_456] : memref<12544x128xf32, #tpu.memory_space<hbm>> -> memref<2x128xf32, #tpu.memory_space<hbm>>
        tpu.enqueue_dma source(%dma_start3A_457 : memref<2x128xf32, #tpu.memory_space<hbm>>) target(%arg22 : memref<2x128xf32, #tpu.memory_space<vmem>>) target_semaphore(%arg31 : memref<!tpu.dma_semaphore, #tpu.memory_space<semaphore_mem>>)
      } else {
      }
      %dma_wait3A_384 = arith.constant 0 : i32
      %dma_wait3A_385 = arith.constant 0 : i32
      %dma_wait3A_386 = tpu.memref_slice %arg2[%dma_wait3A_384, %dma_wait3A_385] : memref<50176x32xf32, #tpu.memory_space<hbm>> -> memref<50176x32xf32, #tpu.memory_space<hbm>>
      tpu.wait_indirect_dma semaphore(%arg35 : memref<!tpu.dma_semaphore, #tpu.memory_space<semaphore_mem>>) src(%dma_wait3A_386 : memref<50176x32xf32, #tpu.memory_space<hbm>>) dst(%arg26 : memref<256x32xf32, #tpu.memory_space<vmem>>)
      %parallel_loop3A_387 = arith.constant 0 : i32
      %parallel_loop3A_388 = arith.constant 16 : i32
      %parallel_loop3A_389 = arith.constant 1 : i32
      scf.for %parallel_loop3A_430 = %parallel_loop3A_387 to %parallel_loop3A_388 step %parallel_loop3A_389  : i32 {
        %parallel_loop3A_431 = arith.constant 8 : i32
        %parallel_loop3A_432 = arith.divsi %parallel_loop3A_430, %parallel_loop3A_431 : i32
        %parallel_loop3A_433 = arith.constant 0 : i32
        %parallel_loop3A_434 = arith.cmpi sgt, %parallel_loop3A_430, %parallel_loop3A_433 : i32
        %parallel_loop3A_435 = arith.extui %parallel_loop3A_434 : i1 to i32
        %parallel_loop3A_436 = arith.constant 0 : i32
        %parallel_loop3A_437 = arith.cmpi slt, %parallel_loop3A_430, %parallel_loop3A_436 : i32
        %parallel_loop3A_438 = arith.extui %parallel_loop3A_437 : i1 to i32
        %parallel_loop3A_439 = arith.subi %parallel_loop3A_435, %parallel_loop3A_438 : i32
        %parallel_loop3A_440 = arith.constant 0 : i32
        %parallel_loop3A_441 = arith.cmpi sgt, %parallel_loop3A_431, %parallel_loop3A_440 : i32
        %parallel_loop3A_442 = arith.extui %parallel_loop3A_441 : i1 to i32
        %parallel_loop3A_443 = arith.constant 0 : i32
        %parallel_loop3A_444 = arith.cmpi slt, %parallel_loop3A_431, %parallel_loop3A_443 : i32
        %parallel_loop3A_445 = arith.extui %parallel_loop3A_444 : i1 to i32
        %parallel_loop3A_446 = arith.subi %parallel_loop3A_442, %parallel_loop3A_445 : i32
        %parallel_loop3A_447 = arith.cmpi ne, %parallel_loop3A_439, %parallel_loop3A_446 : i32
        %parallel_loop3A_448 = arith.remsi %parallel_loop3A_430, %parallel_loop3A_431 : i32
        %parallel_loop3A_449 = arith.constant 0 : i32
        %parallel_loop3A_450 = arith.cmpi ne, %parallel_loop3A_448, %parallel_loop3A_449 : i32
        %parallel_loop3A_451 = arith.andi %parallel_loop3A_447, %parallel_loop3A_450 : i1
        %parallel_loop3A_452 = arith.constant 1 : i32
        %parallel_loop3A_453 = arith.subi %parallel_loop3A_432, %parallel_loop3A_452 : i32
        %parallel_loop3A_454 = arith.select %parallel_loop3A_451, %parallel_loop3A_453, %parallel_loop3A_432 : i32
        %parallel_loop3A_455 = arith.constant 8 : i32
        %parallel_loop3A_456 = arith.constant 0 : i32
        %parallel_loop3A_457 = arith.cmpi eq, %parallel_loop3A_455, %parallel_loop3A_456 : i32
        %parallel_loop3A_458 = arith.constant 1 : i32
        %parallel_loop3A_459 = arith.select %parallel_loop3A_457, %parallel_loop3A_458, %parallel_loop3A_455 : i32
        %parallel_loop3A_460 = arith.remsi %parallel_loop3A_430, %parallel_loop3A_459 : i32
        %parallel_loop3A_461 = arith.constant 0 : i32
        %parallel_loop3A_462 = arith.cmpi ne, %parallel_loop3A_460, %parallel_loop3A_461 : i32
        %parallel_loop3A_463 = arith.constant 0 : i32
        %parallel_loop3A_464 = arith.cmpi slt, %parallel_loop3A_460, %parallel_loop3A_463 : i32
        %parallel_loop3A_465 = arith.constant 0 : i32
        %parallel_loop3A_466 = arith.cmpi slt, %parallel_loop3A_459, %parallel_loop3A_465 : i32
        %parallel_loop3A_467 = arith.xori %parallel_loop3A_464, %parallel_loop3A_466 : i1
        %parallel_loop3A_468 = arith.andi %parallel_loop3A_467, %parallel_loop3A_462 : i1
        %parallel_loop3A_469 = arith.addi %parallel_loop3A_460, %parallel_loop3A_459 : i32
        %parallel_loop3A_470 = arith.select %parallel_loop3A_468, %parallel_loop3A_469, %parallel_loop3A_460 : i32
        %parallel_loop3A_471 = arith.constant 16 : i32
        %parallel_loop3A_472 = arith.muli %parallel_loop3A_470, %parallel_loop3A_471 : i32
        %parallel_loop3A_473 = arith.index_cast %parallel_loop3A_454 : i32 to index
        %parallel_loop3A_474 = arith.index_cast %parallel_loop3A_472 : i32 to index
        %parallel_loop3A_475 = tpu.vector_load %arg16[%parallel_loop3A_473, %parallel_loop3A_474] {strides = array<i32>} : memref<2x128xf32, #tpu.memory_space<vmem>>, vector<1x16xf32>,
        %parallel_loop3A_476 = vector.shape_cast %parallel_loop3A_475 : vector<1x16xf32> to vector<16xf32>
        %parallel_loop3A_477 = arith.constant 16 : i32
        %parallel_loop3A_478 = arith.muli %parallel_loop3A_430, %parallel_loop3A_477 : i32
        %parallel_loop3A_479 = arith.constant 0 : i32
        %parallel_loop3A_480 = arith.addi %parallel_loop3A_478, %parallel_loop3A_479 : i32
        %parallel_loop3A_481 = vector.extract_strided_slice %parallel_loop3A_476 {offsets = [0], sizes = [1], strides = [1]} : vector<16xf32> to vector<1xf32>
        %parallel_loop3A_482 = vector.extract %parallel_loop3A_481[0] : f32 from vector<1xf32>
        %parallel_loop3A_483 = vector.broadcast %parallel_loop3A_482 : f32 to vector<16xf32>
        %parallel_loop3A_484 = arith.index_cast %parallel_loop3A_480 : i32 to index
        %parallel_loop3A_485 = arith.constant 0 : index
        %parallel_loop3A_486 = tpu.vector_load %arg26[%parallel_loop3A_484, %parallel_loop3A_485] {strides = array<i32>} : memref<256x32xf32, #tpu.memory_space<vmem>>, vector<1x16xf32>,
        %parallel_loop3A_487 = vector.shape_cast %parallel_loop3A_486 : vector<1x16xf32> to vector<16xf32>
        %parallel_loop3A_488 = arith.mulf %parallel_loop3A_487, %parallel_loop3A_483 : vector<16xf32>
        %parallel_loop3A_489 = arith.index_cast %parallel_loop3A_480 : i32 to index
        %parallel_loop3A_490 = arith.constant 0 : index
        %parallel_loop3A_491 = tpu.vector_load %arg26[%parallel_loop3A_489, %parallel_loop3A_490] {strides = array<i32>} : memref<256x32xf32, #tpu.memory_space<vmem>>, vector<1x16xf32>,
        %parallel_loop3A_492 = vector.shape_cast %parallel_loop3A_491 : vector<1x16xf32> to vector<16xf32>
        %parallel_loop3A_493 = vector.shape_cast %parallel_loop3A_488 : vector<16xf32> to vector<1x16xf32>
        tpu.vector_store %arg26[%parallel_loop3A_489, %parallel_loop3A_490], %parallel_loop3A_493 {strides = array<i32>} : memref<256x32xf32, #tpu.memory_space<vmem>>, vector<1x16xf32>,
        %parallel_loop3A_494 = arith.index_cast %parallel_loop3A_480 : i32 to index
        %parallel_loop3A_495 = arith.constant 16 : index
        %parallel_loop3A_496 = tpu.vector_load %arg26[%parallel_loop3A_494, %parallel_loop3A_495] {strides = array<i32>} : memref<256x32xf32, #tpu.memory_space<vmem>>, vector<1x16xf32>,
        %parallel_loop3A_497 = vector.shape_cast %parallel_loop3A_496 : vector<1x16xf32> to vector<16xf32>
        %parallel_loop3A_498 = arith.mulf %parallel_loop3A_497, %parallel_loop3A_483 : vector<16xf32>
        %parallel_loop3A_499 = arith.index_cast %parallel_loop3A_480 : i32 to index
        %parallel_loop3A_500 = arith.constant 16 : index
        %parallel_loop3A_501 = tpu.vector_load %arg26[%parallel_loop3A_499, %parallel_loop3A_500] {strides = array<i32>} : memref<256x32xf32, #tpu.memory_space<vmem>>, vector<1x16xf32>,
        %parallel_loop3A_502 = vector.shape_cast %parallel_loop3A_501 : vector<1x16xf32> to vector<16xf32>
        %parallel_loop3A_503 = vector.shape_cast %parallel_loop3A_498 : vector<16xf32> to vector<1x16xf32>
        tpu.vector_store %arg26[%parallel_loop3A_499, %parallel_loop3A_500], %parallel_loop3A_503 {strides = array<i32>} : memref<256x32xf32, #tpu.memory_space<vmem>>, vector<1x16xf32>,
        %parallel_loop3A_504 = arith.constant 16 : i32
        %parallel_loop3A_505 = arith.muli %parallel_loop3A_430, %parallel_loop3A_504 : i32
        %parallel_loop3A_506 = arith.constant 1 : i32
        %parallel_loop3A_507 = arith.addi %parallel_loop3A_505, %parallel_loop3A_506 : i32
        %parallel_loop3A_508 = vector.extract_strided_slice %parallel_loop3A_476 {offsets = [1], sizes = [1], strides = [1]} : vector<16xf32> to vector<1xf32>
        %parallel_loop3A_509 = vector.extract %parallel_loop3A_508[0] : f32 from vector<1xf32>
        %parallel_loop3A_510 = vector.broadcast %parallel_loop3A_509 : f32 to vector<16xf32>
        %parallel_loop3A_511 = arith.index_cast %parallel_loop3A_507 : i32 to index
        %parallel_loop3A_512 = arith.constant 0 : index
        %parallel_loop3A_513 = tpu.vector_load %arg26[%parallel_loop3A_511, %parallel_loop3A_512] {strides = array<i32>} : memref<256x32xf32, #tpu.memory_space<vmem>>, vector<1x16xf32>,
        %parallel_loop3A_514 = vector.shape_cast %parallel_loop3A_513 : vector<1x16xf32> to vector<16xf32>
        %parallel_loop3A_515 = arith.mulf %parallel_loop3A_514, %parallel_loop3A_510 : vector<16xf32>
        %parallel_loop3A_516 = arith.index_cast %parallel_loop3A_507 : i32 to index
        %parallel_loop3A_517 = arith.constant 0 : index
        %parallel_loop3A_518 = tpu.vector_load %arg26[%parallel_loop3A_516, %parallel_loop3A_517] {strides = array<i32>} : memref<256x32xf32, #tpu.memory_space<vmem>>, vector<1x16xf32>,
        %parallel_loop3A_519 = vector.shape_cast %parallel_loop3A_518 : vector<1x16xf32> to vector<16xf32>
        %parallel_loop3A_520 = vector.shape_cast %parallel_loop3A_515 : vector<16xf32> to vector<1x16xf32>
        tpu.vector_store %arg26[%parallel_loop3A_516, %parallel_loop3A_517], %parallel_loop3A_520 {strides = array<i32>} : memref<256x32xf32, #tpu.memory_space<vmem>>, vector<1x16xf32>,
        %parallel_loop3A_521 = arith.index_cast %parallel_loop3A_507 : i32 to index
        %parallel_loop3A_522 = arith.constant 16 : index
        %parallel_loop3A_523 = tpu.vector_load %arg26[%parallel_loop3A_521, %parallel_loop3A_522] {strides = array<i32>} : memref<256x32xf32, #tpu.memory_space<vmem>>, vector<1x16xf32>,
        %parallel_loop3A_524 = vector.shape_cast %parallel_loop3A_523 : vector<1x16xf32> to vector<16xf32>
        %parallel_loop3A_525 = arith.mulf %parallel_loop3A_524, %parallel_loop3A_510 : vector<16xf32>
        %parallel_loop3A_526 = arith.index_cast %parallel_loop3A_507 : i32 to index
        %parallel_loop3A_527 = arith.constant 16 : index
        %parallel_loop3A_528 = tpu.vector_load %arg26[%parallel_loop3A_526, %parallel_loop3A_527] {strides = array<i32>} : memref<256x32xf32, #tpu.memory_space<vmem>>, vector<1x16xf32>,
        %parallel_loop3A_529 = vector.shape_cast %parallel_loop3A_528 : vector<1x16xf32> to vector<16xf32>
        %parallel_loop3A_530 = vector.shape_cast %parallel_loop3A_525 : vector<16xf32> to vector<1x16xf32>
        tpu.vector_store %arg26[%parallel_loop3A_526, %parallel_loop3A_527], %parallel_loop3A_530 {strides = array<i32>} : memref<256x32xf32, #tpu.memory_space<vmem>>, vector<1x16xf32>,
        %parallel_loop3A_531 = arith.constant 16 : i32
        %parallel_loop3A_532 = arith.muli %parallel_loop3A_430, %parallel_loop3A_531 : i32
        %parallel_loop3A_533 = arith.constant 2 : i32
        %parallel_loop3A_534 = arith.addi %parallel_loop3A_532, %parallel_loop3A_533 : i32
        %parallel_loop3A_535 = vector.extract_strided_slice %parallel_loop3A_476 {offsets = [2], sizes = [1], strides = [1]} : vector<16xf32> to vector<1xf32>
        %parallel_loop3A_536 = vector.extract %parallel_loop3A_535[0] : f32 from vector<1xf32>
        %parallel_loop3A_537 = vector.broadcast %parallel_loop3A_536 : f32 to vector<16xf32>
        %parallel_loop3A_538 = arith.index_cast %parallel_loop3A_534 : i32 to index
        %parallel_loop3A_539 = arith.constant 0 : index
        %parallel_loop3A_540 = tpu.vector_load %arg26[%parallel_loop3A_538, %parallel_loop3A_539] {strides = array<i32>} : memref<256x32xf32, #tpu.memory_space<vmem>>, vector<1x16xf32>,
        %parallel_loop3A_541 = vector.shape_cast %parallel_loop3A_540 : vector<1x16xf32> to vector<16xf32>
        %parallel_loop3A_542 = arith.mulf %parallel_loop3A_541, %parallel_loop3A_537 : vector<16xf32>
        %parallel_loop3A_543 = arith.index_cast %parallel_loop3A_534 : i32 to index
        %parallel_loop3A_544 = arith.constant 0 : index
        %parallel_loop3A_545 = tpu.vector_load %arg26[%parallel_loop3A_543, %parallel_loop3A_544] {strides = array<i32>} : memref<256x32xf32, #tpu.memory_space<vmem>>, vector<1x16xf32>,
        %parallel_loop3A_546 = vector.shape_cast %parallel_loop3A_545 : vector<1x16xf32> to vector<16xf32>
        %parallel_loop3A_547 = vector.shape_cast %parallel_loop3A_542 : vector<16xf32> to vector<1x16xf32>
        tpu.vector_store %arg26[%parallel_loop3A_543, %parallel_loop3A_544], %parallel_loop3A_547 {strides = array<i32>} : memref<256x32xf32, #tpu.memory_space<vmem>>, vector<1x16xf32>,
        %parallel_loop3A_548 = arith.index_cast %parallel_loop3A_534 : i32 to index
        %parallel_loop3A_549 = arith.constant 16 : index
        %parallel_loop3A_550 = tpu.vector_load %arg26[%parallel_loop3A_548, %parallel_loop3A_549] {strides = array<i32>} : memref<256x32xf32, #tpu.memory_space<vmem>>, vector<1x16xf32>,
        %parallel_loop3A_551 = vector.shape_cast %parallel_loop3A_550 : vector<1x16xf32> to vector<16xf32>
        %parallel_loop3A_552 = arith.mulf %parallel_loop3A_551, %parallel_loop3A_537 : vector<16xf32>
        %parallel_loop3A_553 = arith.index_cast %parallel_loop3A_534 : i32 to index
        %parallel_loop3A_554 = arith.constant 16 : index
        %parallel_loop3A_555 = tpu.vector_load %arg26[%parallel_loop3A_553, %parallel_loop3A_554] {strides = array<i32>} : memref<256x32xf32, #tpu.memory_space<vmem>>, vector<1x16xf32>,
        %parallel_loop3A_556 = vector.shape_cast %parallel_loop3A_555 : vector<1x16xf32> to vector<16xf32>
        %parallel_loop3A_557 = vector.shape_cast %parallel_loop3A_552 : vector<16xf32> to vector<1x16xf32>
        tpu.vector_store %arg26[%parallel_loop3A_553, %parallel_loop3A_554], %parallel_loop3A_557 {strides = array<i32>} : memref<256x32xf32, #tpu.memory_space<vmem>>, vector<1x16xf32>,
        %parallel_loop3A_558 = arith.constant 16 : i32
        %parallel_loop3A_559 = arith.muli %parallel_loop3A_430, %parallel_loop3A_558 : i32
        %parallel_loop3A_560 = arith.constant 3 : i32
        %parallel_loop3A_561 = arith.addi %parallel_loop3A_559, %parallel_loop3A_560 : i32
        %parallel_loop3A_562 = vector.extract_strided_slice %parallel_loop3A_476 {offsets = [3], sizes = [1], strides = [1]} : vector<16xf32> to vector<1xf32>
        %parallel_loop3A_563 = vector.extract %parallel_loop3A_562[0] : f32 from vector<1xf32>
        %parallel_loop3A_564 = vector.broadcast %parallel_loop3A_563 : f32 to vector<16xf32>
        %parallel_loop3A_565 = arith.index_cast %parallel_loop3A_561 : i32 to index
        %parallel_loop3A_566 = arith.constant 0 : index
        %parallel_loop3A_567 = tpu.vector_load %arg26[%parallel_loop3A_565, %parallel_loop3A_566] {strides = array<i32>} : memref<256x32xf32, #tpu.memory_space<vmem>>, vector<1x16xf32>,
        %parallel_loop3A_568 = vector.shape_cast %parallel_loop3A_567 : vector<1x16xf32> to vector<16xf32>
        %parallel_loop3A_569 = arith.mulf %parallel_loop3A_568, %parallel_loop3A_564 : vector<16xf32>
        %parallel_loop3A_570 = arith.index_cast %parallel_loop3A_561 : i32 to index
        %parallel_loop3A_571 = arith.constant 0 : index
        %parallel_loop3A_572 = tpu.vector_load %arg26[%parallel_loop3A_570, %parallel_loop3A_571] {strides = array<i32>} : memref<256x32xf32, #tpu.memory_space<vmem>>, vector<1x16xf32>,
        %parallel_loop3A_573 = vector.shape_cast %parallel_loop3A_572 : vector<1x16xf32> to vector<16xf32>
        %parallel_loop3A_574 = vector.shape_cast %parallel_loop3A_569 : vector<16xf32> to vector<1x16xf32>
        tpu.vector_store %arg26[%parallel_loop3A_570, %parallel_loop3A_571], %parallel_loop3A_574 {strides = array<i32>} : memref<256x32xf32, #tpu.memory_space<vmem>>, vector<1x16xf32>,
        %parallel_loop3A_575 = arith.index_cast %parallel_loop3A_561 : i32 to index
        %parallel_loop3A_576 = arith.constant 16 : index
        %parallel_loop3A_577 = tpu.vector_load %arg26[%parallel_loop3A_575, %parallel_loop3A_576] {strides = array<i32>} : memref<256x32xf32, #tpu.memory_space<vmem>>, vector<1x16xf32>,
        %parallel_loop3A_578 = vector.shape_cast %parallel_loop3A_577 : vector<1x16xf32> to vector<16xf32>
        %parallel_loop3A_579 = arith.mulf %parallel_loop3A_578, %parallel_loop3A_564 : vector<16xf32>
        %parallel_loop3A_580 = arith.index_cast %parallel_loop3A_561 : i32 to index
        %parallel_loop3A_581 = arith.constant 16 : index
        %parallel_loop3A_582 = tpu.vector_load %arg26[%parallel_loop3A_580, %parallel_loop3A_581] {strides = array<i32>} : memref<256x32xf32, #tpu.memory_space<vmem>>, vector<1x16xf32>,
        %parallel_loop3A_583 = vector.shape_cast %parallel_loop3A_582 : vector<1x16xf32> to vector<16xf32>
        %parallel_loop3A_584 = vector.shape_cast %parallel_loop3A_579 : vector<16xf32> to vector<1x16xf32>
        tpu.vector_store %arg26[%parallel_loop3A_580, %parallel_loop3A_581], %parallel_loop3A_584 {strides = array<i32>} : memref<256x32xf32, #tpu.memory_space<vmem>>, vector<1x16xf32>,
        %parallel_loop3A_585 = arith.constant 16 : i32
        %parallel_loop3A_586 = arith.muli %parallel_loop3A_430, %parallel_loop3A_585 : i32
        %parallel_loop3A_587 = arith.constant 4 : i32
        %parallel_loop3A_588 = arith.addi %parallel_loop3A_586, %parallel_loop3A_587 : i32
        %parallel_loop3A_589 = vector.extract_strided_slice %parallel_loop3A_476 {offsets = [4], sizes = [1], strides = [1]} : vector<16xf32> to vector<1xf32>
        %parallel_loop3A_590 = vector.extract %parallel_loop3A_589[0] : f32 from vector<1xf32>
        %parallel_loop3A_591 = vector.broadcast %parallel_loop3A_590 : f32 to vector<16xf32>
        %parallel_loop3A_592 = arith.index_cast %parallel_loop3A_588 : i32 to index
        %parallel_loop3A_593 = arith.constant 0 : index
        %parallel_loop3A_594 = tpu.vector_load %arg26[%parallel_loop3A_592, %parallel_loop3A_593] {strides = array<i32>} : memref<256x32xf32, #tpu.memory_space<vmem>>, vector<1x16xf32>,
        %parallel_loop3A_595 = vector.shape_cast %parallel_loop3A_594 : vector<1x16xf32> to vector<16xf32>
        %parallel_loop3A_596 = arith.mulf %parallel_loop3A_595, %parallel_loop3A_591 : vector<16xf32>
        %parallel_loop3A_597 = arith.index_cast %parallel_loop3A_588 : i32 to index
        %parallel_loop3A_598 = arith.constant 0 : index
        %parallel_loop3A_599 = tpu.vector_load %arg26[%parallel_loop3A_597, %parallel_loop3A_598] {strides = array<i32>} : memref<256x32xf32, #tpu.memory_space<vmem>>, vector<1x16xf32>,
        %parallel_loop3A_600 = vector.shape_cast %parallel_loop3A_599 : vector<1x16xf32> to vector<16xf32>
        %parallel_loop3A_601 = vector.shape_cast %parallel_loop3A_596 : vector<16xf32> to vector<1x16xf32>
        tpu.vector_store %arg26[%parallel_loop3A_597, %parallel_loop3A_598], %parallel_loop3A_601 {strides = array<i32>} : memref<256x32xf32, #tpu.memory_space<vmem>>, vector<1x16xf32>,
        %parallel_loop3A_602 = arith.index_cast %parallel_loop3A_588 : i32 to index
        %parallel_loop3A_603 = arith.constant 16 : index
        %parallel_loop3A_604 = tpu.vector_load %arg26[%parallel_loop3A_602, %parallel_loop3A_603] {strides = array<i32>} : memref<256x32xf32, #tpu.memory_space<vmem>>, vector<1x16xf32>,
        %parallel_loop3A_605 = vector.shape_cast %parallel_loop3A_604 : vector<1x16xf32> to vector<16xf32>
        %parallel_loop3A_606 = arith.mulf %parallel_loop3A_605, %parallel_loop3A_591 : vector<16xf32>
        %parallel_loop3A_607 = arith.index_cast %parallel_loop3A_588 : i32 to index
        %parallel_loop3A_608 = arith.constant 16 : index
        %parallel_loop3A_609 = tpu.vector_load %arg26[%parallel_loop3A_607, %parallel_loop3A_608] {strides = array<i32>} : memref<256x32xf32, #tpu.memory_space<vmem>>, vector<1x16xf32>,
        %parallel_loop3A_610 = vector.shape_cast %parallel_loop3A_609 : vector<1x16xf32> to vector<16xf32>
        %parallel_loop3A_611 = vector.shape_cast %parallel_loop3A_606 : vector<16xf32> to vector<1x16xf32>
        tpu.vector_store %arg26[%parallel_loop3A_607, %parallel_loop3A_608], %parallel_loop3A_611 {strides = array<i32>} : memref<256x32xf32, #tpu.memory_space<vmem>>, vector<1x16xf32>,
        %parallel_loop3A_612 = arith.constant 16 : i32
        %parallel_loop3A_613 = arith.muli %parallel_loop3A_430, %parallel_loop3A_612 : i32
        %parallel_loop3A_614 = arith.constant 5 : i32
        %parallel_loop3A_615 = arith.addi %parallel_loop3A_613, %parallel_loop3A_614 : i32
        %parallel_loop3A_616 = vector.extract_strided_slice %parallel_loop3A_476 {offsets = [5], sizes = [1], strides = [1]} : vector<16xf32> to vector<1xf32>
        %parallel_loop3A_617 = vector.extract %parallel_loop3A_616[0] : f32 from vector<1xf32>
        %parallel_loop3A_618 = vector.broadcast %parallel_loop3A_617 : f32 to vector<16xf32>
        %parallel_loop3A_619 = arith.index_cast %parallel_loop3A_615 : i32 to index
        %parallel_loop3A_620 = arith.constant 0 : index
        %parallel_loop3A_621 = tpu.vector_load %arg26[%parallel_loop3A_619, %parallel_loop3A_620] {strides = array<i32>} : memref<256x32xf32, #tpu.memory_space<vmem>>, vector<1x16xf32>,
        %parallel_loop3A_622 = vector.shape_cast %parallel_loop3A_621 : vector<1x16xf32> to vector<16xf32>
        %parallel_loop3A_623 = arith.mulf %parallel_loop3A_622, %parallel_loop3A_618 : vector<16xf32>
        %parallel_loop3A_624 = arith.index_cast %parallel_loop3A_615 : i32 to index
        %parallel_loop3A_625 = arith.constant 0 : index
        %parallel_loop3A_626 = tpu.vector_load %arg26[%parallel_loop3A_624, %parallel_loop3A_625] {strides = array<i32>} : memref<256x32xf32, #tpu.memory_space<vmem>>, vector<1x16xf32>,
        %parallel_loop3A_627 = vector.shape_cast %parallel_loop3A_626 : vector<1x16xf32> to vector<16xf32>
        %parallel_loop3A_628 = vector.shape_cast %parallel_loop3A_623 : vector<16xf32> to vector<1x16xf32>
        tpu.vector_store %arg26[%parallel_loop3A_624, %parallel_loop3A_625], %parallel_loop3A_628 {strides = array<i32>} : memref<256x32xf32, #tpu.memory_space<vmem>>, vector<1x16xf32>,
        %parallel_loop3A_629 = arith.index_cast %parallel_loop3A_615 : i32 to index
        %parallel_loop3A_630 = arith.constant 16 : index
        %parallel_loop3A_631 = tpu.vector_load %arg26[%parallel_loop3A_629, %parallel_loop3A_630] {strides = array<i32>} : memref<256x32xf32, #tpu.memory_space<vmem>>, vector<1x16xf32>,
        %parallel_loop3A_632 = vector.shape_cast %parallel_loop3A_631 : vector<1x16xf32> to vector<16xf32>
        %parallel_loop3A_633 = arith.mulf %parallel_loop3A_632, %parallel_loop3A_618 : vector<16xf32>
        %parallel_loop3A_634 = arith.index_cast %parallel_loop3A_615 : i32 to index
        %parallel_loop3A_635 = arith.constant 16 : index
        %parallel_loop3A_636 = tpu.vector_load %arg26[%parallel_loop3A_634, %parallel_loop3A_635] {strides = array<i32>} : memref<256x32xf32, #tpu.memory_space<vmem>>, vector<1x16xf32>,
        %parallel_loop3A_637 = vector.shape_cast %parallel_loop3A_636 : vector<1x16xf32> to vector<16xf32>
        %parallel_loop3A_638 = vector.shape_cast %parallel_loop3A_633 : vector<16xf32> to vector<1x16xf32>
        tpu.vector_store %arg26[%parallel_loop3A_634, %parallel_loop3A_635], %parallel_loop3A_638 {strides = array<i32>} : memref<256x32xf32, #tpu.memory_space<vmem>>, vector<1x16xf32>,
        %parallel_loop3A_639 = arith.constant 16 : i32
        %parallel_loop3A_640 = arith.muli %parallel_loop3A_430, %parallel_loop3A_639 : i32
        %parallel_loop3A_641 = arith.constant 6 : i32
        %parallel_loop3A_642 = arith.addi %parallel_loop3A_640, %parallel_loop3A_641 : i32
        %parallel_loop3A_643 = vector.extract_strided_slice %parallel_loop3A_476 {offsets = [6], sizes = [1], strides = [1]} : vector<16xf32> to vector<1xf32>
        %parallel_loop3A_644 = vector.extract %parallel_loop3A_643[0] : f32 from vector<1xf32>
        %parallel_loop3A_645 = vector.broadcast %parallel_loop3A_644 : f32 to vector<16xf32>
        %parallel_loop3A_646 = arith.index_cast %parallel_loop3A_642 : i32 to index
        %parallel_loop3A_647 = arith.constant 0 : index
        %parallel_loop3A_648 = tpu.vector_load %arg26[%parallel_loop3A_646, %parallel_loop3A_647] {strides = array<i32>} : memref<256x32xf32, #tpu.memory_space<vmem>>, vector<1x16xf32>,
        %parallel_loop3A_649 = vector.shape_cast %parallel_loop3A_648 : vector<1x16xf32> to vector<16xf32>
        %parallel_loop3A_650 = arith.mulf %parallel_loop3A_649, %parallel_loop3A_645 : vector<16xf32>
        %parallel_loop3A_651 = arith.index_cast %parallel_loop3A_642 : i32 to index
        %parallel_loop3A_652 = arith.constant 0 : index
        %parallel_loop3A_653 = tpu.vector_load %arg26[%parallel_loop3A_651, %parallel_loop3A_652] {strides = array<i32>} : memref<256x32xf32, #tpu.memory_space<vmem>>, vector<1x16xf32>,
        %parallel_loop3A_654 = vector.shape_cast %parallel_loop3A_653 : vector<1x16xf32> to vector<16xf32>
        %parallel_loop3A_655 = vector.shape_cast %parallel_loop3A_650 : vector<16xf32> to vector<1x16xf32>
        tpu.vector_store %arg26[%parallel_loop3A_651, %parallel_loop3A_652], %parallel_loop3A_655 {strides = array<i32>} : memref<256x32xf32, #tpu.memory_space<vmem>>, vector<1x16xf32>,
        %parallel_loop3A_656 = arith.index_cast %parallel_loop3A_642 : i32 to index
        %parallel_loop3A_657 = arith.constant 16 : index
        %parallel_loop3A_658 = tpu.vector_load %arg26[%parallel_loop3A_656, %parallel_loop3A_657] {strides = array<i32>} : memref<256x32xf32, #tpu.memory_space<vmem>>, vector<1x16xf32>,
        %parallel_loop3A_659 = vector.shape_cast %parallel_loop3A_658 : vector<1x16xf32> to vector<16xf32>
        %parallel_loop3A_660 = arith.mulf %parallel_loop3A_659, %parallel_loop3A_645 : vector<16xf32>
        %parallel_loop3A_661 = arith.index_cast %parallel_loop3A_642 : i32 to index
        %parallel_loop3A_662 = arith.constant 16 : index
        %parallel_loop3A_663 = tpu.vector_load %arg26[%parallel_loop3A_661, %parallel_loop3A_662] {strides = array<i32>} : memref<256x32xf32, #tpu.memory_space<vmem>>, vector<1x16xf32>,
        %parallel_loop3A_664 = vector.shape_cast %parallel_loop3A_663 : vector<1x16xf32> to vector<16xf32>
        %parallel_loop3A_665 = vector.shape_cast %parallel_loop3A_660 : vector<16xf32> to vector<1x16xf32>
        tpu.vector_store %arg26[%parallel_loop3A_661, %parallel_loop3A_662], %parallel_loop3A_665 {strides = array<i32>} : memref<256x32xf32, #tpu.memory_space<vmem>>, vector<1x16xf32>,
        %parallel_loop3A_666 = arith.constant 16 : i32
        %parallel_loop3A_667 = arith.muli %parallel_loop3A_430, %parallel_loop3A_666 : i32
        %parallel_loop3A_668 = arith.constant 7 : i32
        %parallel_loop3A_669 = arith.addi %parallel_loop3A_667, %parallel_loop3A_668 : i32
        %parallel_loop3A_670 = vector.extract_strided_slice %parallel_loop3A_476 {offsets = [7], sizes = [1], strides = [1]} : vector<16xf32> to vector<1xf32>
        %parallel_loop3A_671 = vector.extract %parallel_loop3A_670[0] : f32 from vector<1xf32>
        %parallel_loop3A_672 = vector.broadcast %parallel_loop3A_671 : f32 to vector<16xf32>
        %parallel_loop3A_673 = arith.index_cast %parallel_loop3A_669 : i32 to index
        %parallel_loop3A_674 = arith.constant 0 : index
        %parallel_loop3A_675 = tpu.vector_load %arg26[%parallel_loop3A_673, %parallel_loop3A_674] {strides = array<i32>} : memref<256x32xf32, #tpu.memory_space<vmem>>, vector<1x16xf32>,
        %parallel_loop3A_676 = vector.shape_cast %parallel_loop3A_675 : vector<1x16xf32> to vector<16xf32>
        %parallel_loop3A_677 = arith.mulf %parallel_loop3A_676, %parallel_loop3A_672 : vector<16xf32>
        %parallel_loop3A_678 = arith.index_cast %parallel_loop3A_669 : i32 to index
        %parallel_loop3A_679 = arith.constant 0 : index
        %parallel_loop3A_680 = tpu.vector_load %arg26[%parallel_loop3A_678, %parallel_loop3A_679] {strides = array<i32>} : memref<256x32xf32, #tpu.memory_space<vmem>>, vector<1x16xf32>,
        %parallel_loop3A_681 = vector.shape_cast %parallel_loop3A_680 : vector<1x16xf32> to vector<16xf32>
        %parallel_loop3A_682 = vector.shape_cast %parallel_loop3A_677 : vector<16xf32> to vector<1x16xf32>
        tpu.vector_store %arg26[%parallel_loop3A_678, %parallel_loop3A_679], %parallel_loop3A_682 {strides = array<i32>} : memref<256x32xf32, #tpu.memory_space<vmem>>, vector<1x16xf32>,
        %parallel_loop3A_683 = arith.index_cast %parallel_loop3A_669 : i32 to index
        %parallel_loop3A_684 = arith.constant 16 : index
        %parallel_loop3A_685 = tpu.vector_load %arg26[%parallel_loop3A_683, %parallel_loop3A_684] {strides = array<i32>} : memref<256x32xf32, #tpu.memory_space<vmem>>, vector<1x16xf32>,
        %parallel_loop3A_686 = vector.shape_cast %parallel_loop3A_685 : vector<1x16xf32> to vector<16xf32>
        %parallel_loop3A_687 = arith.mulf %parallel_loop3A_686, %parallel_loop3A_672 : vector<16xf32>
        %parallel_loop3A_688 = arith.index_cast %parallel_loop3A_669 : i32 to index
        %parallel_loop3A_689 = arith.constant 16 : index
        %parallel_loop3A_690 = tpu.vector_load %arg26[%parallel_loop3A_688, %parallel_loop3A_689] {strides = array<i32>} : memref<256x32xf32, #tpu.memory_space<vmem>>, vector<1x16xf32>,
        %parallel_loop3A_691 = vector.shape_cast %parallel_loop3A_690 : vector<1x16xf32> to vector<16xf32>
        %parallel_loop3A_692 = vector.shape_cast %parallel_loop3A_687 : vector<16xf32> to vector<1x16xf32>
        tpu.vector_store %arg26[%parallel_loop3A_688, %parallel_loop3A_689], %parallel_loop3A_692 {strides = array<i32>} : memref<256x32xf32, #tpu.memory_space<vmem>>, vector<1x16xf32>,
        %parallel_loop3A_693 = arith.constant 16 : i32
        %parallel_loop3A_694 = arith.muli %parallel_loop3A_430, %parallel_loop3A_693 : i32
        %parallel_loop3A_695 = arith.constant 8 : i32
        %parallel_loop3A_696 = arith.addi %parallel_loop3A_694, %parallel_loop3A_695 : i32
        %parallel_loop3A_697 = vector.extract_strided_slice %parallel_loop3A_476 {offsets = [8], sizes = [1], strides = [1]} : vector<16xf32> to vector<1xf32>
        %parallel_loop3A_698 = vector.extract %parallel_loop3A_697[0] : f32 from vector<1xf32>
        %parallel_loop3A_699 = vector.broadcast %parallel_loop3A_698 : f32 to vector<16xf32>
        %parallel_loop3A_700 = arith.index_cast %parallel_loop3A_696 : i32 to index
        %parallel_loop3A_701 = arith.constant 0 : index
        %parallel_loop3A_702 = tpu.vector_load %arg26[%parallel_loop3A_700, %parallel_loop3A_701] {strides = array<i32>} : memref<256x32xf32, #tpu.memory_space<vmem>>, vector<1x16xf32>,
        %parallel_loop3A_703 = vector.shape_cast %parallel_loop3A_702 : vector<1x16xf32> to vector<16xf32>
        %parallel_loop3A_704 = arith.mulf %parallel_loop3A_703, %parallel_loop3A_699 : vector<16xf32>
        %parallel_loop3A_705 = arith.index_cast %parallel_loop3A_696 : i32 to index
        %parallel_loop3A_706 = arith.constant 0 : index
        %parallel_loop3A_707 = tpu.vector_load %arg26[%parallel_loop3A_705, %parallel_loop3A_706] {strides = array<i32>} : memref<256x32xf32, #tpu.memory_space<vmem>>, vector<1x16xf32>,
        %parallel_loop3A_708 = vector.shape_cast %parallel_loop3A_707 : vector<1x16xf32> to vector<16xf32>
        %parallel_loop3A_709 = vector.shape_cast %parallel_loop3A_704 : vector<16xf32> to vector<1x16xf32>
        tpu.vector_store %arg26[%parallel_loop3A_705, %parallel_loop3A_706], %parallel_loop3A_709 {strides = array<i32>} : memref<256x32xf32, #tpu.memory_space<vmem>>, vector<1x16xf32>,
        %parallel_loop3A_710 = arith.index_cast %parallel_loop3A_696 : i32 to index
        %parallel_loop3A_711 = arith.constant 16 : index
        %parallel_loop3A_712 = tpu.vector_load %arg26[%parallel_loop3A_710, %parallel_loop3A_711] {strides = array<i32>} : memref<256x32xf32, #tpu.memory_space<vmem>>, vector<1x16xf32>,
        %parallel_loop3A_713 = vector.shape_cast %parallel_loop3A_712 : vector<1x16xf32> to vector<16xf32>
        %parallel_loop3A_714 = arith.mulf %parallel_loop3A_713, %parallel_loop3A_699 : vector<16xf32>
        %parallel_loop3A_715 = arith.index_cast %parallel_loop3A_696 : i32 to index
        %parallel_loop3A_716 = arith.constant 16 : index
        %parallel_loop3A_717 = tpu.vector_load %arg26[%parallel_loop3A_715, %parallel_loop3A_716] {strides = array<i32>} : memref<256x32xf32, #tpu.memory_space<vmem>>, vector<1x16xf32>,
        %parallel_loop3A_718 = vector.shape_cast %parallel_loop3A_717 : vector<1x16xf32> to vector<16xf32>
        %parallel_loop3A_719 = vector.shape_cast %parallel_loop3A_714 : vector<16xf32> to vector<1x16xf32>
        tpu.vector_store %arg26[%parallel_loop3A_715, %parallel_loop3A_716], %parallel_loop3A_719 {strides = array<i32>} : memref<256x32xf32, #tpu.memory_space<vmem>>, vector<1x16xf32>,
        %parallel_loop3A_720 = arith.constant 16 : i32
        %parallel_loop3A_721 = arith.muli %parallel_loop3A_430, %parallel_loop3A_720 : i32
        %parallel_loop3A_722 = arith.constant 9 : i32
        %parallel_loop3A_723 = arith.addi %parallel_loop3A_721, %parallel_loop3A_722 : i32
        %parallel_loop3A_724 = vector.extract_strided_slice %parallel_loop3A_476 {offsets = [9], sizes = [1], strides = [1]} : vector<16xf32> to vector<1xf32>
        %parallel_loop3A_725 = vector.extract %parallel_loop3A_724[0] : f32 from vector<1xf32>
        %parallel_loop3A_726 = vector.broadcast %parallel_loop3A_725 : f32 to vector<16xf32>
        %parallel_loop3A_727 = arith.index_cast %parallel_loop3A_723 : i32 to index
        %parallel_loop3A_728 = arith.constant 0 : index
        %parallel_loop3A_729 = tpu.vector_load %arg26[%parallel_loop3A_727, %parallel_loop3A_728] {strides = array<i32>} : memref<256x32xf32, #tpu.memory_space<vmem>>, vector<1x16xf32>,
        %parallel_loop3A_730 = vector.shape_cast %parallel_loop3A_729 : vector<1x16xf32> to vector<16xf32>
        %parallel_loop3A_731 = arith.mulf %parallel_loop3A_730, %parallel_loop3A_726 : vector<16xf32>
        %parallel_loop3A_732 = arith.index_cast %parallel_loop3A_723 : i32 to index
        %parallel_loop3A_733 = arith.constant 0 : index
        %parallel_loop3A_734 = tpu.vector_load %arg26[%parallel_loop3A_732, %parallel_loop3A_733] {strides = array<i32>} : memref<256x32xf32, #tpu.memory_space<vmem>>, vector<1x16xf32>,
        %parallel_loop3A_735 = vector.shape_cast %parallel_loop3A_734 : vector<1x16xf32> to vector<16xf32>
        %parallel_loop3A_736 = vector.shape_cast %parallel_loop3A_731 : vector<16xf32> to vector<1x16xf32>
        tpu.vector_store %arg26[%parallel_loop3A_732, %parallel_loop3A_733], %parallel_loop3A_736 {strides = array<i32>} : memref<256x32xf32, #tpu.memory_space<vmem>>, vector<1x16xf32>,
        %parallel_loop3A_737 = arith.index_cast %parallel_loop3A_723 : i32 to index
        %parallel_loop3A_738 = arith.constant 16 : index
        %parallel_loop3A_739 = tpu.vector_load %arg26[%parallel_loop3A_737, %parallel_loop3A_738] {strides = array<i32>} : memref<256x32xf32, #tpu.memory_space<vmem>>, vector<1x16xf32>,
        %parallel_loop3A_740 = vector.shape_cast %parallel_loop3A_739 : vector<1x16xf32> to vector<16xf32>
        %parallel_loop3A_741 = arith.mulf %parallel_loop3A_740, %parallel_loop3A_726 : vector<16xf32>
        %parallel_loop3A_742 = arith.index_cast %parallel_loop3A_723 : i32 to index
        %parallel_loop3A_743 = arith.constant 16 : index
        %parallel_loop3A_744 = tpu.vector_load %arg26[%parallel_loop3A_742, %parallel_loop3A_743] {strides = array<i32>} : memref<256x32xf32, #tpu.memory_space<vmem>>, vector<1x16xf32>,
        %parallel_loop3A_745 = vector.shape_cast %parallel_loop3A_744 : vector<1x16xf32> to vector<16xf32>
        %parallel_loop3A_746 = vector.shape_cast %parallel_loop3A_741 : vector<16xf32> to vector<1x16xf32>
        tpu.vector_store %arg26[%parallel_loop3A_742, %parallel_loop3A_743], %parallel_loop3A_746 {strides = array<i32>} : memref<256x32xf32, #tpu.memory_space<vmem>>, vector<1x16xf32>,
        %parallel_loop3A_747 = arith.constant 16 : i32
        %parallel_loop3A_748 = arith.muli %parallel_loop3A_430, %parallel_loop3A_747 : i32
        %parallel_loop3A_749 = arith.constant 10 : i32
        %parallel_loop3A_750 = arith.addi %parallel_loop3A_748, %parallel_loop3A_749 : i32
        %parallel_loop3A_751 = vector.extract_strided_slice %parallel_loop3A_476 {offsets = [10], sizes = [1], strides = [1]} : vector<16xf32> to vector<1xf32>
        %parallel_loop3A_752 = vector.extract %parallel_loop3A_751[0] : f32 from vector<1xf32>
        %parallel_loop3A_753 = vector.broadcast %parallel_loop3A_752 : f32 to vector<16xf32>
        %parallel_loop3A_754 = arith.index_cast %parallel_loop3A_750 : i32 to index
        %parallel_loop3A_755 = arith.constant 0 : index
        %parallel_loop3A_756 = tpu.vector_load %arg26[%parallel_loop3A_754, %parallel_loop3A_755] {strides = array<i32>} : memref<256x32xf32, #tpu.memory_space<vmem>>, vector<1x16xf32>,
        %parallel_loop3A_757 = vector.shape_cast %parallel_loop3A_756 : vector<1x16xf32> to vector<16xf32>
        %parallel_loop3A_758 = arith.mulf %parallel_loop3A_757, %parallel_loop3A_753 : vector<16xf32>
        %parallel_loop3A_759 = arith.index_cast %parallel_loop3A_750 : i32 to index
        %parallel_loop3A_760 = arith.constant 0 : index
        %parallel_loop3A_761 = tpu.vector_load %arg26[%parallel_loop3A_759, %parallel_loop3A_760] {strides = array<i32>} : memref<256x32xf32, #tpu.memory_space<vmem>>, vector<1x16xf32>,
        %parallel_loop3A_762 = vector.shape_cast %parallel_loop3A_761 : vector<1x16xf32> to vector<16xf32>
        %parallel_loop3A_763 = vector.shape_cast %parallel_loop3A_758 : vector<16xf32> to vector<1x16xf32>
        tpu.vector_store %arg26[%parallel_loop3A_759, %parallel_loop3A_760], %parallel_loop3A_763 {strides = array<i32>} : memref<256x32xf32, #tpu.memory_space<vmem>>, vector<1x16xf32>,
        %parallel_loop3A_764 = arith.index_cast %parallel_loop3A_750 : i32 to index
        %parallel_loop3A_765 = arith.constant 16 : index
        %parallel_loop3A_766 = tpu.vector_load %arg26[%parallel_loop3A_764, %parallel_loop3A_765] {strides = array<i32>} : memref<256x32xf32, #tpu.memory_space<vmem>>, vector<1x16xf32>,
        %parallel_loop3A_767 = vector.shape_cast %parallel_loop3A_766 : vector<1x16xf32> to vector<16xf32>
        %parallel_loop3A_768 = arith.mulf %parallel_loop3A_767, %parallel_loop3A_753 : vector<16xf32>
        %parallel_loop3A_769 = arith.index_cast %parallel_loop3A_750 : i32 to index
        %parallel_loop3A_770 = arith.constant 16 : index
        %parallel_loop3A_771 = tpu.vector_load %arg26[%parallel_loop3A_769, %parallel_loop3A_770] {strides = array<i32>} : memref<256x32xf32, #tpu.memory_space<vmem>>, vector<1x16xf32>,
        %parallel_loop3A_772 = vector.shape_cast %parallel_loop3A_771 : vector<1x16xf32> to vector<16xf32>
        %parallel_loop3A_773 = vector.shape_cast %parallel_loop3A_768 : vector<16xf32> to vector<1x16xf32>
        tpu.vector_store %arg26[%parallel_loop3A_769, %parallel_loop3A_770], %parallel_loop3A_773 {strides = array<i32>} : memref<256x32xf32, #tpu.memory_space<vmem>>, vector<1x16xf32>,
        %parallel_loop3A_774 = arith.constant 16 : i32
        %parallel_loop3A_775 = arith.muli %parallel_loop3A_430, %parallel_loop3A_774 : i32
        %parallel_loop3A_776 = arith.constant 11 : i32
        %parallel_loop3A_777 = arith.addi %parallel_loop3A_775, %parallel_loop3A_776 : i32
        %parallel_loop3A_778 = vector.extract_strided_slice %parallel_loop3A_476 {offsets = [11], sizes = [1], strides = [1]} : vector<16xf32> to vector<1xf32>
        %parallel_loop3A_779 = vector.extract %parallel_loop3A_778[0] : f32 from vector<1xf32>
        %parallel_loop3A_780 = vector.broadcast %parallel_loop3A_779 : f32 to vector<16xf32>
        %parallel_loop3A_781 = arith.index_cast %parallel_loop3A_777 : i32 to index
        %parallel_loop3A_782 = arith.constant 0 : index
        %parallel_loop3A_783 = tpu.vector_load %arg26[%parallel_loop3A_781, %parallel_loop3A_782] {strides = array<i32>} : memref<256x32xf32, #tpu.memory_space<vmem>>, vector<1x16xf32>,
        %parallel_loop3A_784 = vector.shape_cast %parallel_loop3A_783 : vector<1x16xf32> to vector<16xf32>
        %parallel_loop3A_785 = arith.mulf %parallel_loop3A_784, %parallel_loop3A_780 : vector<16xf32>
        %parallel_loop3A_786 = arith.index_cast %parallel_loop3A_777 : i32 to index
        %parallel_loop3A_787 = arith.constant 0 : index
        %parallel_loop3A_788 = tpu.vector_load %arg26[%parallel_loop3A_786, %parallel_loop3A_787] {strides = array<i32>} : memref<256x32xf32, #tpu.memory_space<vmem>>, vector<1x16xf32>,
        %parallel_loop3A_789 = vector.shape_cast %parallel_loop3A_788 : vector<1x16xf32> to vector<16xf32>
        %parallel_loop3A_790 = vector.shape_cast %parallel_loop3A_785 : vector<16xf32> to vector<1x16xf32>
        tpu.vector_store %arg26[%parallel_loop3A_786, %parallel_loop3A_787], %parallel_loop3A_790 {strides = array<i32>} : memref<256x32xf32, #tpu.memory_space<vmem>>, vector<1x16xf32>,
        %parallel_loop3A_791 = arith.index_cast %parallel_loop3A_777 : i32 to index
        %parallel_loop3A_792 = arith.constant 16 : index
        %parallel_loop3A_793 = tpu.vector_load %arg26[%parallel_loop3A_791, %parallel_loop3A_792] {strides = array<i32>} : memref<256x32xf32, #tpu.memory_space<vmem>>, vector<1x16xf32>,
        %parallel_loop3A_794 = vector.shape_cast %parallel_loop3A_793 : vector<1x16xf32> to vector<16xf32>
        %parallel_loop3A_795 = arith.mulf %parallel_loop3A_794, %parallel_loop3A_780 : vector<16xf32>
        %parallel_loop3A_796 = arith.index_cast %parallel_loop3A_777 : i32 to index
        %parallel_loop3A_797 = arith.constant 16 : index
        %parallel_loop3A_798 = tpu.vector_load %arg26[%parallel_loop3A_796, %parallel_loop3A_797] {strides = array<i32>} : memref<256x32xf32, #tpu.memory_space<vmem>>, vector<1x16xf32>,
        %parallel_loop3A_799 = vector.shape_cast %parallel_loop3A_798 : vector<1x16xf32> to vector<16xf32>
        %parallel_loop3A_800 = vector.shape_cast %parallel_loop3A_795 : vector<16xf32> to vector<1x16xf32>
        tpu.vector_store %arg26[%parallel_loop3A_796, %parallel_loop3A_797], %parallel_loop3A_800 {strides = array<i32>} : memref<256x32xf32, #tpu.memory_space<vmem>>, vector<1x16xf32>,
        %parallel_loop3A_801 = arith.constant 16 : i32
        %parallel_loop3A_802 = arith.muli %parallel_loop3A_430, %parallel_loop3A_801 : i32
        %parallel_loop3A_803 = arith.constant 12 : i32
        %parallel_loop3A_804 = arith.addi %parallel_loop3A_802, %parallel_loop3A_803 : i32
        %parallel_loop3A_805 = vector.extract_strided_slice %parallel_loop3A_476 {offsets = [12], sizes = [1], strides = [1]} : vector<16xf32> to vector<1xf32>
        %parallel_loop3A_806 = vector.extract %parallel_loop3A_805[0] : f32 from vector<1xf32>
        %parallel_loop3A_807 = vector.broadcast %parallel_loop3A_806 : f32 to vector<16xf32>
        %parallel_loop3A_808 = arith.index_cast %parallel_loop3A_804 : i32 to index
        %parallel_loop3A_809 = arith.constant 0 : index
        %parallel_loop3A_810 = tpu.vector_load %arg26[%parallel_loop3A_808, %parallel_loop3A_809] {strides = array<i32>} : memref<256x32xf32, #tpu.memory_space<vmem>>, vector<1x16xf32>,
        %parallel_loop3A_811 = vector.shape_cast %parallel_loop3A_810 : vector<1x16xf32> to vector<16xf32>
        %parallel_loop3A_812 = arith.mulf %parallel_loop3A_811, %parallel_loop3A_807 : vector<16xf32>
        %parallel_loop3A_813 = arith.index_cast %parallel_loop3A_804 : i32 to index
        %parallel_loop3A_814 = arith.constant 0 : index
        %parallel_loop3A_815 = tpu.vector_load %arg26[%parallel_loop3A_813, %parallel_loop3A_814] {strides = array<i32>} : memref<256x32xf32, #tpu.memory_space<vmem>>, vector<1x16xf32>,
        %parallel_loop3A_816 = vector.shape_cast %parallel_loop3A_815 : vector<1x16xf32> to vector<16xf32>
        %parallel_loop3A_817 = vector.shape_cast %parallel_loop3A_812 : vector<16xf32> to vector<1x16xf32>
        tpu.vector_store %arg26[%parallel_loop3A_813, %parallel_loop3A_814], %parallel_loop3A_817 {strides = array<i32>} : memref<256x32xf32, #tpu.memory_space<vmem>>, vector<1x16xf32>,
        %parallel_loop3A_818 = arith.index_cast %parallel_loop3A_804 : i32 to index
        %parallel_loop3A_819 = arith.constant 16 : index
        %parallel_loop3A_820 = tpu.vector_load %arg26[%parallel_loop3A_818, %parallel_loop3A_819] {strides = array<i32>} : memref<256x32xf32, #tpu.memory_space<vmem>>, vector<1x16xf32>,
        %parallel_loop3A_821 = vector.shape_cast %parallel_loop3A_820 : vector<1x16xf32> to vector<16xf32>
        %parallel_loop3A_822 = arith.mulf %parallel_loop3A_821, %parallel_loop3A_807 : vector<16xf32>
        %parallel_loop3A_823 = arith.index_cast %parallel_loop3A_804 : i32 to index
        %parallel_loop3A_824 = arith.constant 16 : index
        %parallel_loop3A_825 = tpu.vector_load %arg26[%parallel_loop3A_823, %parallel_loop3A_824] {strides = array<i32>} : memref<256x32xf32, #tpu.memory_space<vmem>>, vector<1x16xf32>,
        %parallel_loop3A_826 = vector.shape_cast %parallel_loop3A_825 : vector<1x16xf32> to vector<16xf32>
        %parallel_loop3A_827 = vector.shape_cast %parallel_loop3A_822 : vector<16xf32> to vector<1x16xf32>
        tpu.vector_store %arg26[%parallel_loop3A_823, %parallel_loop3A_824], %parallel_loop3A_827 {strides = array<i32>} : memref<256x32xf32, #tpu.memory_space<vmem>>, vector<1x16xf32>,
        %parallel_loop3A_828 = arith.constant 16 : i32
        %parallel_loop3A_829 = arith.muli %parallel_loop3A_430, %parallel_loop3A_828 : i32
        %parallel_loop3A_830 = arith.constant 13 : i32
        %parallel_loop3A_831 = arith.addi %parallel_loop3A_829, %parallel_loop3A_830 : i32
        %parallel_loop3A_832 = vector.extract_strided_slice %parallel_loop3A_476 {offsets = [13], sizes = [1], strides = [1]} : vector<16xf32> to vector<1xf32>
        %parallel_loop3A_833 = vector.extract %parallel_loop3A_832[0] : f32 from vector<1xf32>
        %parallel_loop3A_834 = vector.broadcast %parallel_loop3A_833 : f32 to vector<16xf32>
        %parallel_loop3A_835 = arith.index_cast %parallel_loop3A_831 : i32 to index
        %parallel_loop3A_836 = arith.constant 0 : index
        %parallel_loop3A_837 = tpu.vector_load %arg26[%parallel_loop3A_835, %parallel_loop3A_836] {strides = array<i32>} : memref<256x32xf32, #tpu.memory_space<vmem>>, vector<1x16xf32>,
        %parallel_loop3A_838 = vector.shape_cast %parallel_loop3A_837 : vector<1x16xf32> to vector<16xf32>
        %parallel_loop3A_839 = arith.mulf %parallel_loop3A_838, %parallel_loop3A_834 : vector<16xf32>
        %parallel_loop3A_840 = arith.index_cast %parallel_loop3A_831 : i32 to index
        %parallel_loop3A_841 = arith.constant 0 : index
        %parallel_loop3A_842 = tpu.vector_load %arg26[%parallel_loop3A_840, %parallel_loop3A_841] {strides = array<i32>} : memref<256x32xf32, #tpu.memory_space<vmem>>, vector<1x16xf32>,
        %parallel_loop3A_843 = vector.shape_cast %parallel_loop3A_842 : vector<1x16xf32> to vector<16xf32>
        %parallel_loop3A_844 = vector.shape_cast %parallel_loop3A_839 : vector<16xf32> to vector<1x16xf32>
        tpu.vector_store %arg26[%parallel_loop3A_840, %parallel_loop3A_841], %parallel_loop3A_844 {strides = array<i32>} : memref<256x32xf32, #tpu.memory_space<vmem>>, vector<1x16xf32>,
        %parallel_loop3A_845 = arith.index_cast %parallel_loop3A_831 : i32 to index
        %parallel_loop3A_846 = arith.constant 16 : index
        %parallel_loop3A_847 = tpu.vector_load %arg26[%parallel_loop3A_845, %parallel_loop3A_846] {strides = array<i32>} : memref<256x32xf32, #tpu.memory_space<vmem>>, vector<1x16xf32>,
        %parallel_loop3A_848 = vector.shape_cast %parallel_loop3A_847 : vector<1x16xf32> to vector<16xf32>
        %parallel_loop3A_849 = arith.mulf %parallel_loop3A_848, %parallel_loop3A_834 : vector<16xf32>
        %parallel_loop3A_850 = arith.index_cast %parallel_loop3A_831 : i32 to index
        %parallel_loop3A_851 = arith.constant 16 : index
        %parallel_loop3A_852 = tpu.vector_load %arg26[%parallel_loop3A_850, %parallel_loop3A_851] {strides = array<i32>} : memref<256x32xf32, #tpu.memory_space<vmem>>, vector<1x16xf32>,
        %parallel_loop3A_853 = vector.shape_cast %parallel_loop3A_852 : vector<1x16xf32> to vector<16xf32>
        %parallel_loop3A_854 = vector.shape_cast %parallel_loop3A_849 : vector<16xf32> to vector<1x16xf32>
        tpu.vector_store %arg26[%parallel_loop3A_850, %parallel_loop3A_851], %parallel_loop3A_854 {strides = array<i32>} : memref<256x32xf32, #tpu.memory_space<vmem>>, vector<1x16xf32>,
        %parallel_loop3A_855 = arith.constant 16 : i32
        %parallel_loop3A_856 = arith.muli %parallel_loop3A_430, %parallel_loop3A_855 : i32
        %parallel_loop3A_857 = arith.constant 14 : i32
        %parallel_loop3A_858 = arith.addi %parallel_loop3A_856, %parallel_loop3A_857 : i32
        %parallel_loop3A_859 = vector.extract_strided_slice %parallel_loop3A_476 {offsets = [14], sizes = [1], strides = [1]} : vector<16xf32> to vector<1xf32>
        %parallel_loop3A_860 = vector.extract %parallel_loop3A_859[0] : f32 from vector<1xf32>
        %parallel_loop3A_861 = vector.broadcast %parallel_loop3A_860 : f32 to vector<16xf32>
        %parallel_loop3A_862 = arith.index_cast %parallel_loop3A_858 : i32 to index
        %parallel_loop3A_863 = arith.constant 0 : index
        %parallel_loop3A_864 = tpu.vector_load %arg26[%parallel_loop3A_862, %parallel_loop3A_863] {strides = array<i32>} : memref<256x32xf32, #tpu.memory_space<vmem>>, vector<1x16xf32>,
        %parallel_loop3A_865 = vector.shape_cast %parallel_loop3A_864 : vector<1x16xf32> to vector<16xf32>
        %parallel_loop3A_866 = arith.mulf %parallel_loop3A_865, %parallel_loop3A_861 : vector<16xf32>
        %parallel_loop3A_867 = arith.index_cast %parallel_loop3A_858 : i32 to index
        %parallel_loop3A_868 = arith.constant 0 : index
        %parallel_loop3A_869 = tpu.vector_load %arg26[%parallel_loop3A_867, %parallel_loop3A_868] {strides = array<i32>} : memref<256x32xf32, #tpu.memory_space<vmem>>, vector<1x16xf32>,
        %parallel_loop3A_870 = vector.shape_cast %parallel_loop3A_869 : vector<1x16xf32> to vector<16xf32>
        %parallel_loop3A_871 = vector.shape_cast %parallel_loop3A_866 : vector<16xf32> to vector<1x16xf32>
        tpu.vector_store %arg26[%parallel_loop3A_867, %parallel_loop3A_868], %parallel_loop3A_871 {strides = array<i32>} : memref<256x32xf32, #tpu.memory_space<vmem>>, vector<1x16xf32>,
        %parallel_loop3A_872 = arith.index_cast %parallel_loop3A_858 : i32 to index
        %parallel_loop3A_873 = arith.constant 16 : index
        %parallel_loop3A_874 = tpu.vector_load %arg26[%parallel_loop3A_872, %parallel_loop3A_873] {strides = array<i32>} : memref<256x32xf32, #tpu.memory_space<vmem>>, vector<1x16xf32>,
        %parallel_loop3A_875 = vector.shape_cast %parallel_loop3A_874 : vector<1x16xf32> to vector<16xf32>
        %parallel_loop3A_876 = arith.mulf %parallel_loop3A_875, %parallel_loop3A_861 : vector<16xf32>
        %parallel_loop3A_877 = arith.index_cast %parallel_loop3A_858 : i32 to index
        %parallel_loop3A_878 = arith.constant 16 : index
        %parallel_loop3A_879 = tpu.vector_load %arg26[%parallel_loop3A_877, %parallel_loop3A_878] {strides = array<i32>} : memref<256x32xf32, #tpu.memory_space<vmem>>, vector<1x16xf32>,
        %parallel_loop3A_880 = vector.shape_cast %parallel_loop3A_879 : vector<1x16xf32> to vector<16xf32>
        %parallel_loop3A_881 = vector.shape_cast %parallel_loop3A_876 : vector<16xf32> to vector<1x16xf32>
        tpu.vector_store %arg26[%parallel_loop3A_877, %parallel_loop3A_878], %parallel_loop3A_881 {strides = array<i32>} : memref<256x32xf32, #tpu.memory_space<vmem>>, vector<1x16xf32>,
        %parallel_loop3A_882 = arith.constant 16 : i32
        %parallel_loop3A_883 = arith.muli %parallel_loop3A_430, %parallel_loop3A_882 : i32
        %parallel_loop3A_884 = arith.constant 15 : i32
        %parallel_loop3A_885 = arith.addi %parallel_loop3A_883, %parallel_loop3A_884 : i32
        %parallel_loop3A_886 = vector.extract_strided_slice %parallel_loop3A_476 {offsets = [15], sizes = [1], strides = [1]} : vector<16xf32> to vector<1xf32>
        %parallel_loop3A_887 = vector.extract %parallel_loop3A_886[0] : f32 from vector<1xf32>
        %parallel_loop3A_888 = vector.broadcast %parallel_loop3A_887 : f32 to vector<16xf32>
        %parallel_loop3A_889 = arith.index_cast %parallel_loop3A_885 : i32 to index
        %parallel_loop3A_890 = arith.constant 0 : index
        %parallel_loop3A_891 = tpu.vector_load %arg26[%parallel_loop3A_889, %parallel_loop3A_890] {strides = array<i32>} : memref<256x32xf32, #tpu.memory_space<vmem>>, vector<1x16xf32>,
        %parallel_loop3A_892 = vector.shape_cast %parallel_loop3A_891 : vector<1x16xf32> to vector<16xf32>
        %parallel_loop3A_893 = arith.mulf %parallel_loop3A_892, %parallel_loop3A_888 : vector<16xf32>
        %parallel_loop3A_894 = arith.index_cast %parallel_loop3A_885 : i32 to index
        %parallel_loop3A_895 = arith.constant 0 : index
        %parallel_loop3A_896 = tpu.vector_load %arg26[%parallel_loop3A_894, %parallel_loop3A_895] {strides = array<i32>} : memref<256x32xf32, #tpu.memory_space<vmem>>, vector<1x16xf32>,
        %parallel_loop3A_897 = vector.shape_cast %parallel_loop3A_896 : vector<1x16xf32> to vector<16xf32>
        %parallel_loop3A_898 = vector.shape_cast %parallel_loop3A_893 : vector<16xf32> to vector<1x16xf32>
        tpu.vector_store %arg26[%parallel_loop3A_894, %parallel_loop3A_895], %parallel_loop3A_898 {strides = array<i32>} : memref<256x32xf32, #tpu.memory_space<vmem>>, vector<1x16xf32>,
        %parallel_loop3A_899 = arith.index_cast %parallel_loop3A_885 : i32 to index
        %parallel_loop3A_900 = arith.constant 16 : index
        %parallel_loop3A_901 = tpu.vector_load %arg26[%parallel_loop3A_899, %parallel_loop3A_900] {strides = array<i32>} : memref<256x32xf32, #tpu.memory_space<vmem>>, vector<1x16xf32>,
        %parallel_loop3A_902 = vector.shape_cast %parallel_loop3A_901 : vector<1x16xf32> to vector<16xf32>
        %parallel_loop3A_903 = arith.mulf %parallel_loop3A_902, %parallel_loop3A_888 : vector<16xf32>
        %parallel_loop3A_904 = arith.index_cast %parallel_loop3A_885 : i32 to index
        %parallel_loop3A_905 = arith.constant 16 : index
        %parallel_loop3A_906 = tpu.vector_load %arg26[%parallel_loop3A_904, %parallel_loop3A_905] {strides = array<i32>} : memref<256x32xf32, #tpu.memory_space<vmem>>, vector<1x16xf32>,
        %parallel_loop3A_907 = vector.shape_cast %parallel_loop3A_906 : vector<1x16xf32> to vector<16xf32>
        %parallel_loop3A_908 = vector.shape_cast %parallel_loop3A_903 : vector<16xf32> to vector<1x16xf32>
        tpu.vector_store %arg26[%parallel_loop3A_904, %parallel_loop3A_905], %parallel_loop3A_908 {strides = array<i32>} : memref<256x32xf32, #tpu.memory_space<vmem>>, vector<1x16xf32>,
      } {sc.loop_unroll_factor = 2 : i64, sc.parallel_access}
      %dma_start3A_390 = arith.constant 0 : i32
      %dma_start3A_391 = arith.constant 0 : i32
      %dma_start3A_392 = arith.constant 0 : i32
      %dma_start3A_393 = tpu.memref_slice %arg26[%dma_start3A_391, %dma_start3A_392] : memref<256x32xf32, #tpu.memory_space<vmem>> -> memref<128x32xf32, #tpu.memory_space<vmem>>
      %dma_start3A_394 = arith.constant 0 : i32
      %dma_start3A_395 = tpu.memref_slice %arg20[%dma_start3A_390, %dma_start3A_394] : memref<2x128xi32, #tpu.memory_space<vmem>> -> memref<1x128xi32, #tpu.memory_space<vmem>>
      %dma_start3A_396 = tpu.memref_squeeze %dma_start3A_395 : memref<1x128xi32, #tpu.memory_space<vmem>> -> memref<128xi32, #tpu.memory_space<vmem>>
      %dma_start3A_397 = arith.constant 0 : i32
      %dma_start3A_398 = arith.constant 0 : i32
      %dma_start3A_399 = tpu.memref_slice %arg28[%dma_start3A_397, %dma_start3A_398] : memref<50176x32xf32, #tpu.memory_space<vmem_shared>> -> memref<50176x32xf32, #tpu.memory_space<vmem_shared>>
      tpu.enqueue_indirect_dma source(%dma_start3A_393 : memref<128x32xf32, #tpu.memory_space<vmem>>) target(%dma_start3A_399 : memref<50176x32xf32, #tpu.memory_space<vmem_shared>>) offsets(%dma_start3A_396 : memref<128xi32, #tpu.memory_space<vmem>>) semaphore(%arg37 : memref<!tpu.dma_semaphore, #tpu.memory_space<semaphore_mem>>) {add = true}
      %dma_start3A_400 = arith.constant 0 : i32
      %dma_start3A_401 = arith.constant 0 : i32
      %dma_start3A_402 = arith.constant 0 : i32
      %dma_start3A_403 = tpu.memref_slice %arg24[%dma_start3A_400, %dma_start3A_402] : memref<2x128xf32, #tpu.memory_space<vmem>> -> memref<1x128xf32, #tpu.memory_space<vmem>>
      %dma_start3A_404 = tpu.memref_squeeze %dma_start3A_403 : memref<1x128xf32, #tpu.memory_space<vmem>> -> memref<128xf32, #tpu.memory_space<vmem>>
      %dma_start3A_405 = arith.constant 0 : i32
      %dma_start3A_406 = tpu.memref_slice %arg20[%dma_start3A_401, %dma_start3A_405] : memref<2x128xi32, #tpu.memory_space<vmem>> -> memref<1x128xi32, #tpu.memory_space<vmem>>
      %dma_start3A_407 = tpu.memref_squeeze %dma_start3A_406 : memref<1x128xi32, #tpu.memory_space<vmem>> -> memref<128xi32, #tpu.memory_space<vmem>>
      %dma_start3A_408 = arith.constant 0 : i32
      %dma_start3A_409 = tpu.memref_slice %arg29[%dma_start3A_408] : memref<50176xf32, #tpu.memory_space<vmem_shared>> -> memref<50176xf32, #tpu.memory_space<vmem_shared>>
      tpu.enqueue_indirect_dma source(%dma_start3A_404 : memref<128xf32, #tpu.memory_space<vmem>>) target(%dma_start3A_409 : memref<50176xf32, #tpu.memory_space<vmem_shared>>) offsets(%dma_start3A_407 : memref<128xi32, #tpu.memory_space<vmem>>) semaphore(%arg37 : memref<!tpu.dma_semaphore, #tpu.memory_space<semaphore_mem>>) {add = true}
      %dma_start3A_410 = arith.constant 1 : i32
      %dma_start3A_411 = arith.constant 128 : i32
      %dma_start3A_412 = arith.constant 0 : i32
      %dma_start3A_413 = tpu.memref_slice %arg26[%dma_start3A_411, %dma_start3A_412] : memref<256x32xf32, #tpu.memory_space<vmem>> -> memref<128x32xf32, #tpu.memory_space<vmem>>
      %dma_start3A_414 = arith.constant 0 : i32
      %dma_start3A_415 = tpu.memref_slice %arg20[%dma_start3A_410, %dma_start3A_414] : memref<2x128xi32, #tpu.memory_space<vmem>> -> memref<1x128xi32, #tpu.memory_space<vmem>>
      %dma_start3A_416 = tpu.memref_squeeze %dma_start3A_415 : memref<1x128xi32, #tpu.memory_space<vmem>> -> memref<128xi32, #tpu.memory_space<vmem>>
      %dma_start3A_417 = arith.constant 0 : i32
      %dma_start3A_418 = arith.constant 0 : i32
      %dma_start3A_419 = tpu.memref_slice %arg28[%dma_start3A_417, %dma_start3A_418] : memref<50176x32xf32, #tpu.memory_space<vmem_shared>> -> memref<50176x32xf32, #tpu.memory_space<vmem_shared>>
      tpu.enqueue_indirect_dma source(%dma_start3A_413 : memref<128x32xf32, #tpu.memory_space<vmem>>) target(%dma_start3A_419 : memref<50176x32xf32, #tpu.memory_space<vmem_shared>>) offsets(%dma_start3A_416 : memref<128xi32, #tpu.memory_space<vmem>>) semaphore(%arg37 : memref<!tpu.dma_semaphore, #tpu.memory_space<semaphore_mem>>) {add = true}
      %dma_start3A_420 = arith.constant 1 : i32
      %dma_start3A_421 = arith.constant 1 : i32
      %dma_start3A_422 = arith.constant 0 : i32
      %dma_start3A_423 = tpu.memref_slice %arg24[%dma_start3A_420, %dma_start3A_422] : memref<2x128xf32, #tpu.memory_space<vmem>> -> memref<1x128xf32, #tpu.memory_space<vmem>>
      %dma_start3A_424 = tpu.memref_squeeze %dma_start3A_423 : memref<1x128xf32, #tpu.memory_space<vmem>> -> memref<128xf32, #tpu.memory_space<vmem>>
      %dma_start3A_425 = arith.constant 0 : i32
      %dma_start3A_426 = tpu.memref_slice %arg20[%dma_start3A_421, %dma_start3A_425] : memref<2x128xi32, #tpu.memory_space<vmem>> -> memref<1x128xi32, #tpu.memory_space<vmem>>
      %dma_start3A_427 = tpu.memref_squeeze %dma_start3A_426 : memref<1x128xi32, #tpu.memory_space<vmem>> -> memref<128xi32, #tpu.memory_space<vmem>>
      %dma_start3A_428 = arith.constant 0 : i32
      %dma_start3A_429 = tpu.memref_slice %arg29[%dma_start3A_428] : memref<50176xf32, #tpu.memory_space<vmem_shared>> -> memref<50176xf32, #tpu.memory_space<vmem_shared>>
      tpu.enqueue_indirect_dma source(%dma_start3A_424 : memref<128xf32, #tpu.memory_space<vmem>>) target(%dma_start3A_429 : memref<50176xf32, #tpu.memory_space<vmem_shared>>) offsets(%dma_start3A_427 : memref<128xi32, #tpu.memory_space<vmem>>) semaphore(%arg37 : memref<!tpu.dma_semaphore, #tpu.memory_space<semaphore_mem>>) {add = true}
    }
    %scan3A_125 = arith.constant 49 : i32
    %dma_wait3A_126 = arith.constant 0 : i32
    %dma_wait3A_127 = arith.constant 0 : i32
    %dma_wait3A_128 = arith.constant 0 : i32
    %dma_wait3A_129 = tpu.memref_slice %arg26[%dma_wait3A_127, %dma_wait3A_128] : memref<256x32xf32, #tpu.memory_space<vmem>> -> memref<128x32xf32, #tpu.memory_space<vmem>>
    %dma_wait3A_130 = arith.constant 0 : i32
    %dma_wait3A_131 = tpu.memref_slice %arg20[%dma_wait3A_126, %dma_wait3A_130] : memref<2x128xi32, #tpu.memory_space<vmem>> -> memref<1x128xi32, #tpu.memory_space<vmem>>
    %dma_wait3A_132 = tpu.memref_squeeze %dma_wait3A_131 : memref<1x128xi32, #tpu.memory_space<vmem>> -> memref<128xi32, #tpu.memory_space<vmem>>
    %dma_wait3A_133 = arith.constant 0 : i32
    %dma_wait3A_134 = arith.constant 0 : i32
    %dma_wait3A_135 = tpu.memref_slice %arg28[%dma_wait3A_133, %dma_wait3A_134] : memref<50176x32xf32, #tpu.memory_space<vmem_shared>> -> memref<50176x32xf32, #tpu.memory_space<vmem_shared>>
    tpu.wait_indirect_dma semaphore(%arg37 : memref<!tpu.dma_semaphore, #tpu.memory_space<semaphore_mem>>) src(%dma_wait3A_129 : memref<128x32xf32, #tpu.memory_space<vmem>>) dst(%dma_wait3A_135 : memref<50176x32xf32, #tpu.memory_space<vmem_shared>>)
    %dma_wait3A_136 = arith.constant 0 : i32
    %dma_wait3A_137 = arith.constant 0 : i32
    %dma_wait3A_138 = arith.constant 0 : i32
    %dma_wait3A_139 = tpu.memref_slice %arg24[%dma_wait3A_136, %dma_wait3A_138] : memref<2x128xf32, #tpu.memory_space<vmem>> -> memref<1x128xf32, #tpu.memory_space<vmem>>
    %dma_wait3A_140 = tpu.memref_squeeze %dma_wait3A_139 : memref<1x128xf32, #tpu.memory_space<vmem>> -> memref<128xf32, #tpu.memory_space<vmem>>
    %dma_wait3A_141 = arith.constant 0 : i32
    %dma_wait3A_142 = tpu.memref_slice %arg20[%dma_wait3A_137, %dma_wait3A_141] : memref<2x128xi32, #tpu.memory_space<vmem>> -> memref<1x128xi32, #tpu.memory_space<vmem>>
    %dma_wait3A_143 = tpu.memref_squeeze %dma_wait3A_142 : memref<1x128xi32, #tpu.memory_space<vmem>> -> memref<128xi32, #tpu.memory_space<vmem>>
    %dma_wait3A_144 = arith.constant 0 : i32
    %dma_wait3A_145 = tpu.memref_slice %arg29[%dma_wait3A_144] : memref<50176xf32, #tpu.memory_space<vmem_shared>> -> memref<50176xf32, #tpu.memory_space<vmem_shared>>
    tpu.wait_indirect_dma semaphore(%arg37 : memref<!tpu.dma_semaphore, #tpu.memory_space<semaphore_mem>>) src(%dma_wait3A_140 : memref<128xf32, #tpu.memory_space<vmem>>) dst(%dma_wait3A_145 : memref<50176xf32, #tpu.memory_space<vmem_shared>>)
    %dma_wait3A_146 = arith.constant 1 : i32
    %dma_wait3A_147 = arith.constant 128 : i32
    %dma_wait3A_148 = arith.constant 0 : i32
    %dma_wait3A_149 = tpu.memref_slice %arg26[%dma_wait3A_147, %dma_wait3A_148] : memref<256x32xf32, #tpu.memory_space<vmem>> -> memref<128x32xf32, #tpu.memory_space<vmem>>
    %dma_wait3A_150 = arith.constant 0 : i32
    %dma_wait3A_151 = tpu.memref_slice %arg20[%dma_wait3A_146, %dma_wait3A_150] : memref<2x128xi32, #tpu.memory_space<vmem>> -> memref<1x128xi32, #tpu.memory_space<vmem>>
    %dma_wait3A_152 = tpu.memref_squeeze %dma_wait3A_151 : memref<1x128xi32, #tpu.memory_space<vmem>> -> memref<128xi32, #tpu.memory_space<vmem>>
    %dma_wait3A_153 = arith.constant 0 : i32
    %dma_wait3A_154 = arith.constant 0 : i32
    %dma_wait3A_155 = tpu.memref_slice %arg28[%dma_wait3A_153, %dma_wait3A_154] : memref<50176x32xf32, #tpu.memory_space<vmem_shared>> -> memref<50176x32xf32, #tpu.memory_space<vmem_shared>>
    tpu.wait_indirect_dma semaphore(%arg37 : memref<!tpu.dma_semaphore, #tpu.memory_space<semaphore_mem>>) src(%dma_wait3A_149 : memref<128x32xf32, #tpu.memory_space<vmem>>) dst(%dma_wait3A_155 : memref<50176x32xf32, #tpu.memory_space<vmem_shared>>)
    %dma_wait3A_156 = arith.constant 1 : i32
    %dma_wait3A_157 = arith.constant 1 : i32
    %dma_wait3A_158 = arith.constant 0 : i32
    %dma_wait3A_159 = tpu.memref_slice %arg24[%dma_wait3A_156, %dma_wait3A_158] : memref<2x128xf32, #tpu.memory_space<vmem>> -> memref<1x128xf32, #tpu.memory_space<vmem>>
    %dma_wait3A_160 = tpu.memref_squeeze %dma_wait3A_159 : memref<1x128xf32, #tpu.memory_space<vmem>> -> memref<128xf32, #tpu.memory_space<vmem>>
    %dma_wait3A_161 = arith.constant 0 : i32
    %dma_wait3A_162 = tpu.memref_slice %arg20[%dma_wait3A_157, %dma_wait3A_161] : memref<2x128xi32, #tpu.memory_space<vmem>> -> memref<1x128xi32, #tpu.memory_space<vmem>>
    %dma_wait3A_163 = tpu.memref_squeeze %dma_wait3A_162 : memref<1x128xi32, #tpu.memory_space<vmem>> -> memref<128xi32, #tpu.memory_space<vmem>>
    %dma_wait3A_164 = arith.constant 0 : i32
    %dma_wait3A_165 = tpu.memref_slice %arg29[%dma_wait3A_164] : memref<50176xf32, #tpu.memory_space<vmem_shared>> -> memref<50176xf32, #tpu.memory_space<vmem_shared>>
    tpu.wait_indirect_dma semaphore(%arg37 : memref<!tpu.dma_semaphore, #tpu.memory_space<semaphore_mem>>) src(%dma_wait3A_160 : memref<128xf32, #tpu.memory_space<vmem>>) dst(%dma_wait3A_165 : memref<50176xf32, #tpu.memory_space<vmem_shared>>)
    %barrier3A_166 = arith.constant 0 : index
    tpu.barrier barrier_id(%barrier3A_166)
    "tpu.region"() ({
      %run_scoped3A = tpu.sem_alloc : memref<!tpu.dma_semaphore, #tpu.memory_space<semaphore_mem>>
      %dma_start3A_171 = arith.constant 0 : i32
      %dma_start3A_172 = tpu.memref_slice %arg7[%arg0, %mul3A_8, %dma_start3A_171] : memref<2x50176x32xf32, #tpu.memory_space<hbm>> -> memref<1x3136x32xf32, #tpu.memory_space<hbm>>
      %dma_start3A_173 = tpu.memref_squeeze %dma_start3A_172 : memref<1x3136x32xf32, #tpu.memory_space<hbm>> -> memref<3136x32xf32, #tpu.memory_space<hbm>>
      %dma_start3A_174 = arith.constant 0 : i32
      %dma_start3A_175 = tpu.memref_slice %arg28[%mul3A_8, %dma_start3A_174] : memref<50176x32xf32, #tpu.memory_space<vmem_shared>> -> memref<3136x32xf32, #tpu.memory_space<vmem_shared>>
      tpu.enqueue_dma source(%dma_start3A_175 : memref<3136x32xf32, #tpu.memory_space<vmem_shared>>) target(%dma_start3A_173 : memref<3136x32xf32, #tpu.memory_space<hbm>>) target_semaphore(%run_scoped3A : memref<!tpu.dma_semaphore, #tpu.memory_space<semaphore_mem>>)
      %dma_wait3A_176 = arith.constant 0 : i32
      %dma_wait3A_177 = tpu.memref_slice %arg7[%arg0, %mul3A_8, %dma_wait3A_176] : memref<2x50176x32xf32, #tpu.memory_space<hbm>> -> memref<1x3136x32xf32, #tpu.memory_space<hbm>>
      %dma_wait3A_178 = tpu.memref_squeeze %dma_wait3A_177 : memref<1x3136x32xf32, #tpu.memory_space<hbm>> -> memref<3136x32xf32, #tpu.memory_space<hbm>>
      %dma_wait3A_179 = arith.constant 0 : i32
      %dma_wait3A_180 = tpu.memref_slice %arg28[%mul3A_8, %dma_wait3A_179] : memref<50176x32xf32, #tpu.memory_space<vmem_shared>> -> memref<3136x32xf32, #tpu.memory_space<vmem_shared>>
      tpu.wait_dma2 semaphore(%run_scoped3A : memref<!tpu.dma_semaphore, #tpu.memory_space<semaphore_mem>>) src(%dma_wait3A_180 : memref<3136x32xf32, #tpu.memory_space<vmem_shared>>) dst(%dma_wait3A_178 : memref<3136x32xf32, #tpu.memory_space<hbm>>)
      tpu.yield
    }) : () -> ()
    %mul3A_167 = arith.constant 50176 : i32
    %mul3A_168 = arith.muli %arg0, %mul3A_167 : i32
    %add3A_169 = arith.addi %mul3A_168, %mul3A_8 : i32
    %multiple_of3A_170 = tpu.assume_multiple %add3A_169, 8 : i32
    "tpu.region"() ({
      %run_scoped3A = tpu.sem_alloc : memref<!tpu.dma_semaphore, #tpu.memory_space<semaphore_mem>>
      %dma_start3A_171 = tpu.memref_slice %arg8[%multiple_of3A_170] : memref<100352xf32, #tpu.memory_space<hbm>> -> memref<3136xf32, #tpu.memory_space<hbm>>
      %dma_start3A_172 = tpu.memref_slice %arg29[%mul3A_8] : memref<50176xf32, #tpu.memory_space<vmem_shared>> -> memref<3136xf32, #tpu.memory_space<vmem_shared>>
      tpu.enqueue_dma source(%dma_start3A_172 : memref<3136xf32, #tpu.memory_space<vmem_shared>>) target(%dma_start3A_171 : memref<3136xf32, #tpu.memory_space<hbm>>) target_semaphore(%run_scoped3A : memref<!tpu.dma_semaphore, #tpu.memory_space<semaphore_mem>>)
      %dma_wait3A_173 = tpu.memref_slice %arg8[%multiple_of3A_170] : memref<100352xf32, #tpu.memory_space<hbm>> -> memref<3136xf32, #tpu.memory_space<hbm>>
      %dma_wait3A_174 = tpu.memref_slice %arg29[%mul3A_8] : memref<50176xf32, #tpu.memory_space<vmem_shared>> -> memref<3136xf32, #tpu.memory_space<vmem_shared>>
      tpu.wait_dma2 semaphore(%run_scoped3A : memref<!tpu.dma_semaphore, #tpu.memory_space<semaphore_mem>>) src(%dma_wait3A_174 : memref<3136xf32, #tpu.memory_space<vmem_shared>>) dst(%dma_wait3A_173 : memref<3136xf32, #tpu.memory_space<hbm>>)
      tpu.yield
    }) : () -> ()
    return
  }
}

module attributes {stable_mosaic.version = 14 : i64} {
  func.func @_xt_body(%arg0: i32, %arg1: memref<1x32x512xf32, #tpu.memory_space<vmem>>, %arg2: memref<512x32xf32, #tpu.memory_space<vmem>>) attributes {dimension_semantics = [#tpu.dimension_semantics<arbitrary>], iteration_bounds = array<i64: 98>, scalar_prefetch = 0 : i64, scratch_operands = 0 : i64, tpu.core_type = #tpu.core_type<tc>, window_params = [{transform_indices = @transform_0, window_bounds = array<i64: 1, 32, 512>}, {transform_indices = @transform_1, window_bounds = array<i64: 512, 32>}]} {
    %iota3A = tpu.iota {dimensions = array<i32: 0>} : vector<32x32xi32>
    %iota3A_0 = tpu.iota {dimensions = array<i32: 1>} : vector<32x32xi32>
    %eq3A = arith.cmpi eq, %iota3A, %iota3A_0 : vector<32x32xi32>
    %convert_element_type3A = arith.extui %eq3A : vector<32x32xi1> to vector<32x32xi32>
    %convert_element_type3A_1 = arith.sitofp %convert_element_type3A : vector<32x32xi32> to vector<32x32xf32>
    %get3A = arith.constant 0 : index
    %get3A_2 = arith.constant 0 : index
    %get3A_3 = arith.constant 0 : index
    %get3A_4 = vector.load %arg1[%get3A, %get3A_2, %get3A_3] : memref<1x32x512xf32, #tpu.memory_space<vmem>>, vector<1x32x512xf32>
    %get3A_5 = vector.shape_cast %get3A_4 : vector<1x32x512xf32> to vector<32x512xf32>
    %dot_general3A = arith.constant dense<0.000000e+00> : vector<512x32xf32>
    %dot_general3A_6 = tpu.matmul %get3A_5, %convert_element_type3A_1, %dot_general3A {dimension_numbers = #tpu.dot_dimension_numbers<[0], [0], [1], [1], [0, 1, 1, 1], [], []>, transpose_lhs_hint = false} : vector<32x512xf32>, vector<32x32xf32>, vector<512x32xf32> -> vector<512x32xf32>
    %swap3A = arith.constant 0 : index
    %swap3A_7 = arith.constant 0 : index
    %swap3A_8 = vector.load %arg2[%swap3A, %swap3A_7] : memref<512x32xf32, #tpu.memory_space<vmem>>, vector<512x32xf32>
    tpu.vector_store %arg2[%swap3A, %swap3A_7], %dot_general3A_6 {strides = array<i32>} : memref<512x32xf32, #tpu.memory_space<vmem>>, vector<512x32xf32>,
    return
  }
  func.func @transform_0(%arg0: i32) -> (i32, i32, i32) {
    %c0_i32 = arith.constant 0 : i32
    %c0_i32_0 = arith.constant 0 : i32
    %c0_i32_1 = arith.constant 0 : i32
    return %c0_i32, %c0_i32_0, %arg0 : i32, i32, i32
  }
  func.func @transform_1(%arg0: i32) -> (i32, i32) {
    %c0_i32 = arith.constant 0 : i32
    %c0_i32_0 = arith.constant 0 : i32
    return %arg0, %c0_i32 : i32, i32
  }
}

module attributes {stable_mosaic.version = 14 : i64} {
  func.func @_mlp_body(%arg0: i32, %arg1: memref<4x1568x128xf32, #tpu.memory_space<vmem>>, %arg2: memref<73x1xf32, #tpu.memory_space<vmem>>, %arg3: memref<1568x128xf32, #tpu.memory_space<vmem>>, %arg4: memref<1568x128xf32, #tpu.memory_space<vmem>>) attributes {dimension_semantics = [#tpu.dimension_semantics<arbitrary>], iteration_bounds = array<i64: 8>, scalar_prefetch = 0 : i64, scratch_operands = 0 : i64, tpu.core_type = #tpu.core_type<tc>, window_params = [{transform_indices = @transform_0, window_bounds = array<i64: 4, 1568, 128>}, {pipeline_mode = #tpu.pipeline_mode<synchronous>, transform_indices = @transform_1, window_bounds = array<i64: 73, 1>}, {transform_indices = @transform_2, window_bounds = array<i64: 1568, 128>}, {transform_indices = @transform_3, window_bounds = array<i64: 1568, 128>}]} {
    %get3A = arith.constant 0 : index
    %get3A_0 = arith.constant 0 : index
    %get3A_1 = arith.constant 0 : index
    %get3A_2 = vector.load %arg1[%get3A, %get3A_0, %get3A_1] : memref<4x1568x128xf32, #tpu.memory_space<vmem>>, vector<1x1568x128xf32>
    %get3A_3 = vector.shape_cast %get3A_2 : vector<1x1568x128xf32> to vector<1568x128xf32>
    %get3A_4 = arith.constant 1 : index
    %get3A_5 = arith.constant 0 : index
    %get3A_6 = arith.constant 0 : index
    %get3A_7 = vector.load %arg1[%get3A_4, %get3A_5, %get3A_6] : memref<4x1568x128xf32, #tpu.memory_space<vmem>>, vector<1x1568x128xf32>
    %get3A_8 = vector.shape_cast %get3A_7 : vector<1x1568x128xf32> to vector<1568x128xf32>
    %get3A_9 = arith.constant 2 : index
    %get3A_10 = arith.constant 0 : index
    %get3A_11 = arith.constant 0 : index
    %get3A_12 = vector.load %arg1[%get3A_9, %get3A_10, %get3A_11] : memref<4x1568x128xf32, #tpu.memory_space<vmem>>, vector<1x1568x128xf32>
    %get3A_13 = vector.shape_cast %get3A_12 : vector<1x1568x128xf32> to vector<1568x128xf32>
    %get3A_14 = arith.constant 3 : index
    %get3A_15 = arith.constant 0 : index
    %get3A_16 = arith.constant 0 : index
    %get3A_17 = vector.load %arg1[%get3A_14, %get3A_15, %get3A_16] : memref<4x1568x128xf32, #tpu.memory_space<vmem>>, vector<1x1568x128xf32>
    %get3A_18 = vector.shape_cast %get3A_17 : vector<1x1568x128xf32> to vector<1568x128xf32>
    %get3A_19 = arith.constant 0 : index
    %get3A_20 = arith.constant 0 : index
    %get3A_21 = vector.load %arg2[%get3A_19, %get3A_20] : memref<73x1xf32, #tpu.memory_space<vmem>>, vector<1x1xf32>
    %mul3A = vector.broadcast %get3A_21 : vector<1x1xf32> to vector<1568x128xf32>
    %mul3A_22 = arith.mulf %get3A_3, %mul3A : vector<1568x128xf32>
    %get3A_23 = arith.constant 10 : index
    %get3A_24 = arith.constant 0 : index
    %get3A_25 = vector.load %arg2[%get3A_23, %get3A_24] : memref<73x1xf32, #tpu.memory_space<vmem>>, vector<1x1xf32>
    %mul3A_26 = vector.broadcast %get3A_25 : vector<1x1xf32> to vector<1568x128xf32>
    %mul3A_27 = arith.mulf %get3A_8, %mul3A_26 : vector<1568x128xf32>
    %add3A = arith.addf %mul3A_22, %mul3A_27 : vector<1568x128xf32>
    %get3A_28 = arith.constant 20 : index
    %get3A_29 = arith.constant 0 : index
    %get3A_30 = vector.load %arg2[%get3A_28, %get3A_29] : memref<73x1xf32, #tpu.memory_space<vmem>>, vector<1x1xf32>
    %mul3A_31 = vector.broadcast %get3A_30 : vector<1x1xf32> to vector<1568x128xf32>
    %mul3A_32 = arith.mulf %get3A_13, %mul3A_31 : vector<1568x128xf32>
    %add3A_33 = arith.addf %add3A, %mul3A_32 : vector<1568x128xf32>
    %get3A_34 = arith.constant 30 : index
    %get3A_35 = arith.constant 0 : index
    %get3A_36 = vector.load %arg2[%get3A_34, %get3A_35] : memref<73x1xf32, #tpu.memory_space<vmem>>, vector<1x1xf32>
    %mul3A_37 = vector.broadcast %get3A_36 : vector<1x1xf32> to vector<1568x128xf32>
    %mul3A_38 = arith.mulf %get3A_18, %mul3A_37 : vector<1568x128xf32>
    %add3A_39 = arith.addf %add3A_33, %mul3A_38 : vector<1568x128xf32>
    %get3A_40 = arith.constant 40 : index
    %get3A_41 = arith.constant 0 : index
    %get3A_42 = vector.load %arg2[%get3A_40, %get3A_41] : memref<73x1xf32, #tpu.memory_space<vmem>>, vector<1x1xf32>
    %add3A_43 = vector.broadcast %get3A_42 : vector<1x1xf32> to vector<1568x128xf32>
    %add3A_44 = arith.addf %add3A_39, %add3A_43 : vector<1568x128xf32>
    %max3A = arith.constant 0.000000e+00 : f32
    %max3A_45 = vector.broadcast %max3A : f32 to vector<1568x128xf32>
    %max3A_46 = arith.maximumf %add3A_44, %max3A_45 : vector<1568x128xf32>
    %get3A_47 = arith.constant 1 : index
    %get3A_48 = arith.constant 0 : index
    %get3A_49 = vector.load %arg2[%get3A_47, %get3A_48] : memref<73x1xf32, #tpu.memory_space<vmem>>, vector<1x1xf32>
    %mul3A_50 = vector.broadcast %get3A_49 : vector<1x1xf32> to vector<1568x128xf32>
    %mul3A_51 = arith.mulf %get3A_3, %mul3A_50 : vector<1568x128xf32>
    %get3A_52 = arith.constant 11 : index
    %get3A_53 = arith.constant 0 : index
    %get3A_54 = vector.load %arg2[%get3A_52, %get3A_53] : memref<73x1xf32, #tpu.memory_space<vmem>>, vector<1x1xf32>
    %mul3A_55 = vector.broadcast %get3A_54 : vector<1x1xf32> to vector<1568x128xf32>
    %mul3A_56 = arith.mulf %get3A_8, %mul3A_55 : vector<1568x128xf32>
    %add3A_57 = arith.addf %mul3A_51, %mul3A_56 : vector<1568x128xf32>
    %get3A_58 = arith.constant 21 : index
    %get3A_59 = arith.constant 0 : index
    %get3A_60 = vector.load %arg2[%get3A_58, %get3A_59] : memref<73x1xf32, #tpu.memory_space<vmem>>, vector<1x1xf32>
    %mul3A_61 = vector.broadcast %get3A_60 : vector<1x1xf32> to vector<1568x128xf32>
    %mul3A_62 = arith.mulf %get3A_13, %mul3A_61 : vector<1568x128xf32>
    %add3A_63 = arith.addf %add3A_57, %mul3A_62 : vector<1568x128xf32>
    %get3A_64 = arith.constant 31 : index
    %get3A_65 = arith.constant 0 : index
    %get3A_66 = vector.load %arg2[%get3A_64, %get3A_65] : memref<73x1xf32, #tpu.memory_space<vmem>>, vector<1x1xf32>
    %mul3A_67 = vector.broadcast %get3A_66 : vector<1x1xf32> to vector<1568x128xf32>
    %mul3A_68 = arith.mulf %get3A_18, %mul3A_67 : vector<1568x128xf32>
    %add3A_69 = arith.addf %add3A_63, %mul3A_68 : vector<1568x128xf32>
    %get3A_70 = arith.constant 41 : index
    %get3A_71 = arith.constant 0 : index
    %get3A_72 = vector.load %arg2[%get3A_70, %get3A_71] : memref<73x1xf32, #tpu.memory_space<vmem>>, vector<1x1xf32>
    %add3A_73 = vector.broadcast %get3A_72 : vector<1x1xf32> to vector<1568x128xf32>
    %add3A_74 = arith.addf %add3A_69, %add3A_73 : vector<1568x128xf32>
    %max3A_75 = arith.constant 0.000000e+00 : f32
    %max3A_76 = vector.broadcast %max3A_75 : f32 to vector<1568x128xf32>
    %max3A_77 = arith.maximumf %add3A_74, %max3A_76 : vector<1568x128xf32>
    %get3A_78 = arith.constant 2 : index
    %get3A_79 = arith.constant 0 : index
    %get3A_80 = vector.load %arg2[%get3A_78, %get3A_79] : memref<73x1xf32, #tpu.memory_space<vmem>>, vector<1x1xf32>
    %mul3A_81 = vector.broadcast %get3A_80 : vector<1x1xf32> to vector<1568x128xf32>
    %mul3A_82 = arith.mulf %get3A_3, %mul3A_81 : vector<1568x128xf32>
    %get3A_83 = arith.constant 12 : index
    %get3A_84 = arith.constant 0 : index
    %get3A_85 = vector.load %arg2[%get3A_83, %get3A_84] : memref<73x1xf32, #tpu.memory_space<vmem>>, vector<1x1xf32>
    %mul3A_86 = vector.broadcast %get3A_85 : vector<1x1xf32> to vector<1568x128xf32>
    %mul3A_87 = arith.mulf %get3A_8, %mul3A_86 : vector<1568x128xf32>
    %add3A_88 = arith.addf %mul3A_82, %mul3A_87 : vector<1568x128xf32>
    %get3A_89 = arith.constant 22 : index
    %get3A_90 = arith.constant 0 : index
    %get3A_91 = vector.load %arg2[%get3A_89, %get3A_90] : memref<73x1xf32, #tpu.memory_space<vmem>>, vector<1x1xf32>
    %mul3A_92 = vector.broadcast %get3A_91 : vector<1x1xf32> to vector<1568x128xf32>
    %mul3A_93 = arith.mulf %get3A_13, %mul3A_92 : vector<1568x128xf32>
    %add3A_94 = arith.addf %add3A_88, %mul3A_93 : vector<1568x128xf32>
    %get3A_95 = arith.constant 32 : index
    %get3A_96 = arith.constant 0 : index
    %get3A_97 = vector.load %arg2[%get3A_95, %get3A_96] : memref<73x1xf32, #tpu.memory_space<vmem>>, vector<1x1xf32>
    %mul3A_98 = vector.broadcast %get3A_97 : vector<1x1xf32> to vector<1568x128xf32>
    %mul3A_99 = arith.mulf %get3A_18, %mul3A_98 : vector<1568x128xf32>
    %add3A_100 = arith.addf %add3A_94, %mul3A_99 : vector<1568x128xf32>
    %get3A_101 = arith.constant 42 : index
    %get3A_102 = arith.constant 0 : index
    %get3A_103 = vector.load %arg2[%get3A_101, %get3A_102] : memref<73x1xf32, #tpu.memory_space<vmem>>, vector<1x1xf32>
    %add3A_104 = vector.broadcast %get3A_103 : vector<1x1xf32> to vector<1568x128xf32>
    %add3A_105 = arith.addf %add3A_100, %add3A_104 : vector<1568x128xf32>
    %max3A_106 = arith.constant 0.000000e+00 : f32
    %max3A_107 = vector.broadcast %max3A_106 : f32 to vector<1568x128xf32>
    %max3A_108 = arith.maximumf %add3A_105, %max3A_107 : vector<1568x128xf32>
    %get3A_109 = arith.constant 3 : index
    %get3A_110 = arith.constant 0 : index
    %get3A_111 = vector.load %arg2[%get3A_109, %get3A_110] : memref<73x1xf32, #tpu.memory_space<vmem>>, vector<1x1xf32>
    %mul3A_112 = vector.broadcast %get3A_111 : vector<1x1xf32> to vector<1568x128xf32>
    %mul3A_113 = arith.mulf %get3A_3, %mul3A_112 : vector<1568x128xf32>
    %get3A_114 = arith.constant 13 : index
    %get3A_115 = arith.constant 0 : index
    %get3A_116 = vector.load %arg2[%get3A_114, %get3A_115] : memref<73x1xf32, #tpu.memory_space<vmem>>, vector<1x1xf32>
    %mul3A_117 = vector.broadcast %get3A_116 : vector<1x1xf32> to vector<1568x128xf32>
    %mul3A_118 = arith.mulf %get3A_8, %mul3A_117 : vector<1568x128xf32>
    %add3A_119 = arith.addf %mul3A_113, %mul3A_118 : vector<1568x128xf32>
    %get3A_120 = arith.constant 23 : index
    %get3A_121 = arith.constant 0 : index
    %get3A_122 = vector.load %arg2[%get3A_120, %get3A_121] : memref<73x1xf32, #tpu.memory_space<vmem>>, vector<1x1xf32>
    %mul3A_123 = vector.broadcast %get3A_122 : vector<1x1xf32> to vector<1568x128xf32>
    %mul3A_124 = arith.mulf %get3A_13, %mul3A_123 : vector<1568x128xf32>
    %add3A_125 = arith.addf %add3A_119, %mul3A_124 : vector<1568x128xf32>
    %get3A_126 = arith.constant 33 : index
    %get3A_127 = arith.constant 0 : index
    %get3A_128 = vector.load %arg2[%get3A_126, %get3A_127] : memref<73x1xf32, #tpu.memory_space<vmem>>, vector<1x1xf32>
    %mul3A_129 = vector.broadcast %get3A_128 : vector<1x1xf32> to vector<1568x128xf32>
    %mul3A_130 = arith.mulf %get3A_18, %mul3A_129 : vector<1568x128xf32>
    %add3A_131 = arith.addf %add3A_125, %mul3A_130 : vector<1568x128xf32>
    %get3A_132 = arith.constant 43 : index
    %get3A_133 = arith.constant 0 : index
    %get3A_134 = vector.load %arg2[%get3A_132, %get3A_133] : memref<73x1xf32, #tpu.memory_space<vmem>>, vector<1x1xf32>
    %add3A_135 = vector.broadcast %get3A_134 : vector<1x1xf32> to vector<1568x128xf32>
    %add3A_136 = arith.addf %add3A_131, %add3A_135 : vector<1568x128xf32>
    %max3A_137 = arith.constant 0.000000e+00 : f32
    %max3A_138 = vector.broadcast %max3A_137 : f32 to vector<1568x128xf32>
    %max3A_139 = arith.maximumf %add3A_136, %max3A_138 : vector<1568x128xf32>
    %get3A_140 = arith.constant 4 : index
    %get3A_141 = arith.constant 0 : index
    %get3A_142 = vector.load %arg2[%get3A_140, %get3A_141] : memref<73x1xf32, #tpu.memory_space<vmem>>, vector<1x1xf32>
    %mul3A_143 = vector.broadcast %get3A_142 : vector<1x1xf32> to vector<1568x128xf32>
    %mul3A_144 = arith.mulf %get3A_3, %mul3A_143 : vector<1568x128xf32>
    %get3A_145 = arith.constant 14 : index
    %get3A_146 = arith.constant 0 : index
    %get3A_147 = vector.load %arg2[%get3A_145, %get3A_146] : memref<73x1xf32, #tpu.memory_space<vmem>>, vector<1x1xf32>
    %mul3A_148 = vector.broadcast %get3A_147 : vector<1x1xf32> to vector<1568x128xf32>
    %mul3A_149 = arith.mulf %get3A_8, %mul3A_148 : vector<1568x128xf32>
    %add3A_150 = arith.addf %mul3A_144, %mul3A_149 : vector<1568x128xf32>
    %get3A_151 = arith.constant 24 : index
    %get3A_152 = arith.constant 0 : index
    %get3A_153 = vector.load %arg2[%get3A_151, %get3A_152] : memref<73x1xf32, #tpu.memory_space<vmem>>, vector<1x1xf32>
    %mul3A_154 = vector.broadcast %get3A_153 : vector<1x1xf32> to vector<1568x128xf32>
    %mul3A_155 = arith.mulf %get3A_13, %mul3A_154 : vector<1568x128xf32>
    %add3A_156 = arith.addf %add3A_150, %mul3A_155 : vector<1568x128xf32>
    %get3A_157 = arith.constant 34 : index
    %get3A_158 = arith.constant 0 : index
    %get3A_159 = vector.load %arg2[%get3A_157, %get3A_158] : memref<73x1xf32, #tpu.memory_space<vmem>>, vector<1x1xf32>
    %mul3A_160 = vector.broadcast %get3A_159 : vector<1x1xf32> to vector<1568x128xf32>
    %mul3A_161 = arith.mulf %get3A_18, %mul3A_160 : vector<1568x128xf32>
    %add3A_162 = arith.addf %add3A_156, %mul3A_161 : vector<1568x128xf32>
    %get3A_163 = arith.constant 44 : index
    %get3A_164 = arith.constant 0 : index
    %get3A_165 = vector.load %arg2[%get3A_163, %get3A_164] : memref<73x1xf32, #tpu.memory_space<vmem>>, vector<1x1xf32>
    %add3A_166 = vector.broadcast %get3A_165 : vector<1x1xf32> to vector<1568x128xf32>
    %add3A_167 = arith.addf %add3A_162, %add3A_166 : vector<1568x128xf32>
    %max3A_168 = arith.constant 0.000000e+00 : f32
    %max3A_169 = vector.broadcast %max3A_168 : f32 to vector<1568x128xf32>
    %max3A_170 = arith.maximumf %add3A_167, %max3A_169 : vector<1568x128xf32>
    %get3A_171 = arith.constant 5 : index
    %get3A_172 = arith.constant 0 : index
    %get3A_173 = vector.load %arg2[%get3A_171, %get3A_172] : memref<73x1xf32, #tpu.memory_space<vmem>>, vector<1x1xf32>
    %mul3A_174 = vector.broadcast %get3A_173 : vector<1x1xf32> to vector<1568x128xf32>
    %mul3A_175 = arith.mulf %get3A_3, %mul3A_174 : vector<1568x128xf32>
    %get3A_176 = arith.constant 15 : index
    %get3A_177 = arith.constant 0 : index
    %get3A_178 = vector.load %arg2[%get3A_176, %get3A_177] : memref<73x1xf32, #tpu.memory_space<vmem>>, vector<1x1xf32>
    %mul3A_179 = vector.broadcast %get3A_178 : vector<1x1xf32> to vector<1568x128xf32>
    %mul3A_180 = arith.mulf %get3A_8, %mul3A_179 : vector<1568x128xf32>
    %add3A_181 = arith.addf %mul3A_175, %mul3A_180 : vector<1568x128xf32>
    %get3A_182 = arith.constant 25 : index
    %get3A_183 = arith.constant 0 : index
    %get3A_184 = vector.load %arg2[%get3A_182, %get3A_183] : memref<73x1xf32, #tpu.memory_space<vmem>>, vector<1x1xf32>
    %mul3A_185 = vector.broadcast %get3A_184 : vector<1x1xf32> to vector<1568x128xf32>
    %mul3A_186 = arith.mulf %get3A_13, %mul3A_185 : vector<1568x128xf32>
    %add3A_187 = arith.addf %add3A_181, %mul3A_186 : vector<1568x128xf32>
    %get3A_188 = arith.constant 35 : index
    %get3A_189 = arith.constant 0 : index
    %get3A_190 = vector.load %arg2[%get3A_188, %get3A_189] : memref<73x1xf32, #tpu.memory_space<vmem>>, vector<1x1xf32>
    %mul3A_191 = vector.broadcast %get3A_190 : vector<1x1xf32> to vector<1568x128xf32>
    %mul3A_192 = arith.mulf %get3A_18, %mul3A_191 : vector<1568x128xf32>
    %add3A_193 = arith.addf %add3A_187, %mul3A_192 : vector<1568x128xf32>
    %get3A_194 = arith.constant 45 : index
    %get3A_195 = arith.constant 0 : index
    %get3A_196 = vector.load %arg2[%get3A_194, %get3A_195] : memref<73x1xf32, #tpu.memory_space<vmem>>, vector<1x1xf32>
    %add3A_197 = vector.broadcast %get3A_196 : vector<1x1xf32> to vector<1568x128xf32>
    %add3A_198 = arith.addf %add3A_193, %add3A_197 : vector<1568x128xf32>
    %max3A_199 = arith.constant 0.000000e+00 : f32
    %max3A_200 = vector.broadcast %max3A_199 : f32 to vector<1568x128xf32>
    %max3A_201 = arith.maximumf %add3A_198, %max3A_200 : vector<1568x128xf32>
    %get3A_202 = arith.constant 6 : index
    %get3A_203 = arith.constant 0 : index
    %get3A_204 = vector.load %arg2[%get3A_202, %get3A_203] : memref<73x1xf32, #tpu.memory_space<vmem>>, vector<1x1xf32>
    %mul3A_205 = vector.broadcast %get3A_204 : vector<1x1xf32> to vector<1568x128xf32>
    %mul3A_206 = arith.mulf %get3A_3, %mul3A_205 : vector<1568x128xf32>
    %get3A_207 = arith.constant 16 : index
    %get3A_208 = arith.constant 0 : index
    %get3A_209 = vector.load %arg2[%get3A_207, %get3A_208] : memref<73x1xf32, #tpu.memory_space<vmem>>, vector<1x1xf32>
    %mul3A_210 = vector.broadcast %get3A_209 : vector<1x1xf32> to vector<1568x128xf32>
    %mul3A_211 = arith.mulf %get3A_8, %mul3A_210 : vector<1568x128xf32>
    %add3A_212 = arith.addf %mul3A_206, %mul3A_211 : vector<1568x128xf32>
    %get3A_213 = arith.constant 26 : index
    %get3A_214 = arith.constant 0 : index
    %get3A_215 = vector.load %arg2[%get3A_213, %get3A_214] : memref<73x1xf32, #tpu.memory_space<vmem>>, vector<1x1xf32>
    %mul3A_216 = vector.broadcast %get3A_215 : vector<1x1xf32> to vector<1568x128xf32>
    %mul3A_217 = arith.mulf %get3A_13, %mul3A_216 : vector<1568x128xf32>
    %add3A_218 = arith.addf %add3A_212, %mul3A_217 : vector<1568x128xf32>
    %get3A_219 = arith.constant 36 : index
    %get3A_220 = arith.constant 0 : index
    %get3A_221 = vector.load %arg2[%get3A_219, %get3A_220] : memref<73x1xf32, #tpu.memory_space<vmem>>, vector<1x1xf32>
    %mul3A_222 = vector.broadcast %get3A_221 : vector<1x1xf32> to vector<1568x128xf32>
    %mul3A_223 = arith.mulf %get3A_18, %mul3A_222 : vector<1568x128xf32>
    %add3A_224 = arith.addf %add3A_218, %mul3A_223 : vector<1568x128xf32>
    %get3A_225 = arith.constant 46 : index
    %get3A_226 = arith.constant 0 : index
    %get3A_227 = vector.load %arg2[%get3A_225, %get3A_226] : memref<73x1xf32, #tpu.memory_space<vmem>>, vector<1x1xf32>
    %add3A_228 = vector.broadcast %get3A_227 : vector<1x1xf32> to vector<1568x128xf32>
    %add3A_229 = arith.addf %add3A_224, %add3A_228 : vector<1568x128xf32>
    %max3A_230 = arith.constant 0.000000e+00 : f32
    %max3A_231 = vector.broadcast %max3A_230 : f32 to vector<1568x128xf32>
    %max3A_232 = arith.maximumf %add3A_229, %max3A_231 : vector<1568x128xf32>
    %get3A_233 = arith.constant 7 : index
    %get3A_234 = arith.constant 0 : index
    %get3A_235 = vector.load %arg2[%get3A_233, %get3A_234] : memref<73x1xf32, #tpu.memory_space<vmem>>, vector<1x1xf32>
    %mul3A_236 = vector.broadcast %get3A_235 : vector<1x1xf32> to vector<1568x128xf32>
    %mul3A_237 = arith.mulf %get3A_3, %mul3A_236 : vector<1568x128xf32>
    %get3A_238 = arith.constant 17 : index
    %get3A_239 = arith.constant 0 : index
    %get3A_240 = vector.load %arg2[%get3A_238, %get3A_239] : memref<73x1xf32, #tpu.memory_space<vmem>>, vector<1x1xf32>
    %mul3A_241 = vector.broadcast %get3A_240 : vector<1x1xf32> to vector<1568x128xf32>
    %mul3A_242 = arith.mulf %get3A_8, %mul3A_241 : vector<1568x128xf32>
    %add3A_243 = arith.addf %mul3A_237, %mul3A_242 : vector<1568x128xf32>
    %get3A_244 = arith.constant 27 : index
    %get3A_245 = arith.constant 0 : index
    %get3A_246 = vector.load %arg2[%get3A_244, %get3A_245] : memref<73x1xf32, #tpu.memory_space<vmem>>, vector<1x1xf32>
    %mul3A_247 = vector.broadcast %get3A_246 : vector<1x1xf32> to vector<1568x128xf32>
    %mul3A_248 = arith.mulf %get3A_13, %mul3A_247 : vector<1568x128xf32>
    %add3A_249 = arith.addf %add3A_243, %mul3A_248 : vector<1568x128xf32>
    %get3A_250 = arith.constant 37 : index
    %get3A_251 = arith.constant 0 : index
    %get3A_252 = vector.load %arg2[%get3A_250, %get3A_251] : memref<73x1xf32, #tpu.memory_space<vmem>>, vector<1x1xf32>
    %mul3A_253 = vector.broadcast %get3A_252 : vector<1x1xf32> to vector<1568x128xf32>
    %mul3A_254 = arith.mulf %get3A_18, %mul3A_253 : vector<1568x128xf32>
    %add3A_255 = arith.addf %add3A_249, %mul3A_254 : vector<1568x128xf32>
    %get3A_256 = arith.constant 47 : index
    %get3A_257 = arith.constant 0 : index
    %get3A_258 = vector.load %arg2[%get3A_256, %get3A_257] : memref<73x1xf32, #tpu.memory_space<vmem>>, vector<1x1xf32>
    %add3A_259 = vector.broadcast %get3A_258 : vector<1x1xf32> to vector<1568x128xf32>
    %add3A_260 = arith.addf %add3A_255, %add3A_259 : vector<1568x128xf32>
    %max3A_261 = arith.constant 0.000000e+00 : f32
    %max3A_262 = vector.broadcast %max3A_261 : f32 to vector<1568x128xf32>
    %max3A_263 = arith.maximumf %add3A_260, %max3A_262 : vector<1568x128xf32>
    %get3A_264 = arith.constant 8 : index
    %get3A_265 = arith.constant 0 : index
    %get3A_266 = vector.load %arg2[%get3A_264, %get3A_265] : memref<73x1xf32, #tpu.memory_space<vmem>>, vector<1x1xf32>
    %mul3A_267 = vector.broadcast %get3A_266 : vector<1x1xf32> to vector<1568x128xf32>
    %mul3A_268 = arith.mulf %get3A_3, %mul3A_267 : vector<1568x128xf32>
    %get3A_269 = arith.constant 18 : index
    %get3A_270 = arith.constant 0 : index
    %get3A_271 = vector.load %arg2[%get3A_269, %get3A_270] : memref<73x1xf32, #tpu.memory_space<vmem>>, vector<1x1xf32>
    %mul3A_272 = vector.broadcast %get3A_271 : vector<1x1xf32> to vector<1568x128xf32>
    %mul3A_273 = arith.mulf %get3A_8, %mul3A_272 : vector<1568x128xf32>
    %add3A_274 = arith.addf %mul3A_268, %mul3A_273 : vector<1568x128xf32>
    %get3A_275 = arith.constant 28 : index
    %get3A_276 = arith.constant 0 : index
    %get3A_277 = vector.load %arg2[%get3A_275, %get3A_276] : memref<73x1xf32, #tpu.memory_space<vmem>>, vector<1x1xf32>
    %mul3A_278 = vector.broadcast %get3A_277 : vector<1x1xf32> to vector<1568x128xf32>
    %mul3A_279 = arith.mulf %get3A_13, %mul3A_278 : vector<1568x128xf32>
    %add3A_280 = arith.addf %add3A_274, %mul3A_279 : vector<1568x128xf32>
    %get3A_281 = arith.constant 38 : index
    %get3A_282 = arith.constant 0 : index
    %get3A_283 = vector.load %arg2[%get3A_281, %get3A_282] : memref<73x1xf32, #tpu.memory_space<vmem>>, vector<1x1xf32>
    %mul3A_284 = vector.broadcast %get3A_283 : vector<1x1xf32> to vector<1568x128xf32>
    %mul3A_285 = arith.mulf %get3A_18, %mul3A_284 : vector<1568x128xf32>
    %add3A_286 = arith.addf %add3A_280, %mul3A_285 : vector<1568x128xf32>
    %get3A_287 = arith.constant 48 : index
    %get3A_288 = arith.constant 0 : index
    %get3A_289 = vector.load %arg2[%get3A_287, %get3A_288] : memref<73x1xf32, #tpu.memory_space<vmem>>, vector<1x1xf32>
    %add3A_290 = vector.broadcast %get3A_289 : vector<1x1xf32> to vector<1568x128xf32>
    %add3A_291 = arith.addf %add3A_286, %add3A_290 : vector<1568x128xf32>
    %max3A_292 = arith.constant 0.000000e+00 : f32
    %max3A_293 = vector.broadcast %max3A_292 : f32 to vector<1568x128xf32>
    %max3A_294 = arith.maximumf %add3A_291, %max3A_293 : vector<1568x128xf32>
    %get3A_295 = arith.constant 9 : index
    %get3A_296 = arith.constant 0 : index
    %get3A_297 = vector.load %arg2[%get3A_295, %get3A_296] : memref<73x1xf32, #tpu.memory_space<vmem>>, vector<1x1xf32>
    %mul3A_298 = vector.broadcast %get3A_297 : vector<1x1xf32> to vector<1568x128xf32>
    %mul3A_299 = arith.mulf %get3A_3, %mul3A_298 : vector<1568x128xf32>
    %get3A_300 = arith.constant 19 : index
    %get3A_301 = arith.constant 0 : index
    %get3A_302 = vector.load %arg2[%get3A_300, %get3A_301] : memref<73x1xf32, #tpu.memory_space<vmem>>, vector<1x1xf32>
    %mul3A_303 = vector.broadcast %get3A_302 : vector<1x1xf32> to vector<1568x128xf32>
    %mul3A_304 = arith.mulf %get3A_8, %mul3A_303 : vector<1568x128xf32>
    %add3A_305 = arith.addf %mul3A_299, %mul3A_304 : vector<1568x128xf32>
    %get3A_306 = arith.constant 29 : index
    %get3A_307 = arith.constant 0 : index
    %get3A_308 = vector.load %arg2[%get3A_306, %get3A_307] : memref<73x1xf32, #tpu.memory_space<vmem>>, vector<1x1xf32>
    %mul3A_309 = vector.broadcast %get3A_308 : vector<1x1xf32> to vector<1568x128xf32>
    %mul3A_310 = arith.mulf %get3A_13, %mul3A_309 : vector<1568x128xf32>
    %add3A_311 = arith.addf %add3A_305, %mul3A_310 : vector<1568x128xf32>
    %get3A_312 = arith.constant 39 : index
    %get3A_313 = arith.constant 0 : index
    %get3A_314 = vector.load %arg2[%get3A_312, %get3A_313] : memref<73x1xf32, #tpu.memory_space<vmem>>, vector<1x1xf32>
    %mul3A_315 = vector.broadcast %get3A_314 : vector<1x1xf32> to vector<1568x128xf32>
    %mul3A_316 = arith.mulf %get3A_18, %mul3A_315 : vector<1568x128xf32>
    %add3A_317 = arith.addf %add3A_311, %mul3A_316 : vector<1568x128xf32>
    %get3A_318 = arith.constant 49 : index
    %get3A_319 = arith.constant 0 : index
    %get3A_320 = vector.load %arg2[%get3A_318, %get3A_319] : memref<73x1xf32, #tpu.memory_space<vmem>>, vector<1x1xf32>
    %add3A_321 = vector.broadcast %get3A_320 : vector<1x1xf32> to vector<1568x128xf32>
    %add3A_322 = arith.addf %add3A_317, %add3A_321 : vector<1568x128xf32>
    %max3A_323 = arith.constant 0.000000e+00 : f32
    %max3A_324 = vector.broadcast %max3A_323 : f32 to vector<1568x128xf32>
    %max3A_325 = arith.maximumf %add3A_322, %max3A_324 : vector<1568x128xf32>
    %get3A_326 = arith.constant 50 : index
    %get3A_327 = arith.constant 0 : index
    %get3A_328 = vector.load %arg2[%get3A_326, %get3A_327] : memref<73x1xf32, #tpu.memory_space<vmem>>, vector<1x1xf32>
    %mul3A_329 = vector.broadcast %get3A_328 : vector<1x1xf32> to vector<1568x128xf32>
    %mul3A_330 = arith.mulf %max3A_46, %mul3A_329 : vector<1568x128xf32>
    %get3A_331 = arith.constant 51 : index
    %get3A_332 = arith.constant 0 : index
    %get3A_333 = vector.load %arg2[%get3A_331, %get3A_332] : memref<73x1xf32, #tpu.memory_space<vmem>>, vector<1x1xf32>
    %mul3A_334 = vector.broadcast %get3A_333 : vector<1x1xf32> to vector<1568x128xf32>
    %mul3A_335 = arith.mulf %max3A_46, %mul3A_334 : vector<1568x128xf32>
    %get3A_336 = arith.constant 52 : index
    %get3A_337 = arith.constant 0 : index
    %get3A_338 = vector.load %arg2[%get3A_336, %get3A_337] : memref<73x1xf32, #tpu.memory_space<vmem>>, vector<1x1xf32>
    %mul3A_339 = vector.broadcast %get3A_338 : vector<1x1xf32> to vector<1568x128xf32>
    %mul3A_340 = arith.mulf %max3A_77, %mul3A_339 : vector<1568x128xf32>
    %add3A_341 = arith.addf %mul3A_330, %mul3A_340 : vector<1568x128xf32>
    %get3A_342 = arith.constant 53 : index
    %get3A_343 = arith.constant 0 : index
    %get3A_344 = vector.load %arg2[%get3A_342, %get3A_343] : memref<73x1xf32, #tpu.memory_space<vmem>>, vector<1x1xf32>
    %mul3A_345 = vector.broadcast %get3A_344 : vector<1x1xf32> to vector<1568x128xf32>
    %mul3A_346 = arith.mulf %max3A_77, %mul3A_345 : vector<1568x128xf32>
    %add3A_347 = arith.addf %mul3A_335, %mul3A_346 : vector<1568x128xf32>
    %get3A_348 = arith.constant 54 : index
    %get3A_349 = arith.constant 0 : index
    %get3A_350 = vector.load %arg2[%get3A_348, %get3A_349] : memref<73x1xf32, #tpu.memory_space<vmem>>, vector<1x1xf32>
    %mul3A_351 = vector.broadcast %get3A_350 : vector<1x1xf32> to vector<1568x128xf32>
    %mul3A_352 = arith.mulf %max3A_108, %mul3A_351 : vector<1568x128xf32>
    %add3A_353 = arith.addf %add3A_341, %mul3A_352 : vector<1568x128xf32>
    %get3A_354 = arith.constant 55 : index
    %get3A_355 = arith.constant 0 : index
    %get3A_356 = vector.load %arg2[%get3A_354, %get3A_355] : memref<73x1xf32, #tpu.memory_space<vmem>>, vector<1x1xf32>
    %mul3A_357 = vector.broadcast %get3A_356 : vector<1x1xf32> to vector<1568x128xf32>
    %mul3A_358 = arith.mulf %max3A_108, %mul3A_357 : vector<1568x128xf32>
    %add3A_359 = arith.addf %add3A_347, %mul3A_358 : vector<1568x128xf32>
    %get3A_360 = arith.constant 56 : index
    %get3A_361 = arith.constant 0 : index
    %get3A_362 = vector.load %arg2[%get3A_360, %get3A_361] : memref<73x1xf32, #tpu.memory_space<vmem>>, vector<1x1xf32>
    %mul3A_363 = vector.broadcast %get3A_362 : vector<1x1xf32> to vector<1568x128xf32>
    %mul3A_364 = arith.mulf %max3A_139, %mul3A_363 : vector<1568x128xf32>
    %add3A_365 = arith.addf %add3A_353, %mul3A_364 : vector<1568x128xf32>
    %get3A_366 = arith.constant 57 : index
    %get3A_367 = arith.constant 0 : index
    %get3A_368 = vector.load %arg2[%get3A_366, %get3A_367] : memref<73x1xf32, #tpu.memory_space<vmem>>, vector<1x1xf32>
    %mul3A_369 = vector.broadcast %get3A_368 : vector<1x1xf32> to vector<1568x128xf32>
    %mul3A_370 = arith.mulf %max3A_139, %mul3A_369 : vector<1568x128xf32>
    %add3A_371 = arith.addf %add3A_359, %mul3A_370 : vector<1568x128xf32>
    %get3A_372 = arith.constant 58 : index
    %get3A_373 = arith.constant 0 : index
    %get3A_374 = vector.load %arg2[%get3A_372, %get3A_373] : memref<73x1xf32, #tpu.memory_space<vmem>>, vector<1x1xf32>
    %mul3A_375 = vector.broadcast %get3A_374 : vector<1x1xf32> to vector<1568x128xf32>
    %mul3A_376 = arith.mulf %max3A_170, %mul3A_375 : vector<1568x128xf32>
    %add3A_377 = arith.addf %add3A_365, %mul3A_376 : vector<1568x128xf32>
    %get3A_378 = arith.constant 59 : index
    %get3A_379 = arith.constant 0 : index
    %get3A_380 = vector.load %arg2[%get3A_378, %get3A_379] : memref<73x1xf32, #tpu.memory_space<vmem>>, vector<1x1xf32>
    %mul3A_381 = vector.broadcast %get3A_380 : vector<1x1xf32> to vector<1568x128xf32>
    %mul3A_382 = arith.mulf %max3A_170, %mul3A_381 : vector<1568x128xf32>
    %add3A_383 = arith.addf %add3A_371, %mul3A_382 : vector<1568x128xf32>
    %get3A_384 = arith.constant 60 : index
    %get3A_385 = arith.constant 0 : index
    %get3A_386 = vector.load %arg2[%get3A_384, %get3A_385] : memref<73x1xf32, #tpu.memory_space<vmem>>, vector<1x1xf32>
    %mul3A_387 = vector.broadcast %get3A_386 : vector<1x1xf32> to vector<1568x128xf32>
    %mul3A_388 = arith.mulf %max3A_201, %mul3A_387 : vector<1568x128xf32>
    %add3A_389 = arith.addf %add3A_377, %mul3A_388 : vector<1568x128xf32>
    %get3A_390 = arith.constant 61 : index
    %get3A_391 = arith.constant 0 : index
    %get3A_392 = vector.load %arg2[%get3A_390, %get3A_391] : memref<73x1xf32, #tpu.memory_space<vmem>>, vector<1x1xf32>
    %mul3A_393 = vector.broadcast %get3A_392 : vector<1x1xf32> to vector<1568x128xf32>
    %mul3A_394 = arith.mulf %max3A_201, %mul3A_393 : vector<1568x128xf32>
    %add3A_395 = arith.addf %add3A_383, %mul3A_394 : vector<1568x128xf32>
    %get3A_396 = arith.constant 62 : index
    %get3A_397 = arith.constant 0 : index
    %get3A_398 = vector.load %arg2[%get3A_396, %get3A_397] : memref<73x1xf32, #tpu.memory_space<vmem>>, vector<1x1xf32>
    %mul3A_399 = vector.broadcast %get3A_398 : vector<1x1xf32> to vector<1568x128xf32>
    %mul3A_400 = arith.mulf %max3A_232, %mul3A_399 : vector<1568x128xf32>
    %add3A_401 = arith.addf %add3A_389, %mul3A_400 : vector<1568x128xf32>
    %get3A_402 = arith.constant 63 : index
    %get3A_403 = arith.constant 0 : index
    %get3A_404 = vector.load %arg2[%get3A_402, %get3A_403] : memref<73x1xf32, #tpu.memory_space<vmem>>, vector<1x1xf32>
    %mul3A_405 = vector.broadcast %get3A_404 : vector<1x1xf32> to vector<1568x128xf32>
    %mul3A_406 = arith.mulf %max3A_232, %mul3A_405 : vector<1568x128xf32>
    %add3A_407 = arith.addf %add3A_395, %mul3A_406 : vector<1568x128xf32>
    %get3A_408 = arith.constant 64 : index
    %get3A_409 = arith.constant 0 : index
    %get3A_410 = vector.load %arg2[%get3A_408, %get3A_409] : memref<73x1xf32, #tpu.memory_space<vmem>>, vector<1x1xf32>
    %mul3A_411 = vector.broadcast %get3A_410 : vector<1x1xf32> to vector<1568x128xf32>
    %mul3A_412 = arith.mulf %max3A_263, %mul3A_411 : vector<1568x128xf32>
    %add3A_413 = arith.addf %add3A_401, %mul3A_412 : vector<1568x128xf32>
    %get3A_414 = arith.constant 65 : index
    %get3A_415 = arith.constant 0 : index
    %get3A_416 = vector.load %arg2[%get3A_414, %get3A_415] : memref<73x1xf32, #tpu.memory_space<vmem>>, vector<1x1xf32>
    %mul3A_417 = vector.broadcast %get3A_416 : vector<1x1xf32> to vector<1568x128xf32>
    %mul3A_418 = arith.mulf %max3A_263, %mul3A_417 : vector<1568x128xf32>
    %add3A_419 = arith.addf %add3A_407, %mul3A_418 : vector<1568x128xf32>
    %get3A_420 = arith.constant 66 : index
    %get3A_421 = arith.constant 0 : index
    %get3A_422 = vector.load %arg2[%get3A_420, %get3A_421] : memref<73x1xf32, #tpu.memory_space<vmem>>, vector<1x1xf32>
    %mul3A_423 = vector.broadcast %get3A_422 : vector<1x1xf32> to vector<1568x128xf32>
    %mul3A_424 = arith.mulf %max3A_294, %mul3A_423 : vector<1568x128xf32>
    %add3A_425 = arith.addf %add3A_413, %mul3A_424 : vector<1568x128xf32>
    %get3A_426 = arith.constant 67 : index
    %get3A_427 = arith.constant 0 : index
    %get3A_428 = vector.load %arg2[%get3A_426, %get3A_427] : memref<73x1xf32, #tpu.memory_space<vmem>>, vector<1x1xf32>
    %mul3A_429 = vector.broadcast %get3A_428 : vector<1x1xf32> to vector<1568x128xf32>
    %mul3A_430 = arith.mulf %max3A_294, %mul3A_429 : vector<1568x128xf32>
    %add3A_431 = arith.addf %add3A_419, %mul3A_430 : vector<1568x128xf32>
    %get3A_432 = arith.constant 68 : index
    %get3A_433 = arith.constant 0 : index
    %get3A_434 = vector.load %arg2[%get3A_432, %get3A_433] : memref<73x1xf32, #tpu.memory_space<vmem>>, vector<1x1xf32>
    %mul3A_435 = vector.broadcast %get3A_434 : vector<1x1xf32> to vector<1568x128xf32>
    %mul3A_436 = arith.mulf %max3A_325, %mul3A_435 : vector<1568x128xf32>
    %add3A_437 = arith.addf %add3A_425, %mul3A_436 : vector<1568x128xf32>
    %get3A_438 = arith.constant 69 : index
    %get3A_439 = arith.constant 0 : index
    %get3A_440 = vector.load %arg2[%get3A_438, %get3A_439] : memref<73x1xf32, #tpu.memory_space<vmem>>, vector<1x1xf32>
    %mul3A_441 = vector.broadcast %get3A_440 : vector<1x1xf32> to vector<1568x128xf32>
    %mul3A_442 = arith.mulf %max3A_325, %mul3A_441 : vector<1568x128xf32>
    %add3A_443 = arith.addf %add3A_431, %mul3A_442 : vector<1568x128xf32>
    %get3A_444 = arith.constant 70 : index
    %get3A_445 = arith.constant 0 : index
    %get3A_446 = vector.load %arg2[%get3A_444, %get3A_445] : memref<73x1xf32, #tpu.memory_space<vmem>>, vector<1x1xf32>
    %add3A_447 = vector.broadcast %get3A_446 : vector<1x1xf32> to vector<1568x128xf32>
    %add3A_448 = arith.addf %add3A_437, %add3A_447 : vector<1568x128xf32>
    %tanh3A = math.tanh %add3A_448 : vector<1568x128xf32>
    %get3A_449 = arith.constant 71 : index
    %get3A_450 = arith.constant 0 : index
    %get3A_451 = vector.load %arg2[%get3A_449, %get3A_450] : memref<73x1xf32, #tpu.memory_space<vmem>>, vector<1x1xf32>
    %add3A_452 = vector.broadcast %get3A_451 : vector<1x1xf32> to vector<1568x128xf32>
    %add3A_453 = arith.addf %add3A_443, %add3A_452 : vector<1568x128xf32>
    %tanh3A_454 = math.tanh %add3A_453 : vector<1568x128xf32>
    %get3A_455 = arith.constant 72 : index
    %get3A_456 = arith.constant 0 : index
    %get3A_457 = vector.load %arg2[%get3A_455, %get3A_456] : memref<73x1xf32, #tpu.memory_space<vmem>>, vector<1x1xf32>
    %get3A_458 = arith.constant 72 : index
    %get3A_459 = arith.constant 0 : index
    %get3A_460 = vector.load %arg2[%get3A_458, %get3A_459] : memref<73x1xf32, #tpu.memory_space<vmem>>, vector<1x1xf32>
    %mul3A_461 = arith.mulf %get3A_457, %get3A_460 : vector<1x1xf32>
    %iota3A = tpu.iota {dimensions = array<i32: 0>} : vector<1568x128xi32>
    %mul3A_462 = arith.constant 1568 : i32
    %mul3A_463 = arith.muli %arg0, %mul3A_462 : i32
    %add3A_464 = vector.broadcast %mul3A_463 : i32 to vector<1568x128xi32>
    %add3A_465 = arith.addi %iota3A, %add3A_464 : vector<1568x128xi32>
    %lt3A = arith.constant 12500 : i32
    %lt3A_466 = vector.broadcast %lt3A : i32 to vector<1568x128xi32>
    %lt3A_467 = arith.cmpi slt, %add3A_465, %lt3A_466 : vector<1568x128xi32>
    %add3A_468 = vector.broadcast %mul3A_461 : vector<1x1xf32> to vector<1568x128xf32>
    %add3A_469 = arith.addf %tanh3A, %add3A_468 : vector<1568x128xf32>
    %jit3A = arith.constant 0.000000e+00 : f32
    %broadcast_in_dim3A = vector.broadcast %jit3A : f32 to vector<1568x128xf32>
    %select_n3A = arith.select %lt3A_467, %add3A_469, %broadcast_in_dim3A : vector<1568x128xi1>, vector<1568x128xf32>
    %swap3A = arith.constant 0 : index
    %swap3A_470 = arith.constant 0 : index
    %swap3A_471 = vector.load %arg3[%swap3A, %swap3A_470] : memref<1568x128xf32, #tpu.memory_space<vmem>>, vector<1568x128xf32>
    tpu.vector_store %arg3[%swap3A, %swap3A_470], %select_n3A {strides = array<i32>} : memref<1568x128xf32, #tpu.memory_space<vmem>>, vector<1568x128xf32>,
    %sub3A = vector.broadcast %mul3A_461 : vector<1x1xf32> to vector<1568x128xf32>
    %sub3A_472 = arith.subf %tanh3A_454, %sub3A : vector<1568x128xf32>
    %jit3A_473 = arith.constant 0.000000e+00 : f32
    %broadcast_in_dim3A_474 = vector.broadcast %jit3A_473 : f32 to vector<1568x128xf32>
    %select_n3A_475 = arith.select %lt3A_467, %sub3A_472, %broadcast_in_dim3A_474 : vector<1568x128xi1>, vector<1568x128xf32>
    %swap3A_476 = arith.constant 0 : index
    %swap3A_477 = arith.constant 0 : index
    %swap3A_478 = vector.load %arg4[%swap3A_476, %swap3A_477] : memref<1568x128xf32, #tpu.memory_space<vmem>>, vector<1568x128xf32>
    tpu.vector_store %arg4[%swap3A_476, %swap3A_477], %select_n3A_475 {strides = array<i32>} : memref<1568x128xf32, #tpu.memory_space<vmem>>, vector<1568x128xf32>,
    return
  }
  func.func @transform_0(%arg0: i32) -> (i32, i32, i32) {
    %c0_i32 = arith.constant 0 : i32
    %c0_i32_0 = arith.constant 0 : i32
    %c0_i32_1 = arith.constant 0 : i32
    return %c0_i32, %arg0, %c0_i32_0 : i32, i32, i32
  }
  func.func @transform_1(%arg0: i32) -> (i32, i32) {
    %c0_i32 = arith.constant 0 : i32
    %c0_i32_0 = arith.constant 0 : i32
    %c0_i32_1 = arith.constant 0 : i32
    return %c0_i32, %c0_i32_0 : i32, i32
  }
  func.func @transform_2(%arg0: i32) -> (i32, i32) {
    %c0_i32 = arith.constant 0 : i32
    %c0_i32_0 = arith.constant 0 : i32
    return %arg0, %c0_i32 : i32, i32
  }
  func.func @transform_3(%arg0: i32) -> (i32, i32) {
    %c0_i32 = arith.constant 0 : i32
    %c0_i32_0 = arith.constant 0 : i32
    return %arg0, %c0_i32 : i32, i32
  }
}

module attributes {stable_mosaic.version = 14 : i64} {
  func.func @_comb_body(%arg0: i32, %arg1: memref<1x32x512xf32, #tpu.memory_space<vmem>>, %arg2: memref<2x512x32xf32, #tpu.memory_space<vmem>>, %arg3: memref<512xf32, #tpu.memory_space<vmem>>, %arg4: memref<512xf32, #tpu.memory_space<vmem>>, %arg5: memref<1x32x512xf32, #tpu.memory_space<vmem>>) attributes {dimension_semantics = [#tpu.dimension_semantics<arbitrary>], iteration_bounds = array<i64: 98>, scalar_prefetch = 0 : i64, scratch_operands = 0 : i64, tpu.core_type = #tpu.core_type<tc>, window_params = [{transform_indices = @transform_0, window_bounds = array<i64: 1, 32, 512>}, {transform_indices = @transform_1, window_bounds = array<i64: 2, 512, 32>}, {transform_indices = @transform_2, window_bounds = array<i64: 512>}, {transform_indices = @transform_3, window_bounds = array<i64: 512>}, {transform_indices = @transform_4, window_bounds = array<i64: 1, 32, 512>}]} {
    %get3A = arith.constant 0 : index
    %get3A_0 = arith.constant 0 : index
    %get3A_1 = arith.constant 0 : index
    %get3A_2 = vector.load %arg2[%get3A, %get3A_0, %get3A_1] : memref<2x512x32xf32, #tpu.memory_space<vmem>>, vector<1x512x32xf32>
    %get3A_3 = vector.shape_cast %get3A_2 : vector<1x512x32xf32> to vector<512x32xf32>
    %get3A_4 = arith.constant 1 : index
    %get3A_5 = arith.constant 0 : index
    %get3A_6 = arith.constant 0 : index
    %get3A_7 = vector.load %arg2[%get3A_4, %get3A_5, %get3A_6] : memref<2x512x32xf32, #tpu.memory_space<vmem>>, vector<1x512x32xf32>
    %get3A_8 = vector.shape_cast %get3A_7 : vector<1x512x32xf32> to vector<512x32xf32>
    %add3A = arith.addf %get3A_3, %get3A_8 : vector<512x32xf32>
    %iota3A = tpu.iota {dimensions = array<i32: 0>} : vector<32x32xi32>
    %iota3A_9 = tpu.iota {dimensions = array<i32: 1>} : vector<32x32xi32>
    %eq3A = arith.cmpi eq, %iota3A, %iota3A_9 : vector<32x32xi32>
    %convert_element_type3A = arith.extui %eq3A : vector<32x32xi1> to vector<32x32xi32>
    %convert_element_type3A_10 = arith.sitofp %convert_element_type3A : vector<32x32xi32> to vector<32x32xf32>
    %dot_general3A = arith.constant dense<0.000000e+00> : vector<32x512xf32>
    %dot_general3A_11 = tpu.matmul %convert_element_type3A_10, %add3A, %dot_general3A {dimension_numbers = #tpu.dot_dimension_numbers<[1], [1], [0], [0], [0, 0, 1, 0], [], []>, transpose_lhs_hint = false} : vector<32x32xf32>, vector<512x32xf32>, vector<32x512xf32> -> vector<32x512xf32>
    %get3A_12 = arith.constant 0 : index
    %get3A_13 = vector.load %arg3[%get3A_12] : memref<512xf32, #tpu.memory_space<vmem>>, vector<512xf32>
    %get3A_14 = arith.constant 0 : index
    %get3A_15 = vector.load %arg4[%get3A_14] : memref<512xf32, #tpu.memory_space<vmem>>, vector<512xf32>
    %add3A_16 = arith.addf %get3A_13, %get3A_15 : vector<512xf32>
    %reshape3A = vector.shape_cast %add3A_16 : vector<512xf32> to vector<1x512xf32>
    %add3A_17 = arith.constant 1.000000e+00 : f32
    %add3A_18 = vector.broadcast %add3A_17 : f32 to vector<1x512xf32>
    %add3A_19 = arith.addf %add3A_18, %reshape3A : vector<1x512xf32>
    %get3A_20 = arith.constant 0 : index
    %get3A_21 = arith.constant 0 : index
    %get3A_22 = arith.constant 0 : index
    %get3A_23 = vector.load %arg1[%get3A_20, %get3A_21, %get3A_22] : memref<1x32x512xf32, #tpu.memory_space<vmem>>, vector<1x32x512xf32>
    %get3A_24 = vector.shape_cast %get3A_23 : vector<1x32x512xf32> to vector<32x512xf32>
    %mul3A = vector.broadcast %add3A_19 : vector<1x512xf32> to vector<32x512xf32>
    %mul3A_25 = arith.mulf %get3A_24, %mul3A : vector<32x512xf32>
    %add3A_26 = arith.addf %mul3A_25, %dot_general3A_11 : vector<32x512xf32>
    %swap3A = arith.constant 0 : index
    %swap3A_27 = arith.constant 0 : index
    %swap3A_28 = arith.constant 0 : index
    %swap3A_29 = vector.load %arg5[%swap3A, %swap3A_27, %swap3A_28] : memref<1x32x512xf32, #tpu.memory_space<vmem>>, vector<1x32x512xf32>
    %swap3A_30 = vector.shape_cast %swap3A_29 : vector<1x32x512xf32> to vector<32x512xf32>
    %swap3A_31 = vector.shape_cast %add3A_26 : vector<32x512xf32> to vector<1x32x512xf32>
    tpu.vector_store %arg5[%swap3A, %swap3A_27, %swap3A_28], %swap3A_31 {strides = array<i32>} : memref<1x32x512xf32, #tpu.memory_space<vmem>>, vector<1x32x512xf32>,
    return
  }
  func.func @transform_0(%arg0: i32) -> (i32, i32, i32) {
    %c0_i32 = arith.constant 0 : i32
    %c0_i32_0 = arith.constant 0 : i32
    %c0_i32_1 = arith.constant 0 : i32
    return %c0_i32, %c0_i32_0, %arg0 : i32, i32, i32
  }
  func.func @transform_1(%arg0: i32) -> (i32, i32, i32) {
    %c0_i32 = arith.constant 0 : i32
    %c0_i32_0 = arith.constant 0 : i32
    %c0_i32_1 = arith.constant 0 : i32
    return %c0_i32, %arg0, %c0_i32_0 : i32, i32, i32
  }
  func.func @transform_2(%arg0: i32) -> i32 {
    %c0_i32 = arith.constant 0 : i32
    return %arg0 : i32
  }
  func.func @transform_3(%arg0: i32) -> i32 {
    %add3A = arith.constant 98 : i32
    %add3A_0 = arith.addi %add3A, %arg0 : i32
    %c0_i32 = arith.constant 0 : i32
    return %add3A_0 : i32
  }
  func.func @transform_4(%arg0: i32) -> (i32, i32, i32) {
    %c0_i32 = arith.constant 0 : i32
    %c0_i32_0 = arith.constant 0 : i32
    %c0_i32_1 = arith.constant 0 : i32
    return %c0_i32, %c0_i32_0, %arg0 : i32, i32, i32
  }
}

</mosaic_0001>

<sc_bundles>
// kernel: kernel.6.cloned.1.call-start
scs
__scs_entry_jumppad:
0x0: {  	(pc) =	sbr.rel $0x88, $3  }
0x1: {  	(tag) =	ssettag $0x0;
	lr =	simm.s32 $0x1  }
0x2: {  	[smem:$0x3F99] =	sst lr;
	_ =	strace $0xD0000000  }
0x3: {  	_ = 	snop  }
0x4: {  	_ = 	snop  }
0x5: {  	_ = 	snop  }
0x6: {  	_ = 	snop  }
0x7: {  	_ = 	snop  }
__scs_overlays_trampoline_lowered:
0x8: {  	[smem:$0x3FA8] =	sst s0  }
0x9: {  	[smem:$0x3FA9] =	sst s1  }
0xa: {  	[smem:$0x3FAA] =	sst s2  }
0xb: {  	[smem:$0x3FAB] =	sst s3  }
0xc: {  	[smem:$0x3FAC] =	sst s4  }
0xd: {  	[smem:$0x3FAD] =	sst s5  }
0xe: {  	[smem:$0x3FAE] =	sst s6  }
0xf: {  	[smem:$0x3FAF] =	sst s7  }
0x10: {  	[smem:$0x3FB0] =	sst s8  }
0x11: {  	[smem:$0x3FB1] =	sst s9;
	s0 =	simm.s32 @!p0 $0x0  }
0x12: {  	s1 =	sld [smem:$0x3F97];
	s0 =	simm.s32 @p0 $0x1  }
0x13: {  	[smem:$0x3FB2] =	sst s0;
	s0 =	simm.s32 @!p1 $0x0  }
0x14: {  	s2 =	sld [smem:$0x3F96];
	s0 =	simm.s32 @p1 $0x1  }
0x15: {  	[smem:$0x3FB3] =	sst s0;
	s0 =	simm.s32 @!p2 $0x0  }
0x16: {  	s3 =	sld [smem:$0x3FDB];
	s0 =	simm.s32 @p2 $0x1  }
0x17: {  	s4 =	simm.s32 $0x1BF5;
	[smem:$0x3FB5] =	sst s0  }
0x18: {  	s0 =	sld [smem:$0x3F98];
	_ =	swait.ge [sflag:s4], $0x0  }
0x19: {  	s7 =	sld [smem:$0x3F99]  }
0x1a: {  	s8 =	sadd.s32 $0xFFFFE003, lr  }
0x1b: {  	s9 =	sadd.s32 $0xFFFFFEF7, lr;
	s5 =	simm.s32 $0xFFFFFFFF;
	p2 =	slt.u32 s8, $0xFFFFF086  }
0x1c: {  	p1 =	slt.u32 s9, $0xF7A;
	s5 =	simm.s32 @!p2 $0x0  }
0x1d: {  	s5 =	simm.s32 @p1 $0x1;
	p0 =	seq.s32 s7, s2  }
0x1e: {  	s7 =	smul.u32 @!p0 $0xF7A, s2;
	p2 =	seq.s32 @!p0 s5, $0x0  }
0x1f: {  	s9 =	smul.u32 $0xF7A, s1;
	s8 =	simm.s32 @!p0 $0x1BF5;
	p2 =	por !p2, p0  }
0x20: {  	[sflag:s8] =	ssyncset.s32 @!p0 $0xFFFFF086;
	s6 =	sadd.s32 @!p0 s3, s7;
	s7 =	simm.s32 @!p0 $0x108  }
0x21: {  	s3 =	sadd.s32 s3, s9;
	s6 =	sadd.s32 @!p0 $0x88, s6;
	s7 =	simm.s32 @p2 $0x1082  }
0x22: {  	[simem:s7], [sflag:s8] =	dma.local @!p0 [hbm:s6], $0xF7A  }
0x23: {  	s9 =	sor.u32 $0xD0000000, s2;
	s6 =	simm.s32 $0x108;
	_ =	swait.ge @!p0 [sflag:s8], $0x0  }
0x24: {  	s3 =	sadd.s32 $0x88, s3;
	s6 =	simm.s32 @!p1 $0x1082;
	[sflag:s4] =	ssyncset.s32 $0xFFFFF086  }
0x25: {  	[simem:s6], [sflag:s4] =	dma.local [hbm:s3], $0xF7A  }
0x26: {  	[smem:$0x3F99] =	sst s1;
	(tag) =	ssettag s2;
	_ =	strace s9  }
0x27: {  	s1 =	sld [smem:$0x3FA9]  }
0x28: {  	s2 =	sld [smem:$0x3FAA]  }
0x29: {  	s4 =	sld [smem:$0x3FAC]  }
0x2a: {  	p0 =	seq.s32 s5, $0x0;
	s5 =	sld [smem:$0x3FAD]  }
0x2b: {  	s6 =	sld [smem:$0x3FAE]  }
0x2c: {  	s7 =	sld [smem:$0x3FAF]  }
0x2d: {  	s3 =	simm.s32 $0x108;
	s8 =	sld [smem:$0x3FB0]  }
0x2e: {  	s3 =	simm.s32 @!p0 $0x1082;
	s9 =	sld [smem:$0x3FB1]  }
0x2f: {  	lr =	sadd.s32 s0, s3;
	s0 =	sld [smem:$0x3FA8]  }
0x30: {  	s3 =	sld [smem:$0x3FAB]  }
0x31: {  	[smem:$0x3FB4] =	sst s10  }
0x32: {  	s10 =	sld [smem:$0x3FB2];
	_ =	sdelay $0x3  }
0x33: {  	p0 =	seq.s32 s10, $0x1;
	s10 =	sld [smem:$0x3FB4];
	_ =	sdelay $0x3  }
0x34: {  	[smem:$0x3FB4] =	sst s10  }
0x35: {  	s10 =	sld [smem:$0x3FB3];
	_ =	sdelay $0x3  }
0x36: {  	p1 =	seq.s32 s10, $0x1;
	s10 =	sld [smem:$0x3FB4];
	_ =	sdelay $0x3  }
0x37: {  	[smem:$0x3FB4] =	sst s10  }
0x38: {  	s10 =	sld [smem:$0x3FB5]  }
0x39: {  	_ = 	snop;
	(pc) =	sbr.ind lr, $3  }
0x3a: {  	_ = 	snop  }
0x3b: {  	_ = 	snop  }
0x3c: {  	p2 =	seq.s32 s10, $0x1;
	s10 =	sld [smem:$0x3FB4]  }
0x3d: {  	_ =	shalt  }
0x3e: {  	_ =	shalt  }
0x3f: {  	_ =	shalt  }
0x40: {  	_ =	shalt  }
0x41: {  	_ =	shalt  }
0x42: {  	_ =	shalt  }
0x43: {  	_ =	shalt  }
0x44: {  	_ =	shalt  }
0x45: {  	_ =	shalt  }
0x46: {  	_ =	shalt  }
0x47: {  	_ =	shalt  }
0x48: {  	_ =	shalt  }
0x49: {  	_ =	shalt  }
0x4a: {  	_ =	shalt  }
0x4b: {  	_ =	shalt  }
0x4c: {  	_ =	shalt  }
0x4d: {  	_ =	shalt  }
0x4e: {  	_ =	shalt  }
0x4f: {  	_ =	shalt  }
0x50: {  	_ =	shalt  }
0x51: {  	_ =	shalt  }
0x52: {  	_ =	shalt  }
0x53: {  	_ =	shalt  }
0x54: {  	_ =	shalt  }
0x55: {  	_ =	shalt  }
0x56: {  	_ =	shalt  }
0x57: {  	_ =	shalt  }
0x58: {  	_ =	shalt  }
0x59: {  	_ =	shalt  }
0x5a: {  	_ =	shalt  }
0x5b: {  	_ =	shalt  }
0x5c: {  	_ =	shalt  }
0x5d: {  	_ =	shalt  }
0x5e: {  	_ =	shalt  }
0x5f: {  	_ =	shalt  }
0x60: {  	_ =	shalt  }
0x61: {  	_ =	shalt  }
0x62: {  	_ =	shalt  }
0x63: {  	_ =	shalt  }
0x64: {  	_ =	shalt  }
0x65: {  	_ =	shalt  }
0x66: {  	_ =	shalt  }
0x67: {  	_ =	shalt  }
0x68: {  	_ =	shalt  }
0x69: {  	_ =	shalt  }
0x6a: {  	_ =	shalt  }
0x6b: {  	_ =	shalt  }
0x6c: {  	_ =	shalt  }
0x6d: {  	_ =	shalt  }
0x6e: {  	_ =	shalt  }
0x6f: {  	_ =	shalt  }
0x70: {  	_ =	shalt  }
0x71: {  	_ =	shalt  }
0x72: {  	_ =	shalt  }
0x73: {  	_ =	shalt  }
0x74: {  	_ =	shalt  }
0x75: {  	_ =	shalt  }
0x76: {  	_ =	shalt  }
0x77: {  	_ =	shalt  }
0x78: {  	_ =	shalt  }
0x79: {  	_ =	shalt  }
0x7a: {  	_ =	shalt  }
0x7b: {  	_ =	shalt  }
0x7c: {  	_ =	shalt  }
0x7d: {  	_ =	shalt  }
0x7e: {  	_ =	shalt  }
0x7f: {  	_ =	shalt  }
0x80: {  	_ =	shalt  }
0x81: {  	_ =	shalt  }
0x82: {  	_ =	shalt  }
0x83: {  	_ =	shalt  }
0x84: {  	_ =	shalt  }
0x85: {  	_ =	shalt  }
0x86: {  	_ =	shalt  }
0x87: {  	_ =	shalt  }
.Lfunc_end0:
.L_simem_size_0:
called_computation_lowered:
.L_overlay_start_0:
0x88: {  	s2 =	sld [smem:$0x3FD9]  }
0x89: {  	s3 =	sld [smem:$0x3FFE];
	_ =	sdelay $0x1  }
0x8a: {  	s1 =	srdreg.scid  }
0x8b: {  	s0 =	sand.u32 $0x1, s1  }
0x8c: {  	s17 =	sshll.u32 s0, $0xA;
	s2 =	sadd.s32 s3, s2  }
0x8d: {  	s2 =	sadd.s32 s2, s17  }
0x8e: {  	[smem:$0x3FC0] =	sst s2  }
0x8f: {  	_ = 	snop  }
0x90: {  	s2 =	sld [smem:$0x3FD0];
	(tm) =	ssettm $0x1  }
0x91: {  	s18 =	sld [smem:$0x3FFB];
	_ =	sdelay $0x3  }
0x92: {  	_ =	strace s18  }
0x93: {  	s3 =	sld [smem:$0x3FFC];
	_ =	sdelay $0x3  }
0x94: {  	_ =	strace s3  }
0x95: {  	s3 =	sld [smem:$0x3FFD];
	_ =	sdelay $0x3  }
0x96: {  	_ =	strace s3  }
0x97: {  	_ =	strace $0x8FFFFFFF  }
0x98: {  	s19 =	sld [smem:$0x3FDB];
	_ =	sdelay $0x1  }
0x99: {  	s4 =	simm.s32 $_scs_section_size  }
0x9a: {  	s5 =	simm.s32 $_size__tile_overlayer_lowered;
	s6 =	simm.s32 $_tile_overlayer_lowered  }
0x9b: {  	s22 =	simm.s32 $0x1BFF;
	s21 =	sshll.u32 s6, $0x1;
	s3 =	sadd.s32 s4, s19  }
0x9c: {  	s7 =	simm.s32 $0x0;
	s20 =	sshll.u32 s5, $0x1;
	s5 =	sadd.s32 s21, s3  }
0x9d: {  	[timem:s7], [sflag:s22] =	dma.local [hbm:s5], s20  }
0x9e: {  	_ =	swait.ge [sflag:s22], s20  }
0x9f: {  	s4 =	ssub.s32 $0x0, s20;
	[sflag:s22] =	ssyncset.done $0x0  }
0xa0: {  	[sflag:s22] =	ssyncadd.s32 s4;
	_ =	sdelay $0x1  }
0xa1: {  	s23 =	simm.s32 $0x1B8B  }
0xa2: {  	_ =	swait.ge [sflag:s23], $0x1  }
0xa3: {  	[sflag:s23] =	ssyncset.done $0x0  }
0xa4: {  	s25 =	simm.s32 $0x1B8E;
	s24 =	sld [smem:$0x3FFE];
	[sflag:s23] =	ssyncadd.s32 $0xFFFFFFFF  }
0xa5: {  	s26 =	simm.s32 $execute0_lowered;
	[smem:$0x3FD2] =	sst s25  }
0xa6: {  	s5 =	sshll.u32 s26, $0x1;
	_ =	strace $0x80000046;
	[dreg:$0x1] =	wrdreg $0xFFFFFFFF  }
0xa7: {  	s28 =	simm.s32 $_size_execute0_lowered;
	s3 =	sadd.s32 s3, s5;
	[dreg:$0x0] =	wrdreg $0x0  }
0xa8: {  	s5 =	sshll.u32 s28, $0x1;
	[dreg:$0x2] =	wrdreg s3  }
0xa9: {  	[dreg:$0x3] =	wrdreg s5  }
0xaa: {  	[dreg:$0x4] =	wrdreg $0xC0  }
0xab: {  	_ =	task [dreg:s7], $0x5FFFF  }
0xac: {  	[dreg:$0x1] =	wrdreg $0xFFFFFFFF  }
0xad: {  	[dreg:$0x0] =	wrdreg $0x60  }
0xae: {  	[dreg:$0x2] =	wrdreg s24  }
0xaf: {  	[dreg:$0x3] =	wrdreg s2  }
0xb0: {  	[dreg:$0x4] =	wrdreg $0x51C00  }
0xb1: {  	[dreg:$0x5] =	wrdreg $0x1D9C00  }
0xb2: {  	[dreg:$0x6] =	wrdreg $0x9  }
0xb3: {  	_ =	task.clear_ibuf [dreg:s7], $0x7FFFF;
	_ =	strace $0x90000046  }
0xb4: {  	s29 =	simm.s32 $0x9;
	_ =	strace $0x80000048  }
0xb5: {  	_ =	swait.ge [sflag:s29], $0x1  }
0xb6: {  	[sflag:s29] =	ssyncadd.s32 $0xFFFFFFFF  }
0xb7: {  	_ =	strace $0x90000048  }
0xb8: {  	_ =	sfence  }
0xb9: {  	s30 =	sld [smem:$0x0];
	_ =	sdelay $0x2  }
0xba: {  	s31 =	sshll.u32 s1, $0xD;
	s1 =	sshrl.u32 s1, $0x2  }
0xbb: {  	s3 =	sand.u32 $0x4000, s31;
	s1 =	sadd.s32 s1, s30  }
0xbc: {  	s0 =	sor.u32 s3, s0;
	s1 =	sshll.u32 s1, $0x11  }
0xbd: {  	s0 =	sor.u32 s1, s0  }
0xbe: {  	s0 =	sadd.s32 $0x8F2B, s0  }
0xbf: {  	[sflag:s0] =	ssyncadd.remote.s32 $0x1  }
0xc0: {  	_ =	sfence.sel $0xFFFF  }
0xc1: {  	[dreg:$0x0] =	wrdreg $0xFFFFFFFF;
	(pc) =	sbr.abs _section_cstart, $3  }
0xc2: {  	[dreg:$0x1] =	wrdreg $0xFFFFFFFF  }
0xc3: {  	_ =	task.clear_ibuf [dreg:s7], $0x2FFFF;
	_ =	strace $0x9FFFFFFF  }
0xc4: {  	(tm) =	ssettm $0x7FFFFFFF  }
0xc5: {  	_ =	shalt  }
tec
execute0_lowered:
.L_overlay_start_1:
0x0: {  	(tag) =	ssettag $0x1  }
0x1: {  	s0 =	rddreg [dreg:$0x0]  }
0x2: {  	s1 =	rddreg [dreg:$0x1]  }
0x3: {  	s2 =	rddreg [dreg:$0x2]  }
0x4: {  	s3 =	rddreg [dreg:$0x3];
	s15 =	stileid.u32  }
0x5: {  	s4 =	srdreg.scid;
	s22 =	simm.s32 $0x0;
	s10 =	smul.u32 $0x18800, s15  }
0x6: {  	s4 =	sand.u32 $0x1, s4;
	[smem:$0x7FF] =	sst s22;
	s13 =	smul.u32 $0x62000, s15  }
0x7: {  	s5 =	sadd.s32 $0x1EB000, s0;
	s6 =	sadd.s32 $0x32000, s0;
	s14 =	smul.u32 $0xC40, s15  }
0x8: {  	s7 =	sadd.s32 $0x1000, s0;
	s8 =	sadd.s32 $0x63000, s0;
	s9 =	smul.u32 $0x188000, s4  }
0x9: {  	_ =	strace $0x80000047;
	s12 =	ssub.s32 $0x2, s4;
	s23 =	sshll.u32 s4, $0x4  }
0xa: {  	s4 =	smul.u32 $0xC400, s4;
	s21 =	sshrl.u32 s12, $0x1;
	s25 =	sadd.s32 s10, s2  }
0xb: {  	s24 =	sshrl.u32 s13, $0x2;
	s13 =	sadd.s32 $0x1C0, s14;
	s11 =	sadd.s32 s10, s9  }
0xc: {  	s9 =	sadd.s32 $0x94000, s0;
	s10 =	sadd.s32 s24, s2;
	s16 =	sshll.u32 s13, $0x5  }
0xd: {  	s4 =	sadd.s32 s14, s4;
	[dreg:$0x6] =	wrdreg s25;
	s11 =	sshrl.u32 s11, $0x3  }
0xe: {  	s16 =	sadd.s32 s16, s2;
	s4 =	sshrl.u32 s4, $0x3;
	s24 =	sadd.s32 $0x5400, s10  }
0xf: {  	s0 =	sadd.s32 s11, s0;
	s11 =	ssub.s32 s12, s21;
	[dreg:$0x7] =	wrdreg s16  }
0x10: {  	s12 =	sor.u32 s15, s23;
	s1 =	sadd.s32 s1, s4;
	[dreg:$0xf] =	wrdreg s24  }
0x11: {  	s15 =	sadd.s32 $0x380, s14;
	s23 =	sadd.s32 $0x1C00, s10;
	[dreg:$0xa] =	wrdreg s1  }
0x12: {  	s16 =	sadd.s32 $0x540, s14;
	[dreg:$0xe] =	wrdreg s23;
	s23 =	sadd.s32 s15, s3  }
0x13: {  	s18 =	sadd.s32 $0x700, s14;
	s24 =	sadd.s32 s16, s3;
	[dreg:$0x17] =	wrdreg s23  }
0x14: {  	s17 =	sshll.u32 s15, $0x5;
	s0 =	sadd.s32 $0xC5000, s0;
	[dreg:$0x18] =	wrdreg s24  }
0x15: {  	s29 =	sshll.u32 s16, $0x5;
	s26 =	sadd.s32 s17, s2;
	[smem:$0x7FB] =	sst s0  }
0x16: {  	s19 =	sshll.u32 s18, $0x5;
	s17 =	sadd.s32 s29, s2;
	[dreg:$0x8] =	wrdreg s26  }
0x17: {  	s1 =	sadd.s32 $0x8C0, s14;
	s29 =	sadd.s32 $0xC400, s10;
	[dreg:$0x9] =	wrdreg s17  }
0x18: {  	s20 =	sshll.u32 s1, $0x5;
	s1 =	sadd.s32 s1, s3;
	[dreg:$0x11] =	wrdreg s29  }
0x19: {  	s17 =	sadd.s32 s19, s2;
	[dreg:$0x1a] =	wrdreg s1  }
0x1a: {  	s4 =	sadd.s32 $0xA80, s14;
	s26 =	sadd.s32 $0x8C00, s10;
	[dreg:$0xb] =	wrdreg s17  }
0x1b: {  	s19 =	sshll.u32 s4, $0x5;
	s4 =	sadd.s32 s4, s3;
	[dreg:$0x10] =	wrdreg s26  }
0x1c: {  	s17 =	sadd.s32 s20, s2;
	[dreg:$0x1b] =	wrdreg s4  }
0x1d: {  	s21 =	sadd.s32 s19, s2;
	[dreg:$0xc] =	wrdreg s17  }
0x1e: {  	s19 =	sadd.s32 $0xFC00, s10;
	[dreg:$0xd] =	wrdreg s21  }
0x1f: {  	s20 =	sadd.s32 $0x13400, s10;
	[dreg:$0x12] =	wrdreg s19  }
0x20: {  	s10 =	sadd.s32 $0x16C00, s10;
	[dreg:$0x13] =	wrdreg s20  }
0x21: {  	s26 =	sadd.s32 s18, s3;
	[dreg:$0x14] =	wrdreg s10  }
0x22: {  	s21 =	sadd.s32 s13, s3;
	s10 =	smul.u32 $0xC400, s12;
	[dreg:$0x19] =	wrdreg s26  }
0x23: {  	s12 =	smul.u32 $0x1880, s12;
	s26 =	smax.u32 s11, $0x1;
	[dreg:$0x16] =	wrdreg s21  }
0x24: {  	s17 =	sadd.s32 s14, s3;
	[smem:$0x7FC] =	sst s26  }
0x25: {  	s30 =	simm.s32 $0xA00;
	[dreg:$0x15] =	wrdreg s17;
	s14 =	sadd.s32 s8, s12  }
0x26: {  	s31 =	simm.s32 $0x7;
	s15 =	sadd.s32 s6, s12;
	[dreg:$0x1d] =	wrdreg s14  }
0x27: {  	s28 =	simm.s32 $0xB00;
	s16 =	sadd.s32 s9, s12;
	[dreg:$0x1e] =	wrdreg s15  }
0x28: {  	s0 =	simm.s32 $0x100;
	s20 =	sor.u32 $0x200, s10;
	[dreg:$0x1f] =	wrdreg s16  }
0x29: {  	s4 =	simm.s32 $0x3;
	s21 =	sor.u32 $0x300, s10;
	[smem:$0x7F7] =	sst s20  }
0x2a: {  	s29 =	sshrl.u32 s10, $0x3;
	s23 =	sadd.s32 $0x400, s10;
	[smem:$0x7F8] =	sst s21  }
0x2b: {  	s18 =	sor.u32 $0x20, s12;
	s24 =	sadd.s32 $0x500, s10;
	[smem:$0x7F9] =	sst s23  }
0x2c: {  	s13 =	sadd.s32 s7, s29;
	s12 =	sadd.s32 s8, s18;
	[smem:$0x7FA] =	sst s24  }
0x2d: {  	s19 =	sadd.s32 s6, s18;
	s1 =	sadd.s32 s9, s18;
	[smem:$0x7F4] =	sst s12  }
0x2e: {  	s24 =	simm.s32 $0x1000;
	s16 =	simm.s32 $0x9;
	[smem:$0x7F5] =	sst s19  }
0x2f: {  	s21 =	simm.s32 $0x900;
	s14 =	simm.s32 $0x3000;
	[smem:$0x7F6] =	sst s1  }
0x30: {  	s23 =	simm.s32 $0x5;
	s20 =	simm.s32 $0x4;
	[dreg:$0x1c] =	wrdreg s13  }
0x31: {  	s29 =	sadd.s32 $0x20, s13;
	s13 =	simm.s32 $0x2;
	s1 =	simm.s32 $0x80  }
0x32: {  	v0 =	vimm.f32 $0.0e+00;
	s12 =	simm.s32 $0x6;
	s19 =	simm.s32 $0x8;
	[smem:$0x7FD] =	sst s29  }
.LBB2_1:
0x33: {  	s10 =	simm.s32 $0x0  }
.LBB2_2:
0x34: {  	p0 =	sne.s32 s10, $0x7F80  }
.Ltmp0:
0x35: {  	_ = 	snop;
	(pc) =	sbr.rel @p0 .LBB2_2-.Ltmp0, $4  }
0x36: {  	_ = 	snop  }
0x37: {  	s15 =	sshra.s32 s10, $0x2  }
0x38: {  	[tilespmem:s15+$0x1000] =	vst v0  }
0x39: {  	s10 =	sadd.s32 $0x80, s10;
	[tilespmem:s15+$0x1010] =	vst v0  }
0x3a: {  	[dreg:$0x5] =	wrdreg s22;
	s10 =	simm.s32 $0x40;
	s15 =	simm.s32 $0x0  }
.LBB2_4:
0x3b: {  	p0 =	sne.s32 s10, $0x6C0;
	[tilespmem:s15+$0x5000] =	vst v0;
	s15 =	smov.u32 s10;
	s10 =	sadd.s32 $0x40, s10  }
.Ltmp1:
0x3c: {  	(pc) =	sbr.rel @p0 .LBB2_4-.Ltmp1, $2  }
0x3d: {  	_ =	sdelay $0x2  }
0x3e: {  	s15 =	sshra.s32 s15, $0x2  }
0x3f: {  	[tilespmem:s15+$0x5000] =	vst v0  }
0x40: {  	[spmem:s25] =	stream.linear.scatter [tilespmem:s24], [sflag:$0x9], $0x1C00, $0x38;
	[tilespmem:$0x1E600] =	vst v63  }
0x41: {  	_ =	swait.ge [sflag:s16], $0x1C00  }
0x42: {  	[sflag:s16] =	ssyncset.done $0x0  }
0x43: {  	s10 =	rddreg [dreg:$0xe];
	[sflag:s16] =	ssyncadd.s32 $0xFFFFE400  }
0x44: {  	[spmem:s10] =	stream.linear.scatter [tilespmem:s24], [sflag:$0x9], $0x1C00, $0x38;
	[tilespmem:$0x1E600] =	vst v63  }
0x45: {  	_ =	swait.ge [sflag:s16], $0x1C00  }
0x46: {  	[sflag:s16] =	ssyncset.done $0x0  }
0x47: {  	s25 =	rddreg [dreg:$0x7];
	[sflag:s16] =	ssyncadd.s32 $0xFFFFE400  }
0x48: {  	[spmem:s25] =	stream.linear.scatter [tilespmem:s24], [sflag:$0x9], $0x1C00, $0x38;
	[tilespmem:$0x1E600] =	vst v63  }
0x49: {  	_ =	swait.ge [sflag:s16], $0x1C00  }
0x4a: {  	[sflag:s16] =	ssyncset.done $0x0  }
0x4b: {  	s26 =	rddreg [dreg:$0xf];
	[sflag:s16] =	ssyncadd.s32 $0xFFFFE400  }
0x4c: {  	[spmem:s26] =	stream.linear.scatter [tilespmem:s24], [sflag:$0x9], $0x1C00, $0x38;
	[tilespmem:$0x1E600] =	vst v63  }
0x4d: {  	_ =	swait.ge [sflag:s16], $0x1C00  }
0x4e: {  	[sflag:s16] =	ssyncset.done $0x0  }
0x4f: {  	s29 =	rddreg [dreg:$0x8];
	[sflag:s16] =	ssyncadd.s32 $0xFFFFE400  }
0x50: {  	[spmem:s29] =	stream.linear.scatter [tilespmem:s24], [sflag:$0x9], $0x1C00, $0x38;
	[tilespmem:$0x1E600] =	vst v63  }
0x51: {  	_ =	swait.ge [sflag:s16], $0x1C00  }
0x52: {  	[sflag:s16] =	ssyncset.done $0x0  }
0x53: {  	s11 =	rddreg [dreg:$0x10];
	[sflag:s16] =	ssyncadd.s32 $0xFFFFE400  }
0x54: {  	[spmem:s11] =	stream.linear.scatter [tilespmem:s24], [sflag:$0x9], $0x1C00, $0x38;
	[tilespmem:$0x1E600] =	vst v63  }
0x55: {  	_ =	swait.ge [sflag:s16], $0x1C00  }
0x56: {  	[sflag:s16] =	ssyncset.done $0x0  }
0x57: {  	s15 =	rddreg [dreg:$0x9];
	[sflag:s16] =	ssyncadd.s32 $0xFFFFE400  }
0x58: {  	[spmem:s15] =	stream.linear.scatter [tilespmem:s24], [sflag:$0x9], $0x1C00, $0x38;
	[tilespmem:$0x1E600] =	vst v63  }
0x59: {  	_ =	swait.ge [sflag:s16], $0x1C00  }
0x5a: {  	[sflag:s16] =	ssyncset.done $0x0  }
0x5b: {  	s18 =	rddreg [dreg:$0x11];
	[sflag:s16] =	ssyncadd.s32 $0xFFFFE400  }
0x5c: {  	[spmem:s18] =	stream.linear.scatter [tilespmem:s24], [sflag:$0x9], $0x1C00, $0x38;
	[tilespmem:$0x1E600] =	vst v63  }
0x5d: {  	_ =	swait.ge [sflag:s16], $0x1C00  }
0x5e: {  	[sflag:s16] =	ssyncset.done $0x0  }
0x5f: {  	s22 =	rddreg [dreg:$0xb];
	[sflag:s16] =	ssyncadd.s32 $0xFFFFE400  }
0x60: {  	[spmem:s22] =	stream.linear.scatter [tilespmem:s24], [sflag:$0x9], $0x1C00, $0x38;
	[tilespmem:$0x1E600] =	vst v63  }
0x61: {  	_ =	swait.ge [sflag:s16], $0x1C00  }
0x62: {  	[sflag:s16] =	ssyncset.done $0x0  }
0x63: {  	s25 =	rddreg [dreg:$0x12];
	[sflag:s16] =	ssyncadd.s32 $0xFFFFE400  }
0x64: {  	[spmem:s25] =	stream.linear.scatter [tilespmem:s24], [sflag:$0x9], $0x1C00, $0x38;
	[tilespmem:$0x1E600] =	vst v63  }
0x65: {  	_ =	swait.ge [sflag:s16], $0x1C00  }
0x66: {  	[sflag:s16] =	ssyncset.done $0x0  }
0x67: {  	s26 =	rddreg [dreg:$0xc];
	[sflag:s16] =	ssyncadd.s32 $0xFFFFE400  }
0x68: {  	[spmem:s26] =	stream.linear.scatter [tilespmem:s24], [sflag:$0x9], $0x1C00, $0x38;
	[tilespmem:$0x1E600] =	vst v63  }
0x69: {  	_ =	swait.ge [sflag:s16], $0x1C00  }
0x6a: {  	[sflag:s16] =	ssyncset.done $0x0  }
0x6b: {  	s29 =	rddreg [dreg:$0x13];
	[sflag:s16] =	ssyncadd.s32 $0xFFFFE400  }
0x6c: {  	[spmem:s29] =	stream.linear.scatter [tilespmem:s24], [sflag:$0x9], $0x1C00, $0x38;
	[tilespmem:$0x1E600] =	vst v63  }
0x6d: {  	_ =	swait.ge [sflag:s16], $0x1C00  }
0x6e: {  	[sflag:s16] =	ssyncset.done $0x0  }
0x6f: {  	s11 =	rddreg [dreg:$0xd];
	[sflag:s16] =	ssyncadd.s32 $0xFFFFE400  }
0x70: {  	[spmem:s11] =	stream.linear.scatter [tilespmem:s24], [sflag:$0x9], $0x1C00, $0x38;
	[tilespmem:$0x1E600] =	vst v63  }
0x71: {  	_ =	swait.ge [sflag:s16], $0x1C00  }
0x72: {  	[sflag:s16] =	ssyncset.done $0x0  }
0x73: {  	s15 =	rddreg [dreg:$0x14];
	[sflag:s16] =	ssyncadd.s32 $0xFFFFE400  }
0x74: {  	[spmem:s15] =	stream.linear.scatter [tilespmem:s24], [sflag:$0x9], $0x1C00, $0x38;
	[tilespmem:$0x1E600] =	vst v63  }
0x75: {  	_ =	swait.ge [sflag:s16], $0x1C00  }
0x76: {  	[sflag:s16] =	ssyncset.done $0x0  }
0x77: {  	s11 =	simm.s32 $0x5000;
	[sflag:s16] =	ssyncadd.s32 $0xFFFFE400  }
0x78: {  	[spmem:s17] =	stream.linear.scatter [tilespmem:s11], [sflag:$0x9], $0x1C0, $0x38;
	[tilespmem:$0x1E600] =	vst v63  }
0x79: {  	_ =	swait.ge [sflag:s16], $0x1C0  }
0x7a: {  	[sflag:s16] =	ssyncset.done $0x0  }
0x7b: {  	s18 =	rddreg [dreg:$0x16];
	[sflag:s16] =	ssyncadd.s32 $0xFFFFFE40  }
0x7c: {  	[spmem:s18] =	stream.linear.scatter [tilespmem:s11], [sflag:$0x9], $0x1C0, $0x38;
	[tilespmem:$0x1E600] =	vst v63  }
0x7d: {  	_ =	swait.ge [sflag:s16], $0x1C0  }
0x7e: {  	[sflag:s16] =	ssyncset.done $0x0  }
0x7f: {  	s22 =	rddreg [dreg:$0x17];
	[sflag:s16] =	ssyncadd.s32 $0xFFFFFE40  }
0x80: {  	[spmem:s22] =	stream.linear.scatter [tilespmem:s11], [sflag:$0x9], $0x1C0, $0x38;
	[tilespmem:$0x1E600] =	vst v63  }
0x81: {  	_ =	swait.ge [sflag:s16], $0x1C0  }
0x82: {  	[sflag:s16] =	ssyncset.done $0x0  }
0x83: {  	s25 =	rddreg [dreg:$0x18];
	[sflag:s16] =	ssyncadd.s32 $0xFFFFFE40  }
0x84: {  	[spmem:s25] =	stream.linear.scatter [tilespmem:s11], [sflag:$0x9], $0x1C0, $0x38;
	[tilespmem:$0x1E600] =	vst v63  }
0x85: {  	_ =	swait.ge [sflag:s16], $0x1C0  }
0x86: {  	[sflag:s16] =	ssyncset.done $0x0  }
0x87: {  	s26 =	rddreg [dreg:$0x19];
	[sflag:s16] =	ssyncadd.s32 $0xFFFFFE40  }
0x88: {  	[spmem:s26] =	stream.linear.scatter [tilespmem:s11], [sflag:$0x9], $0x1C0, $0x38;
	[tilespmem:$0x1E600] =	vst v63  }
0x89: {  	_ =	swait.ge [sflag:s16], $0x1C0  }
0x8a: {  	[sflag:s16] =	ssyncset.done $0x0  }
0x8b: {  	s29 =	rddreg [dreg:$0x1a];
	[sflag:s16] =	ssyncadd.s32 $0xFFFFFE40  }
0x8c: {  	[spmem:s29] =	stream.linear.scatter [tilespmem:s11], [sflag:$0x9], $0x1C0, $0x38;
	[tilespmem:$0x1E600] =	vst v63  }
0x8d: {  	_ =	swait.ge [sflag:s16], $0x1C0  }
0x8e: {  	[sflag:s16] =	ssyncset.done $0x0  }
0x8f: {  	s15 =	rddreg [dreg:$0x1b];
	[sflag:s16] =	ssyncadd.s32 $0xFFFFFE40  }
0x90: {  	[spmem:s15] =	stream.linear.scatter [tilespmem:s11], [sflag:$0x9], $0x1C0, $0x38;
	[tilespmem:$0x1E600] =	vst v63  }
0x91: {  	_ =	swait.ge [sflag:s16], $0x1C0  }
0x92: {  	[sflag:s16] =	ssyncset.done $0x0  }
0x93: {  	[sflag:s16] =	ssyncadd.s32 $0xFFFFFE40  }
0x94: {  	[bflag:$0x0] =	sbarrier.arrive $0xFFFF  }
0x95: {  	s10 =	simm.s32 $0x0;
	s16 =	rddreg [dreg:$0x1c]  }
0x96: {  	[tilespmem:s10], [sflag:$0x1] =	stream.linear.gather [hbm4b:s16+s10], $0x100, $0x38;
	[tilespmem:$0x1E600] =	vst v63  }
0x97: {  	s18 =	simm.s32 $0x400;
	s17 =	rddreg [dreg:$0x1d]  }
0x98: {  	[tilespmem:s18], [sflag:$0x1] =	stream.linear.gather [hbm4b:s17+s10], $0x100, $0x38;
	[tilespmem:$0x1E600] =	vst v63  }
0x99: {  	s25 =	simm.s32 $0x800;
	s22 =	rddreg [dreg:$0x1e]  }
0x9a: {  	[tilespmem:s25], [sflag:$0x1] =	stream.linear.gather [hbm4b:s22+s10], $0x100, $0x38;
	[tilespmem:$0x1E600] =	vst v63  }
0x9b: {  	s29 =	simm.s32 $0xC00;
	s26 =	rddreg [dreg:$0x1f];
	s16 =	simm.s32 $0x1  }
0x9c: {  	[tilespmem:s29], [sflag:$0x1] =	stream.linear.gather [hbm4b:s26+s10], $0x100, $0x38;
	[tilespmem:$0x1E600] =	vst v63  }
0x9d: {  	_ =	swait.ge [sflag:s16], $0x100  }
0x9e: {  	[sflag:s16] =	ssyncset.done $0x0  }
0x9f: {  	[sflag:s16] =	ssyncadd.s32 $0xFFFFFF00  }
0xa0: {  	_ =	swait.ge [sflag:s16], $0x100  }
0xa1: {  	[sflag:s16] =	ssyncset.done $0x0  }
0xa2: {  	[sflag:s16] =	ssyncadd.s32 $0xFFFFFF00  }
0xa3: {  	_ =	swait.ge [sflag:s16], $0x100  }
0xa4: {  	[sflag:s16] =	ssyncset.done $0x0  }
0xa5: {  	[sflag:s16] =	ssyncadd.s32 $0xFFFFFF00  }
0xa6: {  	_ =	swait.ge [sflag:s16], $0x100  }
0xa7: {  	[sflag:s16] =	ssyncset.done $0x0  }
0xa8: {  	s17 =	sld [smem:$0x7FD];
	[sflag:s16] =	ssyncadd.s32 $0xFFFFFF00  }
0xa9: {  	[tilespmem:s24], [sflag:$0x5] =	stream.indirect.gather [hbm4b:s5+s0], $0x20, s10, s0, $0xb8;
	[tilespmem:$0x1E600] =	vst v63  }
0xaa: {  	s18 =	sld [smem:$0x7F4]  }
0xab: {  	[tilespmem:s0], [sflag:$0x2] =	stream.linear.gather [hbm4b:s17+s10], $0x100, $0x38;
	[tilespmem:$0x1E600] =	vst v63  }
0xac: {  	s22 =	simm.s32 $0x500;
	s25 =	sld [smem:$0x7F5]  }
0xad: {  	[tilespmem:s22], [sflag:$0x2] =	stream.linear.gather [hbm4b:s18+s10], $0x100, $0x38;
	[tilespmem:$0x1E600] =	vst v63  }
0xae: {  	s26 =	sld [smem:$0x7F6]  }
0xaf: {  	[tilespmem:s21], [sflag:$0x2] =	stream.linear.gather [hbm4b:s25+s10], $0x100, $0x38;
	[tilespmem:$0x1E600] =	vst v63  }
0xb0: {  	s29 =	simm.s32 $0xD00;
	s25 =	simm.s32 $0x0  }
0xb1: {  	[tilespmem:s29], [sflag:$0x2] =	stream.linear.gather [hbm4b:s26+s10], $0x100, $0x38;
	[tilespmem:$0x1E600] =	vst v63  }
.LBB2_6:
0xb2: {  	p0 =	seq.s32 s25, $0x0  }
0xb3: {  	s15 =	simm.s32 @!p0 $0x8  }
0xb4: {  	_ =	swait.ge @!p0 [sflag:s15], $0x1000  }
0xb5: {  	[sflag:s15] =	ssyncset.done @!p0 $0x0  }
0xb6: {  	[sflag:s15] =	ssyncadd.s32 @!p0 $0xFFFFF000  }
0xb7: {  	_ =	swait.ge @!p0 [sflag:s15], $0x80  }
0xb8: {  	[sflag:s15] =	ssyncset.done @!p0 $0x0  }
0xb9: {  	[sflag:s15] =	ssyncadd.s32 @!p0 $0xFFFFFF80  }
0xba: {  	_ =	swait.ge @!p0 [sflag:s15], $0x1000  }
0xbb: {  	[sflag:s15] =	ssyncset.done @!p0 $0x0  }
0xbc: {  	[sflag:s15] =	ssyncadd.s32 @!p0 $0xFFFFF000  }
0xbd: {  	_ =	swait.ge @!p0 [sflag:s15], $0x80  }
0xbe: {  	[sflag:s15] =	ssyncset.done @!p0 $0x0  }
0xbf: {  	[sflag:s15] =	ssyncadd.s32 @!p0 $0xFFFFFF80  }
0xc0: {  	_ =	swait.ge [sflag:s13], $0x100  }
0xc1: {  	[sflag:s13] =	ssyncset.done $0x0  }
0xc2: {  	[sflag:s13] =	ssyncadd.s32 $0xFFFFFF00  }
0xc3: {  	_ =	swait.ge [sflag:s13], $0x100  }
0xc4: {  	[sflag:s13] =	ssyncset.done $0x0  }
0xc5: {  	[sflag:s13] =	ssyncadd.s32 $0xFFFFFF00  }
0xc6: {  	_ =	swait.ge [sflag:s13], $0x100  }
0xc7: {  	[sflag:s13] =	ssyncset.done $0x0  }
0xc8: {  	[sflag:s13] =	ssyncadd.s32 $0xFFFFFF00  }
0xc9: {  	_ =	swait.ge [sflag:s13], $0x100  }
0xca: {  	[sflag:s13] =	ssyncset.done $0x0;
	s11 =	sld [smem:$0x7F7]  }
0xcb: {  	s16 =	sshll.u32 s25, $0xA;
	[sflag:s13] =	ssyncadd.s32 $0xFFFFFF00  }
0xcc: {  	[tilespmem:s14], [sflag:$0x6] =	stream.indirect.gather [hbm4b:s5+s0], $0x20, s0, s0, $0xb8;
	[tilespmem:$0x1E600] =	vst v63  }
0xcd: {  	s21 =	sadd.s32 s16, s11  }
0xce: {  	s15 =	sshrl.u32 s21, $0x3  }
0xcf: {  	s22 =	simm.s32 $0x200;
	s17 =	sadd.s32 s7, s15  }
0xd0: {  	[tilespmem:s22], [sflag:$0x3] =	stream.linear.gather [hbm4b:s17+s10], $0x100, $0x38;
	[tilespmem:$0x1E600] =	vst v63  }
0xd1: {  	s29 =	simm.s32 $0x600;
	s26 =	sadd.s32 s8, s15  }
0xd2: {  	[tilespmem:s29], [sflag:$0x3] =	stream.linear.gather [hbm4b:s26+s10], $0x100, $0x38;
	[tilespmem:$0x1E600] =	vst v63  }
0xd3: {  	s18 =	sadd.s32 s6, s15  }
0xd4: {  	[tilespmem:s30], [sflag:$0x3] =	stream.linear.gather [hbm4b:s18+s10], $0x100, $0x38;
	[tilespmem:$0x1E600] =	vst v63  }
0xd5: {  	s21 =	simm.s32 $0xE00;
	s15 =	sadd.s32 s9, s15;
	s22 =	sand.u32 $0x200, s10  }
0xd6: {  	[tilespmem:s21], [sflag:$0x3] =	stream.linear.gather [hbm4b:s15+s10], $0x100, $0x38;
	[tilespmem:$0x1E600] =	vst v63  }
0xd7: {  	s15 =	sshrl.u32 s22, $0x2;
	_ =	swait.ge [sflag:s23], $0x2000  }
0xd8: {  	s26 =	sand.u32 $0x60, s10;
	s15 =	sor.u32 $0x400, s15;
	[sflag:s23] =	ssyncset.done $0x0  }
0xd9: {  	s17 =	sor.u32 s26, s15;
	[sflag:s23] =	ssyncadd.s32 $0xFFFFE000  }
0xda: {  	s30 =	simm.s32 $0x1200;
	v2 =	vld [tilespmem:s17+$0x0]  }
0xdb: {  	v1 =	vld [tilespmem:s30+$0xFFFFFE00]  }
0xdc: {  	v3 =	vld [tilespmem:s30+$0xFFFFFE10]  }
0xdd: {  	v4 =	vld [tilespmem:s30+$0xFFFFFE20]  }
0xde: {  	v5 =	vld [tilespmem:s30+$0xFFFFFE30]  }
0xdf: {  	v6 =	vld [tilespmem:s30+$0xFFFFFE40]  }
0xe0: {  	v7 =	vld [tilespmem:s30+$0xFFFFFE50]  }
0xe1: {  	v8 =	vld [tilespmem:s30+$0xFFFFFE60]  }
0xe2: {  	v9 =	vld [tilespmem:s30+$0xFFFFFE70]  }
0xe3: {  	v10 =	vld [tilespmem:s30+$0xFFFFFE80]  }
0xe4: {  	v11 =	vld [tilespmem:s30+$0xFFFFFE90]  }
0xe5: {  	v12 =	vld [tilespmem:s30+$0xFFFFFEA0]  }
0xe6: {  	v13 =	vld [tilespmem:s30+$0xFFFFFEB0]  }
0xe7: {  	v14 =	vld [tilespmem:s30+$0xFFFFFEC0]  }
0xe8: {  	v15 =	vld [tilespmem:s30+$0xFFFFFED0]  }
0xe9: {  	v16 =	vld [tilespmem:s30+$0xFFFFFEE0]  }
0xea: {  	v17 =	vld [tilespmem:s30+$0xFFFFFEF0]  }
0xeb: {  	v19 =	vld [tilespmem:s30+$0xFFFFFF00]  }
0xec: {  	v20 =	vld [tilespmem:s30+$0xFFFFFF10];
	v18 =	vbroadcast v2, $0x0  }
0xed: {  	v21 =	vld [tilespmem:s30+$0xFFFFFF20];
	v23 =	vbroadcast v2, $0x1;
	v25 =	vbroadcast v2, $0x5  }
0xee: {  	v22 =	vld [tilespmem:s30+$0xFFFFFF30];
	v27 =	vbroadcast v2, $0x7;
	v1 =	vmul.f32 v18, v1  }
0xef: {  	v26 =	vld [tilespmem:s30+$0xFFFFFFD0];
	v29 =	vbroadcast v2, $0x8;
	v3 =	vmul.f32 v3, v18  }
0xf0: {  	v28 =	vld [tilespmem:s30+$0x10];
	v30 =	vbroadcast v2, $0x9;
	v5 =	vmul.f32 v5, v23;
	[tilespmem:s30+$0xFFFFFE00] =	vst v1  }
0xf1: {  	v31 =	vld [tilespmem:s30+$0x20];
	v32 =	vbroadcast v2, $0xA;
	v12 =	vmul.f32 v12, v25;
	[tilespmem:s30+$0xFFFFFE10] =	vst v3  }
0xf2: {  	s29 =	simm.s32 $0x10;
	v34 =	vld [tilespmem:s30+$0x30];
	v1 =	vmul.f32 v4, v23;
	v4 =	vbroadcast v2, $0x2;
	[tilespmem:s30+$0xFFFFFE30] =	vst v5  }
0xf3: {  	s17 =	sand.u32 $0x70, s29;
	v33 =	vbroadcast v2, $0xB;
	v17 =	vmul.f32 v17, v27;
	v3 =	vld [tilespmem:s30+$0xFFFFFF50];
	[tilespmem:s30+$0xFFFFFEA0] =	vst v12  }
0xf4: {  	v37 =	vld [tilespmem:s30+$0x40];
	s15 =	sor.u32 s17, s15;
	[tilespmem:s30+$0xFFFFFE20] =	vst v1;
	v1 =	vmul.f32 v6, v4;
	v6 =	vbroadcast v2, $0x3  }
0xf5: {  	v24 =	vld [tilespmem:s15+$0x0];
	v35 =	vbroadcast v2, $0xC;
	[tilespmem:s30+$0xFFFFFEF0] =	vst v17;
	v4 =	vmul.f32 v7, v4  }
0xf6: {  	v36 =	vbroadcast v2, $0xD;
	v7 =	vld [tilespmem:s30+$0xFFFFFF80];
	[tilespmem:s30+$0xFFFFFE40] =	vst v1;
	v1 =	vmul.f32 v8, v6  }
0xf7: {  	v39 =	vld [tilespmem:s30+$0x50];
	[tilespmem:s30+$0xFFFFFE50] =	vst v4;
	v4 =	vbroadcast v2, $0x4;
	v6 =	vmul.f32 v9, v6  }
0xf8: {  	v38 =	vbroadcast v2, $0xE;
	v8 =	vld [tilespmem:s30+$0xFFFFFF90];
	v3 =	vmul.f32 v3, v32;
	[tilespmem:s30+$0xFFFFFE60] =	vst v1  }
0xf9: {  	v40 =	vbroadcast v2, $0xF;
	v9 =	vld [tilespmem:s30+$0xFFFFFFA0];
	v1 =	vmul.f32 v10, v4;
	[tilespmem:s30+$0xFFFFFE70] =	vst v6  }
0xfa: {  	v41 =	vbroadcast v24, $0x1;
	v10 =	vld [tilespmem:s30+$0x1F0];
	v4 =	vmul.f32 v11, v4;
	[tilespmem:s30+$0xFFFFFF50] =	vst v3  }
0xfb: {  	v42 =	vbroadcast v24, $0x3;
	v11 =	vld [tilespmem:s30+$0xFFFFFFC0];
	v7 =	vmul.f32 v7, v35;
	[tilespmem:s30+$0xFFFFFE80] =	vst v1  }
0xfc: {  	v44 =	vbroadcast v24, $0x4;
	v6 =	vld [tilespmem:s30+$0xFFFFFFB0];
	[tilespmem:s30+$0xFFFFFE90] =	vst v4;
	v4 =	vmul.f32 v13, v25  }
0xfd: {  	v43 =	vld [tilespmem:s30+$0x90];
	v1 =	vbroadcast v24, $0xF;
	v8 =	vmul.f32 v8, v35;
	[tilespmem:s30+$0xFFFFFF80] =	vst v7  }
0xfe: {  	v45 =	vld [tilespmem:s30+$0xB0];
	v58 =	vbroadcast v24, $0x5;
	v9 =	vmul.f32 v9, v36;
	[tilespmem:s30+$0xFFFFFEB0] =	vst v4  }
0xff: {  	v59 =	vld [tilespmem:s30+$0xC0];
	v46 =	vbroadcast v24, $0x6;
	v10 =	vmul.f32 v10, v1;
	[tilespmem:s30+$0xFFFFFF90] =	vst v8  }
0x100: {  	v48 =	vld [tilespmem:s30+$0xD0];
	v8 =	vmul.f32 v11, v38;
	v11 =	vmul.f32 v31, v41;
	[tilespmem:s30+$0xFFFFFFA0] =	vst v9  }
0x101: {  	v60 =	vld [tilespmem:s30+$0xE0];
	v47 =	vbroadcast v24, $0x7;
	v6 =	vmul.f32 v6, v36;
	[tilespmem:s30+$0x1F0] =	vst v10  }
0x102: {  	v51 =	vld [tilespmem:s30+$0xF0];
	v4 =	vbroadcast v2, $0x6;
	v9 =	vmul.f32 v34, v41;
	[tilespmem:s30+$0x20] =	vst v11  }
0x103: {  	v61 =	vld [tilespmem:s30+$0x100];
	v49 =	vbroadcast v24, $0x8;
	v50 =	vbroadcast v24, $0x9;
	[tilespmem:s30+$0xFFFFFFB0] =	vst v6  }
0x104: {  	v53 =	vld [tilespmem:s30+$0x110];
	v52 =	vbroadcast v24, $0xA;
	v14 =	vmul.f32 v14, v4;
	[tilespmem:s30+$0x30] =	vst v9  }
0x105: {  	v18 =	vld [tilespmem:s30+$0xFFFFFF40];
	v3 =	vbroadcast v24, $0xD;
	v2 =	vmul.f32 v15, v4;
	[tilespmem:s30+$0xFFFFFFC0] =	vst v8  }
0x106: {  	v5 =	vld [tilespmem:s30+$0xFFFFFF70];
	v13 =	vbroadcast v24, $0x0;
	v4 =	vmul.f32 v16, v27;
	[tilespmem:s30+$0xFFFFFEC0] =	vst v14  }
0x107: {  	v25 =	vld [tilespmem:s30+$0x0];
	v16 =	vbroadcast v24, $0x2;
	[tilespmem:s30+$0xFFFFFED0] =	vst v2;
	v2 =	vmul.f32 v19, v29  }
0x108: {  	v15 =	vld [tilespmem:s30+$0x60];
	v8 =	vmul.f32 v45, v58;
	[tilespmem:s30+$0xFFFFFEE0] =	vst v4;
	v4 =	vmul.f32 v20, v29  }
0x109: {  	v23 =	vld [tilespmem:s30+$0xFFFFFF60];
	v11 =	vmul.f32 v48, v46;
	v19 =	vmul.f32 v21, v30;
	[tilespmem:s30+$0xFFFFFF00] =	vst v2  }
0x10a: {  	v62 =	vld [tilespmem:s30+$0x140];
	v9 =	vmul.f32 v53, v49;
	v2 =	vmul.f32 v22, v30;
	[tilespmem:s30+$0xFFFFFF10] =	vst v4  }
0x10b: {  	v10 =	vld [tilespmem:s30+$0xFFFFFFF0];
	v4 =	vmul.f32 v18, v32;
	[tilespmem:s30+$0xFFFFFF20] =	vst v19;
	v18 =	vmul.f32 v5, v33  }
0x10c: {  	v27 =	vld [tilespmem:s30+$0x80];
	v5 =	vbroadcast v24, $0xB;
	v19 =	vmul.f32 v13, v25;
	[tilespmem:s30+$0xFFFFFF30] =	vst v2  }
0x10d: {  	v17 =	vld [tilespmem:s30+$0xA0];
	v13 =	vmul.f32 v28, v13;
	v6 =	vmul.f32 v15, v42;
	[tilespmem:s30+$0xFFFFFF40] =	vst v4  }
0x10e: {  	v14 =	vld [tilespmem:s30+$0x70];
	v15 =	vmul.f32 v51, v47;
	v2 =	vmul.f32 v23, v33;
	[tilespmem:s30+$0xFFFFFF70] =	vst v18  }
0x10f: {  	v12 =	vld [tilespmem:s30+$0xFFFFFFE0];
	v4 =	vbroadcast v24, $0xC;
	[tilespmem:s30+$0x0] =	vst v19;
	v23 =	vmul.f32 v26, v38  }
0x110: {  	v7 =	vld [tilespmem:s30+$0x130];
	[tilespmem:s30+$0x10] =	vst v13;
	v63 =	vmul.f32 v10, v40;
	v10 =	vmul.f32 v37, v16  }
0x111: {  	v25 =	vld [tilespmem:s30+$0x120];
	v16 =	vmul.f32 v39, v16;
	v19 =	vmul.f32 v27, v44;
	[tilespmem:s30+$0x60] =	vst v6  }
0x112: {  	v26 =	vld [tilespmem:s30+$0x150];
	v18 =	vmul.f32 v43, v44;
	v13 =	vmul.f32 v17, v58;
	[tilespmem:s30+$0xFFFFFF60] =	vst v2  }
0x113: {  	v21 =	vld [tilespmem:s30+$0x160];
	v20 =	vmul.f32 v14, v42;
	v14 =	vmul.f32 v60, v47;
	[tilespmem:s30+$0x40] =	vst v10  }
0x114: {  	v22 =	vld [tilespmem:s30+$0x170];
	v2 =	vbroadcast v24, $0xE;
	v24 =	vmul.f32 v12, v40;
	[tilespmem:s30+$0xFFFFFFD0] =	vst v23  }
0x115: {  	v12 =	vmul.f32 v59, v46;
	v23 =	vld [tilespmem:s30+$0x180];
	[tilespmem:s30+$0x50] =	vst v16;
	v16 =	vmul.f32 v61, v49  }
0x116: {  	s18 =	simm.s32 $0x0;
	v10 =	vmul.f32 v7, v50;
	v7 =	vmul.f32 v62, v52;
	[tilespmem:s30+$0xFFFFFFE0] =	vst v24;
	v24 =	vld [tilespmem:s30+$0x190]  }
0x117: {  	s22 =	simm.s32 $0x0;
	s17 =	simm.s32 $0x1200;
	s15 =	simm.s32 $0x80;
	[tilespmem:s30+$0xFFFFFFF0] =	vst v63;
	v17 =	vmul.f32 v25, v50;
	v25 =	vld [tilespmem:s30+$0x1A0];
	v6 =	vmul.f32 v26, v52  }
.LBB2_7:
0x118: {  	s29 =	sand.u32 $0x200, s15;
	s18 =	sadd.s32 $0x2, s18;
	[tilespmem:s30+$0x70] =	vst v20;
	v20 =	vmul.f32 v21, v5;
	v21 =	vld [tilespmem:s30+$0x1B0];
	s22 =	sadd.s32 $0x20, s22  }
0x119: {  	s29 =	sshrl.u32 s29, $0x2;
	s11 =	sadd.s32 $0x10, s22;
	p0 =	slt.u32 s18, $0xE;
	[tilespmem:s30+$0x80] =	vst v19;
	v5 =	vmul.f32 v22, v5;
	v19 =	vld [tilespmem:s30+$0x1C0]  }
0x11a: {  	s26 =	sand.u32 $0x60, s22;
	s29 =	sor.u32 $0x400, s29;
	s11 =	sand.u32 $0x70, s11;
	[tilespmem:s30+$0x90] =	vst v18;
	v18 =	vmul.f32 v23, v4;
	v22 =	vld [tilespmem:s30+$0x1D0]  }
0x11b: {  	s26 =	sor.u32 s26, s29;
	s11 =	sor.u32 s11, s29;
	[tilespmem:s30+$0xA0] =	vst v13;
	v4 =	vmul.f32 v24, v4;
	v13 =	vld [tilespmem:s30+$0x1E0]  }
0x11c: {  	v23 =	vld [tilespmem:s11+$0x0];
	[tilespmem:s30+$0xB0] =	vst v8;
	v24 =	vmul.f32 v25, v3  }
0x11d: {  	s30 =	sadd.s32 $0x400, s30;
	v25 =	vld [tilespmem:s26+$0x0];
	[tilespmem:s17+$0xC0] =	vst v12;
	v3 =	vmul.f32 v21, v3  }
0x11e: {  	v12 =	vld [tilespmem:s30+$0x1F0];
	[tilespmem:s17+$0xD0] =	vst v11;
	v19 =	vmul.f32 v19, v2  }
0x11f: {  	v21 =	vld [tilespmem:s30+$0xFFFFFE00];
	[tilespmem:s17+$0xE0] =	vst v14;
	v2 =	vmul.f32 v22, v2  }
0x120: {  	v22 =	vld [tilespmem:s30+$0xFFFFFE10];
	[tilespmem:s17+$0xF0] =	vst v15;
	v26 =	vmul.f32 v13, v1  }
0x121: {  	v27 =	vld [tilespmem:s30+$0xFFFFFE20];
	v8 =	vbroadcast v23, $0x0;
	v1 =	vbroadcast v23, $0xF;
	[tilespmem:s17+$0x100] =	vst v16  }
0x122: {  	v28 =	vbroadcast v25, $0x0;
	v29 =	vbroadcast v25, $0x1;
	v30 =	vld [tilespmem:s30+$0xFFFFFE30];
	[tilespmem:s17+$0x110] =	vst v9  }
0x123: {  	v31 =	vbroadcast v25, $0x2;
	v32 =	vld [tilespmem:s30+$0xFFFFFE40];
	v9 =	vmul.f32 v12, v1;
	[tilespmem:s17+$0x120] =	vst v17  }
0x124: {  	v33 =	vbroadcast v25, $0x3;
	v34 =	vbroadcast v25, $0x4;
	v17 =	vld [tilespmem:s30+$0xFFFFFE50];
	[tilespmem:s17+$0x130] =	vst v10  }
0x125: {  	v36 =	vbroadcast v25, $0x5;
	v37 =	vbroadcast v25, $0x6;
	v35 =	vld [tilespmem:s30+$0xFFFFFE60];
	[tilespmem:s30+$0x1F0] =	vst v9  }
0x126: {  	v39 =	vbroadcast v25, $0x7;
	v40 =	vbroadcast v25, $0x8;
	v38 =	vld [tilespmem:s30+$0xFFFFFE70];
	[tilespmem:s17+$0x140] =	vst v7  }
0x127: {  	v42 =	vbroadcast v25, $0x9;
	v43 =	vbroadcast v25, $0xA;
	v41 =	vld [tilespmem:s30+$0xFFFFFE80];
	[tilespmem:s17+$0x150] =	vst v6  }
0x128: {  	v45 =	vbroadcast v25, $0xB;
	v46 =	vbroadcast v25, $0xC;
	v44 =	vld [tilespmem:s30+$0xFFFFFE90];
	[tilespmem:s17+$0x160] =	vst v20  }
0x129: {  	v47 =	vbroadcast v25, $0xD;
	v48 =	vbroadcast v25, $0xE;
	v20 =	vld [tilespmem:s30+$0xFFFFFEA0];
	[tilespmem:s17+$0x170] =	vst v5  }
0x12a: {  	v16 =	vbroadcast v23, $0x1;
	v25 =	vbroadcast v25, $0xF;
	v49 =	vld [tilespmem:s30+$0xFFFFFEB0];
	[tilespmem:s17+$0x180] =	vst v18  }
0x12b: {  	v15 =	vbroadcast v23, $0x2;
	v14 =	vbroadcast v23, $0x3;
	v18 =	vld [tilespmem:s30+$0xFFFFFEC0];
	[tilespmem:s17+$0x190] =	vst v4  }
0x12c: {  	v13 =	vbroadcast v23, $0x4;
	v12 =	vbroadcast v23, $0x5;
	v50 =	vld [tilespmem:s30+$0xFFFFFED0];
	[tilespmem:s17+$0x1A0] =	vst v24  }
0x12d: {  	v11 =	vbroadcast v23, $0x6;
	v10 =	vbroadcast v23, $0x7;
	v24 =	vld [tilespmem:s30+$0xFFFFFEE0];
	[tilespmem:s17+$0x1B0] =	vst v3  }
0x12e: {  	v9 =	vbroadcast v23, $0x8;
	v7 =	vbroadcast v23, $0x9;
	v51 =	vld [tilespmem:s30+$0xFFFFFEF0];
	[tilespmem:s17+$0x1C0] =	vst v19  }
0x12f: {  	v6 =	vbroadcast v23, $0xA;
	v5 =	vbroadcast v23, $0xB;
	v19 =	vld [tilespmem:s30+$0xFFFFFF00];
	[tilespmem:s17+$0x1D0] =	vst v2  }
0x130: {  	v4 =	vbroadcast v23, $0xC;
	v3 =	vbroadcast v23, $0xD;
	v52 =	vld [tilespmem:s30+$0xFFFFFF10];
	[tilespmem:s17+$0x1E0] =	vst v26;
	s17 =	smov.u32 s30  }
0x131: {  	v21 =	vmul.f32 v28, v21;
	v2 =	vbroadcast v23, $0xE;
	v26 =	vld [tilespmem:s30+$0xFFFFFF20]  }
0x132: {  	v22 =	vmul.f32 v22, v28;
	v23 =	vmul.f32 v27, v29;
	v27 =	vld [tilespmem:s30+$0xFFFFFF30]  }
0x133: {  	v28 =	vmul.f32 v32, v31;
	[tilespmem:s30+$0xFFFFFE00] =	vst v21;
	v21 =	vmul.f32 v30, v29;
	v29 =	vld [tilespmem:s30+$0xFFFFFF40]  }
0x134: {  	v17 =	vmul.f32 v17, v31;
	[tilespmem:s30+$0xFFFFFE10] =	vst v22;
	v22 =	vmul.f32 v35, v33;
	v30 =	vld [tilespmem:s30+$0xFFFFFF50]  }
0x135: {  	v31 =	vmul.f32 v41, v34;
	[tilespmem:s30+$0xFFFFFE20] =	vst v23;
	v23 =	vmul.f32 v38, v33;
	v32 =	vld [tilespmem:s30+$0xFFFFFF60]  }
0x136: {  	v20 =	vmul.f32 v20, v36;
	[tilespmem:s30+$0xFFFFFE30] =	vst v21;
	v21 =	vmul.f32 v44, v34;
	v33 =	vld [tilespmem:s30+$0xFFFFFF70]  }
0x137: {  	v18 =	vmul.f32 v18, v37;
	[tilespmem:s30+$0xFFFFFE40] =	vst v28;
	v28 =	vmul.f32 v49, v36;
	v34 =	vld [tilespmem:s30+$0xFFFFFF80]  }
0x138: {  	v24 =	vmul.f32 v24, v39;
	[tilespmem:s30+$0xFFFFFE50] =	vst v17;
	v17 =	vmul.f32 v50, v37;
	v35 =	vld [tilespmem:s30+$0xFFFFFF90]  }
0x139: {  	v19 =	vmul.f32 v19, v40;
	[tilespmem:s30+$0xFFFFFE60] =	vst v22;
	v22 =	vmul.f32 v51, v39;
	v36 =	vld [tilespmem:s30+$0xFFFFFFA0]  }
0x13a: {  	v26 =	vmul.f32 v26, v42;
	[tilespmem:s30+$0xFFFFFE70] =	vst v23;
	v23 =	vmul.f32 v52, v40;
	v37 =	vld [tilespmem:s30+$0xFFFFFFB0]  }
0x13b: {  	v27 =	vmul.f32 v27, v42;
	v29 =	vmul.f32 v29, v43;
	[tilespmem:s30+$0xFFFFFE80] =	vst v31;
	v31 =	vld [tilespmem:s30+$0xFFFFFFC0]  }
0x13c: {  	[tilespmem:s30+$0xFFFFFE90] =	vst v21;
	v21 =	vmul.f32 v30, v43;
	v30 =	vmul.f32 v32, v45;
	v32 =	vld [tilespmem:s30+$0xFFFFFFD0]  }
0x13d: {  	[tilespmem:s30+$0xFFFFFEA0] =	vst v20;
	v20 =	vmul.f32 v33, v45;
	v33 =	vmul.f32 v34, v46;
	v34 =	vld [tilespmem:s30+$0xFFFFFFE0]  }
0x13e: {  	[tilespmem:s30+$0xFFFFFEB0] =	vst v28;
	v28 =	vmul.f32 v35, v46;
	v35 =	vmul.f32 v36, v47;
	v36 =	vld [tilespmem:s30+$0xFFFFFFF0]  }
0x13f: {  	[tilespmem:s30+$0xFFFFFEC0] =	vst v18;
	v37 =	vmul.f32 v37, v47;
	v18 =	vld [tilespmem:s30+$0x0]  }
0x140: {  	[tilespmem:s30+$0xFFFFFED0] =	vst v17;
	v17 =	vmul.f32 v31, v48;
	v31 =	vld [tilespmem:s30+$0x10]  }
0x141: {  	[tilespmem:s30+$0xFFFFFEE0] =	vst v24;
	v24 =	vmul.f32 v32, v48;
	v32 =	vld [tilespmem:s30+$0x20]  }
0x142: {  	[tilespmem:s30+$0xFFFFFEF0] =	vst v22;
	v22 =	vmul.f32 v34, v25;
	v34 =	vld [tilespmem:s30+$0x30]  }
0x143: {  	[tilespmem:s30+$0xFFFFFF00] =	vst v19;
	v25 =	vmul.f32 v36, v25;
	v19 =	vld [tilespmem:s30+$0x40]  }
0x144: {  	[tilespmem:s30+$0xFFFFFF10] =	vst v23;
	v23 =	vmul.f32 v8, v18;
	v18 =	vld [tilespmem:s30+$0x50]  }
0x145: {  	[tilespmem:s30+$0xFFFFFF20] =	vst v26;
	v26 =	vmul.f32 v31, v8;
	v8 =	vld [tilespmem:s30+$0x60]  }
0x146: {  	[tilespmem:s30+$0xFFFFFF30] =	vst v27;
	v27 =	vmul.f32 v32, v16;
	v31 =	vld [tilespmem:s30+$0x70]  }
0x147: {  	[tilespmem:s30+$0xFFFFFF40] =	vst v29;
	v29 =	vmul.f32 v34, v16;
	v16 =	vld [tilespmem:s30+$0x80]  }
0x148: {  	[tilespmem:s30+$0xFFFFFF50] =	vst v21;
	v32 =	vmul.f32 v19, v15;
	v21 =	vld [tilespmem:s30+$0x90]  }
0x149: {  	[tilespmem:s30+$0xFFFFFF60] =	vst v30;
	v30 =	vmul.f32 v18, v15;
	v15 =	vld [tilespmem:s30+$0xA0]  }
0x14a: {  	[tilespmem:s30+$0xFFFFFF70] =	vst v20;
	v34 =	vmul.f32 v8, v14;
	v8 =	vld [tilespmem:s30+$0xB0]  }
0x14b: {  	[tilespmem:s30+$0xFFFFFF80] =	vst v33;
	v20 =	vmul.f32 v31, v14;
	v14 =	vld [tilespmem:s30+$0xC0]  }
0x14c: {  	[tilespmem:s30+$0xFFFFFF90] =	vst v28;
	v19 =	vmul.f32 v16, v13;
	v16 =	vld [tilespmem:s30+$0xD0]  }
0x14d: {  	[tilespmem:s30+$0xFFFFFFA0] =	vst v35;
	v18 =	vmul.f32 v21, v13;
	v21 =	vld [tilespmem:s30+$0xE0]  }
0x14e: {  	[tilespmem:s30+$0xFFFFFFB0] =	vst v37;
	v13 =	vmul.f32 v15, v12;
	v15 =	vld [tilespmem:s30+$0xF0]  }
0x14f: {  	[tilespmem:s30+$0xFFFFFFC0] =	vst v17;
	v8 =	vmul.f32 v8, v12;
	v17 =	vld [tilespmem:s30+$0x100]  }
0x150: {  	[tilespmem:s30+$0xFFFFFFD0] =	vst v24;
	v12 =	vmul.f32 v14, v11;
	v24 =	vld [tilespmem:s30+$0x110]  }
0x151: {  	[tilespmem:s30+$0xFFFFFFE0] =	vst v22;
	v11 =	vmul.f32 v16, v11;
	v22 =	vld [tilespmem:s30+$0x120]  }
0x152: {  	[tilespmem:s30+$0xFFFFFFF0] =	vst v25;
	v14 =	vmul.f32 v21, v10;
	v25 =	vld [tilespmem:s30+$0x130]  }
0x153: {  	[tilespmem:s30+$0x0] =	vst v23;
	v15 =	vmul.f32 v15, v10;
	v28 =	vld [tilespmem:s30+$0x140]  }
0x154: {  	[tilespmem:s30+$0x10] =	vst v26;
	v16 =	vmul.f32 v17, v9;
	v26 =	vld [tilespmem:s30+$0x150]  }
.Ltmp2:
0x155: {  	[tilespmem:s30+$0x20] =	vst v27;
	v9 =	vmul.f32 v24, v9;
	v21 =	vld [tilespmem:s30+$0x160];
	(pc) =	sbr.rel @p0 .LBB2_7-.Ltmp2, $4  }
0x156: {  	[tilespmem:s30+$0x30] =	vst v29;
	v17 =	vmul.f32 v22, v7;
	v22 =	vld [tilespmem:s30+$0x170]  }
0x157: {  	[tilespmem:s30+$0x40] =	vst v32;
	v10 =	vmul.f32 v25, v7;
	v23 =	vld [tilespmem:s30+$0x180]  }
0x158: {  	[tilespmem:s30+$0x50] =	vst v30;
	v7 =	vmul.f32 v28, v6;
	v24 =	vld [tilespmem:s30+$0x190]  }
0x159: {  	s15 =	sadd.s32 $0x80, s15;
	[tilespmem:s30+$0x60] =	vst v34;
	v6 =	vmul.f32 v26, v6;
	v25 =	vld [tilespmem:s30+$0x1A0]  }
0x15a: {  	[tilespmem:s30+$0x70] =	vst v20  }
0x15b: {  	[tilespmem:s30+$0x80] =	vst v19  }
0x15c: {  	v20 =	vld [tilespmem:s30+$0x1B0];
	[tilespmem:s30+$0x90] =	vst v18  }
0x15d: {  	v19 =	vld [tilespmem:s30+$0x1C0];
	[tilespmem:s30+$0xA0] =	vst v13  }
0x15e: {  	v18 =	vld [tilespmem:s30+$0x1D0];
	[tilespmem:s30+$0xB0] =	vst v8  }
0x15f: {  	v13 =	vld [tilespmem:s30+$0x1E0];
	[tilespmem:s17+$0xC0] =	vst v12  }
0x160: {  	[tilespmem:s17+$0xD0] =	vst v11  }
0x161: {  	[tilespmem:s17+$0xE0] =	vst v14  }
0x162: {  	[tilespmem:s17+$0xF0] =	vst v15  }
0x163: {  	[tilespmem:s17+$0x100] =	vst v16  }
0x164: {  	[tilespmem:s17+$0x110] =	vst v9  }
0x165: {  	[tilespmem:s17+$0x120] =	vst v17  }
0x166: {  	[tilespmem:s17+$0x130] =	vst v10  }
0x167: {  	v8 =	vmul.f32 v21, v5;
	[tilespmem:s17+$0x140] =	vst v7  }
0x168: {  	v5 =	vmul.f32 v22, v5;
	[tilespmem:s17+$0x150] =	vst v6  }
0x169: {  	v6 =	vmul.f32 v23, v4;
	[tilespmem:s17+$0x160] =	vst v8  }
0x16a: {  	v4 =	vmul.f32 v24, v4;
	[tilespmem:s17+$0x170] =	vst v5  }
0x16b: {  	v5 =	vmul.f32 v25, v3;
	[tilespmem:s17+$0x180] =	vst v6  }
0x16c: {  	v3 =	vmul.f32 v20, v3;
	[tilespmem:s17+$0x190] =	vst v4  }
0x16d: {  	v4 =	vmul.f32 v19, v2;
	[tilespmem:s17+$0x1A0] =	vst v5  }
0x16e: {  	v2 =	vmul.f32 v18, v2;
	[tilespmem:s17+$0x1B0] =	vst v3  }
0x16f: {  	v1 =	vmul.f32 v13, v1;
	[tilespmem:s17+$0x1C0] =	vst v4  }
0x170: {  	[tilespmem:s17+$0x1D0] =	vst v2  }
0x171: {  	s11 =	simm.s32 $0x800;
	[tilespmem:s17+$0x1E0] =	vst v1  }
0x172: {  	[spmem:s2] =	stream.indirect.scatter.add.f32 [tilespmem:s24], [sflag:$0x7], $0x20, s11, s1, $0xb8;
	[tilespmem:$0x1E600] =	vst v63  }
0x173: {  	s15 =	simm.s32 $0xC00  }
0x174: {  	[spmem:s3] =	stream.indirect.scatter.add.f32 [tilespmem:s15], [sflag:$0x7], $0x1, s11, s1, $0xb8;
	[tilespmem:$0x1E600] =	vst v63  }
0x175: {  	s22 =	simm.s32 $0x880;
	s26 =	simm.s32 $0x2000  }
0x176: {  	[spmem:s2] =	stream.indirect.scatter.add.f32 [tilespmem:s26], [sflag:$0x7], $0x20, s22, s1, $0xb8;
	[tilespmem:$0x1E600] =	vst v63  }
0x177: {  	s29 =	simm.s32 $0xC80  }
0x178: {  	[spmem:s3] =	stream.indirect.scatter.add.f32 [tilespmem:s29], [sflag:$0x7], $0x1, s22, s1, $0xb8;
	[tilespmem:$0x1E600] =	vst v63  }
0x179: {  	_ =	swait.ge [sflag:s31], $0x1000  }
0x17a: {  	[sflag:s31] =	ssyncset.done $0x0  }
0x17b: {  	[sflag:s31] =	ssyncadd.s32 $0xFFFFF000  }
0x17c: {  	_ =	swait.ge [sflag:s31], $0x80  }
0x17d: {  	[sflag:s31] =	ssyncset.done $0x0  }
0x17e: {  	[sflag:s31] =	ssyncadd.s32 $0xFFFFFF80  }
0x17f: {  	_ =	swait.ge [sflag:s31], $0x1000  }
0x180: {  	[sflag:s31] =	ssyncset.done $0x0  }
0x181: {  	[sflag:s31] =	ssyncadd.s32 $0xFFFFF000  }
0x182: {  	_ =	swait.ge [sflag:s31], $0x80  }
0x183: {  	[sflag:s31] =	ssyncset.done $0x0  }
0x184: {  	[sflag:s31] =	ssyncadd.s32 $0xFFFFFF80  }
0x185: {  	_ =	swait.ge [sflag:s4], $0x100  }
0x186: {  	[sflag:s4] =	ssyncset.done $0x0  }
0x187: {  	[sflag:s4] =	ssyncadd.s32 $0xFFFFFF00  }
0x188: {  	_ =	swait.ge [sflag:s4], $0x100  }
0x189: {  	[sflag:s4] =	ssyncset.done $0x0  }
0x18a: {  	[sflag:s4] =	ssyncadd.s32 $0xFFFFFF00  }
0x18b: {  	_ =	swait.ge [sflag:s4], $0x100  }
0x18c: {  	[sflag:s4] =	ssyncset.done $0x0  }
0x18d: {  	[sflag:s4] =	ssyncadd.s32 $0xFFFFFF00  }
0x18e: {  	_ =	swait.ge [sflag:s4], $0x100  }
0x18f: {  	[sflag:s4] =	ssyncset.done $0x0;
	s18 =	sld [smem:$0x7F8]  }
0x190: {  	s17 =	simm.s32 $0x200;
	[sflag:s4] =	ssyncadd.s32 $0xFFFFFF00  }
0x191: {  	[tilespmem:s24], [sflag:$0x5] =	stream.indirect.gather [hbm4b:s5+s0], $0x20, s17, s0, $0xb8;
	[tilespmem:$0x1E600] =	vst v63  }
0x192: {  	s11 =	sadd.s32 s16, s18  }
0x193: {  	s11 =	sshrl.u32 s11, $0x3  }
0x194: {  	s30 =	simm.s32 $0x0;
	s22 =	simm.s32 $0x300;
	s21 =	sadd.s32 s7, s11  }
0x195: {  	[tilespmem:s22], [sflag:$0x4] =	stream.linear.gather [hbm4b:s21+s30], $0x100, $0x38;
	[tilespmem:$0x1E600] =	vst v63  }
0x196: {  	s29 =	simm.s32 $0x700;
	s26 =	sadd.s32 s8, s11  }
0x197: {  	[tilespmem:s29], [sflag:$0x4] =	stream.linear.gather [hbm4b:s26+s30], $0x100, $0x38;
	[tilespmem:$0x1E600] =	vst v63  }
0x198: {  	s18 =	sadd.s32 s6, s11  }
0x199: {  	[tilespmem:s28], [sflag:$0x4] =	stream.linear.gather [hbm4b:s18+s30], $0x100, $0x38;
	[tilespmem:$0x1E600] =	vst v63  }
0x19a: {  	s11 =	sadd.s32 s9, s11;
	s21 =	simm.s32 $0xF00;
	s22 =	sand.u32 $0x200, s30  }
0x19b: {  	[tilespmem:s21], [sflag:$0x4] =	stream.linear.gather [hbm4b:s11+s30], $0x100, $0x38;
	[tilespmem:$0x1E600] =	vst v63  }
0x19c: {  	s11 =	sshrl.u32 s22, $0x2;
	_ =	swait.ge [sflag:s12], $0x2000  }
0x19d: {  	s26 =	sand.u32 $0x60, s30;
	s11 =	sor.u32 $0x500, s11;
	[sflag:s12] =	ssyncset.done $0x0  }
0x19e: {  	s15 =	sor.u32 s26, s11;
	[sflag:s12] =	ssyncadd.s32 $0xFFFFE000  }
0x19f: {  	s17 =	simm.s32 $0x3200;
	v2 =	vld [tilespmem:s15+$0x0]  }
0x1a0: {  	v1 =	vld [tilespmem:s17+$0xFFFFFE00]  }
0x1a1: {  	v3 =	vld [tilespmem:s17+$0xFFFFFE10]  }
0x1a2: {  	v4 =	vld [tilespmem:s17+$0xFFFFFE20]  }
0x1a3: {  	v5 =	vld [tilespmem:s17+$0xFFFFFE30]  }
0x1a4: {  	v6 =	vld [tilespmem:s17+$0xFFFFFE40]  }
0x1a5: {  	v7 =	vld [tilespmem:s17+$0xFFFFFE50]  }
0x1a6: {  	v8 =	vld [tilespmem:s17+$0xFFFFFE60]  }
0x1a7: {  	v9 =	vld [tilespmem:s17+$0xFFFFFE70]  }
0x1a8: {  	v10 =	vld [tilespmem:s17+$0xFFFFFE80]  }
0x1a9: {  	v11 =	vld [tilespmem:s17+$0xFFFFFE90]  }
0x1aa: {  	v12 =	vld [tilespmem:s17+$0xFFFFFEA0]  }
0x1ab: {  	v13 =	vld [tilespmem:s17+$0xFFFFFEB0]  }
0x1ac: {  	v14 =	vld [tilespmem:s17+$0xFFFFFEC0]  }
0x1ad: {  	v15 =	vld [tilespmem:s17+$0xFFFFFED0]  }
0x1ae: {  	v16 =	vld [tilespmem:s17+$0xFFFFFEE0]  }
0x1af: {  	v17 =	vld [tilespmem:s17+$0xFFFFFEF0]  }
0x1b0: {  	v19 =	vld [tilespmem:s17+$0xFFFFFF00]  }
0x1b1: {  	v20 =	vld [tilespmem:s17+$0xFFFFFF10];
	v18 =	vbroadcast v2, $0x0  }
0x1b2: {  	v21 =	vld [tilespmem:s17+$0xFFFFFF20];
	v23 =	vbroadcast v2, $0x1;
	v25 =	vbroadcast v2, $0x5  }
0x1b3: {  	v22 =	vld [tilespmem:s17+$0xFFFFFF30];
	v27 =	vbroadcast v2, $0x7;
	v1 =	vmul.f32 v18, v1  }
0x1b4: {  	v26 =	vld [tilespmem:s17+$0xFFFFFFD0];
	v29 =	vbroadcast v2, $0x8;
	v3 =	vmul.f32 v3, v18  }
0x1b5: {  	v28 =	vld [tilespmem:s17+$0x10];
	v30 =	vbroadcast v2, $0x9;
	v5 =	vmul.f32 v5, v23;
	[tilespmem:s17+$0xFFFFFE00] =	vst v1  }
0x1b6: {  	v31 =	vld [tilespmem:s17+$0x20];
	v32 =	vbroadcast v2, $0xA;
	v12 =	vmul.f32 v12, v25;
	[tilespmem:s17+$0xFFFFFE10] =	vst v3  }
0x1b7: {  	s29 =	simm.s32 $0x10;
	v34 =	vld [tilespmem:s17+$0x30];
	v1 =	vmul.f32 v4, v23;
	v4 =	vbroadcast v2, $0x2;
	[tilespmem:s17+$0xFFFFFE30] =	vst v5  }
0x1b8: {  	s15 =	sand.u32 $0x70, s29;
	v33 =	vbroadcast v2, $0xB;
	v17 =	vmul.f32 v17, v27;
	v3 =	vld [tilespmem:s17+$0xFFFFFF50];
	[tilespmem:s17+$0xFFFFFEA0] =	vst v12  }
0x1b9: {  	s11 =	sor.u32 s15, s11;
	v12 =	vld [tilespmem:s17+$0xFFFFFFE0];
	[tilespmem:s17+$0xFFFFFE20] =	vst v1;
	v1 =	vmul.f32 v6, v4;
	v6 =	vbroadcast v2, $0x3  }
0x1ba: {  	v24 =	vld [tilespmem:s11+$0x0];
	v35 =	vbroadcast v2, $0xC;
	[tilespmem:s17+$0xFFFFFEF0] =	vst v17;
	v4 =	vmul.f32 v7, v4  }
0x1bb: {  	v37 =	vld [tilespmem:s17+$0x40];
	v36 =	vbroadcast v2, $0xD;
	[tilespmem:s17+$0xFFFFFE40] =	vst v1;
	v1 =	vmul.f32 v8, v6  }
0x1bc: {  	v40 =	vbroadcast v2, $0xF;
	v7 =	vld [tilespmem:s17+$0xFFFFFF80];
	[tilespmem:s17+$0xFFFFFE50] =	vst v4;
	v6 =	vmul.f32 v9, v6  }
0x1bd: {  	v39 =	vld [tilespmem:s17+$0x50];
	v4 =	vbroadcast v2, $0x4;
	v3 =	vmul.f32 v3, v32;
	[tilespmem:s17+$0xFFFFFE60] =	vst v1  }
0x1be: {  	v38 =	vbroadcast v2, $0xE;
	v8 =	vld [tilespmem:s17+$0xFFFFFF90];
	v12 =	vmul.f32 v12, v40;
	[tilespmem:s17+$0xFFFFFE70] =	vst v6  }
0x1bf: {  	v41 =	vbroadcast v24, $0x1;
	v9 =	vld [tilespmem:s17+$0xFFFFFFA0];
	v1 =	vmul.f32 v10, v4;
	[tilespmem:s17+$0xFFFFFF50] =	vst v3  }
0x1c0: {  	v42 =	vbroadcast v24, $0x3;
	v10 =	vld [tilespmem:s17+$0x1F0];
	v4 =	vmul.f32 v11, v4;
	[tilespmem:s17+$0xFFFFFFE0] =	vst v12  }
0x1c1: {  	v44 =	vbroadcast v24, $0x4;
	v11 =	vld [tilespmem:s17+$0xFFFFFFC0];
	v7 =	vmul.f32 v7, v35;
	[tilespmem:s17+$0xFFFFFE80] =	vst v1  }
0x1c2: {  	v58 =	vbroadcast v24, $0x5;
	v6 =	vld [tilespmem:s17+$0xFFFFFFB0];
	[tilespmem:s17+$0xFFFFFE90] =	vst v4;
	v4 =	vmul.f32 v13, v25  }
0x1c3: {  	v43 =	vld [tilespmem:s17+$0x90];
	v1 =	vbroadcast v24, $0xF;
	v8 =	vmul.f32 v8, v35;
	[tilespmem:s17+$0xFFFFFF80] =	vst v7  }
0x1c4: {  	v45 =	vld [tilespmem:s17+$0xB0];
	v46 =	vbroadcast v24, $0x6;
	v9 =	vmul.f32 v9, v36;
	[tilespmem:s17+$0xFFFFFEB0] =	vst v4  }
0x1c5: {  	v59 =	vld [tilespmem:s17+$0xC0];
	v47 =	vbroadcast v24, $0x7;
	v10 =	vmul.f32 v10, v1;
	[tilespmem:s17+$0xFFFFFF90] =	vst v8  }
0x1c6: {  	v48 =	vld [tilespmem:s17+$0xD0];
	v8 =	vmul.f32 v11, v38;
	v11 =	vmul.f32 v31, v41;
	[tilespmem:s17+$0xFFFFFFA0] =	vst v9  }
0x1c7: {  	v60 =	vld [tilespmem:s17+$0xE0];
	v49 =	vbroadcast v24, $0x8;
	v6 =	vmul.f32 v6, v36;
	[tilespmem:s17+$0x1F0] =	vst v10  }
0x1c8: {  	v51 =	vld [tilespmem:s17+$0xF0];
	v4 =	vbroadcast v2, $0x6;
	v9 =	vmul.f32 v34, v41;
	[tilespmem:s17+$0x20] =	vst v11  }
0x1c9: {  	v62 =	vld [tilespmem:s17+$0x140];
	v50 =	vbroadcast v24, $0x9;
	v52 =	vbroadcast v24, $0xA;
	[tilespmem:s17+$0xFFFFFFB0] =	vst v6  }
0x1ca: {  	v3 =	vbroadcast v24, $0xD;
	v7 =	vld [tilespmem:s17+$0x130];
	v14 =	vmul.f32 v14, v4;
	[tilespmem:s17+$0x30] =	vst v9  }
0x1cb: {  	v18 =	vld [tilespmem:s17+$0xFFFFFF40];
	v13 =	vbroadcast v24, $0x0;
	v2 =	vmul.f32 v15, v4;
	[tilespmem:s17+$0xFFFFFFC0] =	vst v8  }
0x1cc: {  	v5 =	vld [tilespmem:s17+$0xFFFFFF70];
	v4 =	vmul.f32 v16, v27;
	v16 =	vbroadcast v24, $0x2;
	[tilespmem:s17+$0xFFFFFEC0] =	vst v14  }
0x1cd: {  	v25 =	vld [tilespmem:s17+$0x0];
	v8 =	vmul.f32 v45, v58;
	[tilespmem:s17+$0xFFFFFED0] =	vst v2;
	v2 =	vmul.f32 v19, v29  }
0x1ce: {  	v15 =	vld [tilespmem:s17+$0x60];
	v11 =	vmul.f32 v48, v46;
	[tilespmem:s17+$0xFFFFFEE0] =	vst v4;
	v4 =	vmul.f32 v20, v29  }
0x1cf: {  	v23 =	vld [tilespmem:s17+$0xFFFFFF60];
	v19 =	vmul.f32 v21, v30;
	v9 =	vmul.f32 v7, v50;
	[tilespmem:s17+$0xFFFFFF00] =	vst v2  }
0x1d0: {  	v61 =	vld [tilespmem:s17+$0x100];
	v7 =	vmul.f32 v62, v52;
	v2 =	vmul.f32 v22, v30;
	[tilespmem:s17+$0xFFFFFF10] =	vst v4  }
0x1d1: {  	v10 =	vld [tilespmem:s17+$0xFFFFFFF0];
	v4 =	vmul.f32 v18, v32;
	[tilespmem:s17+$0xFFFFFF20] =	vst v19;
	v18 =	vmul.f32 v5, v33  }
0x1d2: {  	v27 =	vld [tilespmem:s17+$0x80];
	v5 =	vbroadcast v24, $0xB;
	v19 =	vmul.f32 v13, v25;
	[tilespmem:s17+$0xFFFFFF30] =	vst v2  }
0x1d3: {  	v17 =	vld [tilespmem:s17+$0xA0];
	v13 =	vmul.f32 v28, v13;
	v6 =	vmul.f32 v15, v42;
	[tilespmem:s17+$0xFFFFFF40] =	vst v4  }
0x1d4: {  	v53 =	vld [tilespmem:s17+$0x110];
	v15 =	vmul.f32 v60, v47;
	v2 =	vmul.f32 v23, v33;
	[tilespmem:s17+$0xFFFFFF70] =	vst v18  }
0x1d5: {  	v14 =	vld [tilespmem:s17+$0x70];
	v4 =	vbroadcast v24, $0xC;
	[tilespmem:s17+$0x0] =	vst v19;
	v23 =	vmul.f32 v26, v38  }
0x1d6: {  	v25 =	vld [tilespmem:s17+$0x120];
	[tilespmem:s17+$0x10] =	vst v13;
	v63 =	vmul.f32 v10, v40;
	v10 =	vmul.f32 v37, v16  }
0x1d7: {  	v26 =	vld [tilespmem:s17+$0x150];
	v19 =	vmul.f32 v27, v44;
	v18 =	vmul.f32 v43, v44;
	[tilespmem:s17+$0x60] =	vst v6  }
0x1d8: {  	v21 =	vld [tilespmem:s17+$0x160];
	v13 =	vmul.f32 v17, v58;
	v17 =	vmul.f32 v61, v49;
	[tilespmem:s17+$0xFFFFFF60] =	vst v2  }
0x1d9: {  	v22 =	vld [tilespmem:s17+$0x170];
	v2 =	vbroadcast v24, $0xE;
	v24 =	vmul.f32 v39, v16;
	[tilespmem:s17+$0x40] =	vst v10  }
0x1da: {  	v20 =	vmul.f32 v14, v42;
	v14 =	vmul.f32 v59, v46;
	[tilespmem:s17+$0xFFFFFFD0] =	vst v23;
	v23 =	vld [tilespmem:s17+$0x180]  }
0x1db: {  	v16 =	vmul.f32 v51, v47;
	v10 =	vmul.f32 v53, v49;
	[tilespmem:s17+$0x50] =	vst v24;
	v24 =	vld [tilespmem:s17+$0x190]  }
0x1dc: {  	s18 =	simm.s32 $0x3200;
	s22 =	simm.s32 $0x80;
	s15 =	simm.s32 $0x0;
	[tilespmem:s17+$0xFFFFFFF0] =	vst v63;
	v12 =	vmul.f32 v25, v50;
	v25 =	vld [tilespmem:s17+$0x1A0];
	v6 =	vmul.f32 v26, v52  }
.LBB2_9:
0x1dd: {  	s11 =	sand.u32 $0x200, s22;
	s15 =	sadd.s32 $0x2, s15;
	[tilespmem:s17+$0x70] =	vst v20;
	v20 =	vmul.f32 v21, v5;
	v21 =	vld [tilespmem:s17+$0x1B0];
	s30 =	sadd.s32 $0x20, s30  }
0x1de: {  	s11 =	sshrl.u32 s11, $0x2;
	s26 =	sadd.s32 $0x10, s30;
	p0 =	slt.u32 s15, $0xE;
	[tilespmem:s17+$0x80] =	vst v19;
	v5 =	vmul.f32 v22, v5;
	v19 =	vld [tilespmem:s17+$0x1C0]  }
0x1df: {  	s29 =	sand.u32 $0x60, s30;
	s11 =	sor.u32 $0x500, s11;
	s26 =	sand.u32 $0x70, s26;
	[tilespmem:s17+$0x90] =	vst v18;
	v18 =	vmul.f32 v23, v4;
	v22 =	vld [tilespmem:s17+$0x1D0]  }
0x1e0: {  	s29 =	sor.u32 s29, s11;
	s11 =	sor.u32 s26, s11;
	[tilespmem:s17+$0xA0] =	vst v13;
	v4 =	vmul.f32 v24, v4;
	v13 =	vld [tilespmem:s17+$0x1E0]  }
0x1e1: {  	v23 =	vld [tilespmem:s11+$0x0];
	[tilespmem:s17+$0xB0] =	vst v8;
	v24 =	vmul.f32 v25, v3  }
0x1e2: {  	s17 =	sadd.s32 $0x400, s17;
	v25 =	vld [tilespmem:s29+$0x0];
	[tilespmem:s18+$0xC0] =	vst v14;
	v3 =	vmul.f32 v21, v3  }
0x1e3: {  	v14 =	vld [tilespmem:s17+$0x1F0];
	[tilespmem:s18+$0xD0] =	vst v11;
	v19 =	vmul.f32 v19, v2  }
0x1e4: {  	v21 =	vld [tilespmem:s17+$0xFFFFFE00];
	[tilespmem:s18+$0xE0] =	vst v15;
	v2 =	vmul.f32 v22, v2  }
0x1e5: {  	v22 =	vld [tilespmem:s17+$0xFFFFFE10];
	[tilespmem:s18+$0xF0] =	vst v16;
	v26 =	vmul.f32 v13, v1  }
0x1e6: {  	v27 =	vld [tilespmem:s17+$0xFFFFFE20];
	v8 =	vbroadcast v23, $0x0;
	v1 =	vbroadcast v23, $0xF;
	[tilespmem:s18+$0x100] =	vst v17  }
0x1e7: {  	v17 =	vbroadcast v25, $0x0;
	v28 =	vbroadcast v25, $0x1;
	v29 =	vld [tilespmem:s17+$0xFFFFFE30];
	[tilespmem:s18+$0x110] =	vst v10  }
0x1e8: {  	v30 =	vbroadcast v25, $0x2;
	v31 =	vld [tilespmem:s17+$0xFFFFFE40];
	v10 =	vmul.f32 v14, v1;
	[tilespmem:s18+$0x120] =	vst v12  }
0x1e9: {  	v33 =	vbroadcast v25, $0x3;
	v34 =	vbroadcast v25, $0x4;
	v32 =	vld [tilespmem:s17+$0xFFFFFE50];
	[tilespmem:s18+$0x130] =	vst v9  }
0x1ea: {  	v36 =	vbroadcast v25, $0x5;
	v37 =	vbroadcast v25, $0x6;
	v35 =	vld [tilespmem:s17+$0xFFFFFE60];
	[tilespmem:s17+$0x1F0] =	vst v10  }
0x1eb: {  	v39 =	vbroadcast v25, $0x7;
	v40 =	vbroadcast v25, $0x8;
	v38 =	vld [tilespmem:s17+$0xFFFFFE70];
	[tilespmem:s18+$0x140] =	vst v7  }
0x1ec: {  	v42 =	vbroadcast v25, $0x9;
	v43 =	vbroadcast v25, $0xA;
	v41 =	vld [tilespmem:s17+$0xFFFFFE80];
	[tilespmem:s18+$0x150] =	vst v6  }
0x1ed: {  	v45 =	vbroadcast v25, $0xB;
	v46 =	vbroadcast v25, $0xC;
	v44 =	vld [tilespmem:s17+$0xFFFFFE90];
	[tilespmem:s18+$0x160] =	vst v20  }
0x1ee: {  	v47 =	vbroadcast v25, $0xD;
	v48 =	vbroadcast v25, $0xE;
	v20 =	vld [tilespmem:s17+$0xFFFFFEA0];
	[tilespmem:s18+$0x170] =	vst v5  }
0x1ef: {  	v16 =	vbroadcast v23, $0x1;
	v25 =	vbroadcast v25, $0xF;
	v49 =	vld [tilespmem:s17+$0xFFFFFEB0];
	[tilespmem:s18+$0x180] =	vst v18  }
0x1f0: {  	v15 =	vbroadcast v23, $0x2;
	v14 =	vbroadcast v23, $0x3;
	v18 =	vld [tilespmem:s17+$0xFFFFFEC0];
	[tilespmem:s18+$0x190] =	vst v4  }
0x1f1: {  	v13 =	vbroadcast v23, $0x4;
	v12 =	vbroadcast v23, $0x5;
	v50 =	vld [tilespmem:s17+$0xFFFFFED0];
	[tilespmem:s18+$0x1A0] =	vst v24  }
0x1f2: {  	v11 =	vbroadcast v23, $0x6;
	v10 =	vbroadcast v23, $0x7;
	v24 =	vld [tilespmem:s17+$0xFFFFFEE0];
	[tilespmem:s18+$0x1B0] =	vst v3  }
0x1f3: {  	v9 =	vbroadcast v23, $0x8;
	v7 =	vbroadcast v23, $0x9;
	v51 =	vld [tilespmem:s17+$0xFFFFFEF0];
	[tilespmem:s18+$0x1C0] =	vst v19  }
0x1f4: {  	v6 =	vbroadcast v23, $0xA;
	v5 =	vbroadcast v23, $0xB;
	v19 =	vld [tilespmem:s17+$0xFFFFFF00];
	[tilespmem:s18+$0x1D0] =	vst v2  }
0x1f5: {  	v4 =	vbroadcast v23, $0xC;
	v3 =	vbroadcast v23, $0xD;
	v52 =	vld [tilespmem:s17+$0xFFFFFF10];
	[tilespmem:s18+$0x1E0] =	vst v26;
	s18 =	smov.u32 s17  }
0x1f6: {  	v21 =	vmul.f32 v17, v21;
	v2 =	vbroadcast v23, $0xE;
	v26 =	vld [tilespmem:s17+$0xFFFFFF20]  }
0x1f7: {  	v17 =	vmul.f32 v22, v17;
	v22 =	vmul.f32 v27, v28;
	v23 =	vld [tilespmem:s17+$0xFFFFFF30]  }
0x1f8: {  	v27 =	vmul.f32 v31, v30;
	[tilespmem:s17+$0xFFFFFE00] =	vst v21;
	v21 =	vmul.f32 v29, v28;
	v28 =	vld [tilespmem:s17+$0xFFFFFF40]  }
0x1f9: {  	v29 =	vmul.f32 v35, v33;
	[tilespmem:s17+$0xFFFFFE10] =	vst v17;
	v17 =	vmul.f32 v32, v30;
	v30 =	vld [tilespmem:s17+$0xFFFFFF50]  }
0x1fa: {  	v31 =	vmul.f32 v41, v34;
	[tilespmem:s17+$0xFFFFFE20] =	vst v22;
	v22 =	vmul.f32 v38, v33;
	v32 =	vld [tilespmem:s17+$0xFFFFFF60]  }
0x1fb: {  	v20 =	vmul.f32 v20, v36;
	[tilespmem:s17+$0xFFFFFE30] =	vst v21;
	v21 =	vmul.f32 v44, v34;
	v33 =	vld [tilespmem:s17+$0xFFFFFF70]  }
0x1fc: {  	v18 =	vmul.f32 v18, v37;
	[tilespmem:s17+$0xFFFFFE40] =	vst v27;
	v27 =	vmul.f32 v49, v36;
	v34 =	vld [tilespmem:s17+$0xFFFFFF80]  }
0x1fd: {  	v24 =	vmul.f32 v24, v39;
	[tilespmem:s17+$0xFFFFFE50] =	vst v17;
	v17 =	vmul.f32 v50, v37;
	v35 =	vld [tilespmem:s17+$0xFFFFFF90]  }
0x1fe: {  	v19 =	vmul.f32 v19, v40;
	[tilespmem:s17+$0xFFFFFE60] =	vst v29;
	v29 =	vmul.f32 v51, v39;
	v36 =	vld [tilespmem:s17+$0xFFFFFFA0]  }
0x1ff: {  	v26 =	vmul.f32 v26, v42;
	[tilespmem:s17+$0xFFFFFE70] =	vst v22;
	v22 =	vmul.f32 v52, v40;
	v37 =	vld [tilespmem:s17+$0xFFFFFFB0]  }
0x200: {  	v23 =	vmul.f32 v23, v42;
	v28 =	vmul.f32 v28, v43;
	[tilespmem:s17+$0xFFFFFE80] =	vst v31;
	v31 =	vld [tilespmem:s17+$0xFFFFFFC0]  }
0x201: {  	[tilespmem:s17+$0xFFFFFE90] =	vst v21;
	v21 =	vmul.f32 v30, v43;
	v30 =	vmul.f32 v32, v45;
	v32 =	vld [tilespmem:s17+$0xFFFFFFD0]  }
0x202: {  	[tilespmem:s17+$0xFFFFFEA0] =	vst v20;
	v20 =	vmul.f32 v33, v45;
	v33 =	vmul.f32 v34, v46;
	v34 =	vld [tilespmem:s17+$0xFFFFFFE0]  }
0x203: {  	[tilespmem:s17+$0xFFFFFEB0] =	vst v27;
	v27 =	vmul.f32 v35, v46;
	v35 =	vmul.f32 v36, v47;
	v36 =	vld [tilespmem:s17+$0xFFFFFFF0]  }
0x204: {  	[tilespmem:s17+$0xFFFFFEC0] =	vst v18;
	v37 =	vmul.f32 v37, v47;
	v18 =	vld [tilespmem:s17+$0x0]  }
0x205: {  	[tilespmem:s17+$0xFFFFFED0] =	vst v17;
	v17 =	vmul.f32 v31, v48;
	v31 =	vld [tilespmem:s17+$0x10]  }
0x206: {  	[tilespmem:s17+$0xFFFFFEE0] =	vst v24;
	v24 =	vmul.f32 v32, v48;
	v32 =	vld [tilespmem:s17+$0x20]  }
0x207: {  	[tilespmem:s17+$0xFFFFFEF0] =	vst v29;
	v29 =	vmul.f32 v34, v25;
	v34 =	vld [tilespmem:s17+$0x30]  }
0x208: {  	[tilespmem:s17+$0xFFFFFF00] =	vst v19;
	v25 =	vmul.f32 v36, v25;
	v19 =	vld [tilespmem:s17+$0x40]  }
0x209: {  	[tilespmem:s17+$0xFFFFFF10] =	vst v22;
	v22 =	vmul.f32 v8, v18;
	v18 =	vld [tilespmem:s17+$0x50]  }
0x20a: {  	[tilespmem:s17+$0xFFFFFF20] =	vst v26;
	v26 =	vmul.f32 v31, v8;
	v8 =	vld [tilespmem:s17+$0x60]  }
0x20b: {  	[tilespmem:s17+$0xFFFFFF30] =	vst v23;
	v23 =	vmul.f32 v32, v16;
	v31 =	vld [tilespmem:s17+$0x70]  }
0x20c: {  	[tilespmem:s17+$0xFFFFFF40] =	vst v28;
	v28 =	vmul.f32 v34, v16;
	v16 =	vld [tilespmem:s17+$0x80]  }
0x20d: {  	[tilespmem:s17+$0xFFFFFF50] =	vst v21;
	v32 =	vmul.f32 v19, v15;
	v21 =	vld [tilespmem:s17+$0x90]  }
0x20e: {  	[tilespmem:s17+$0xFFFFFF60] =	vst v30;
	v30 =	vmul.f32 v18, v15;
	v15 =	vld [tilespmem:s17+$0xA0]  }
0x20f: {  	[tilespmem:s17+$0xFFFFFF70] =	vst v20;
	v34 =	vmul.f32 v8, v14;
	v8 =	vld [tilespmem:s17+$0xB0]  }
0x210: {  	[tilespmem:s17+$0xFFFFFF80] =	vst v33;
	v20 =	vmul.f32 v31, v14;
	v14 =	vld [tilespmem:s17+$0xC0]  }
0x211: {  	[tilespmem:s17+$0xFFFFFF90] =	vst v27;
	v19 =	vmul.f32 v16, v13;
	v16 =	vld [tilespmem:s17+$0xD0]  }
0x212: {  	[tilespmem:s17+$0xFFFFFFA0] =	vst v35;
	v18 =	vmul.f32 v21, v13;
	v21 =	vld [tilespmem:s17+$0xE0]  }
0x213: {  	[tilespmem:s17+$0xFFFFFFB0] =	vst v37;
	v13 =	vmul.f32 v15, v12;
	v27 =	vld [tilespmem:s17+$0xF0]  }
0x214: {  	[tilespmem:s17+$0xFFFFFFC0] =	vst v17;
	v8 =	vmul.f32 v8, v12;
	v12 =	vld [tilespmem:s17+$0x100]  }
0x215: {  	[tilespmem:s17+$0xFFFFFFD0] =	vst v24;
	v14 =	vmul.f32 v14, v11;
	v24 =	vld [tilespmem:s17+$0x110]  }
0x216: {  	[tilespmem:s17+$0xFFFFFFE0] =	vst v29;
	v11 =	vmul.f32 v16, v11;
	v29 =	vld [tilespmem:s17+$0x120]  }
0x217: {  	[tilespmem:s17+$0xFFFFFFF0] =	vst v25;
	v15 =	vmul.f32 v21, v10;
	v25 =	vld [tilespmem:s17+$0x130]  }
0x218: {  	[tilespmem:s17+$0x0] =	vst v22;
	v16 =	vmul.f32 v27, v10;
	v27 =	vld [tilespmem:s17+$0x140]  }
0x219: {  	[tilespmem:s17+$0x10] =	vst v26;
	v17 =	vmul.f32 v12, v9;
	v26 =	vld [tilespmem:s17+$0x150]  }
.Ltmp3:
0x21a: {  	[tilespmem:s17+$0x20] =	vst v23;
	v10 =	vmul.f32 v24, v9;
	v21 =	vld [tilespmem:s17+$0x160];
	(pc) =	sbr.rel @p0 .LBB2_9-.Ltmp3, $4  }
0x21b: {  	[tilespmem:s17+$0x30] =	vst v28;
	v12 =	vmul.f32 v29, v7;
	v22 =	vld [tilespmem:s17+$0x170]  }
0x21c: {  	[tilespmem:s17+$0x40] =	vst v32;
	v9 =	vmul.f32 v25, v7;
	v23 =	vld [tilespmem:s17+$0x180]  }
0x21d: {  	[tilespmem:s17+$0x50] =	vst v30;
	v7 =	vmul.f32 v27, v6;
	v24 =	vld [tilespmem:s17+$0x190]  }
0x21e: {  	s22 =	sadd.s32 $0x80, s22;
	[tilespmem:s17+$0x60] =	vst v34;
	v6 =	vmul.f32 v26, v6;
	v25 =	vld [tilespmem:s17+$0x1A0]  }
0x21f: {  	[tilespmem:s17+$0x70] =	vst v20  }
0x220: {  	[tilespmem:s17+$0x80] =	vst v19  }
0x221: {  	v20 =	vld [tilespmem:s17+$0x1B0];
	[tilespmem:s17+$0x90] =	vst v18  }
0x222: {  	v19 =	vld [tilespmem:s17+$0x1C0];
	[tilespmem:s17+$0xA0] =	vst v13  }
0x223: {  	v18 =	vld [tilespmem:s17+$0x1D0];
	[tilespmem:s17+$0xB0] =	vst v8  }
0x224: {  	v13 =	vld [tilespmem:s17+$0x1E0];
	[tilespmem:s18+$0xC0] =	vst v14  }
0x225: {  	[tilespmem:s18+$0xD0] =	vst v11  }
0x226: {  	[tilespmem:s18+$0xE0] =	vst v15  }
0x227: {  	[tilespmem:s18+$0xF0] =	vst v16  }
0x228: {  	[tilespmem:s18+$0x100] =	vst v17  }
0x229: {  	[tilespmem:s18+$0x110] =	vst v10  }
0x22a: {  	[tilespmem:s18+$0x120] =	vst v12  }
0x22b: {  	[tilespmem:s18+$0x130] =	vst v9  }
0x22c: {  	v8 =	vmul.f32 v21, v5;
	[tilespmem:s18+$0x140] =	vst v7  }
0x22d: {  	v5 =	vmul.f32 v22, v5;
	[tilespmem:s18+$0x150] =	vst v6  }
0x22e: {  	v6 =	vmul.f32 v23, v4;
	[tilespmem:s18+$0x160] =	vst v8  }
0x22f: {  	v4 =	vmul.f32 v24, v4;
	[tilespmem:s18+$0x170] =	vst v5  }
0x230: {  	v5 =	vmul.f32 v25, v3;
	[tilespmem:s18+$0x180] =	vst v6  }
0x231: {  	v3 =	vmul.f32 v20, v3;
	[tilespmem:s18+$0x190] =	vst v4  }
0x232: {  	v4 =	vmul.f32 v19, v2;
	[tilespmem:s18+$0x1A0] =	vst v5  }
0x233: {  	v2 =	vmul.f32 v18, v2;
	[tilespmem:s18+$0x1B0] =	vst v3  }
0x234: {  	v1 =	vmul.f32 v13, v1;
	[tilespmem:s18+$0x1C0] =	vst v4  }
0x235: {  	[tilespmem:s18+$0x1D0] =	vst v2  }
0x236: {  	s11 =	simm.s32 $0x900;
	[tilespmem:s18+$0x1E0] =	vst v1  }
0x237: {  	[spmem:s2] =	stream.indirect.scatter.add.f32 [tilespmem:s14], [sflag:$0x8], $0x20, s11, s1, $0xb8;
	[tilespmem:$0x1E600] =	vst v63  }
0x238: {  	s15 =	simm.s32 $0xD00  }
0x239: {  	[spmem:s3] =	stream.indirect.scatter.add.f32 [tilespmem:s15], [sflag:$0x8], $0x1, s11, s1, $0xb8;
	[tilespmem:$0x1E600] =	vst v63  }
0x23a: {  	s26 =	simm.s32 $0x980;
	s29 =	simm.s32 $0x4000  }
0x23b: {  	[spmem:s2] =	stream.indirect.scatter.add.f32 [tilespmem:s29], [sflag:$0x8], $0x20, s26, s1, $0xb8;
	[tilespmem:$0x1E600] =	vst v63  }
0x23c: {  	s17 =	simm.s32 $0xD80  }
0x23d: {  	[spmem:s3] =	stream.indirect.scatter.add.f32 [tilespmem:s17], [sflag:$0x8], $0x1, s26, s1, $0xb8;
	[tilespmem:$0x1E600] =	vst v63  }
0x23e: {  	_ =	swait.ge [sflag:s19], $0x1000  }
0x23f: {  	[sflag:s19] =	ssyncset.done $0x0  }
0x240: {  	[sflag:s19] =	ssyncadd.s32 $0xFFFFF000  }
0x241: {  	_ =	swait.ge [sflag:s19], $0x80  }
0x242: {  	[sflag:s19] =	ssyncset.done $0x0  }
0x243: {  	[sflag:s19] =	ssyncadd.s32 $0xFFFFFF80  }
0x244: {  	_ =	swait.ge [sflag:s19], $0x1000  }
0x245: {  	[sflag:s19] =	ssyncset.done $0x0  }
0x246: {  	[sflag:s19] =	ssyncadd.s32 $0xFFFFF000  }
0x247: {  	_ =	swait.ge [sflag:s19], $0x80  }
0x248: {  	[sflag:s19] =	ssyncset.done $0x0  }
0x249: {  	[sflag:s19] =	ssyncadd.s32 $0xFFFFFF80  }
0x24a: {  	_ =	swait.ge [sflag:s20], $0x100  }
0x24b: {  	[sflag:s20] =	ssyncset.done $0x0  }
0x24c: {  	[sflag:s20] =	ssyncadd.s32 $0xFFFFFF00  }
0x24d: {  	_ =	swait.ge [sflag:s20], $0x100  }
0x24e: {  	[sflag:s20] =	ssyncset.done $0x0  }
0x24f: {  	[sflag:s20] =	ssyncadd.s32 $0xFFFFFF00  }
0x250: {  	_ =	swait.ge [sflag:s20], $0x100  }
0x251: {  	[sflag:s20] =	ssyncset.done $0x0  }
0x252: {  	[sflag:s20] =	ssyncadd.s32 $0xFFFFFF00  }
0x253: {  	_ =	swait.ge [sflag:s20], $0x100  }
0x254: {  	[sflag:s20] =	ssyncset.done $0x0;
	s11 =	sld [smem:$0x7F9]  }
0x255: {  	p0 =	seq.s32 s25, $0x30;
	s18 =	simm.s32 $0x300;
	[sflag:s20] =	ssyncadd.s32 $0xFFFFFF00  }
0x256: {  	[tilespmem:s14], [sflag:$0x6] =	stream.indirect.gather [hbm4b:s5+s0], $0x20, s18, s0, $0xb8;
	[tilespmem:$0x1E600] =	vst v63  }
0x257: {  	s11 =	sadd.s32 @!p0 s16, s11  }
0x258: {  	s11 =	sshrl.u32 @!p0 s11, $0x3  }
0x259: {  	s17 =	simm.s32 @!p0 $0x0;
	s15 =	sadd.s32 @!p0 s7, s11  }
0x25a: {  	[tilespmem:s17], [sflag:$0x1] =	stream.linear.gather @!p0 [hbm4b:s15+s17], $0x100, $0x38;
	[tilespmem:$0x1E600] =	vst v63  }
0x25b: {  	s18 =	simm.s32 @!p0 $0x400;
	s15 =	sadd.s32 @!p0 s8, s11  }
0x25c: {  	[tilespmem:s18], [sflag:$0x1] =	stream.linear.gather @!p0 [hbm4b:s15+s17], $0x100, $0x38;
	[tilespmem:$0x1E600] =	vst v63  }
0x25d: {  	s30 =	simm.s32 $0x0;
	s15 =	sadd.s32 @!p0 s6, s11;
	s18 =	simm.s32 @!p0 $0x800  }
0x25e: {  	[tilespmem:s18], [sflag:$0x1] =	stream.linear.gather @!p0 [hbm4b:s15+s17], $0x100, $0x38;
	[tilespmem:$0x1E600] =	vst v63  }
0x25f: {  	s22 =	sand.u32 $0x200, s30;
	s11 =	sadd.s32 @!p0 s9, s11;
	s15 =	simm.s32 @!p0 $0xC00  }
0x260: {  	[tilespmem:s15], [sflag:$0x1] =	stream.linear.gather @!p0 [hbm4b:s11+s17], $0x100, $0x38;
	[tilespmem:$0x1E600] =	vst v63  }
0x261: {  	s11 =	sshrl.u32 s22, $0x2;
	_ =	swait.ge [sflag:s23], $0x2000  }
0x262: {  	s26 =	sand.u32 $0x60, s30;
	s11 =	sor.u32 $0x600, s11;
	[sflag:s23] =	ssyncset.done $0x0  }
0x263: {  	s15 =	sor.u32 s26, s11;
	[sflag:s23] =	ssyncadd.s32 $0xFFFFE000  }
0x264: {  	s17 =	simm.s32 $0x1200;
	v2 =	vld [tilespmem:s15+$0x0]  }
0x265: {  	v1 =	vld [tilespmem:s17+$0xFFFFFE00]  }
0x266: {  	v3 =	vld [tilespmem:s17+$0xFFFFFE10]  }
0x267: {  	v4 =	vld [tilespmem:s17+$0xFFFFFE20]  }
0x268: {  	v5 =	vld [tilespmem:s17+$0xFFFFFE30]  }
0x269: {  	v6 =	vld [tilespmem:s17+$0xFFFFFE40]  }
0x26a: {  	v7 =	vld [tilespmem:s17+$0xFFFFFE50]  }
0x26b: {  	v8 =	vld [tilespmem:s17+$0xFFFFFE60]  }
0x26c: {  	v9 =	vld [tilespmem:s17+$0xFFFFFE70]  }
0x26d: {  	v10 =	vld [tilespmem:s17+$0xFFFFFE80]  }
0x26e: {  	v11 =	vld [tilespmem:s17+$0xFFFFFE90]  }
0x26f: {  	v12 =	vld [tilespmem:s17+$0xFFFFFEA0]  }
0x270: {  	v13 =	vld [tilespmem:s17+$0xFFFFFEB0]  }
0x271: {  	v14 =	vld [tilespmem:s17+$0xFFFFFEC0]  }
0x272: {  	v15 =	vld [tilespmem:s17+$0xFFFFFED0]  }
0x273: {  	v16 =	vld [tilespmem:s17+$0xFFFFFEE0]  }
0x274: {  	v17 =	vld [tilespmem:s17+$0xFFFFFEF0]  }
0x275: {  	v19 =	vld [tilespmem:s17+$0xFFFFFF00]  }
0x276: {  	v20 =	vld [tilespmem:s17+$0xFFFFFF10];
	v18 =	vbroadcast v2, $0x0  }
0x277: {  	v21 =	vld [tilespmem:s17+$0xFFFFFF20];
	v23 =	vbroadcast v2, $0x1;
	v25 =	vbroadcast v2, $0x5  }
0x278: {  	v22 =	vld [tilespmem:s17+$0xFFFFFF30];
	v27 =	vbroadcast v2, $0x7;
	v1 =	vmul.f32 v18, v1  }
0x279: {  	v26 =	vld [tilespmem:s17+$0xFFFFFFD0];
	v29 =	vbroadcast v2, $0x8;
	v3 =	vmul.f32 v3, v18  }
0x27a: {  	v28 =	vld [tilespmem:s17+$0x10];
	v30 =	vbroadcast v2, $0x9;
	v5 =	vmul.f32 v5, v23;
	[tilespmem:s17+$0xFFFFFE00] =	vst v1  }
0x27b: {  	v31 =	vld [tilespmem:s17+$0x20];
	v32 =	vbroadcast v2, $0xA;
	v12 =	vmul.f32 v12, v25;
	[tilespmem:s17+$0xFFFFFE10] =	vst v3  }
0x27c: {  	s29 =	simm.s32 $0x10;
	v34 =	vld [tilespmem:s17+$0x30];
	v1 =	vmul.f32 v4, v23;
	v4 =	vbroadcast v2, $0x2;
	[tilespmem:s17+$0xFFFFFE30] =	vst v5  }
0x27d: {  	s15 =	sand.u32 $0x70, s29;
	v33 =	vbroadcast v2, $0xB;
	v17 =	vmul.f32 v17, v27;
	v3 =	vld [tilespmem:s17+$0xFFFFFF50];
	[tilespmem:s17+$0xFFFFFEA0] =	vst v12  }
0x27e: {  	s11 =	sor.u32 s15, s11;
	v12 =	vld [tilespmem:s17+$0xFFFFFFE0];
	[tilespmem:s17+$0xFFFFFE20] =	vst v1;
	v1 =	vmul.f32 v6, v4;
	v6 =	vbroadcast v2, $0x3  }
0x27f: {  	v24 =	vld [tilespmem:s11+$0x0];
	v35 =	vbroadcast v2, $0xC;
	[tilespmem:s17+$0xFFFFFEF0] =	vst v17;
	v4 =	vmul.f32 v7, v4  }
0x280: {  	v37 =	vld [tilespmem:s17+$0x40];
	v36 =	vbroadcast v2, $0xD;
	[tilespmem:s17+$0xFFFFFE40] =	vst v1;
	v1 =	vmul.f32 v8, v6  }
0x281: {  	v40 =	vbroadcast v2, $0xF;
	v7 =	vld [tilespmem:s17+$0xFFFFFF80];
	[tilespmem:s17+$0xFFFFFE50] =	vst v4;
	v6 =	vmul.f32 v9, v6  }
0x282: {  	v39 =	vld [tilespmem:s17+$0x50];
	v4 =	vbroadcast v2, $0x4;
	v3 =	vmul.f32 v3, v32;
	[tilespmem:s17+$0xFFFFFE60] =	vst v1  }
0x283: {  	v38 =	vbroadcast v2, $0xE;
	v8 =	vld [tilespmem:s17+$0xFFFFFF90];
	v12 =	vmul.f32 v12, v40;
	[tilespmem:s17+$0xFFFFFE70] =	vst v6  }
0x284: {  	v41 =	vbroadcast v24, $0x1;
	v9 =	vld [tilespmem:s17+$0xFFFFFFA0];
	v1 =	vmul.f32 v10, v4;
	[tilespmem:s17+$0xFFFFFF50] =	vst v3  }
0x285: {  	v42 =	vbroadcast v24, $0x3;
	v10 =	vld [tilespmem:s17+$0x1F0];
	v4 =	vmul.f32 v11, v4;
	[tilespmem:s17+$0xFFFFFFE0] =	vst v12  }
0x286: {  	v44 =	vbroadcast v24, $0x4;
	v11 =	vld [tilespmem:s17+$0xFFFFFFC0];
	v7 =	vmul.f32 v7, v35;
	[tilespmem:s17+$0xFFFFFE80] =	vst v1  }
0x287: {  	v58 =	vbroadcast v24, $0x5;
	v6 =	vld [tilespmem:s17+$0xFFFFFFB0];
	[tilespmem:s17+$0xFFFFFE90] =	vst v4;
	v4 =	vmul.f32 v13, v25  }
0x288: {  	v43 =	vld [tilespmem:s17+$0x90];
	v1 =	vbroadcast v24, $0xF;
	v8 =	vmul.f32 v8, v35;
	[tilespmem:s17+$0xFFFFFF80] =	vst v7  }
0x289: {  	v45 =	vld [tilespmem:s17+$0xB0];
	v46 =	vbroadcast v24, $0x6;
	v9 =	vmul.f32 v9, v36;
	[tilespmem:s17+$0xFFFFFEB0] =	vst v4  }
0x28a: {  	v59 =	vld [tilespmem:s17+$0xC0];
	v47 =	vbroadcast v24, $0x7;
	v10 =	vmul.f32 v10, v1;
	[tilespmem:s17+$0xFFFFFF90] =	vst v8  }
0x28b: {  	v48 =	vld [tilespmem:s17+$0xD0];
	v8 =	vmul.f32 v11, v38;
	v11 =	vmul.f32 v31, v41;
	[tilespmem:s17+$0xFFFFFFA0] =	vst v9  }
0x28c: {  	v60 =	vld [tilespmem:s17+$0xE0];
	v49 =	vbroadcast v24, $0x8;
	v6 =	vmul.f32 v6, v36;
	[tilespmem:s17+$0x1F0] =	vst v10  }
0x28d: {  	v51 =	vld [tilespmem:s17+$0xF0];
	v4 =	vbroadcast v2, $0x6;
	v9 =	vmul.f32 v34, v41;
	[tilespmem:s17+$0x20] =	vst v11  }
0x28e: {  	v62 =	vld [tilespmem:s17+$0x140];
	v50 =	vbroadcast v24, $0x9;
	v52 =	vbroadcast v24, $0xA;
	[tilespmem:s17+$0xFFFFFFB0] =	vst v6  }
0x28f: {  	v3 =	vbroadcast v24, $0xD;
	v7 =	vld [tilespmem:s17+$0x130];
	v14 =	vmul.f32 v14, v4;
	[tilespmem:s17+$0x30] =	vst v9  }
0x290: {  	v18 =	vld [tilespmem:s17+$0xFFFFFF40];
	v13 =	vbroadcast v24, $0x0;
	v2 =	vmul.f32 v15, v4;
	[tilespmem:s17+$0xFFFFFFC0] =	vst v8  }
0x291: {  	v5 =	vld [tilespmem:s17+$0xFFFFFF70];
	v4 =	vmul.f32 v16, v27;
	v16 =	vbroadcast v24, $0x2;
	[tilespmem:s17+$0xFFFFFEC0] =	vst v14  }
0x292: {  	v25 =	vld [tilespmem:s17+$0x0];
	v8 =	vmul.f32 v45, v58;
	[tilespmem:s17+$0xFFFFFED0] =	vst v2;
	v2 =	vmul.f32 v19, v29  }
0x293: {  	v15 =	vld [tilespmem:s17+$0x60];
	v11 =	vmul.f32 v48, v46;
	[tilespmem:s17+$0xFFFFFEE0] =	vst v4;
	v4 =	vmul.f32 v20, v29  }
0x294: {  	v23 =	vld [tilespmem:s17+$0xFFFFFF60];
	v19 =	vmul.f32 v21, v30;
	v9 =	vmul.f32 v7, v50;
	[tilespmem:s17+$0xFFFFFF00] =	vst v2  }
0x295: {  	v61 =	vld [tilespmem:s17+$0x100];
	v7 =	vmul.f32 v62, v52;
	v2 =	vmul.f32 v22, v30;
	[tilespmem:s17+$0xFFFFFF10] =	vst v4  }
0x296: {  	v10 =	vld [tilespmem:s17+$0xFFFFFFF0];
	v4 =	vmul.f32 v18, v32;
	[tilespmem:s17+$0xFFFFFF20] =	vst v19;
	v18 =	vmul.f32 v5, v33  }
0x297: {  	v27 =	vld [tilespmem:s17+$0x80];
	v5 =	vbroadcast v24, $0xB;
	v19 =	vmul.f32 v13, v25;
	[tilespmem:s17+$0xFFFFFF30] =	vst v2  }
0x298: {  	v17 =	vld [tilespmem:s17+$0xA0];
	v13 =	vmul.f32 v28, v13;
	v6 =	vmul.f32 v15, v42;
	[tilespmem:s17+$0xFFFFFF40] =	vst v4  }
0x299: {  	v53 =	vld [tilespmem:s17+$0x110];
	v15 =	vmul.f32 v60, v47;
	v2 =	vmul.f32 v23, v33;
	[tilespmem:s17+$0xFFFFFF70] =	vst v18  }
0x29a: {  	v14 =	vld [tilespmem:s17+$0x70];
	v4 =	vbroadcast v24, $0xC;
	[tilespmem:s17+$0x0] =	vst v19;
	v23 =	vmul.f32 v26, v38  }
0x29b: {  	v25 =	vld [tilespmem:s17+$0x120];
	[tilespmem:s17+$0x10] =	vst v13;
	v63 =	vmul.f32 v10, v40;
	v10 =	vmul.f32 v37, v16  }
0x29c: {  	v26 =	vld [tilespmem:s17+$0x150];
	v19 =	vmul.f32 v27, v44;
	v18 =	vmul.f32 v43, v44;
	[tilespmem:s17+$0x60] =	vst v6  }
0x29d: {  	v21 =	vld [tilespmem:s17+$0x160];
	v13 =	vmul.f32 v17, v58;
	v17 =	vmul.f32 v61, v49;
	[tilespmem:s17+$0xFFFFFF60] =	vst v2  }
0x29e: {  	v22 =	vld [tilespmem:s17+$0x170];
	v2 =	vbroadcast v24, $0xE;
	v24 =	vmul.f32 v39, v16;
	[tilespmem:s17+$0x40] =	vst v10  }
0x29f: {  	v20 =	vmul.f32 v14, v42;
	v14 =	vmul.f32 v59, v46;
	[tilespmem:s17+$0xFFFFFFD0] =	vst v23;
	v23 =	vld [tilespmem:s17+$0x180]  }
0x2a0: {  	s21 =	simm.s32 $0x900;
	v16 =	vmul.f32 v51, v47;
	v10 =	vmul.f32 v53, v49;
	[tilespmem:s17+$0x50] =	vst v24;
	v24 =	vld [tilespmem:s17+$0x190]  }
0x2a1: {  	s18 =	simm.s32 $0x1200;
	s22 =	simm.s32 $0x80;
	s15 =	simm.s32 $0x0;
	[tilespmem:s17+$0xFFFFFFF0] =	vst v63;
	v12 =	vmul.f32 v25, v50;
	v25 =	vld [tilespmem:s17+$0x1A0];
	v6 =	vmul.f32 v26, v52  }
.LBB2_11:
0x2a2: {  	s11 =	sand.u32 $0x200, s22;
	s15 =	sadd.s32 $0x2, s15;
	[tilespmem:s17+$0x70] =	vst v20;
	v20 =	vmul.f32 v21, v5;
	v21 =	vld [tilespmem:s17+$0x1B0];
	s30 =	sadd.s32 $0x20, s30  }
0x2a3: {  	s11 =	sshrl.u32 s11, $0x2;
	s26 =	sadd.s32 $0x10, s30;
	p1 =	slt.u32 s15, $0xE;
	[tilespmem:s17+$0x80] =	vst v19;
	v5 =	vmul.f32 v22, v5;
	v19 =	vld [tilespmem:s17+$0x1C0]  }
0x2a4: {  	s29 =	sand.u32 $0x60, s30;
	s11 =	sor.u32 $0x600, s11;
	s26 =	sand.u32 $0x70, s26;
	[tilespmem:s17+$0x90] =	vst v18;
	v18 =	vmul.f32 v23, v4;
	v22 =	vld [tilespmem:s17+$0x1D0]  }
0x2a5: {  	s29 =	sor.u32 s29, s11;
	s11 =	sor.u32 s26, s11;
	[tilespmem:s17+$0xA0] =	vst v13;
	v4 =	vmul.f32 v24, v4;
	v13 =	vld [tilespmem:s17+$0x1E0]  }
0x2a6: {  	v23 =	vld [tilespmem:s11+$0x0];
	[tilespmem:s17+$0xB0] =	vst v8;
	v24 =	vmul.f32 v25, v3  }
0x2a7: {  	s17 =	sadd.s32 $0x400, s17;
	v25 =	vld [tilespmem:s29+$0x0];
	[tilespmem:s18+$0xC0] =	vst v14;
	v3 =	vmul.f32 v21, v3  }
0x2a8: {  	v14 =	vld [tilespmem:s17+$0x1F0];
	[tilespmem:s18+$0xD0] =	vst v11;
	v19 =	vmul.f32 v19, v2  }
0x2a9: {  	v21 =	vld [tilespmem:s17+$0xFFFFFE00];
	[tilespmem:s18+$0xE0] =	vst v15;
	v2 =	vmul.f32 v22, v2  }
0x2aa: {  	v22 =	vld [tilespmem:s17+$0xFFFFFE10];
	[tilespmem:s18+$0xF0] =	vst v16;
	v26 =	vmul.f32 v13, v1  }
0x2ab: {  	v27 =	vld [tilespmem:s17+$0xFFFFFE20];
	v8 =	vbroadcast v23, $0x0;
	v1 =	vbroadcast v23, $0xF;
	[tilespmem:s18+$0x100] =	vst v17  }
0x2ac: {  	v17 =	vbroadcast v25, $0x0;
	v28 =	vbroadcast v25, $0x1;
	v29 =	vld [tilespmem:s17+$0xFFFFFE30];
	[tilespmem:s18+$0x110] =	vst v10  }
0x2ad: {  	v30 =	vbroadcast v25, $0x2;
	v31 =	vld [tilespmem:s17+$0xFFFFFE40];
	v10 =	vmul.f32 v14, v1;
	[tilespmem:s18+$0x120] =	vst v12  }
0x2ae: {  	v33 =	vbroadcast v25, $0x3;
	v34 =	vbroadcast v25, $0x4;
	v32 =	vld [tilespmem:s17+$0xFFFFFE50];
	[tilespmem:s18+$0x130] =	vst v9  }
0x2af: {  	v36 =	vbroadcast v25, $0x5;
	v37 =	vbroadcast v25, $0x6;
	v35 =	vld [tilespmem:s17+$0xFFFFFE60];
	[tilespmem:s17+$0x1F0] =	vst v10  }
0x2b0: {  	v39 =	vbroadcast v25, $0x7;
	v40 =	vbroadcast v25, $0x8;
	v38 =	vld [tilespmem:s17+$0xFFFFFE70];
	[tilespmem:s18+$0x140] =	vst v7  }
0x2b1: {  	v42 =	vbroadcast v25, $0x9;
	v43 =	vbroadcast v25, $0xA;
	v41 =	vld [tilespmem:s17+$0xFFFFFE80];
	[tilespmem:s18+$0x150] =	vst v6  }
0x2b2: {  	v45 =	vbroadcast v25, $0xB;
	v46 =	vbroadcast v25, $0xC;
	v44 =	vld [tilespmem:s17+$0xFFFFFE90];
	[tilespmem:s18+$0x160] =	vst v20  }
0x2b3: {  	v47 =	vbroadcast v25, $0xD;
	v48 =	vbroadcast v25, $0xE;
	v20 =	vld [tilespmem:s17+$0xFFFFFEA0];
	[tilespmem:s18+$0x170] =	vst v5  }
0x2b4: {  	v16 =	vbroadcast v23, $0x1;
	v25 =	vbroadcast v25, $0xF;
	v49 =	vld [tilespmem:s17+$0xFFFFFEB0];
	[tilespmem:s18+$0x180] =	vst v18  }
0x2b5: {  	v15 =	vbroadcast v23, $0x2;
	v14 =	vbroadcast v23, $0x3;
	v18 =	vld [tilespmem:s17+$0xFFFFFEC0];
	[tilespmem:s18+$0x190] =	vst v4  }
0x2b6: {  	v13 =	vbroadcast v23, $0x4;
	v12 =	vbroadcast v23, $0x5;
	v50 =	vld [tilespmem:s17+$0xFFFFFED0];
	[tilespmem:s18+$0x1A0] =	vst v24  }
0x2b7: {  	v11 =	vbroadcast v23, $0x6;
	v10 =	vbroadcast v23, $0x7;
	v24 =	vld [tilespmem:s17+$0xFFFFFEE0];
	[tilespmem:s18+$0x1B0] =	vst v3  }
0x2b8: {  	v9 =	vbroadcast v23, $0x8;
	v7 =	vbroadcast v23, $0x9;
	v51 =	vld [tilespmem:s17+$0xFFFFFEF0];
	[tilespmem:s18+$0x1C0] =	vst v19  }
0x2b9: {  	v6 =	vbroadcast v23, $0xA;
	v5 =	vbroadcast v23, $0xB;
	v19 =	vld [tilespmem:s17+$0xFFFFFF00];
	[tilespmem:s18+$0x1D0] =	vst v2  }
0x2ba: {  	v4 =	vbroadcast v23, $0xC;
	v3 =	vbroadcast v23, $0xD;
	v52 =	vld [tilespmem:s17+$0xFFFFFF10];
	[tilespmem:s18+$0x1E0] =	vst v26;
	s18 =	smov.u32 s17  }
0x2bb: {  	v21 =	vmul.f32 v17, v21;
	v2 =	vbroadcast v23, $0xE;
	v26 =	vld [tilespmem:s17+$0xFFFFFF20]  }
0x2bc: {  	v17 =	vmul.f32 v22, v17;
	v22 =	vmul.f32 v27, v28;
	v23 =	vld [tilespmem:s17+$0xFFFFFF30]  }
0x2bd: {  	v27 =	vmul.f32 v31, v30;
	[tilespmem:s17+$0xFFFFFE00] =	vst v21;
	v21 =	vmul.f32 v29, v28;
	v28 =	vld [tilespmem:s17+$0xFFFFFF40]  }
0x2be: {  	v29 =	vmul.f32 v35, v33;
	[tilespmem:s17+$0xFFFFFE10] =	vst v17;
	v17 =	vmul.f32 v32, v30;
	v30 =	vld [tilespmem:s17+$0xFFFFFF50]  }
0x2bf: {  	v31 =	vmul.f32 v41, v34;
	[tilespmem:s17+$0xFFFFFE20] =	vst v22;
	v22 =	vmul.f32 v38, v33;
	v32 =	vld [tilespmem:s17+$0xFFFFFF60]  }
0x2c0: {  	v20 =	vmul.f32 v20, v36;
	[tilespmem:s17+$0xFFFFFE30] =	vst v21;
	v21 =	vmul.f32 v44, v34;
	v33 =	vld [tilespmem:s17+$0xFFFFFF70]  }
0x2c1: {  	v18 =	vmul.f32 v18, v37;
	[tilespmem:s17+$0xFFFFFE40] =	vst v27;
	v27 =	vmul.f32 v49, v36;
	v34 =	vld [tilespmem:s17+$0xFFFFFF80]  }
0x2c2: {  	v24 =	vmul.f32 v24, v39;
	[tilespmem:s17+$0xFFFFFE50] =	vst v17;
	v17 =	vmul.f32 v50, v37;
	v35 =	vld [tilespmem:s17+$0xFFFFFF90]  }
0x2c3: {  	v19 =	vmul.f32 v19, v40;
	[tilespmem:s17+$0xFFFFFE60] =	vst v29;
	v29 =	vmul.f32 v51, v39;
	v36 =	vld [tilespmem:s17+$0xFFFFFFA0]  }
0x2c4: {  	v26 =	vmul.f32 v26, v42;
	[tilespmem:s17+$0xFFFFFE70] =	vst v22;
	v22 =	vmul.f32 v52, v40;
	v37 =	vld [tilespmem:s17+$0xFFFFFFB0]  }
0x2c5: {  	v23 =	vmul.f32 v23, v42;
	v28 =	vmul.f32 v28, v43;
	[tilespmem:s17+$0xFFFFFE80] =	vst v31;
	v31 =	vld [tilespmem:s17+$0xFFFFFFC0]  }
0x2c6: {  	[tilespmem:s17+$0xFFFFFE90] =	vst v21;
	v21 =	vmul.f32 v30, v43;
	v30 =	vmul.f32 v32, v45;
	v32 =	vld [tilespmem:s17+$0xFFFFFFD0]  }
0x2c7: {  	[tilespmem:s17+$0xFFFFFEA0] =	vst v20;
	v20 =	vmul.f32 v33, v45;
	v33 =	vmul.f32 v34, v46;
	v34 =	vld [tilespmem:s17+$0xFFFFFFE0]  }
0x2c8: {  	[tilespmem:s17+$0xFFFFFEB0] =	vst v27;
	v27 =	vmul.f32 v35, v46;
	v35 =	vmul.f32 v36, v47;
	v36 =	vld [tilespmem:s17+$0xFFFFFFF0]  }
0x2c9: {  	[tilespmem:s17+$0xFFFFFEC0] =	vst v18;
	v37 =	vmul.f32 v37, v47;
	v18 =	vld [tilespmem:s17+$0x0]  }
0x2ca: {  	[tilespmem:s17+$0xFFFFFED0] =	vst v17;
	v17 =	vmul.f32 v31, v48;
	v31 =	vld [tilespmem:s17+$0x10]  }
0x2cb: {  	[tilespmem:s17+$0xFFFFFEE0] =	vst v24;
	v24 =	vmul.f32 v32, v48;
	v32 =	vld [tilespmem:s17+$0x20]  }
0x2cc: {  	[tilespmem:s17+$0xFFFFFEF0] =	vst v29;
	v29 =	vmul.f32 v34, v25;
	v34 =	vld [tilespmem:s17+$0x30]  }
0x2cd: {  	[tilespmem:s17+$0xFFFFFF00] =	vst v19;
	v25 =	vmul.f32 v36, v25;
	v19 =	vld [tilespmem:s17+$0x40]  }
0x2ce: {  	[tilespmem:s17+$0xFFFFFF10] =	vst v22;
	v22 =	vmul.f32 v8, v18;
	v18 =	vld [tilespmem:s17+$0x50]  }
0x2cf: {  	[tilespmem:s17+$0xFFFFFF20] =	vst v26;
	v26 =	vmul.f32 v31, v8;
	v8 =	vld [tilespmem:s17+$0x60]  }
0x2d0: {  	[tilespmem:s17+$0xFFFFFF30] =	vst v23;
	v23 =	vmul.f32 v32, v16;
	v31 =	vld [tilespmem:s17+$0x70]  }
0x2d1: {  	[tilespmem:s17+$0xFFFFFF40] =	vst v28;
	v28 =	vmul.f32 v34, v16;
	v16 =	vld [tilespmem:s17+$0x80]  }
0x2d2: {  	[tilespmem:s17+$0xFFFFFF50] =	vst v21;
	v32 =	vmul.f32 v19, v15;
	v21 =	vld [tilespmem:s17+$0x90]  }
0x2d3: {  	[tilespmem:s17+$0xFFFFFF60] =	vst v30;
	v30 =	vmul.f32 v18, v15;
	v15 =	vld [tilespmem:s17+$0xA0]  }
0x2d4: {  	[tilespmem:s17+$0xFFFFFF70] =	vst v20;
	v34 =	vmul.f32 v8, v14;
	v8 =	vld [tilespmem:s17+$0xB0]  }
0x2d5: {  	[tilespmem:s17+$0xFFFFFF80] =	vst v33;
	v20 =	vmul.f32 v31, v14;
	v14 =	vld [tilespmem:s17+$0xC0]  }
0x2d6: {  	[tilespmem:s17+$0xFFFFFF90] =	vst v27;
	v19 =	vmul.f32 v16, v13;
	v16 =	vld [tilespmem:s17+$0xD0]  }
0x2d7: {  	[tilespmem:s17+$0xFFFFFFA0] =	vst v35;
	v18 =	vmul.f32 v21, v13;
	v21 =	vld [tilespmem:s17+$0xE0]  }
0x2d8: {  	[tilespmem:s17+$0xFFFFFFB0] =	vst v37;
	v13 =	vmul.f32 v15, v12;
	v27 =	vld [tilespmem:s17+$0xF0]  }
0x2d9: {  	[tilespmem:s17+$0xFFFFFFC0] =	vst v17;
	v8 =	vmul.f32 v8, v12;
	v12 =	vld [tilespmem:s17+$0x100]  }
0x2da: {  	[tilespmem:s17+$0xFFFFFFD0] =	vst v24;
	v14 =	vmul.f32 v14, v11;
	v24 =	vld [tilespmem:s17+$0x110]  }
0x2db: {  	[tilespmem:s17+$0xFFFFFFE0] =	vst v29;
	v11 =	vmul.f32 v16, v11;
	v29 =	vld [tilespmem:s17+$0x120]  }
0x2dc: {  	[tilespmem:s17+$0xFFFFFFF0] =	vst v25;
	v15 =	vmul.f32 v21, v10;
	v25 =	vld [tilespmem:s17+$0x130]  }
0x2dd: {  	[tilespmem:s17+$0x0] =	vst v22;
	v16 =	vmul.f32 v27, v10;
	v27 =	vld [tilespmem:s17+$0x140]  }
0x2de: {  	[tilespmem:s17+$0x10] =	vst v26;
	v17 =	vmul.f32 v12, v9;
	v26 =	vld [tilespmem:s17+$0x150]  }
.Ltmp4:
0x2df: {  	[tilespmem:s17+$0x20] =	vst v23;
	v10 =	vmul.f32 v24, v9;
	v21 =	vld [tilespmem:s17+$0x160];
	(pc) =	sbr.rel @p1 .LBB2_11-.Ltmp4, $4  }
0x2e0: {  	[tilespmem:s17+$0x30] =	vst v28;
	v12 =	vmul.f32 v29, v7;
	v22 =	vld [tilespmem:s17+$0x170]  }
0x2e1: {  	[tilespmem:s17+$0x40] =	vst v32;
	v9 =	vmul.f32 v25, v7;
	v23 =	vld [tilespmem:s17+$0x180]  }
0x2e2: {  	[tilespmem:s17+$0x50] =	vst v30;
	v7 =	vmul.f32 v27, v6;
	v24 =	vld [tilespmem:s17+$0x190]  }
0x2e3: {  	s22 =	sadd.s32 $0x80, s22;
	[tilespmem:s17+$0x60] =	vst v34;
	v6 =	vmul.f32 v26, v6;
	v25 =	vld [tilespmem:s17+$0x1A0]  }
0x2e4: {  	[tilespmem:s17+$0x70] =	vst v20  }
0x2e5: {  	[tilespmem:s17+$0x80] =	vst v19  }
0x2e6: {  	v20 =	vld [tilespmem:s17+$0x1B0];
	[tilespmem:s17+$0x90] =	vst v18  }
0x2e7: {  	v19 =	vld [tilespmem:s17+$0x1C0];
	[tilespmem:s17+$0xA0] =	vst v13  }
0x2e8: {  	v18 =	vld [tilespmem:s17+$0x1D0];
	[tilespmem:s17+$0xB0] =	vst v8  }
0x2e9: {  	v13 =	vld [tilespmem:s17+$0x1E0];
	[tilespmem:s18+$0xC0] =	vst v14  }
0x2ea: {  	[tilespmem:s18+$0xD0] =	vst v11  }
0x2eb: {  	[tilespmem:s18+$0xE0] =	vst v15  }
0x2ec: {  	[tilespmem:s18+$0xF0] =	vst v16  }
0x2ed: {  	[tilespmem:s18+$0x100] =	vst v17  }
0x2ee: {  	[tilespmem:s18+$0x110] =	vst v10  }
0x2ef: {  	[tilespmem:s18+$0x120] =	vst v12  }
0x2f0: {  	[tilespmem:s18+$0x130] =	vst v9  }
0x2f1: {  	v8 =	vmul.f32 v21, v5;
	[tilespmem:s18+$0x140] =	vst v7  }
0x2f2: {  	v5 =	vmul.f32 v22, v5;
	[tilespmem:s18+$0x150] =	vst v6  }
0x2f3: {  	v6 =	vmul.f32 v23, v4;
	[tilespmem:s18+$0x160] =	vst v8  }
0x2f4: {  	v4 =	vmul.f32 v24, v4;
	[tilespmem:s18+$0x170] =	vst v5  }
0x2f5: {  	v5 =	vmul.f32 v25, v3;
	[tilespmem:s18+$0x180] =	vst v6  }
0x2f6: {  	v3 =	vmul.f32 v20, v3;
	[tilespmem:s18+$0x190] =	vst v4  }
0x2f7: {  	v4 =	vmul.f32 v19, v2;
	[tilespmem:s18+$0x1A0] =	vst v5  }
0x2f8: {  	v2 =	vmul.f32 v18, v2;
	[tilespmem:s18+$0x1B0] =	vst v3  }
0x2f9: {  	v1 =	vmul.f32 v13, v1;
	[tilespmem:s18+$0x1C0] =	vst v4  }
0x2fa: {  	[tilespmem:s18+$0x1D0] =	vst v2  }
0x2fb: {  	s30 =	simm.s32 $0xA00;
	[tilespmem:s18+$0x1E0] =	vst v1  }
0x2fc: {  	[spmem:s2] =	stream.indirect.scatter.add.f32 [tilespmem:s24], [sflag:$0x7], $0x20, s30, s1, $0xb8;
	[tilespmem:$0x1E600] =	vst v63  }
0x2fd: {  	s11 =	simm.s32 $0xE00  }
0x2fe: {  	[spmem:s3] =	stream.indirect.scatter.add.f32 [tilespmem:s11], [sflag:$0x7], $0x1, s30, s1, $0xb8;
	[tilespmem:$0x1E600] =	vst v63  }
0x2ff: {  	s17 =	simm.s32 $0x2000;
	s15 =	simm.s32 $0xA80  }
0x300: {  	[spmem:s2] =	stream.indirect.scatter.add.f32 [tilespmem:s17], [sflag:$0x7], $0x20, s15, s1, $0xb8;
	[tilespmem:$0x1E600] =	vst v63  }
0x301: {  	s18 =	simm.s32 $0xE80  }
0x302: {  	[spmem:s3] =	stream.indirect.scatter.add.f32 [tilespmem:s18], [sflag:$0x7], $0x1, s15, s1, $0xb8;
	[tilespmem:$0x1E600] =	vst v63  }
0x303: {  	_ =	swait.ge [sflag:s31], $0x1000  }
0x304: {  	[sflag:s31] =	ssyncset.done $0x0  }
0x305: {  	[sflag:s31] =	ssyncadd.s32 $0xFFFFF000  }
0x306: {  	_ =	swait.ge [sflag:s31], $0x80  }
0x307: {  	[sflag:s31] =	ssyncset.done $0x0  }
0x308: {  	[sflag:s31] =	ssyncadd.s32 $0xFFFFFF80  }
0x309: {  	_ =	swait.ge [sflag:s31], $0x1000  }
0x30a: {  	[sflag:s31] =	ssyncset.done $0x0  }
0x30b: {  	[sflag:s31] =	ssyncadd.s32 $0xFFFFF000  }
0x30c: {  	_ =	swait.ge [sflag:s31], $0x80  }
0x30d: {  	[sflag:s31] =	ssyncset.done $0x0  }
0x30e: {  	s11 =	simm.s32 @!p0 $0x1;
	[sflag:s31] =	ssyncadd.s32 $0xFFFFFF80  }
0x30f: {  	_ =	swait.ge @!p0 [sflag:s11], $0x100  }
0x310: {  	[sflag:s11] =	ssyncset.done @!p0 $0x0  }
0x311: {  	[sflag:s11] =	ssyncadd.s32 @!p0 $0xFFFFFF00  }
0x312: {  	_ =	swait.ge @!p0 [sflag:s11], $0x100  }
0x313: {  	[sflag:s11] =	ssyncset.done @!p0 $0x0  }
0x314: {  	[sflag:s11] =	ssyncadd.s32 @!p0 $0xFFFFFF00  }
0x315: {  	_ =	swait.ge @!p0 [sflag:s11], $0x100  }
0x316: {  	[sflag:s11] =	ssyncset.done @!p0 $0x0  }
0x317: {  	[sflag:s11] =	ssyncadd.s32 @!p0 $0xFFFFFF00  }
0x318: {  	_ =	swait.ge @!p0 [sflag:s11], $0x100  }
0x319: {  	s17 =	simm.s32 @!p0 $0x1000;
	[sflag:s11] =	ssyncset.done @!p0 $0x0  }
0x31a: {  	s15 =	simm.s32 @!p0 $0x0;
	[sflag:s11] =	ssyncadd.s32 @!p0 $0xFFFFFF00;
	s11 =	simm.s32 @!p0 $0x100  }
0x31b: {  	[tilespmem:s17], [sflag:$0x5] =	stream.indirect.gather @!p0 [hbm4b:s5+s11], $0x20, s15, s11, $0xb8;
	[tilespmem:$0x1E600] =	vst v63  }
0x31c: {  	s17 =	sld [smem:$0x7FA];
	_ =	sdelay $0x2  }
0x31d: {  	s16 =	sadd.s32 @!p0 s16, s17  }
0x31e: {  	s16 =	sshrl.u32 @!p0 s16, $0x3  }
0x31f: {  	s17 =	sadd.s32 @!p0 s7, s16  }
0x320: {  	[tilespmem:s11], [sflag:$0x2] =	stream.linear.gather @!p0 [hbm4b:s17+s15], $0x100, $0x38;
	[tilespmem:$0x1E600] =	vst v63  }
0x321: {  	s11 =	sadd.s32 @!p0 s8, s16;
	s17 =	simm.s32 @!p0 $0x500  }
0x322: {  	[tilespmem:s17], [sflag:$0x2] =	stream.linear.gather @!p0 [hbm4b:s11+s15], $0x100, $0x38;
	[tilespmem:$0x1E600] =	vst v63  }
0x323: {  	s11 =	sadd.s32 @!p0 s6, s16;
	s17 =	simm.s32 @!p0 $0x900  }
0x324: {  	[tilespmem:s17], [sflag:$0x2] =	stream.linear.gather @!p0 [hbm4b:s11+s15], $0x100, $0x38;
	[tilespmem:$0x1E600] =	vst v63  }
0x325: {  	s17 =	simm.s32 $0x0  }
0x326: {  	s11 =	sadd.s32 @!p0 s9, s16;
	s16 =	simm.s32 @!p0 $0xD00;
	s22 =	sand.u32 $0x200, s17  }
0x327: {  	[tilespmem:s16], [sflag:$0x2] =	stream.linear.gather @!p0 [hbm4b:s11+s15], $0x100, $0x38;
	[tilespmem:$0x1E600] =	vst v63  }
0x328: {  	s11 =	sshrl.u32 s22, $0x2;
	_ =	swait.ge [sflag:s12], $0x2000  }
0x329: {  	s26 =	sand.u32 $0x60, s17;
	s11 =	sor.u32 $0x700, s11;
	[sflag:s12] =	ssyncset.done $0x0  }
0x32a: {  	s15 =	sor.u32 s26, s11;
	[sflag:s12] =	ssyncadd.s32 $0xFFFFE000  }
0x32b: {  	s16 =	simm.s32 $0x3200;
	v2 =	vld [tilespmem:s15+$0x0]  }
0x32c: {  	v1 =	vld [tilespmem:s16+$0xFFFFFE00]  }
0x32d: {  	v3 =	vld [tilespmem:s16+$0xFFFFFE10]  }
0x32e: {  	v4 =	vld [tilespmem:s16+$0xFFFFFE20]  }
0x32f: {  	v5 =	vld [tilespmem:s16+$0xFFFFFE30]  }
0x330: {  	v6 =	vld [tilespmem:s16+$0xFFFFFE40]  }
0x331: {  	v7 =	vld [tilespmem:s16+$0xFFFFFE50]  }
0x332: {  	v8 =	vld [tilespmem:s16+$0xFFFFFE60]  }
0x333: {  	v9 =	vld [tilespmem:s16+$0xFFFFFE70]  }
0x334: {  	v10 =	vld [tilespmem:s16+$0xFFFFFE80]  }
0x335: {  	v11 =	vld [tilespmem:s16+$0xFFFFFE90]  }
0x336: {  	v12 =	vld [tilespmem:s16+$0xFFFFFEA0]  }
0x337: {  	v13 =	vld [tilespmem:s16+$0xFFFFFEB0]  }
0x338: {  	v14 =	vld [tilespmem:s16+$0xFFFFFEC0]  }
0x339: {  	v15 =	vld [tilespmem:s16+$0xFFFFFED0]  }
0x33a: {  	v16 =	vld [tilespmem:s16+$0xFFFFFEE0]  }
0x33b: {  	v17 =	vld [tilespmem:s16+$0xFFFFFEF0]  }
0x33c: {  	v19 =	vld [tilespmem:s16+$0xFFFFFF00]  }
0x33d: {  	v20 =	vld [tilespmem:s16+$0xFFFFFF10];
	v18 =	vbroadcast v2, $0x0  }
0x33e: {  	v21 =	vld [tilespmem:s16+$0xFFFFFF20];
	v23 =	vbroadcast v2, $0x1;
	v25 =	vbroadcast v2, $0x5  }
0x33f: {  	v22 =	vld [tilespmem:s16+$0xFFFFFF30];
	v27 =	vbroadcast v2, $0x7;
	v1 =	vmul.f32 v18, v1  }
0x340: {  	v26 =	vld [tilespmem:s16+$0xFFFFFFD0];
	v29 =	vbroadcast v2, $0x8;
	v3 =	vmul.f32 v3, v18  }
0x341: {  	v28 =	vld [tilespmem:s16+$0x10];
	v30 =	vbroadcast v2, $0x9;
	v5 =	vmul.f32 v5, v23;
	[tilespmem:s16+$0xFFFFFE00] =	vst v1  }
0x342: {  	v31 =	vld [tilespmem:s16+$0x20];
	v32 =	vbroadcast v2, $0xA;
	v12 =	vmul.f32 v12, v25;
	[tilespmem:s16+$0xFFFFFE10] =	vst v3  }
0x343: {  	s29 =	simm.s32 $0x10;
	v34 =	vld [tilespmem:s16+$0x30];
	v1 =	vmul.f32 v4, v23;
	v4 =	vbroadcast v2, $0x2;
	[tilespmem:s16+$0xFFFFFE30] =	vst v5  }
0x344: {  	s15 =	sand.u32 $0x70, s29;
	v33 =	vbroadcast v2, $0xB;
	v17 =	vmul.f32 v17, v27;
	v3 =	vld [tilespmem:s16+$0xFFFFFF50];
	[tilespmem:s16+$0xFFFFFEA0] =	vst v12  }
0x345: {  	s11 =	sor.u32 s15, s11;
	v12 =	vld [tilespmem:s16+$0xFFFFFFE0];
	[tilespmem:s16+$0xFFFFFE20] =	vst v1;
	v1 =	vmul.f32 v6, v4;
	v6 =	vbroadcast v2, $0x3  }
0x346: {  	v24 =	vld [tilespmem:s11+$0x0];
	v35 =	vbroadcast v2, $0xC;
	[tilespmem:s16+$0xFFFFFEF0] =	vst v17;
	v4 =	vmul.f32 v7, v4  }
0x347: {  	v37 =	vld [tilespmem:s16+$0x40];
	v36 =	vbroadcast v2, $0xD;
	[tilespmem:s16+$0xFFFFFE40] =	vst v1;
	v1 =	vmul.f32 v8, v6  }
0x348: {  	v40 =	vbroadcast v2, $0xF;
	v7 =	vld [tilespmem:s16+$0xFFFFFF80];
	[tilespmem:s16+$0xFFFFFE50] =	vst v4;
	v6 =	vmul.f32 v9, v6  }
0x349: {  	v39 =	vld [tilespmem:s16+$0x50];
	v4 =	vbroadcast v2, $0x4;
	v3 =	vmul.f32 v3, v32;
	[tilespmem:s16+$0xFFFFFE60] =	vst v1  }
0x34a: {  	v38 =	vbroadcast v2, $0xE;
	v8 =	vld [tilespmem:s16+$0xFFFFFF90];
	v12 =	vmul.f32 v12, v40;
	[tilespmem:s16+$0xFFFFFE70] =	vst v6  }
0x34b: {  	v41 =	vbroadcast v24, $0x1;
	v9 =	vld [tilespmem:s16+$0xFFFFFFA0];
	v1 =	vmul.f32 v10, v4;
	[tilespmem:s16+$0xFFFFFF50] =	vst v3  }
0x34c: {  	v42 =	vbroadcast v24, $0x3;
	v10 =	vld [tilespmem:s16+$0x1F0];
	v4 =	vmul.f32 v11, v4;
	[tilespmem:s16+$0xFFFFFFE0] =	vst v12  }
0x34d: {  	v44 =	vbroadcast v24, $0x4;
	v11 =	vld [tilespmem:s16+$0xFFFFFFC0];
	v7 =	vmul.f32 v7, v35;
	[tilespmem:s16+$0xFFFFFE80] =	vst v1  }
0x34e: {  	v58 =	vbroadcast v24, $0x5;
	v6 =	vld [tilespmem:s16+$0xFFFFFFB0];
	[tilespmem:s16+$0xFFFFFE90] =	vst v4;
	v4 =	vmul.f32 v13, v25  }
0x34f: {  	v43 =	vld [tilespmem:s16+$0x90];
	v1 =	vbroadcast v24, $0xF;
	v8 =	vmul.f32 v8, v35;
	[tilespmem:s16+$0xFFFFFF80] =	vst v7  }
0x350: {  	v45 =	vld [tilespmem:s16+$0xB0];
	v46 =	vbroadcast v24, $0x6;
	v9 =	vmul.f32 v9, v36;
	[tilespmem:s16+$0xFFFFFEB0] =	vst v4  }
0x351: {  	v59 =	vld [tilespmem:s16+$0xC0];
	v47 =	vbroadcast v24, $0x7;
	v10 =	vmul.f32 v10, v1;
	[tilespmem:s16+$0xFFFFFF90] =	vst v8  }
0x352: {  	v48 =	vld [tilespmem:s16+$0xD0];
	v8 =	vmul.f32 v11, v38;
	v11 =	vmul.f32 v31, v41;
	[tilespmem:s16+$0xFFFFFFA0] =	vst v9  }
0x353: {  	v60 =	vld [tilespmem:s16+$0xE0];
	v49 =	vbroadcast v24, $0x8;
	v6 =	vmul.f32 v6, v36;
	[tilespmem:s16+$0x1F0] =	vst v10  }
0x354: {  	v51 =	vld [tilespmem:s16+$0xF0];
	v4 =	vbroadcast v2, $0x6;
	v9 =	vmul.f32 v34, v41;
	[tilespmem:s16+$0x20] =	vst v11  }
0x355: {  	v62 =	vld [tilespmem:s16+$0x140];
	v50 =	vbroadcast v24, $0x9;
	v52 =	vbroadcast v24, $0xA;
	[tilespmem:s16+$0xFFFFFFB0] =	vst v6  }
0x356: {  	v3 =	vbroadcast v24, $0xD;
	v7 =	vld [tilespmem:s16+$0x130];
	v14 =	vmul.f32 v14, v4;
	[tilespmem:s16+$0x30] =	vst v9  }
0x357: {  	v18 =	vld [tilespmem:s16+$0xFFFFFF40];
	v13 =	vbroadcast v24, $0x0;
	v2 =	vmul.f32 v15, v4;
	[tilespmem:s16+$0xFFFFFFC0] =	vst v8  }
0x358: {  	v5 =	vld [tilespmem:s16+$0xFFFFFF70];
	v4 =	vmul.f32 v16, v27;
	v16 =	vbroadcast v24, $0x2;
	[tilespmem:s16+$0xFFFFFEC0] =	vst v14  }
0x359: {  	v25 =	vld [tilespmem:s16+$0x0];
	v8 =	vmul.f32 v45, v58;
	[tilespmem:s16+$0xFFFFFED0] =	vst v2;
	v2 =	vmul.f32 v19, v29  }
0x35a: {  	v15 =	vld [tilespmem:s16+$0x60];
	v11 =	vmul.f32 v48, v46;
	[tilespmem:s16+$0xFFFFFEE0] =	vst v4;
	v4 =	vmul.f32 v20, v29  }
0x35b: {  	v23 =	vld [tilespmem:s16+$0xFFFFFF60];
	v19 =	vmul.f32 v21, v30;
	v9 =	vmul.f32 v7, v50;
	[tilespmem:s16+$0xFFFFFF00] =	vst v2  }
0x35c: {  	v61 =	vld [tilespmem:s16+$0x100];
	v7 =	vmul.f32 v62, v52;
	v2 =	vmul.f32 v22, v30;
	[tilespmem:s16+$0xFFFFFF10] =	vst v4  }
0x35d: {  	v10 =	vld [tilespmem:s16+$0xFFFFFFF0];
	v4 =	vmul.f32 v18, v32;
	[tilespmem:s16+$0xFFFFFF20] =	vst v19;
	v18 =	vmul.f32 v5, v33  }
0x35e: {  	v27 =	vld [tilespmem:s16+$0x80];
	v5 =	vbroadcast v24, $0xB;
	v19 =	vmul.f32 v13, v25;
	[tilespmem:s16+$0xFFFFFF30] =	vst v2  }
0x35f: {  	v17 =	vld [tilespmem:s16+$0xA0];
	v13 =	vmul.f32 v28, v13;
	v6 =	vmul.f32 v15, v42;
	[tilespmem:s16+$0xFFFFFF40] =	vst v4  }
0x360: {  	v53 =	vld [tilespmem:s16+$0x110];
	v15 =	vmul.f32 v60, v47;
	v2 =	vmul.f32 v23, v33;
	[tilespmem:s16+$0xFFFFFF70] =	vst v18  }
0x361: {  	v14 =	vld [tilespmem:s16+$0x70];
	v4 =	vbroadcast v24, $0xC;
	[tilespmem:s16+$0x0] =	vst v19;
	v23 =	vmul.f32 v26, v38  }
0x362: {  	v25 =	vld [tilespmem:s16+$0x120];
	[tilespmem:s16+$0x10] =	vst v13;
	v63 =	vmul.f32 v10, v40;
	v10 =	vmul.f32 v37, v16  }
0x363: {  	v26 =	vld [tilespmem:s16+$0x150];
	v19 =	vmul.f32 v27, v44;
	v18 =	vmul.f32 v43, v44;
	[tilespmem:s16+$0x60] =	vst v6  }
0x364: {  	v21 =	vld [tilespmem:s16+$0x160];
	v13 =	vmul.f32 v17, v58;
	v17 =	vmul.f32 v61, v49;
	[tilespmem:s16+$0xFFFFFF60] =	vst v2  }
0x365: {  	v22 =	vld [tilespmem:s16+$0x170];
	v2 =	vbroadcast v24, $0xE;
	v24 =	vmul.f32 v39, v16;
	[tilespmem:s16+$0x40] =	vst v10  }
0x366: {  	v20 =	vmul.f32 v14, v42;
	v14 =	vmul.f32 v59, v46;
	[tilespmem:s16+$0xFFFFFFD0] =	vst v23;
	v23 =	vld [tilespmem:s16+$0x180]  }
0x367: {  	v16 =	vmul.f32 v51, v47;
	v10 =	vmul.f32 v53, v49;
	[tilespmem:s16+$0x50] =	vst v24;
	v24 =	vld [tilespmem:s16+$0x190]  }
0x368: {  	s18 =	simm.s32 $0x3200;
	s22 =	simm.s32 $0x80;
	s15 =	simm.s32 $0x0;
	[tilespmem:s16+$0xFFFFFFF0] =	vst v63;
	v12 =	vmul.f32 v25, v50;
	v25 =	vld [tilespmem:s16+$0x1A0];
	v6 =	vmul.f32 v26, v52  }
.LBB2_13:
0x369: {  	s11 =	sand.u32 $0x200, s22;
	s15 =	sadd.s32 $0x2, s15;
	[tilespmem:s16+$0x70] =	vst v20;
	v20 =	vmul.f32 v21, v5;
	v21 =	vld [tilespmem:s16+$0x1B0];
	s17 =	sadd.s32 $0x20, s17  }
0x36a: {  	s11 =	sshrl.u32 s11, $0x2;
	s26 =	sadd.s32 $0x10, s17;
	p0 =	slt.u32 s15, $0xE;
	[tilespmem:s16+$0x80] =	vst v19;
	v5 =	vmul.f32 v22, v5;
	v19 =	vld [tilespmem:s16+$0x1C0]  }
0x36b: {  	s29 =	sand.u32 $0x60, s17;
	s11 =	sor.u32 $0x700, s11;
	s26 =	sand.u32 $0x70, s26;
	[tilespmem:s16+$0x90] =	vst v18;
	v18 =	vmul.f32 v23, v4;
	v22 =	vld [tilespmem:s16+$0x1D0]  }
0x36c: {  	s29 =	sor.u32 s29, s11;
	s11 =	sor.u32 s26, s11;
	[tilespmem:s16+$0xA0] =	vst v13;
	v4 =	vmul.f32 v24, v4;
	v13 =	vld [tilespmem:s16+$0x1E0]  }
0x36d: {  	v23 =	vld [tilespmem:s11+$0x0];
	[tilespmem:s16+$0xB0] =	vst v8;
	v24 =	vmul.f32 v25, v3  }
0x36e: {  	s16 =	sadd.s32 $0x400, s16;
	v25 =	vld [tilespmem:s29+$0x0];
	[tilespmem:s18+$0xC0] =	vst v14;
	v3 =	vmul.f32 v21, v3  }
0x36f: {  	v14 =	vld [tilespmem:s16+$0x1F0];
	[tilespmem:s18+$0xD0] =	vst v11;
	v19 =	vmul.f32 v19, v2  }
0x370: {  	v21 =	vld [tilespmem:s16+$0xFFFFFE00];
	[tilespmem:s18+$0xE0] =	vst v15;
	v2 =	vmul.f32 v22, v2  }
0x371: {  	v22 =	vld [tilespmem:s16+$0xFFFFFE10];
	[tilespmem:s18+$0xF0] =	vst v16;
	v26 =	vmul.f32 v13, v1  }
0x372: {  	v27 =	vld [tilespmem:s16+$0xFFFFFE20];
	v8 =	vbroadcast v23, $0x0;
	v1 =	vbroadcast v23, $0xF;
	[tilespmem:s18+$0x100] =	vst v17  }
0x373: {  	v17 =	vbroadcast v25, $0x0;
	v28 =	vbroadcast v25, $0x1;
	v29 =	vld [tilespmem:s16+$0xFFFFFE30];
	[tilespmem:s18+$0x110] =	vst v10  }
0x374: {  	v30 =	vbroadcast v25, $0x2;
	v31 =	vld [tilespmem:s16+$0xFFFFFE40];
	v10 =	vmul.f32 v14, v1;
	[tilespmem:s18+$0x120] =	vst v12  }
0x375: {  	v33 =	vbroadcast v25, $0x3;
	v34 =	vbroadcast v25, $0x4;
	v32 =	vld [tilespmem:s16+$0xFFFFFE50];
	[tilespmem:s18+$0x130] =	vst v9  }
0x376: {  	v36 =	vbroadcast v25, $0x5;
	v37 =	vbroadcast v25, $0x6;
	v35 =	vld [tilespmem:s16+$0xFFFFFE60];
	[tilespmem:s16+$0x1F0] =	vst v10  }
0x377: {  	v39 =	vbroadcast v25, $0x7;
	v40 =	vbroadcast v25, $0x8;
	v38 =	vld [tilespmem:s16+$0xFFFFFE70];
	[tilespmem:s18+$0x140] =	vst v7  }
0x378: {  	v42 =	vbroadcast v25, $0x9;
	v43 =	vbroadcast v25, $0xA;
	v41 =	vld [tilespmem:s16+$0xFFFFFE80];
	[tilespmem:s18+$0x150] =	vst v6  }
0x379: {  	v45 =	vbroadcast v25, $0xB;
	v46 =	vbroadcast v25, $0xC;
	v44 =	vld [tilespmem:s16+$0xFFFFFE90];
	[tilespmem:s18+$0x160] =	vst v20  }
0x37a: {  	v47 =	vbroadcast v25, $0xD;
	v48 =	vbroadcast v25, $0xE;
	v20 =	vld [tilespmem:s16+$0xFFFFFEA0];
	[tilespmem:s18+$0x170] =	vst v5  }
0x37b: {  	v16 =	vbroadcast v23, $0x1;
	v25 =	vbroadcast v25, $0xF;
	v49 =	vld [tilespmem:s16+$0xFFFFFEB0];
	[tilespmem:s18+$0x180] =	vst v18  }
0x37c: {  	v15 =	vbroadcast v23, $0x2;
	v14 =	vbroadcast v23, $0x3;
	v18 =	vld [tilespmem:s16+$0xFFFFFEC0];
	[tilespmem:s18+$0x190] =	vst v4  }
0x37d: {  	v13 =	vbroadcast v23, $0x4;
	v12 =	vbroadcast v23, $0x5;
	v50 =	vld [tilespmem:s16+$0xFFFFFED0];
	[tilespmem:s18+$0x1A0] =	vst v24  }
0x37e: {  	v11 =	vbroadcast v23, $0x6;
	v10 =	vbroadcast v23, $0x7;
	v24 =	vld [tilespmem:s16+$0xFFFFFEE0];
	[tilespmem:s18+$0x1B0] =	vst v3  }
0x37f: {  	v9 =	vbroadcast v23, $0x8;
	v7 =	vbroadcast v23, $0x9;
	v51 =	vld [tilespmem:s16+$0xFFFFFEF0];
	[tilespmem:s18+$0x1C0] =	vst v19  }
0x380: {  	v6 =	vbroadcast v23, $0xA;
	v5 =	vbroadcast v23, $0xB;
	v19 =	vld [tilespmem:s16+$0xFFFFFF00];
	[tilespmem:s18+$0x1D0] =	vst v2  }
0x381: {  	v4 =	vbroadcast v23, $0xC;
	v3 =	vbroadcast v23, $0xD;
	v52 =	vld [tilespmem:s16+$0xFFFFFF10];
	[tilespmem:s18+$0x1E0] =	vst v26;
	s18 =	smov.u32 s16  }
0x382: {  	v21 =	vmul.f32 v17, v21;
	v2 =	vbroadcast v23, $0xE;
	v26 =	vld [tilespmem:s16+$0xFFFFFF20]  }
0x383: {  	v17 =	vmul.f32 v22, v17;
	v22 =	vmul.f32 v27, v28;
	v23 =	vld [tilespmem:s16+$0xFFFFFF30]  }
0x384: {  	v27 =	vmul.f32 v31, v30;
	[tilespmem:s16+$0xFFFFFE00] =	vst v21;
	v21 =	vmul.f32 v29, v28;
	v28 =	vld [tilespmem:s16+$0xFFFFFF40]  }
0x385: {  	v29 =	vmul.f32 v35, v33;
	[tilespmem:s16+$0xFFFFFE10] =	vst v17;
	v17 =	vmul.f32 v32, v30;
	v30 =	vld [tilespmem:s16+$0xFFFFFF50]  }
0x386: {  	v31 =	vmul.f32 v41, v34;
	[tilespmem:s16+$0xFFFFFE20] =	vst v22;
	v22 =	vmul.f32 v38, v33;
	v32 =	vld [tilespmem:s16+$0xFFFFFF60]  }
0x387: {  	v20 =	vmul.f32 v20, v36;
	[tilespmem:s16+$0xFFFFFE30] =	vst v21;
	v21 =	vmul.f32 v44, v34;
	v33 =	vld [tilespmem:s16+$0xFFFFFF70]  }
0x388: {  	v18 =	vmul.f32 v18, v37;
	[tilespmem:s16+$0xFFFFFE40] =	vst v27;
	v27 =	vmul.f32 v49, v36;
	v34 =	vld [tilespmem:s16+$0xFFFFFF80]  }
0x389: {  	v24 =	vmul.f32 v24, v39;
	[tilespmem:s16+$0xFFFFFE50] =	vst v17;
	v17 =	vmul.f32 v50, v37;
	v35 =	vld [tilespmem:s16+$0xFFFFFF90]  }
0x38a: {  	v19 =	vmul.f32 v19, v40;
	[tilespmem:s16+$0xFFFFFE60] =	vst v29;
	v29 =	vmul.f32 v51, v39;
	v36 =	vld [tilespmem:s16+$0xFFFFFFA0]  }
0x38b: {  	v26 =	vmul.f32 v26, v42;
	[tilespmem:s16+$0xFFFFFE70] =	vst v22;
	v22 =	vmul.f32 v52, v40;
	v37 =	vld [tilespmem:s16+$0xFFFFFFB0]  }
0x38c: {  	v23 =	vmul.f32 v23, v42;
	v28 =	vmul.f32 v28, v43;
	[tilespmem:s16+$0xFFFFFE80] =	vst v31;
	v31 =	vld [tilespmem:s16+$0xFFFFFFC0]  }
0x38d: {  	[tilespmem:s16+$0xFFFFFE90] =	vst v21;
	v21 =	vmul.f32 v30, v43;
	v30 =	vmul.f32 v32, v45;
	v32 =	vld [tilespmem:s16+$0xFFFFFFD0]  }
0x38e: {  	[tilespmem:s16+$0xFFFFFEA0] =	vst v20;
	v20 =	vmul.f32 v33, v45;
	v33 =	vmul.f32 v34, v46;
	v34 =	vld [tilespmem:s16+$0xFFFFFFE0]  }
0x38f: {  	[tilespmem:s16+$0xFFFFFEB0] =	vst v27;
	v27 =	vmul.f32 v35, v46;
	v35 =	vmul.f32 v36, v47;
	v36 =	vld [tilespmem:s16+$0xFFFFFFF0]  }
0x390: {  	[tilespmem:s16+$0xFFFFFEC0] =	vst v18;
	v37 =	vmul.f32 v37, v47;
	v18 =	vld [tilespmem:s16+$0x0]  }
0x391: {  	[tilespmem:s16+$0xFFFFFED0] =	vst v17;
	v17 =	vmul.f32 v31, v48;
	v31 =	vld [tilespmem:s16+$0x10]  }
0x392: {  	[tilespmem:s16+$0xFFFFFEE0] =	vst v24;
	v24 =	vmul.f32 v32, v48;
	v32 =	vld [tilespmem:s16+$0x20]  }
0x393: {  	[tilespmem:s16+$0xFFFFFEF0] =	vst v29;
	v29 =	vmul.f32 v34, v25;
	v34 =	vld [tilespmem:s16+$0x30]  }
0x394: {  	[tilespmem:s16+$0xFFFFFF00] =	vst v19;
	v25 =	vmul.f32 v36, v25;
	v19 =	vld [tilespmem:s16+$0x40]  }
0x395: {  	[tilespmem:s16+$0xFFFFFF10] =	vst v22;
	v22 =	vmul.f32 v8, v18;
	v18 =	vld [tilespmem:s16+$0x50]  }
0x396: {  	[tilespmem:s16+$0xFFFFFF20] =	vst v26;
	v26 =	vmul.f32 v31, v8;
	v8 =	vld [tilespmem:s16+$0x60]  }
0x397: {  	[tilespmem:s16+$0xFFFFFF30] =	vst v23;
	v23 =	vmul.f32 v32, v16;
	v31 =	vld [tilespmem:s16+$0x70]  }
0x398: {  	[tilespmem:s16+$0xFFFFFF40] =	vst v28;
	v28 =	vmul.f32 v34, v16;
	v16 =	vld [tilespmem:s16+$0x80]  }
0x399: {  	[tilespmem:s16+$0xFFFFFF50] =	vst v21;
	v32 =	vmul.f32 v19, v15;
	v21 =	vld [tilespmem:s16+$0x90]  }
0x39a: {  	[tilespmem:s16+$0xFFFFFF60] =	vst v30;
	v30 =	vmul.f32 v18, v15;
	v15 =	vld [tilespmem:s16+$0xA0]  }
0x39b: {  	[tilespmem:s16+$0xFFFFFF70] =	vst v20;
	v34 =	vmul.f32 v8, v14;
	v8 =	vld [tilespmem:s16+$0xB0]  }
0x39c: {  	[tilespmem:s16+$0xFFFFFF80] =	vst v33;
	v20 =	vmul.f32 v31, v14;
	v14 =	vld [tilespmem:s16+$0xC0]  }
0x39d: {  	[tilespmem:s16+$0xFFFFFF90] =	vst v27;
	v19 =	vmul.f32 v16, v13;
	v16 =	vld [tilespmem:s16+$0xD0]  }
0x39e: {  	[tilespmem:s16+$0xFFFFFFA0] =	vst v35;
	v18 =	vmul.f32 v21, v13;
	v21 =	vld [tilespmem:s16+$0xE0]  }
0x39f: {  	[tilespmem:s16+$0xFFFFFFB0] =	vst v37;
	v13 =	vmul.f32 v15, v12;
	v27 =	vld [tilespmem:s16+$0xF0]  }
0x3a0: {  	[tilespmem:s16+$0xFFFFFFC0] =	vst v17;
	v8 =	vmul.f32 v8, v12;
	v12 =	vld [tilespmem:s16+$0x100]  }
0x3a1: {  	[tilespmem:s16+$0xFFFFFFD0] =	vst v24;
	v14 =	vmul.f32 v14, v11;
	v24 =	vld [tilespmem:s16+$0x110]  }
0x3a2: {  	[tilespmem:s16+$0xFFFFFFE0] =	vst v29;
	v11 =	vmul.f32 v16, v11;
	v29 =	vld [tilespmem:s16+$0x120]  }
0x3a3: {  	[tilespmem:s16+$0xFFFFFFF0] =	vst v25;
	v15 =	vmul.f32 v21, v10;
	v25 =	vld [tilespmem:s16+$0x130]  }
0x3a4: {  	[tilespmem:s16+$0x0] =	vst v22;
	v16 =	vmul.f32 v27, v10;
	v27 =	vld [tilespmem:s16+$0x140]  }
0x3a5: {  	[tilespmem:s16+$0x10] =	vst v26;
	v17 =	vmul.f32 v12, v9;
	v26 =	vld [tilespmem:s16+$0x150]  }
.Ltmp5:
0x3a6: {  	[tilespmem:s16+$0x20] =	vst v23;
	v10 =	vmul.f32 v24, v9;
	v21 =	vld [tilespmem:s16+$0x160];
	(pc) =	sbr.rel @p0 .LBB2_13-.Ltmp5, $4  }
0x3a7: {  	[tilespmem:s16+$0x30] =	vst v28;
	v12 =	vmul.f32 v29, v7;
	v22 =	vld [tilespmem:s16+$0x170]  }
0x3a8: {  	[tilespmem:s16+$0x40] =	vst v32;
	v9 =	vmul.f32 v25, v7;
	v23 =	vld [tilespmem:s16+$0x180]  }
0x3a9: {  	[tilespmem:s16+$0x50] =	vst v30;
	v7 =	vmul.f32 v27, v6;
	v24 =	vld [tilespmem:s16+$0x190]  }
0x3aa: {  	s22 =	sadd.s32 $0x80, s22;
	[tilespmem:s16+$0x60] =	vst v34;
	v6 =	vmul.f32 v26, v6;
	v25 =	vld [tilespmem:s16+$0x1A0]  }
0x3ab: {  	[tilespmem:s16+$0x70] =	vst v20  }
0x3ac: {  	[tilespmem:s16+$0x80] =	vst v19  }
0x3ad: {  	v54 =	vld [tilespmem:s16+$0x1B0];
	[tilespmem:s16+$0x90] =	vst v18  }
0x3ae: {  	v55 =	vld [tilespmem:s16+$0x1C0];
	[tilespmem:s16+$0xA0] =	vst v13  }
0x3af: {  	v56 =	vld [tilespmem:s16+$0x1D0];
	[tilespmem:s16+$0xB0] =	vst v8  }
0x3b0: {  	v57 =	vld [tilespmem:s16+$0x1E0];
	[tilespmem:s18+$0xC0] =	vst v14  }
0x3b1: {  	[tilespmem:s18+$0xD0] =	vst v11  }
0x3b2: {  	[tilespmem:s18+$0xE0] =	vst v15  }
0x3b3: {  	[tilespmem:s18+$0xF0] =	vst v16  }
0x3b4: {  	[tilespmem:s18+$0x100] =	vst v17  }
0x3b5: {  	[tilespmem:s18+$0x110] =	vst v10  }
0x3b6: {  	[tilespmem:s18+$0x120] =	vst v12  }
0x3b7: {  	[tilespmem:s18+$0x130] =	vst v9  }
0x3b8: {  	v58 =	vmul.f32 v21, v5;
	[tilespmem:s18+$0x140] =	vst v7  }
0x3b9: {  	v59 =	vmul.f32 v22, v5;
	[tilespmem:s18+$0x150] =	vst v6  }
0x3ba: {  	v60 =	vmul.f32 v23, v4;
	[tilespmem:s18+$0x160] =	vst v58  }
0x3bb: {  	v61 =	vmul.f32 v24, v4;
	[tilespmem:s18+$0x170] =	vst v59  }
0x3bc: {  	v62 =	vmul.f32 v25, v3;
	[tilespmem:s18+$0x180] =	vst v60  }
0x3bd: {  	v3 =	vmul.f32 v54, v3;
	[tilespmem:s18+$0x190] =	vst v61  }
0x3be: {  	v63 =	vmul.f32 v55, v2;
	[tilespmem:s18+$0x1A0] =	vst v62  }
0x3bf: {  	v2 =	vmul.f32 v56, v2;
	[tilespmem:s18+$0x1B0] =	vst v3  }
0x3c0: {  	v1 =	vmul.f32 v57, v1;
	[tilespmem:s18+$0x1C0] =	vst v63  }
0x3c1: {  	[tilespmem:s18+$0x1D0] =	vst v2  }
0x3c2: {  	s25 =	sadd.s32 $0x1, s25;
	[tilespmem:s18+$0x1E0] =	vst v1  }
0x3c3: {  	[spmem:s2] =	stream.indirect.scatter.add.f32 [tilespmem:s14], [sflag:$0x8], $0x20, s28, s1, $0xb8;
	[tilespmem:$0x1E600] =	vst v63  }
0x3c4: {  	s11 =	simm.s32 $0xF00;
	p0 =	sne.s32 s25, $0x31  }
0x3c5: {  	[spmem:s3] =	stream.indirect.scatter.add.f32 [tilespmem:s11], [sflag:$0x8], $0x1, s28, s1, $0xb8;
	[tilespmem:$0x1E600] =	vst v63  }
.Ltmp6:
0x3c6: {  	_ = 	snop;
	(pc) =	sbr.rel @p0 .LBB2_6-.Ltmp6, $4  }
0x3c7: {  	s26 =	simm.s32 $0x4000;
	s15 =	simm.s32 $0xB80  }
0x3c8: {  	[spmem:s2] =	stream.indirect.scatter.add.f32 [tilespmem:s26], [sflag:$0x8], $0x20, s15, s1, $0xb8;
	[tilespmem:$0x1E600] =	vst v63  }
0x3c9: {  	s29 =	simm.s32 $0xF80  }
0x3ca: {  	[spmem:s3] =	stream.indirect.scatter.add.f32 [tilespmem:s29], [sflag:$0x8], $0x1, s15, s1, $0xb8;
	[tilespmem:$0x1E600] =	vst v63  }
0x3cb: {  	_ =	swait.ge [sflag:s19], $0x1000  }
0x3cc: {  	[sflag:s19] =	ssyncset.done $0x0  }
0x3cd: {  	[sflag:s19] =	ssyncadd.s32 $0xFFFFF000  }
0x3ce: {  	_ =	swait.ge [sflag:s19], $0x80  }
0x3cf: {  	[sflag:s19] =	ssyncset.done $0x0  }
0x3d0: {  	[sflag:s19] =	ssyncadd.s32 $0xFFFFFF80  }
0x3d1: {  	_ =	swait.ge [sflag:s19], $0x1000  }
0x3d2: {  	[sflag:s19] =	ssyncset.done $0x0  }
0x3d3: {  	[sflag:s19] =	ssyncadd.s32 $0xFFFFF000  }
0x3d4: {  	_ =	swait.ge [sflag:s19], $0x80  }
0x3d5: {  	[sflag:s19] =	ssyncset.done $0x0  }
0x3d6: {  	[sflag:s19] =	ssyncadd.s32 $0xFFFFFF80  }
0x3d7: {  	[bflag:$0x0] =	sbarrier.arrive $0xFFFF  }
0x3d8: {  	s10 =	stileid.u32;
	s15 =	sld [smem:$0x7FB]  }
0x3d9: {  	s10 =	sshll.u32 s10, $0x6;
	s25 =	rddreg [dreg:$0x6]  }
0x3da: {  	s16 =	simm.s32 $0x9;
	s10 =	sor.u32 $0x1C09, s10;
	s11 =	sshrl.u32 s25, $0x3  }
0x3db: {  	[hbm:s15], [sflag:s10] =	dma.local [spmem:s11], $0x3100  }
0x3dc: {  	_ =	swait.ge [sflag:s16], $0x3100  }
0x3dd: {  	[sflag:s16] =	ssyncset.done $0x0;
	s17 =	rddreg [dreg:$0x15]  }
0x3de: {  	s26 =	rddreg [dreg:$0xa];
	[sflag:s16] =	ssyncadd.s32 $0xFFFFCF00;
	s22 =	sshrl.u32 s17, $0x3  }
0x3df: {  	[hbm:s26], [sflag:s10] =	dma.local [spmem:s22], $0x188  }
0x3e0: {  	_ =	swait.ge [sflag:s16], $0x188  }
0x3e1: {  	s29 =	sld [smem:$0x7FC]  }
0x3e2: {  	s22 =	rddreg [dreg:$0x5]  }
0x3e3: {  	s22 =	sadd.s32 $0x1, s22  }
0x3e4: {  	p0 =	sne.s32 s22, s29  }
.Ltmp7:
0x3e5: {  	_ = 	snop;
	(pc) =	sbr.rel @p0 .LBB2_1-.Ltmp7, $3  }
0x3e6: {  	_ =	sdelay $0x1  }
0x3e7: {  	[sflag:s16] =	ssyncset.done $0x0  }
0x3e8: {  	[sflag:s16] =	ssyncadd.s32 $0xFFFFFE78  }
0x3e9: {  	_ =	sfence.sel $0x180000  }
0x3ea: {  	[bflag:$0x0] =	sbarrier.arrive $0xFFFF  }
0x3eb: {  	_ =	strace $0x90000047  }
0x3ec: {  	s0 =	stileid.u32;
	[bflag:$0x2] =	sbarrier.arrive $0xFFFF  }
0x3ed: {  	p0 =	sne.s32 s0, $0x0;
	s0 =	rddreg [dreg:$0x4]  }
0x3ee: {  	s0 =	sadd.s32 @!p0 $0x100000, s0  }
0x3ef: {  	[sflag:s0] =	ssyncadd.tile.s32 @!p0 $0x1;
	_ =	shalt  }
.Lfunc_end2:
_tile_overlayer_lowered:
.L_overlay_start_2:
0x3f0: {  	(tag) =	ssettag $0x2  }
0x3f1: {  	s0 =	rddreg [dreg:$0x0];
	s2 =	stileid.u32  }
0x3f2: {  	s1 =	rddreg [dreg:$0x1];
	p0 =	sne.s32 s2, $0x0  }
0x3f3: {  	s3 =	rddreg [dreg:$0x2];
	[bflag:$0x3] =	sbarrier.arrive $0xFFFF;
	s2 =	simm.s32 @!p0 $0x1C09  }
0x3f4: {  	[timem:s3], [sflag:s2] =	dma.local @!p0 [hbm:s0], s1  }
0x3f5: {  	s0 =	simm.s32 @!p0 $0x9  }
0x3f6: {  	_ =	swait.ge @!p0 [sflag:s0], s1  }
0x3f7: {  	s1 =	ssub.s32 @!p0 $0x0, s1;
	[sflag:s0] =	ssyncset.done @!p0 $0x0  }
0x3f8: {  	[sflag:s0] =	ssyncadd.s32 @!p0 s1  }
0x3f9: {  	[bflag:$0x3] =	sbarrier.arrive $0xFFFF  }
0x3fa: {  	_ =	shalt  }

</sc_bundles>
